<compile_context>
chip_gen: v7x
topology: tpu7x:2x2x1
jax: 0.10.2.dev20260603
libtpu: 0.0.44.dev20260713+nightly
codegen_flags: <defaults>
</compile_context>

<pallas_src>
import jax
import jax.numpy as jnp
from jax import lax
from jax.experimental import pallas as pl
from jax.experimental.pallas import tpu as pltpu
from jax.experimental.pallas import tpu_sc as plsc

_NC = 2
_NS = 16
_NW = _NC * _NS
_L = 16

_BATCH = 4
_SEQ = 2048
_D = 1024
_S_PER_W = _SEQ // _NW
_SEG = 8
_NCHUNK = _S_PER_W // _SEG
_ROWS = _BATCH * _SEG
_NBUF = 3


def _body(tok_hbm, emb_hbm, pos_hbm, out_hbm,
          ebuf0, ebuf1, ebuf2, pbuf0, pbuf1, pbuf2, idxv,
          gsem0, gsem1, gsem2, ssem0, ssem1, ssem2, psem0, psem1, psem2):
    wid = lax.axis_index("s") * _NC + lax.axis_index("c")
    s0 = wid * _S_PER_W

    stg = [
        pltpu.async_copy(tok_hbm.at[b, pl.ds(s0 + k * _SEG, _SEG)],
                         idxv.at[k, pl.ds(b * _SEG, _SEG)], psem0)
        for k in range(_NCHUNK) for b in range(_BATCH)
    ]
    for d in stg:
        d.wait()


    ebufs = (ebuf0, ebuf1, ebuf2)
    pbufs = (pbuf0, pbuf1, pbuf2)
    gsems = (gsem0, gsem1, gsem2)
    ssems = (ssem0, ssem1, ssem2)
    psems = (psem0, psem1, psem2)

    gat = [None] * _NCHUNK
    pf = [None] * _NCHUNK
    sct = [None] * _NCHUNK

    def gfire(k):
        i = k % _NBUF
        if k >= _NBUF:
            sct[k - _NBUF].wait()
        gat[k] = pltpu.async_copy(
            emb_hbm.at[idxv.at[k]], ebufs[i], gsems[i])

    def pfire(k):
        pf[k] = pltpu.async_copy(
            pos_hbm.at[pl.ds(s0 + k * _SEG, _SEG)], pbufs[k % 3], psems[k % 3])

    pfire(0)
    gfire(0)
    pfire(1)
    gfire(1)
    for k in range(_NCHUNK):
        if k + 2 < _NCHUNK:
            gfire(k + 2)
            pfire(k + 2)
        gat[k].wait()
        pf[k].wait()

        i = k % _NBUF
        ebuf = ebufs[i]
        pbuf = pbufs[k % 3]

        @plsc.parallel_loop(0, _SEG, 1)
        def row_add(r, _ebuf=ebuf, _pbuf=pbuf):
            @plsc.parallel_loop(0, _D // _L, 2)
            def lane_add(j):
                for u in range(2):
                    sl = pl.ds((j + u) * _L, _L)
                    x = _pbuf[r, sl]
                    for b in range(_BATCH):
                        plsc.addupdate(_ebuf.at[b * _SEG + r, sl], x)

        for b in range(_BATCH):
            pltpu.async_copy(
                ebuf.at[pl.ds(b * _SEG, _SEG)],
                out_hbm.at[pl.ds(b * _SEQ + s0 + k * _SEG, _SEG)], ssems[i])
        sct[k] = pltpu.make_async_copy(
            emb_hbm.at[pl.ds(0, _ROWS)], ebufs[i], ssems[i])

    for k in range(_NCHUNK - _NBUF, _NCHUNK):
        sct[k].wait()


_mesh = plsc.VectorSubcoreMesh(core_axis_name="c", subcore_axis_name="s")

_embed = pl.kernel(
    _body,
    out_type=jax.ShapeDtypeStruct((_BATCH * _SEQ, _D), jnp.float32),
    mesh=_mesh,
    scratch_types=[
        pltpu.VMEM((_ROWS, _D), jnp.float32),
        pltpu.VMEM((_ROWS, _D), jnp.float32),
        pltpu.VMEM((_ROWS, _D), jnp.float32),
        pltpu.VMEM((_SEG, _D), jnp.float32),
        pltpu.VMEM((_SEG, _D), jnp.float32),
        pltpu.VMEM((_SEG, _D), jnp.float32),
        pltpu.VMEM((_NCHUNK, _ROWS), jnp.int32),
        pltpu.SemaphoreType.DMA, pltpu.SemaphoreType.DMA,
        pltpu.SemaphoreType.DMA, pltpu.SemaphoreType.DMA,
        pltpu.SemaphoreType.DMA, pltpu.SemaphoreType.DMA,
        pltpu.SemaphoreType.DMA, pltpu.SemaphoreType.DMA,
        pltpu.SemaphoreType.DMA,
    ],
)


@jax.jit
def kernel(token_ids, embed_table, pos_table):
    out = _embed(token_ids, embed_table, pos_table)
    return out.reshape(_BATCH, _SEQ, _D)

# --- scband reference (transcript-rebuilt; emitter-appended) ---
"""Pipeline reference for scband-si-embedder-22170621182088 (READ-ONLY COPY).

The authoritative reference and input builder live on the scoring server;
editing this copy changes nothing except your own understanding.
"""

import jax, jax.numpy as jnp
import numpy as np

N_VOCAB = 100000
D_MODEL = 1024
SEQ_LEN = 2048
BATCH = 4

def setup_inputs(seed: int = 0) -> dict:
    key = jax.random.key(seed)
    k1, k2, k3 = jax.random.split(key, 3)
    token_ids = jax.random.randint(k1, (BATCH, SEQ_LEN), 0, N_VOCAB, dtype=jnp.int64 if jax.config.jax_enable_x64 else jnp.int32)
    embed_table = jax.random.normal(k2, (N_VOCAB, D_MODEL), dtype=jnp.float32)
    pos_table = jax.random.normal(k3, (SEQ_LEN, D_MODEL), dtype=jnp.float32)
    return {"token_ids": token_ids, "embed_table": embed_table, "pos_table": pos_table}

def reference(token_ids, embed_table, pos_table):
    # embeddings = self.embed(token_ids)
    embeddings = jnp.take(embed_table, token_ids, axis=0)  # [B, S, D]
    # positions = arange(seq_len); pos_embeddings = self.pos_embed(positions).unsqueeze(0)
    seq_len = token_ids.shape[1]
    positions = jnp.arange(seq_len)
    pos_embeddings = jnp.take(pos_table, positions, axis=0)[None, :, :]  # [1, S, D]
    return embeddings + pos_embeddings

if __name__ == "__main__":
    import jax
    _d = setup_inputs()
    print(jax.jit(kernel)(*tuple(_d.values())))

</pallas_src>

<mosaic_0001>
#map = affine_map<(d0, d1) -> (0, 0)>
module attributes {stable_mosaic.version = 14 : i64} {
  func.func @_body(%arg0: i32, %arg1: i32, %arg2: memref<4x2048xi32, #tpu.memory_space<hbm>>, %arg3: memref<100000x1024xf32, #tpu.memory_space<hbm>>, %arg4: memref<2048x1024xf32, #tpu.memory_space<hbm>>, %arg5: memref<8192x1024xf32, #tpu.memory_space<hbm>>, %arg6: memref<32x1024xf32, #tpu.memory_space<vmem>>, %arg7: memref<32x1024xf32, #tpu.memory_space<vmem>>, %arg8: memref<32x1024xf32, #tpu.memory_space<vmem>>, %arg9: memref<8x1024xf32, #tpu.memory_space<vmem>>, %arg10: memref<8x1024xf32, #tpu.memory_space<vmem>>, %arg11: memref<8x1024xf32, #tpu.memory_space<vmem>>, %arg12: memref<8x32xi32, #tpu.memory_space<vmem>>, %arg13: memref<!tpu.dma_semaphore, #tpu.memory_space<semaphore_mem>>, %arg14: memref<!tpu.dma_semaphore, #tpu.memory_space<semaphore_mem>>, %arg15: memref<!tpu.dma_semaphore, #tpu.memory_space<semaphore_mem>>, %arg16: memref<!tpu.dma_semaphore, #tpu.memory_space<semaphore_mem>>, %arg17: memref<!tpu.dma_semaphore, #tpu.memory_space<semaphore_mem>>, %arg18: memref<!tpu.dma_semaphore, #tpu.memory_space<semaphore_mem>>, %arg19: memref<!tpu.dma_semaphore, #tpu.memory_space<semaphore_mem>>, %arg20: memref<!tpu.dma_semaphore, #tpu.memory_space<semaphore_mem>>, %arg21: memref<!tpu.dma_semaphore, #tpu.memory_space<semaphore_mem>>) attributes {dimension_semantics = [#tpu.dimension_semantics<core_parallel>, #tpu.dimension_semantics<subcore_parallel>], iteration_bounds = array<i64: 2, 16>, scalar_prefetch = 0 : i64, scratch_operands = 16 : i64, tpu.core_type = #tpu.core_type<sc_vector_subcore>, window_params = [{transform_indices = #map}, {transform_indices = #map}, {transform_indices = #map}, {transform_indices = #map}]} {
    %mul3A = arith.constant 2 : i32
    %mul3A_0 = arith.muli %arg1, %mul3A : i32
    %add3A = arith.addi %mul3A_0, %arg0 : i32
    %mul3A_1 = arith.constant 64 : i32
    %mul3A_2 = arith.muli %add3A, %mul3A_1 : i32
    %add3A_3 = arith.constant 0 : i32
    %add3A_4 = arith.addi %mul3A_2, %add3A_3 : i32
    %dma_start3A = arith.constant 0 : i32
    %dma_start3A_5 = arith.constant 0 : i32
    %dma_start3A_6 = arith.constant 0 : i32
    %dma_start3A_7 = tpu.memref_slice %arg12[%dma_start3A_5, %dma_start3A_6] : memref<8x32xi32, #tpu.memory_space<vmem>> -> memref<1x8xi32, #tpu.memory_space<vmem>>
    %dma_start3A_8 = tpu.memref_squeeze %dma_start3A_7 : memref<1x8xi32, #tpu.memory_space<vmem>> -> memref<8xi32, #tpu.memory_space<vmem>>
    %dma_start3A_9 = tpu.memref_slice %arg2[%dma_start3A, %add3A_4] : memref<4x2048xi32, #tpu.memory_space<hbm>> -> memref<1x8xi32, #tpu.memory_space<hbm>>
    %dma_start3A_10 = tpu.memref_squeeze %dma_start3A_9 : memref<1x8xi32, #tpu.memory_space<hbm>> -> memref<8xi32, #tpu.memory_space<hbm>>
    %dma_start3A_11 = arith.constant 0 : i32
    %dma_start3A_12 = tpu.memref_slice %arg12[%dma_start3A_5, %dma_start3A_11] : memref<8x32xi32, #tpu.memory_space<vmem>> -> memref<1x8xi32, #tpu.memory_space<vmem>>
    %dma_start3A_13 = tpu.memref_squeeze %dma_start3A_12 : memref<1x8xi32, #tpu.memory_space<vmem>> -> memref<8xi32, #tpu.memory_space<vmem>>
    %dma_start3A_14 = tpu.memref_slice %arg2[%dma_start3A, %add3A_4] : memref<4x2048xi32, #tpu.memory_space<hbm>> -> memref<1x8xi32, #tpu.memory_space<hbm>>
    %dma_start3A_15 = tpu.memref_squeeze %dma_start3A_14 : memref<1x8xi32, #tpu.memory_space<hbm>> -> memref<8xi32, #tpu.memory_space<hbm>>
    tpu.enqueue_dma source(%dma_start3A_15 : memref<8xi32, #tpu.memory_space<hbm>>) target(%dma_start3A_13 : memref<8xi32, #tpu.memory_space<vmem>>) target_semaphore(%arg19 : memref<!tpu.dma_semaphore, #tpu.memory_space<semaphore_mem>>)
    %add3A_16 = arith.constant 0 : i32
    %add3A_17 = arith.addi %mul3A_2, %add3A_16 : i32
    %dma_start3A_18 = arith.constant 1 : i32
    %dma_start3A_19 = arith.constant 0 : i32
    %dma_start3A_20 = arith.constant 8 : i32
    %dma_start3A_21 = tpu.memref_slice %arg12[%dma_start3A_19, %dma_start3A_20] : memref<8x32xi32, #tpu.memory_space<vmem>> -> memref<1x8xi32, #tpu.memory_space<vmem>>
    %dma_start3A_22 = tpu.memref_squeeze %dma_start3A_21 : memref<1x8xi32, #tpu.memory_space<vmem>> -> memref<8xi32, #tpu.memory_space<vmem>>
    %dma_start3A_23 = tpu.memref_slice %arg2[%dma_start3A_18, %add3A_17] : memref<4x2048xi32, #tpu.memory_space<hbm>> -> memref<1x8xi32, #tpu.memory_space<hbm>>
    %dma_start3A_24 = tpu.memref_squeeze %dma_start3A_23 : memref<1x8xi32, #tpu.memory_space<hbm>> -> memref<8xi32, #tpu.memory_space<hbm>>
    %dma_start3A_25 = arith.constant 8 : i32
    %dma_start3A_26 = tpu.memref_slice %arg12[%dma_start3A_19, %dma_start3A_25] : memref<8x32xi32, #tpu.memory_space<vmem>> -> memref<1x8xi32, #tpu.memory_space<vmem>>
    %dma_start3A_27 = tpu.memref_squeeze %dma_start3A_26 : memref<1x8xi32, #tpu.memory_space<vmem>> -> memref<8xi32, #tpu.memory_space<vmem>>
    %dma_start3A_28 = tpu.memref_slice %arg2[%dma_start3A_18, %add3A_17] : memref<4x2048xi32, #tpu.memory_space<hbm>> -> memref<1x8xi32, #tpu.memory_space<hbm>>
    %dma_start3A_29 = tpu.memref_squeeze %dma_start3A_28 : memref<1x8xi32, #tpu.memory_space<hbm>> -> memref<8xi32, #tpu.memory_space<hbm>>
    tpu.enqueue_dma source(%dma_start3A_29 : memref<8xi32, #tpu.memory_space<hbm>>) target(%dma_start3A_27 : memref<8xi32, #tpu.memory_space<vmem>>) target_semaphore(%arg19 : memref<!tpu.dma_semaphore, #tpu.memory_space<semaphore_mem>>)
    %add3A_30 = arith.constant 0 : i32
    %add3A_31 = arith.addi %mul3A_2, %add3A_30 : i32
    %dma_start3A_32 = arith.constant 2 : i32
    %dma_start3A_33 = arith.constant 0 : i32
    %dma_start3A_34 = arith.constant 16 : i32
    %dma_start3A_35 = tpu.memref_slice %arg12[%dma_start3A_33, %dma_start3A_34] : memref<8x32xi32, #tpu.memory_space<vmem>> -> memref<1x8xi32, #tpu.memory_space<vmem>>
    %dma_start3A_36 = tpu.memref_squeeze %dma_start3A_35 : memref<1x8xi32, #tpu.memory_space<vmem>> -> memref<8xi32, #tpu.memory_space<vmem>>
    %dma_start3A_37 = tpu.memref_slice %arg2[%dma_start3A_32, %add3A_31] : memref<4x2048xi32, #tpu.memory_space<hbm>> -> memref<1x8xi32, #tpu.memory_space<hbm>>
    %dma_start3A_38 = tpu.memref_squeeze %dma_start3A_37 : memref<1x8xi32, #tpu.memory_space<hbm>> -> memref<8xi32, #tpu.memory_space<hbm>>
    %dma_start3A_39 = arith.constant 16 : i32
    %dma_start3A_40 = tpu.memref_slice %arg12[%dma_start3A_33, %dma_start3A_39] : memref<8x32xi32, #tpu.memory_space<vmem>> -> memref<1x8xi32, #tpu.memory_space<vmem>>
    %dma_start3A_41 = tpu.memref_squeeze %dma_start3A_40 : memref<1x8xi32, #tpu.memory_space<vmem>> -> memref<8xi32, #tpu.memory_space<vmem>>
    %dma_start3A_42 = tpu.memref_slice %arg2[%dma_start3A_32, %add3A_31] : memref<4x2048xi32, #tpu.memory_space<hbm>> -> memref<1x8xi32, #tpu.memory_space<hbm>>
    %dma_start3A_43 = tpu.memref_squeeze %dma_start3A_42 : memref<1x8xi32, #tpu.memory_space<hbm>> -> memref<8xi32, #tpu.memory_space<hbm>>
    tpu.enqueue_dma source(%dma_start3A_43 : memref<8xi32, #tpu.memory_space<hbm>>) target(%dma_start3A_41 : memref<8xi32, #tpu.memory_space<vmem>>) target_semaphore(%arg19 : memref<!tpu.dma_semaphore, #tpu.memory_space<semaphore_mem>>)
    %add3A_44 = arith.constant 0 : i32
    %add3A_45 = arith.addi %mul3A_2, %add3A_44 : i32
    %dma_start3A_46 = arith.constant 3 : i32
    %dma_start3A_47 = arith.constant 0 : i32
    %dma_start3A_48 = arith.constant 24 : i32
    %dma_start3A_49 = tpu.memref_slice %arg12[%dma_start3A_47, %dma_start3A_48] : memref<8x32xi32, #tpu.memory_space<vmem>> -> memref<1x8xi32, #tpu.memory_space<vmem>>
    %dma_start3A_50 = tpu.memref_squeeze %dma_start3A_49 : memref<1x8xi32, #tpu.memory_space<vmem>> -> memref<8xi32, #tpu.memory_space<vmem>>
    %dma_start3A_51 = tpu.memref_slice %arg2[%dma_start3A_46, %add3A_45] : memref<4x2048xi32, #tpu.memory_space<hbm>> -> memref<1x8xi32, #tpu.memory_space<hbm>>
    %dma_start3A_52 = tpu.memref_squeeze %dma_start3A_51 : memref<1x8xi32, #tpu.memory_space<hbm>> -> memref<8xi32, #tpu.memory_space<hbm>>
    %dma_start3A_53 = arith.constant 24 : i32
    %dma_start3A_54 = tpu.memref_slice %arg12[%dma_start3A_47, %dma_start3A_53] : memref<8x32xi32, #tpu.memory_space<vmem>> -> memref<1x8xi32, #tpu.memory_space<vmem>>
    %dma_start3A_55 = tpu.memref_squeeze %dma_start3A_54 : memref<1x8xi32, #tpu.memory_space<vmem>> -> memref<8xi32, #tpu.memory_space<vmem>>
    %dma_start3A_56 = tpu.memref_slice %arg2[%dma_start3A_46, %add3A_45] : memref<4x2048xi32, #tpu.memory_space<hbm>> -> memref<1x8xi32, #tpu.memory_space<hbm>>
    %dma_start3A_57 = tpu.memref_squeeze %dma_start3A_56 : memref<1x8xi32, #tpu.memory_space<hbm>> -> memref<8xi32, #tpu.memory_space<hbm>>
    tpu.enqueue_dma source(%dma_start3A_57 : memref<8xi32, #tpu.memory_space<hbm>>) target(%dma_start3A_55 : memref<8xi32, #tpu.memory_space<vmem>>) target_semaphore(%arg19 : memref<!tpu.dma_semaphore, #tpu.memory_space<semaphore_mem>>)
    %add3A_58 = arith.constant 8 : i32
    %add3A_59 = arith.addi %mul3A_2, %add3A_58 : i32
    %dma_start3A_60 = arith.constant 0 : i32
    %dma_start3A_61 = arith.constant 1 : i32
    %dma_start3A_62 = arith.constant 0 : i32
    %dma_start3A_63 = tpu.memref_slice %arg12[%dma_start3A_61, %dma_start3A_62] : memref<8x32xi32, #tpu.memory_space<vmem>> -> memref<1x8xi32, #tpu.memory_space<vmem>>
    %dma_start3A_64 = tpu.memref_squeeze %dma_start3A_63 : memref<1x8xi32, #tpu.memory_space<vmem>> -> memref<8xi32, #tpu.memory_space<vmem>>
    %dma_start3A_65 = tpu.memref_slice %arg2[%dma_start3A_60, %add3A_59] : memref<4x2048xi32, #tpu.memory_space<hbm>> -> memref<1x8xi32, #tpu.memory_space<hbm>>
    %dma_start3A_66 = tpu.memref_squeeze %dma_start3A_65 : memref<1x8xi32, #tpu.memory_space<hbm>> -> memref<8xi32, #tpu.memory_space<hbm>>
    %dma_start3A_67 = arith.constant 0 : i32
    %dma_start3A_68 = tpu.memref_slice %arg12[%dma_start3A_61, %dma_start3A_67] : memref<8x32xi32, #tpu.memory_space<vmem>> -> memref<1x8xi32, #tpu.memory_space<vmem>>
    %dma_start3A_69 = tpu.memref_squeeze %dma_start3A_68 : memref<1x8xi32, #tpu.memory_space<vmem>> -> memref<8xi32, #tpu.memory_space<vmem>>
    %dma_start3A_70 = tpu.memref_slice %arg2[%dma_start3A_60, %add3A_59] : memref<4x2048xi32, #tpu.memory_space<hbm>> -> memref<1x8xi32, #tpu.memory_space<hbm>>
    %dma_start3A_71 = tpu.memref_squeeze %dma_start3A_70 : memref<1x8xi32, #tpu.memory_space<hbm>> -> memref<8xi32, #tpu.memory_space<hbm>>
    tpu.enqueue_dma source(%dma_start3A_71 : memref<8xi32, #tpu.memory_space<hbm>>) target(%dma_start3A_69 : memref<8xi32, #tpu.memory_space<vmem>>) target_semaphore(%arg19 : memref<!tpu.dma_semaphore, #tpu.memory_space<semaphore_mem>>)
    %add3A_72 = arith.constant 8 : i32
    %add3A_73 = arith.addi %mul3A_2, %add3A_72 : i32
    %dma_start3A_74 = arith.constant 1 : i32
    %dma_start3A_75 = arith.constant 1 : i32
    %dma_start3A_76 = arith.constant 8 : i32
    %dma_start3A_77 = tpu.memref_slice %arg12[%dma_start3A_75, %dma_start3A_76] : memref<8x32xi32, #tpu.memory_space<vmem>> -> memref<1x8xi32, #tpu.memory_space<vmem>>
    %dma_start3A_78 = tpu.memref_squeeze %dma_start3A_77 : memref<1x8xi32, #tpu.memory_space<vmem>> -> memref<8xi32, #tpu.memory_space<vmem>>
    %dma_start3A_79 = tpu.memref_slice %arg2[%dma_start3A_74, %add3A_73] : memref<4x2048xi32, #tpu.memory_space<hbm>> -> memref<1x8xi32, #tpu.memory_space<hbm>>
    %dma_start3A_80 = tpu.memref_squeeze %dma_start3A_79 : memref<1x8xi32, #tpu.memory_space<hbm>> -> memref<8xi32, #tpu.memory_space<hbm>>
    %dma_start3A_81 = arith.constant 8 : i32
    %dma_start3A_82 = tpu.memref_slice %arg12[%dma_start3A_75, %dma_start3A_81] : memref<8x32xi32, #tpu.memory_space<vmem>> -> memref<1x8xi32, #tpu.memory_space<vmem>>
    %dma_start3A_83 = tpu.memref_squeeze %dma_start3A_82 : memref<1x8xi32, #tpu.memory_space<vmem>> -> memref<8xi32, #tpu.memory_space<vmem>>
    %dma_start3A_84 = tpu.memref_slice %arg2[%dma_start3A_74, %add3A_73] : memref<4x2048xi32, #tpu.memory_space<hbm>> -> memref<1x8xi32, #tpu.memory_space<hbm>>
    %dma_start3A_85 = tpu.memref_squeeze %dma_start3A_84 : memref<1x8xi32, #tpu.memory_space<hbm>> -> memref<8xi32, #tpu.memory_space<hbm>>
    tpu.enqueue_dma source(%dma_start3A_85 : memref<8xi32, #tpu.memory_space<hbm>>) target(%dma_start3A_83 : memref<8xi32, #tpu.memory_space<vmem>>) target_semaphore(%arg19 : memref<!tpu.dma_semaphore, #tpu.memory_space<semaphore_mem>>)
    %add3A_86 = arith.constant 8 : i32
    %add3A_87 = arith.addi %mul3A_2, %add3A_86 : i32
    %dma_start3A_88 = arith.constant 2 : i32
    %dma_start3A_89 = arith.constant 1 : i32
    %dma_start3A_90 = arith.constant 16 : i32
    %dma_start3A_91 = tpu.memref_slice %arg12[%dma_start3A_89, %dma_start3A_90] : memref<8x32xi32, #tpu.memory_space<vmem>> -> memref<1x8xi32, #tpu.memory_space<vmem>>
    %dma_start3A_92 = tpu.memref_squeeze %dma_start3A_91 : memref<1x8xi32, #tpu.memory_space<vmem>> -> memref<8xi32, #tpu.memory_space<vmem>>
    %dma_start3A_93 = tpu.memref_slice %arg2[%dma_start3A_88, %add3A_87] : memref<4x2048xi32, #tpu.memory_space<hbm>> -> memref<1x8xi32, #tpu.memory_space<hbm>>
    %dma_start3A_94 = tpu.memref_squeeze %dma_start3A_93 : memref<1x8xi32, #tpu.memory_space<hbm>> -> memref<8xi32, #tpu.memory_space<hbm>>
    %dma_start3A_95 = arith.constant 16 : i32
    %dma_start3A_96 = tpu.memref_slice %arg12[%dma_start3A_89, %dma_start3A_95] : memref<8x32xi32, #tpu.memory_space<vmem>> -> memref<1x8xi32, #tpu.memory_space<vmem>>
    %dma_start3A_97 = tpu.memref_squeeze %dma_start3A_96 : memref<1x8xi32, #tpu.memory_space<vmem>> -> memref<8xi32, #tpu.memory_space<vmem>>
    %dma_start3A_98 = tpu.memref_slice %arg2[%dma_start3A_88, %add3A_87] : memref<4x2048xi32, #tpu.memory_space<hbm>> -> memref<1x8xi32, #tpu.memory_space<hbm>>
    %dma_start3A_99 = tpu.memref_squeeze %dma_start3A_98 : memref<1x8xi32, #tpu.memory_space<hbm>> -> memref<8xi32, #tpu.memory_space<hbm>>
    tpu.enqueue_dma source(%dma_start3A_99 : memref<8xi32, #tpu.memory_space<hbm>>) target(%dma_start3A_97 : memref<8xi32, #tpu.memory_space<vmem>>) target_semaphore(%arg19 : memref<!tpu.dma_semaphore, #tpu.memory_space<semaphore_mem>>)
    %add3A_100 = arith.constant 8 : i32
    %add3A_101 = arith.addi %mul3A_2, %add3A_100 : i32
    %dma_start3A_102 = arith.constant 3 : i32
    %dma_start3A_103 = arith.constant 1 : i32
    %dma_start3A_104 = arith.constant 24 : i32
    %dma_start3A_105 = tpu.memref_slice %arg12[%dma_start3A_103, %dma_start3A_104] : memref<8x32xi32, #tpu.memory_space<vmem>> -> memref<1x8xi32, #tpu.memory_space<vmem>>
    %dma_start3A_106 = tpu.memref_squeeze %dma_start3A_105 : memref<1x8xi32, #tpu.memory_space<vmem>> -> memref<8xi32, #tpu.memory_space<vmem>>
    %dma_start3A_107 = tpu.memref_slice %arg2[%dma_start3A_102, %add3A_101] : memref<4x2048xi32, #tpu.memory_space<hbm>> -> memref<1x8xi32, #tpu.memory_space<hbm>>
    %dma_start3A_108 = tpu.memref_squeeze %dma_start3A_107 : memref<1x8xi32, #tpu.memory_space<hbm>> -> memref<8xi32, #tpu.memory_space<hbm>>
    %dma_start3A_109 = arith.constant 24 : i32
    %dma_start3A_110 = tpu.memref_slice %arg12[%dma_start3A_103, %dma_start3A_109] : memref<8x32xi32, #tpu.memory_space<vmem>> -> memref<1x8xi32, #tpu.memory_space<vmem>>
    %dma_start3A_111 = tpu.memref_squeeze %dma_start3A_110 : memref<1x8xi32, #tpu.memory_space<vmem>> -> memref<8xi32, #tpu.memory_space<vmem>>
    %dma_start3A_112 = tpu.memref_slice %arg2[%dma_start3A_102, %add3A_101] : memref<4x2048xi32, #tpu.memory_space<hbm>> -> memref<1x8xi32, #tpu.memory_space<hbm>>
    %dma_start3A_113 = tpu.memref_squeeze %dma_start3A_112 : memref<1x8xi32, #tpu.memory_space<hbm>> -> memref<8xi32, #tpu.memory_space<hbm>>
    tpu.enqueue_dma source(%dma_start3A_113 : memref<8xi32, #tpu.memory_space<hbm>>) target(%dma_start3A_111 : memref<8xi32, #tpu.memory_space<vmem>>) target_semaphore(%arg19 : memref<!tpu.dma_semaphore, #tpu.memory_space<semaphore_mem>>)
    %add3A_114 = arith.constant 16 : i32
    %add3A_115 = arith.addi %mul3A_2, %add3A_114 : i32
    %dma_start3A_116 = arith.constant 0 : i32
    %dma_start3A_117 = arith.constant 2 : i32
    %dma_start3A_118 = arith.constant 0 : i32
    %dma_start3A_119 = tpu.memref_slice %arg12[%dma_start3A_117, %dma_start3A_118] : memref<8x32xi32, #tpu.memory_space<vmem>> -> memref<1x8xi32, #tpu.memory_space<vmem>>
    %dma_start3A_120 = tpu.memref_squeeze %dma_start3A_119 : memref<1x8xi32, #tpu.memory_space<vmem>> -> memref<8xi32, #tpu.memory_space<vmem>>
    %dma_start3A_121 = tpu.memref_slice %arg2[%dma_start3A_116, %add3A_115] : memref<4x2048xi32, #tpu.memory_space<hbm>> -> memref<1x8xi32, #tpu.memory_space<hbm>>
    %dma_start3A_122 = tpu.memref_squeeze %dma_start3A_121 : memref<1x8xi32, #tpu.memory_space<hbm>> -> memref<8xi32, #tpu.memory_space<hbm>>
    %dma_start3A_123 = arith.constant 0 : i32
    %dma_start3A_124 = tpu.memref_slice %arg12[%dma_start3A_117, %dma_start3A_123] : memref<8x32xi32, #tpu.memory_space<vmem>> -> memref<1x8xi32, #tpu.memory_space<vmem>>
    %dma_start3A_125 = tpu.memref_squeeze %dma_start3A_124 : memref<1x8xi32, #tpu.memory_space<vmem>> -> memref<8xi32, #tpu.memory_space<vmem>>
    %dma_start3A_126 = tpu.memref_slice %arg2[%dma_start3A_116, %add3A_115] : memref<4x2048xi32, #tpu.memory_space<hbm>> -> memref<1x8xi32, #tpu.memory_space<hbm>>
    %dma_start3A_127 = tpu.memref_squeeze %dma_start3A_126 : memref<1x8xi32, #tpu.memory_space<hbm>> -> memref<8xi32, #tpu.memory_space<hbm>>
    tpu.enqueue_dma source(%dma_start3A_127 : memref<8xi32, #tpu.memory_space<hbm>>) target(%dma_start3A_125 : memref<8xi32, #tpu.memory_space<vmem>>) target_semaphore(%arg19 : memref<!tpu.dma_semaphore, #tpu.memory_space<semaphore_mem>>)
    %add3A_128 = arith.constant 16 : i32
    %add3A_129 = arith.addi %mul3A_2, %add3A_128 : i32
    %dma_start3A_130 = arith.constant 1 : i32
    %dma_start3A_131 = arith.constant 2 : i32
    %dma_start3A_132 = arith.constant 8 : i32
    %dma_start3A_133 = tpu.memref_slice %arg12[%dma_start3A_131, %dma_start3A_132] : memref<8x32xi32, #tpu.memory_space<vmem>> -> memref<1x8xi32, #tpu.memory_space<vmem>>
    %dma_start3A_134 = tpu.memref_squeeze %dma_start3A_133 : memref<1x8xi32, #tpu.memory_space<vmem>> -> memref<8xi32, #tpu.memory_space<vmem>>
    %dma_start3A_135 = tpu.memref_slice %arg2[%dma_start3A_130, %add3A_129] : memref<4x2048xi32, #tpu.memory_space<hbm>> -> memref<1x8xi32, #tpu.memory_space<hbm>>
    %dma_start3A_136 = tpu.memref_squeeze %dma_start3A_135 : memref<1x8xi32, #tpu.memory_space<hbm>> -> memref<8xi32, #tpu.memory_space<hbm>>
    %dma_start3A_137 = arith.constant 8 : i32
    %dma_start3A_138 = tpu.memref_slice %arg12[%dma_start3A_131, %dma_start3A_137] : memref<8x32xi32, #tpu.memory_space<vmem>> -> memref<1x8xi32, #tpu.memory_space<vmem>>
    %dma_start3A_139 = tpu.memref_squeeze %dma_start3A_138 : memref<1x8xi32, #tpu.memory_space<vmem>> -> memref<8xi32, #tpu.memory_space<vmem>>
    %dma_start3A_140 = tpu.memref_slice %arg2[%dma_start3A_130, %add3A_129] : memref<4x2048xi32, #tpu.memory_space<hbm>> -> memref<1x8xi32, #tpu.memory_space<hbm>>
    %dma_start3A_141 = tpu.memref_squeeze %dma_start3A_140 : memref<1x8xi32, #tpu.memory_space<hbm>> -> memref<8xi32, #tpu.memory_space<hbm>>
    tpu.enqueue_dma source(%dma_start3A_141 : memref<8xi32, #tpu.memory_space<hbm>>) target(%dma_start3A_139 : memref<8xi32, #tpu.memory_space<vmem>>) target_semaphore(%arg19 : memref<!tpu.dma_semaphore, #tpu.memory_space<semaphore_mem>>)
    %add3A_142 = arith.constant 16 : i32
    %add3A_143 = arith.addi %mul3A_2, %add3A_142 : i32
    %dma_start3A_144 = arith.constant 2 : i32
    %dma_start3A_145 = arith.constant 2 : i32
    %dma_start3A_146 = arith.constant 16 : i32
    %dma_start3A_147 = tpu.memref_slice %arg12[%dma_start3A_145, %dma_start3A_146] : memref<8x32xi32, #tpu.memory_space<vmem>> -> memref<1x8xi32, #tpu.memory_space<vmem>>
    %dma_start3A_148 = tpu.memref_squeeze %dma_start3A_147 : memref<1x8xi32, #tpu.memory_space<vmem>> -> memref<8xi32, #tpu.memory_space<vmem>>
    %dma_start3A_149 = tpu.memref_slice %arg2[%dma_start3A_144, %add3A_143] : memref<4x2048xi32, #tpu.memory_space<hbm>> -> memref<1x8xi32, #tpu.memory_space<hbm>>
    %dma_start3A_150 = tpu.memref_squeeze %dma_start3A_149 : memref<1x8xi32, #tpu.memory_space<hbm>> -> memref<8xi32, #tpu.memory_space<hbm>>
    %dma_start3A_151 = arith.constant 16 : i32
    %dma_start3A_152 = tpu.memref_slice %arg12[%dma_start3A_145, %dma_start3A_151] : memref<8x32xi32, #tpu.memory_space<vmem>> -> memref<1x8xi32, #tpu.memory_space<vmem>>
    %dma_start3A_153 = tpu.memref_squeeze %dma_start3A_152 : memref<1x8xi32, #tpu.memory_space<vmem>> -> memref<8xi32, #tpu.memory_space<vmem>>
    %dma_start3A_154 = tpu.memref_slice %arg2[%dma_start3A_144, %add3A_143] : memref<4x2048xi32, #tpu.memory_space<hbm>> -> memref<1x8xi32, #tpu.memory_space<hbm>>
    %dma_start3A_155 = tpu.memref_squeeze %dma_start3A_154 : memref<1x8xi32, #tpu.memory_space<hbm>> -> memref<8xi32, #tpu.memory_space<hbm>>
    tpu.enqueue_dma source(%dma_start3A_155 : memref<8xi32, #tpu.memory_space<hbm>>) target(%dma_start3A_153 : memref<8xi32, #tpu.memory_space<vmem>>) target_semaphore(%arg19 : memref<!tpu.dma_semaphore, #tpu.memory_space<semaphore_mem>>)
    %add3A_156 = arith.constant 16 : i32
    %add3A_157 = arith.addi %mul3A_2, %add3A_156 : i32
    %dma_start3A_158 = arith.constant 3 : i32
    %dma_start3A_159 = arith.constant 2 : i32
    %dma_start3A_160 = arith.constant 24 : i32
    %dma_start3A_161 = tpu.memref_slice %arg12[%dma_start3A_159, %dma_start3A_160] : memref<8x32xi32, #tpu.memory_space<vmem>> -> memref<1x8xi32, #tpu.memory_space<vmem>>
    %dma_start3A_162 = tpu.memref_squeeze %dma_start3A_161 : memref<1x8xi32, #tpu.memory_space<vmem>> -> memref<8xi32, #tpu.memory_space<vmem>>
    %dma_start3A_163 = tpu.memref_slice %arg2[%dma_start3A_158, %add3A_157] : memref<4x2048xi32, #tpu.memory_space<hbm>> -> memref<1x8xi32, #tpu.memory_space<hbm>>
    %dma_start3A_164 = tpu.memref_squeeze %dma_start3A_163 : memref<1x8xi32, #tpu.memory_space<hbm>> -> memref<8xi32, #tpu.memory_space<hbm>>
    %dma_start3A_165 = arith.constant 24 : i32
    %dma_start3A_166 = tpu.memref_slice %arg12[%dma_start3A_159, %dma_start3A_165] : memref<8x32xi32, #tpu.memory_space<vmem>> -> memref<1x8xi32, #tpu.memory_space<vmem>>
    %dma_start3A_167 = tpu.memref_squeeze %dma_start3A_166 : memref<1x8xi32, #tpu.memory_space<vmem>> -> memref<8xi32, #tpu.memory_space<vmem>>
    %dma_start3A_168 = tpu.memref_slice %arg2[%dma_start3A_158, %add3A_157] : memref<4x2048xi32, #tpu.memory_space<hbm>> -> memref<1x8xi32, #tpu.memory_space<hbm>>
    %dma_start3A_169 = tpu.memref_squeeze %dma_start3A_168 : memref<1x8xi32, #tpu.memory_space<hbm>> -> memref<8xi32, #tpu.memory_space<hbm>>
    tpu.enqueue_dma source(%dma_start3A_169 : memref<8xi32, #tpu.memory_space<hbm>>) target(%dma_start3A_167 : memref<8xi32, #tpu.memory_space<vmem>>) target_semaphore(%arg19 : memref<!tpu.dma_semaphore, #tpu.memory_space<semaphore_mem>>)
    %add3A_170 = arith.constant 24 : i32
    %add3A_171 = arith.addi %mul3A_2, %add3A_170 : i32
    %dma_start3A_172 = arith.constant 0 : i32
    %dma_start3A_173 = arith.constant 3 : i32
    %dma_start3A_174 = arith.constant 0 : i32
    %dma_start3A_175 = tpu.memref_slice %arg12[%dma_start3A_173, %dma_start3A_174] : memref<8x32xi32, #tpu.memory_space<vmem>> -> memref<1x8xi32, #tpu.memory_space<vmem>>
    %dma_start3A_176 = tpu.memref_squeeze %dma_start3A_175 : memref<1x8xi32, #tpu.memory_space<vmem>> -> memref<8xi32, #tpu.memory_space<vmem>>
    %dma_start3A_177 = tpu.memref_slice %arg2[%dma_start3A_172, %add3A_171] : memref<4x2048xi32, #tpu.memory_space<hbm>> -> memref<1x8xi32, #tpu.memory_space<hbm>>
    %dma_start3A_178 = tpu.memref_squeeze %dma_start3A_177 : memref<1x8xi32, #tpu.memory_space<hbm>> -> memref<8xi32, #tpu.memory_space<hbm>>
    %dma_start3A_179 = arith.constant 0 : i32
    %dma_start3A_180 = tpu.memref_slice %arg12[%dma_start3A_173, %dma_start3A_179] : memref<8x32xi32, #tpu.memory_space<vmem>> -> memref<1x8xi32, #tpu.memory_space<vmem>>
    %dma_start3A_181 = tpu.memref_squeeze %dma_start3A_180 : memref<1x8xi32, #tpu.memory_space<vmem>> -> memref<8xi32, #tpu.memory_space<vmem>>
    %dma_start3A_182 = tpu.memref_slice %arg2[%dma_start3A_172, %add3A_171] : memref<4x2048xi32, #tpu.memory_space<hbm>> -> memref<1x8xi32, #tpu.memory_space<hbm>>
    %dma_start3A_183 = tpu.memref_squeeze %dma_start3A_182 : memref<1x8xi32, #tpu.memory_space<hbm>> -> memref<8xi32, #tpu.memory_space<hbm>>
    tpu.enqueue_dma source(%dma_start3A_183 : memref<8xi32, #tpu.memory_space<hbm>>) target(%dma_start3A_181 : memref<8xi32, #tpu.memory_space<vmem>>) target_semaphore(%arg19 : memref<!tpu.dma_semaphore, #tpu.memory_space<semaphore_mem>>)
    %add3A_184 = arith.constant 24 : i32
    %add3A_185 = arith.addi %mul3A_2, %add3A_184 : i32
    %dma_start3A_186 = arith.constant 1 : i32
    %dma_start3A_187 = arith.constant 3 : i32
    %dma_start3A_188 = arith.constant 8 : i32
    %dma_start3A_189 = tpu.memref_slice %arg12[%dma_start3A_187, %dma_start3A_188] : memref<8x32xi32, #tpu.memory_space<vmem>> -> memref<1x8xi32, #tpu.memory_space<vmem>>
    %dma_start3A_190 = tpu.memref_squeeze %dma_start3A_189 : memref<1x8xi32, #tpu.memory_space<vmem>> -> memref<8xi32, #tpu.memory_space<vmem>>
    %dma_start3A_191 = tpu.memref_slice %arg2[%dma_start3A_186, %add3A_185] : memref<4x2048xi32, #tpu.memory_space<hbm>> -> memref<1x8xi32, #tpu.memory_space<hbm>>
    %dma_start3A_192 = tpu.memref_squeeze %dma_start3A_191 : memref<1x8xi32, #tpu.memory_space<hbm>> -> memref<8xi32, #tpu.memory_space<hbm>>
    %dma_start3A_193 = arith.constant 8 : i32
    %dma_start3A_194 = tpu.memref_slice %arg12[%dma_start3A_187, %dma_start3A_193] : memref<8x32xi32, #tpu.memory_space<vmem>> -> memref<1x8xi32, #tpu.memory_space<vmem>>
    %dma_start3A_195 = tpu.memref_squeeze %dma_start3A_194 : memref<1x8xi32, #tpu.memory_space<vmem>> -> memref<8xi32, #tpu.memory_space<vmem>>
    %dma_start3A_196 = tpu.memref_slice %arg2[%dma_start3A_186, %add3A_185] : memref<4x2048xi32, #tpu.memory_space<hbm>> -> memref<1x8xi32, #tpu.memory_space<hbm>>
    %dma_start3A_197 = tpu.memref_squeeze %dma_start3A_196 : memref<1x8xi32, #tpu.memory_space<hbm>> -> memref<8xi32, #tpu.memory_space<hbm>>
    tpu.enqueue_dma source(%dma_start3A_197 : memref<8xi32, #tpu.memory_space<hbm>>) target(%dma_start3A_195 : memref<8xi32, #tpu.memory_space<vmem>>) target_semaphore(%arg19 : memref<!tpu.dma_semaphore, #tpu.memory_space<semaphore_mem>>)
    %add3A_198 = arith.constant 24 : i32
    %add3A_199 = arith.addi %mul3A_2, %add3A_198 : i32
    %dma_start3A_200 = arith.constant 2 : i32
    %dma_start3A_201 = arith.constant 3 : i32
    %dma_start3A_202 = arith.constant 16 : i32
    %dma_start3A_203 = tpu.memref_slice %arg12[%dma_start3A_201, %dma_start3A_202] : memref<8x32xi32, #tpu.memory_space<vmem>> -> memref<1x8xi32, #tpu.memory_space<vmem>>
    %dma_start3A_204 = tpu.memref_squeeze %dma_start3A_203 : memref<1x8xi32, #tpu.memory_space<vmem>> -> memref<8xi32, #tpu.memory_space<vmem>>
    %dma_start3A_205 = tpu.memref_slice %arg2[%dma_start3A_200, %add3A_199] : memref<4x2048xi32, #tpu.memory_space<hbm>> -> memref<1x8xi32, #tpu.memory_space<hbm>>
    %dma_start3A_206 = tpu.memref_squeeze %dma_start3A_205 : memref<1x8xi32, #tpu.memory_space<hbm>> -> memref<8xi32, #tpu.memory_space<hbm>>
    %dma_start3A_207 = arith.constant 16 : i32
    %dma_start3A_208 = tpu.memref_slice %arg12[%dma_start3A_201, %dma_start3A_207] : memref<8x32xi32, #tpu.memory_space<vmem>> -> memref<1x8xi32, #tpu.memory_space<vmem>>
    %dma_start3A_209 = tpu.memref_squeeze %dma_start3A_208 : memref<1x8xi32, #tpu.memory_space<vmem>> -> memref<8xi32, #tpu.memory_space<vmem>>
    %dma_start3A_210 = tpu.memref_slice %arg2[%dma_start3A_200, %add3A_199] : memref<4x2048xi32, #tpu.memory_space<hbm>> -> memref<1x8xi32, #tpu.memory_space<hbm>>
    %dma_start3A_211 = tpu.memref_squeeze %dma_start3A_210 : memref<1x8xi32, #tpu.memory_space<hbm>> -> memref<8xi32, #tpu.memory_space<hbm>>
    tpu.enqueue_dma source(%dma_start3A_211 : memref<8xi32, #tpu.memory_space<hbm>>) target(%dma_start3A_209 : memref<8xi32, #tpu.memory_space<vmem>>) target_semaphore(%arg19 : memref<!tpu.dma_semaphore, #tpu.memory_space<semaphore_mem>>)
    %add3A_212 = arith.constant 24 : i32
    %add3A_213 = arith.addi %mul3A_2, %add3A_212 : i32
    %dma_start3A_214 = arith.constant 3 : i32
    %dma_start3A_215 = arith.constant 3 : i32
    %dma_start3A_216 = arith.constant 24 : i32
    %dma_start3A_217 = tpu.memref_slice %arg12[%dma_start3A_215, %dma_start3A_216] : memref<8x32xi32, #tpu.memory_space<vmem>> -> memref<1x8xi32, #tpu.memory_space<vmem>>
    %dma_start3A_218 = tpu.memref_squeeze %dma_start3A_217 : memref<1x8xi32, #tpu.memory_space<vmem>> -> memref<8xi32, #tpu.memory_space<vmem>>
    %dma_start3A_219 = tpu.memref_slice %arg2[%dma_start3A_214, %add3A_213] : memref<4x2048xi32, #tpu.memory_space<hbm>> -> memref<1x8xi32, #tpu.memory_space<hbm>>
    %dma_start3A_220 = tpu.memref_squeeze %dma_start3A_219 : memref<1x8xi32, #tpu.memory_space<hbm>> -> memref<8xi32, #tpu.memory_space<hbm>>
    %dma_start3A_221 = arith.constant 24 : i32
    %dma_start3A_222 = tpu.memref_slice %arg12[%dma_start3A_215, %dma_start3A_221] : memref<8x32xi32, #tpu.memory_space<vmem>> -> memref<1x8xi32, #tpu.memory_space<vmem>>
    %dma_start3A_223 = tpu.memref_squeeze %dma_start3A_222 : memref<1x8xi32, #tpu.memory_space<vmem>> -> memref<8xi32, #tpu.memory_space<vmem>>
    %dma_start3A_224 = tpu.memref_slice %arg2[%dma_start3A_214, %add3A_213] : memref<4x2048xi32, #tpu.memory_space<hbm>> -> memref<1x8xi32, #tpu.memory_space<hbm>>
    %dma_start3A_225 = tpu.memref_squeeze %dma_start3A_224 : memref<1x8xi32, #tpu.memory_space<hbm>> -> memref<8xi32, #tpu.memory_space<hbm>>
    tpu.enqueue_dma source(%dma_start3A_225 : memref<8xi32, #tpu.memory_space<hbm>>) target(%dma_start3A_223 : memref<8xi32, #tpu.memory_space<vmem>>) target_semaphore(%arg19 : memref<!tpu.dma_semaphore, #tpu.memory_space<semaphore_mem>>)
    %add3A_226 = arith.constant 32 : i32
    %add3A_227 = arith.addi %mul3A_2, %add3A_226 : i32
    %dma_start3A_228 = arith.constant 0 : i32
    %dma_start3A_229 = arith.constant 4 : i32
    %dma_start3A_230 = arith.constant 0 : i32
    %dma_start3A_231 = tpu.memref_slice %arg12[%dma_start3A_229, %dma_start3A_230] : memref<8x32xi32, #tpu.memory_space<vmem>> -> memref<1x8xi32, #tpu.memory_space<vmem>>
    %dma_start3A_232 = tpu.memref_squeeze %dma_start3A_231 : memref<1x8xi32, #tpu.memory_space<vmem>> -> memref<8xi32, #tpu.memory_space<vmem>>
    %dma_start3A_233 = tpu.memref_slice %arg2[%dma_start3A_228, %add3A_227] : memref<4x2048xi32, #tpu.memory_space<hbm>> -> memref<1x8xi32, #tpu.memory_space<hbm>>
    %dma_start3A_234 = tpu.memref_squeeze %dma_start3A_233 : memref<1x8xi32, #tpu.memory_space<hbm>> -> memref<8xi32, #tpu.memory_space<hbm>>
    %dma_start3A_235 = arith.constant 0 : i32
    %dma_start3A_236 = tpu.memref_slice %arg12[%dma_start3A_229, %dma_start3A_235] : memref<8x32xi32, #tpu.memory_space<vmem>> -> memref<1x8xi32, #tpu.memory_space<vmem>>
    %dma_start3A_237 = tpu.memref_squeeze %dma_start3A_236 : memref<1x8xi32, #tpu.memory_space<vmem>> -> memref<8xi32, #tpu.memory_space<vmem>>
    %dma_start3A_238 = tpu.memref_slice %arg2[%dma_start3A_228, %add3A_227] : memref<4x2048xi32, #tpu.memory_space<hbm>> -> memref<1x8xi32, #tpu.memory_space<hbm>>
    %dma_start3A_239 = tpu.memref_squeeze %dma_start3A_238 : memref<1x8xi32, #tpu.memory_space<hbm>> -> memref<8xi32, #tpu.memory_space<hbm>>
    tpu.enqueue_dma source(%dma_start3A_239 : memref<8xi32, #tpu.memory_space<hbm>>) target(%dma_start3A_237 : memref<8xi32, #tpu.memory_space<vmem>>) target_semaphore(%arg19 : memref<!tpu.dma_semaphore, #tpu.memory_space<semaphore_mem>>)
    %add3A_240 = arith.constant 32 : i32
    %add3A_241 = arith.addi %mul3A_2, %add3A_240 : i32
    %dma_start3A_242 = arith.constant 1 : i32
    %dma_start3A_243 = arith.constant 4 : i32
    %dma_start3A_244 = arith.constant 8 : i32
    %dma_start3A_245 = tpu.memref_slice %arg12[%dma_start3A_243, %dma_start3A_244] : memref<8x32xi32, #tpu.memory_space<vmem>> -> memref<1x8xi32, #tpu.memory_space<vmem>>
    %dma_start3A_246 = tpu.memref_squeeze %dma_start3A_245 : memref<1x8xi32, #tpu.memory_space<vmem>> -> memref<8xi32, #tpu.memory_space<vmem>>
    %dma_start3A_247 = tpu.memref_slice %arg2[%dma_start3A_242, %add3A_241] : memref<4x2048xi32, #tpu.memory_space<hbm>> -> memref<1x8xi32, #tpu.memory_space<hbm>>
    %dma_start3A_248 = tpu.memref_squeeze %dma_start3A_247 : memref<1x8xi32, #tpu.memory_space<hbm>> -> memref<8xi32, #tpu.memory_space<hbm>>
    %dma_start3A_249 = arith.constant 8 : i32
    %dma_start3A_250 = tpu.memref_slice %arg12[%dma_start3A_243, %dma_start3A_249] : memref<8x32xi32, #tpu.memory_space<vmem>> -> memref<1x8xi32, #tpu.memory_space<vmem>>
    %dma_start3A_251 = tpu.memref_squeeze %dma_start3A_250 : memref<1x8xi32, #tpu.memory_space<vmem>> -> memref<8xi32, #tpu.memory_space<vmem>>
    %dma_start3A_252 = tpu.memref_slice %arg2[%dma_start3A_242, %add3A_241] : memref<4x2048xi32, #tpu.memory_space<hbm>> -> memref<1x8xi32, #tpu.memory_space<hbm>>
    %dma_start3A_253 = tpu.memref_squeeze %dma_start3A_252 : memref<1x8xi32, #tpu.memory_space<hbm>> -> memref<8xi32, #tpu.memory_space<hbm>>
    tpu.enqueue_dma source(%dma_start3A_253 : memref<8xi32, #tpu.memory_space<hbm>>) target(%dma_start3A_251 : memref<8xi32, #tpu.memory_space<vmem>>) target_semaphore(%arg19 : memref<!tpu.dma_semaphore, #tpu.memory_space<semaphore_mem>>)
    %add3A_254 = arith.constant 32 : i32
    %add3A_255 = arith.addi %mul3A_2, %add3A_254 : i32
    %dma_start3A_256 = arith.constant 2 : i32
    %dma_start3A_257 = arith.constant 4 : i32
    %dma_start3A_258 = arith.constant 16 : i32
    %dma_start3A_259 = tpu.memref_slice %arg12[%dma_start3A_257, %dma_start3A_258] : memref<8x32xi32, #tpu.memory_space<vmem>> -> memref<1x8xi32, #tpu.memory_space<vmem>>
    %dma_start3A_260 = tpu.memref_squeeze %dma_start3A_259 : memref<1x8xi32, #tpu.memory_space<vmem>> -> memref<8xi32, #tpu.memory_space<vmem>>
    %dma_start3A_261 = tpu.memref_slice %arg2[%dma_start3A_256, %add3A_255] : memref<4x2048xi32, #tpu.memory_space<hbm>> -> memref<1x8xi32, #tpu.memory_space<hbm>>
    %dma_start3A_262 = tpu.memref_squeeze %dma_start3A_261 : memref<1x8xi32, #tpu.memory_space<hbm>> -> memref<8xi32, #tpu.memory_space<hbm>>
    %dma_start3A_263 = arith.constant 16 : i32
    %dma_start3A_264 = tpu.memref_slice %arg12[%dma_start3A_257, %dma_start3A_263] : memref<8x32xi32, #tpu.memory_space<vmem>> -> memref<1x8xi32, #tpu.memory_space<vmem>>
    %dma_start3A_265 = tpu.memref_squeeze %dma_start3A_264 : memref<1x8xi32, #tpu.memory_space<vmem>> -> memref<8xi32, #tpu.memory_space<vmem>>
    %dma_start3A_266 = tpu.memref_slice %arg2[%dma_start3A_256, %add3A_255] : memref<4x2048xi32, #tpu.memory_space<hbm>> -> memref<1x8xi32, #tpu.memory_space<hbm>>
    %dma_start3A_267 = tpu.memref_squeeze %dma_start3A_266 : memref<1x8xi32, #tpu.memory_space<hbm>> -> memref<8xi32, #tpu.memory_space<hbm>>
    tpu.enqueue_dma source(%dma_start3A_267 : memref<8xi32, #tpu.memory_space<hbm>>) target(%dma_start3A_265 : memref<8xi32, #tpu.memory_space<vmem>>) target_semaphore(%arg19 : memref<!tpu.dma_semaphore, #tpu.memory_space<semaphore_mem>>)
    %add3A_268 = arith.constant 32 : i32
    %add3A_269 = arith.addi %mul3A_2, %add3A_268 : i32
    %dma_start3A_270 = arith.constant 3 : i32
    %dma_start3A_271 = arith.constant 4 : i32
    %dma_start3A_272 = arith.constant 24 : i32
    %dma_start3A_273 = tpu.memref_slice %arg12[%dma_start3A_271, %dma_start3A_272] : memref<8x32xi32, #tpu.memory_space<vmem>> -> memref<1x8xi32, #tpu.memory_space<vmem>>
    %dma_start3A_274 = tpu.memref_squeeze %dma_start3A_273 : memref<1x8xi32, #tpu.memory_space<vmem>> -> memref<8xi32, #tpu.memory_space<vmem>>
    %dma_start3A_275 = tpu.memref_slice %arg2[%dma_start3A_270, %add3A_269] : memref<4x2048xi32, #tpu.memory_space<hbm>> -> memref<1x8xi32, #tpu.memory_space<hbm>>
    %dma_start3A_276 = tpu.memref_squeeze %dma_start3A_275 : memref<1x8xi32, #tpu.memory_space<hbm>> -> memref<8xi32, #tpu.memory_space<hbm>>
    %dma_start3A_277 = arith.constant 24 : i32
    %dma_start3A_278 = tpu.memref_slice %arg12[%dma_start3A_271, %dma_start3A_277] : memref<8x32xi32, #tpu.memory_space<vmem>> -> memref<1x8xi32, #tpu.memory_space<vmem>>
    %dma_start3A_279 = tpu.memref_squeeze %dma_start3A_278 : memref<1x8xi32, #tpu.memory_space<vmem>> -> memref<8xi32, #tpu.memory_space<vmem>>
    %dma_start3A_280 = tpu.memref_slice %arg2[%dma_start3A_270, %add3A_269] : memref<4x2048xi32, #tpu.memory_space<hbm>> -> memref<1x8xi32, #tpu.memory_space<hbm>>
    %dma_start3A_281 = tpu.memref_squeeze %dma_start3A_280 : memref<1x8xi32, #tpu.memory_space<hbm>> -> memref<8xi32, #tpu.memory_space<hbm>>
    tpu.enqueue_dma source(%dma_start3A_281 : memref<8xi32, #tpu.memory_space<hbm>>) target(%dma_start3A_279 : memref<8xi32, #tpu.memory_space<vmem>>) target_semaphore(%arg19 : memref<!tpu.dma_semaphore, #tpu.memory_space<semaphore_mem>>)
    %add3A_282 = arith.constant 40 : i32
    %add3A_283 = arith.addi %mul3A_2, %add3A_282 : i32
    %dma_start3A_284 = arith.constant 0 : i32
    %dma_start3A_285 = arith.constant 5 : i32
    %dma_start3A_286 = arith.constant 0 : i32
    %dma_start3A_287 = tpu.memref_slice %arg12[%dma_start3A_285, %dma_start3A_286] : memref<8x32xi32, #tpu.memory_space<vmem>> -> memref<1x8xi32, #tpu.memory_space<vmem>>
    %dma_start3A_288 = tpu.memref_squeeze %dma_start3A_287 : memref<1x8xi32, #tpu.memory_space<vmem>> -> memref<8xi32, #tpu.memory_space<vmem>>
    %dma_start3A_289 = tpu.memref_slice %arg2[%dma_start3A_284, %add3A_283] : memref<4x2048xi32, #tpu.memory_space<hbm>> -> memref<1x8xi32, #tpu.memory_space<hbm>>
    %dma_start3A_290 = tpu.memref_squeeze %dma_start3A_289 : memref<1x8xi32, #tpu.memory_space<hbm>> -> memref<8xi32, #tpu.memory_space<hbm>>
    %dma_start3A_291 = arith.constant 0 : i32
    %dma_start3A_292 = tpu.memref_slice %arg12[%dma_start3A_285, %dma_start3A_291] : memref<8x32xi32, #tpu.memory_space<vmem>> -> memref<1x8xi32, #tpu.memory_space<vmem>>
    %dma_start3A_293 = tpu.memref_squeeze %dma_start3A_292 : memref<1x8xi32, #tpu.memory_space<vmem>> -> memref<8xi32, #tpu.memory_space<vmem>>
    %dma_start3A_294 = tpu.memref_slice %arg2[%dma_start3A_284, %add3A_283] : memref<4x2048xi32, #tpu.memory_space<hbm>> -> memref<1x8xi32, #tpu.memory_space<hbm>>
    %dma_start3A_295 = tpu.memref_squeeze %dma_start3A_294 : memref<1x8xi32, #tpu.memory_space<hbm>> -> memref<8xi32, #tpu.memory_space<hbm>>
    tpu.enqueue_dma source(%dma_start3A_295 : memref<8xi32, #tpu.memory_space<hbm>>) target(%dma_start3A_293 : memref<8xi32, #tpu.memory_space<vmem>>) target_semaphore(%arg19 : memref<!tpu.dma_semaphore, #tpu.memory_space<semaphore_mem>>)
    %add3A_296 = arith.constant 40 : i32
    %add3A_297 = arith.addi %mul3A_2, %add3A_296 : i32
    %dma_start3A_298 = arith.constant 1 : i32
    %dma_start3A_299 = arith.constant 5 : i32
    %dma_start3A_300 = arith.constant 8 : i32
    %dma_start3A_301 = tpu.memref_slice %arg12[%dma_start3A_299, %dma_start3A_300] : memref<8x32xi32, #tpu.memory_space<vmem>> -> memref<1x8xi32, #tpu.memory_space<vmem>>
    %dma_start3A_302 = tpu.memref_squeeze %dma_start3A_301 : memref<1x8xi32, #tpu.memory_space<vmem>> -> memref<8xi32, #tpu.memory_space<vmem>>
    %dma_start3A_303 = tpu.memref_slice %arg2[%dma_start3A_298, %add3A_297] : memref<4x2048xi32, #tpu.memory_space<hbm>> -> memref<1x8xi32, #tpu.memory_space<hbm>>
    %dma_start3A_304 = tpu.memref_squeeze %dma_start3A_303 : memref<1x8xi32, #tpu.memory_space<hbm>> -> memref<8xi32, #tpu.memory_space<hbm>>
    %dma_start3A_305 = arith.constant 8 : i32
    %dma_start3A_306 = tpu.memref_slice %arg12[%dma_start3A_299, %dma_start3A_305] : memref<8x32xi32, #tpu.memory_space<vmem>> -> memref<1x8xi32, #tpu.memory_space<vmem>>
    %dma_start3A_307 = tpu.memref_squeeze %dma_start3A_306 : memref<1x8xi32, #tpu.memory_space<vmem>> -> memref<8xi32, #tpu.memory_space<vmem>>
    %dma_start3A_308 = tpu.memref_slice %arg2[%dma_start3A_298, %add3A_297] : memref<4x2048xi32, #tpu.memory_space<hbm>> -> memref<1x8xi32, #tpu.memory_space<hbm>>
    %dma_start3A_309 = tpu.memref_squeeze %dma_start3A_308 : memref<1x8xi32, #tpu.memory_space<hbm>> -> memref<8xi32, #tpu.memory_space<hbm>>
    tpu.enqueue_dma source(%dma_start3A_309 : memref<8xi32, #tpu.memory_space<hbm>>) target(%dma_start3A_307 : memref<8xi32, #tpu.memory_space<vmem>>) target_semaphore(%arg19 : memref<!tpu.dma_semaphore, #tpu.memory_space<semaphore_mem>>)
    %add3A_310 = arith.constant 40 : i32
    %add3A_311 = arith.addi %mul3A_2, %add3A_310 : i32
    %dma_start3A_312 = arith.constant 2 : i32
    %dma_start3A_313 = arith.constant 5 : i32
    %dma_start3A_314 = arith.constant 16 : i32
    %dma_start3A_315 = tpu.memref_slice %arg12[%dma_start3A_313, %dma_start3A_314] : memref<8x32xi32, #tpu.memory_space<vmem>> -> memref<1x8xi32, #tpu.memory_space<vmem>>
    %dma_start3A_316 = tpu.memref_squeeze %dma_start3A_315 : memref<1x8xi32, #tpu.memory_space<vmem>> -> memref<8xi32, #tpu.memory_space<vmem>>
    %dma_start3A_317 = tpu.memref_slice %arg2[%dma_start3A_312, %add3A_311] : memref<4x2048xi32, #tpu.memory_space<hbm>> -> memref<1x8xi32, #tpu.memory_space<hbm>>
    %dma_start3A_318 = tpu.memref_squeeze %dma_start3A_317 : memref<1x8xi32, #tpu.memory_space<hbm>> -> memref<8xi32, #tpu.memory_space<hbm>>
    %dma_start3A_319 = arith.constant 16 : i32
    %dma_start3A_320 = tpu.memref_slice %arg12[%dma_start3A_313, %dma_start3A_319] : memref<8x32xi32, #tpu.memory_space<vmem>> -> memref<1x8xi32, #tpu.memory_space<vmem>>
    %dma_start3A_321 = tpu.memref_squeeze %dma_start3A_320 : memref<1x8xi32, #tpu.memory_space<vmem>> -> memref<8xi32, #tpu.memory_space<vmem>>
    %dma_start3A_322 = tpu.memref_slice %arg2[%dma_start3A_312, %add3A_311] : memref<4x2048xi32, #tpu.memory_space<hbm>> -> memref<1x8xi32, #tpu.memory_space<hbm>>
    %dma_start3A_323 = tpu.memref_squeeze %dma_start3A_322 : memref<1x8xi32, #tpu.memory_space<hbm>> -> memref<8xi32, #tpu.memory_space<hbm>>
    tpu.enqueue_dma source(%dma_start3A_323 : memref<8xi32, #tpu.memory_space<hbm>>) target(%dma_start3A_321 : memref<8xi32, #tpu.memory_space<vmem>>) target_semaphore(%arg19 : memref<!tpu.dma_semaphore, #tpu.memory_space<semaphore_mem>>)
    %add3A_324 = arith.constant 40 : i32
    %add3A_325 = arith.addi %mul3A_2, %add3A_324 : i32
    %dma_start3A_326 = arith.constant 3 : i32
    %dma_start3A_327 = arith.constant 5 : i32
    %dma_start3A_328 = arith.constant 24 : i32
    %dma_start3A_329 = tpu.memref_slice %arg12[%dma_start3A_327, %dma_start3A_328] : memref<8x32xi32, #tpu.memory_space<vmem>> -> memref<1x8xi32, #tpu.memory_space<vmem>>
    %dma_start3A_330 = tpu.memref_squeeze %dma_start3A_329 : memref<1x8xi32, #tpu.memory_space<vmem>> -> memref<8xi32, #tpu.memory_space<vmem>>
    %dma_start3A_331 = tpu.memref_slice %arg2[%dma_start3A_326, %add3A_325] : memref<4x2048xi32, #tpu.memory_space<hbm>> -> memref<1x8xi32, #tpu.memory_space<hbm>>
    %dma_start3A_332 = tpu.memref_squeeze %dma_start3A_331 : memref<1x8xi32, #tpu.memory_space<hbm>> -> memref<8xi32, #tpu.memory_space<hbm>>
    %dma_start3A_333 = arith.constant 24 : i32
    %dma_start3A_334 = tpu.memref_slice %arg12[%dma_start3A_327, %dma_start3A_333] : memref<8x32xi32, #tpu.memory_space<vmem>> -> memref<1x8xi32, #tpu.memory_space<vmem>>
    %dma_start3A_335 = tpu.memref_squeeze %dma_start3A_334 : memref<1x8xi32, #tpu.memory_space<vmem>> -> memref<8xi32, #tpu.memory_space<vmem>>
    %dma_start3A_336 = tpu.memref_slice %arg2[%dma_start3A_326, %add3A_325] : memref<4x2048xi32, #tpu.memory_space<hbm>> -> memref<1x8xi32, #tpu.memory_space<hbm>>
    %dma_start3A_337 = tpu.memref_squeeze %dma_start3A_336 : memref<1x8xi32, #tpu.memory_space<hbm>> -> memref<8xi32, #tpu.memory_space<hbm>>
    tpu.enqueue_dma source(%dma_start3A_337 : memref<8xi32, #tpu.memory_space<hbm>>) target(%dma_start3A_335 : memref<8xi32, #tpu.memory_space<vmem>>) target_semaphore(%arg19 : memref<!tpu.dma_semaphore, #tpu.memory_space<semaphore_mem>>)
    %add3A_338 = arith.constant 48 : i32
    %add3A_339 = arith.addi %mul3A_2, %add3A_338 : i32
    %dma_start3A_340 = arith.constant 0 : i32
    %dma_start3A_341 = arith.constant 6 : i32
    %dma_start3A_342 = arith.constant 0 : i32
    %dma_start3A_343 = tpu.memref_slice %arg12[%dma_start3A_341, %dma_start3A_342] : memref<8x32xi32, #tpu.memory_space<vmem>> -> memref<1x8xi32, #tpu.memory_space<vmem>>
    %dma_start3A_344 = tpu.memref_squeeze %dma_start3A_343 : memref<1x8xi32, #tpu.memory_space<vmem>> -> memref<8xi32, #tpu.memory_space<vmem>>
    %dma_start3A_345 = tpu.memref_slice %arg2[%dma_start3A_340, %add3A_339] : memref<4x2048xi32, #tpu.memory_space<hbm>> -> memref<1x8xi32, #tpu.memory_space<hbm>>
    %dma_start3A_346 = tpu.memref_squeeze %dma_start3A_345 : memref<1x8xi32, #tpu.memory_space<hbm>> -> memref<8xi32, #tpu.memory_space<hbm>>
    %dma_start3A_347 = arith.constant 0 : i32
    %dma_start3A_348 = tpu.memref_slice %arg12[%dma_start3A_341, %dma_start3A_347] : memref<8x32xi32, #tpu.memory_space<vmem>> -> memref<1x8xi32, #tpu.memory_space<vmem>>
    %dma_start3A_349 = tpu.memref_squeeze %dma_start3A_348 : memref<1x8xi32, #tpu.memory_space<vmem>> -> memref<8xi32, #tpu.memory_space<vmem>>
    %dma_start3A_350 = tpu.memref_slice %arg2[%dma_start3A_340, %add3A_339] : memref<4x2048xi32, #tpu.memory_space<hbm>> -> memref<1x8xi32, #tpu.memory_space<hbm>>
    %dma_start3A_351 = tpu.memref_squeeze %dma_start3A_350 : memref<1x8xi32, #tpu.memory_space<hbm>> -> memref<8xi32, #tpu.memory_space<hbm>>
    tpu.enqueue_dma source(%dma_start3A_351 : memref<8xi32, #tpu.memory_space<hbm>>) target(%dma_start3A_349 : memref<8xi32, #tpu.memory_space<vmem>>) target_semaphore(%arg19 : memref<!tpu.dma_semaphore, #tpu.memory_space<semaphore_mem>>)
    %add3A_352 = arith.constant 48 : i32
    %add3A_353 = arith.addi %mul3A_2, %add3A_352 : i32
    %dma_start3A_354 = arith.constant 1 : i32
    %dma_start3A_355 = arith.constant 6 : i32
    %dma_start3A_356 = arith.constant 8 : i32
    %dma_start3A_357 = tpu.memref_slice %arg12[%dma_start3A_355, %dma_start3A_356] : memref<8x32xi32, #tpu.memory_space<vmem>> -> memref<1x8xi32, #tpu.memory_space<vmem>>
    %dma_start3A_358 = tpu.memref_squeeze %dma_start3A_357 : memref<1x8xi32, #tpu.memory_space<vmem>> -> memref<8xi32, #tpu.memory_space<vmem>>
    %dma_start3A_359 = tpu.memref_slice %arg2[%dma_start3A_354, %add3A_353] : memref<4x2048xi32, #tpu.memory_space<hbm>> -> memref<1x8xi32, #tpu.memory_space<hbm>>
    %dma_start3A_360 = tpu.memref_squeeze %dma_start3A_359 : memref<1x8xi32, #tpu.memory_space<hbm>> -> memref<8xi32, #tpu.memory_space<hbm>>
    %dma_start3A_361 = arith.constant 8 : i32
    %dma_start3A_362 = tpu.memref_slice %arg12[%dma_start3A_355, %dma_start3A_361] : memref<8x32xi32, #tpu.memory_space<vmem>> -> memref<1x8xi32, #tpu.memory_space<vmem>>
    %dma_start3A_363 = tpu.memref_squeeze %dma_start3A_362 : memref<1x8xi32, #tpu.memory_space<vmem>> -> memref<8xi32, #tpu.memory_space<vmem>>
    %dma_start3A_364 = tpu.memref_slice %arg2[%dma_start3A_354, %add3A_353] : memref<4x2048xi32, #tpu.memory_space<hbm>> -> memref<1x8xi32, #tpu.memory_space<hbm>>
    %dma_start3A_365 = tpu.memref_squeeze %dma_start3A_364 : memref<1x8xi32, #tpu.memory_space<hbm>> -> memref<8xi32, #tpu.memory_space<hbm>>
    tpu.enqueue_dma source(%dma_start3A_365 : memref<8xi32, #tpu.memory_space<hbm>>) target(%dma_start3A_363 : memref<8xi32, #tpu.memory_space<vmem>>) target_semaphore(%arg19 : memref<!tpu.dma_semaphore, #tpu.memory_space<semaphore_mem>>)
    %add3A_366 = arith.constant 48 : i32
    %add3A_367 = arith.addi %mul3A_2, %add3A_366 : i32
    %dma_start3A_368 = arith.constant 2 : i32
    %dma_start3A_369 = arith.constant 6 : i32
    %dma_start3A_370 = arith.constant 16 : i32
    %dma_start3A_371 = tpu.memref_slice %arg12[%dma_start3A_369, %dma_start3A_370] : memref<8x32xi32, #tpu.memory_space<vmem>> -> memref<1x8xi32, #tpu.memory_space<vmem>>
    %dma_start3A_372 = tpu.memref_squeeze %dma_start3A_371 : memref<1x8xi32, #tpu.memory_space<vmem>> -> memref<8xi32, #tpu.memory_space<vmem>>
    %dma_start3A_373 = tpu.memref_slice %arg2[%dma_start3A_368, %add3A_367] : memref<4x2048xi32, #tpu.memory_space<hbm>> -> memref<1x8xi32, #tpu.memory_space<hbm>>
    %dma_start3A_374 = tpu.memref_squeeze %dma_start3A_373 : memref<1x8xi32, #tpu.memory_space<hbm>> -> memref<8xi32, #tpu.memory_space<hbm>>
    %dma_start3A_375 = arith.constant 16 : i32
    %dma_start3A_376 = tpu.memref_slice %arg12[%dma_start3A_369, %dma_start3A_375] : memref<8x32xi32, #tpu.memory_space<vmem>> -> memref<1x8xi32, #tpu.memory_space<vmem>>
    %dma_start3A_377 = tpu.memref_squeeze %dma_start3A_376 : memref<1x8xi32, #tpu.memory_space<vmem>> -> memref<8xi32, #tpu.memory_space<vmem>>
    %dma_start3A_378 = tpu.memref_slice %arg2[%dma_start3A_368, %add3A_367] : memref<4x2048xi32, #tpu.memory_space<hbm>> -> memref<1x8xi32, #tpu.memory_space<hbm>>
    %dma_start3A_379 = tpu.memref_squeeze %dma_start3A_378 : memref<1x8xi32, #tpu.memory_space<hbm>> -> memref<8xi32, #tpu.memory_space<hbm>>
    tpu.enqueue_dma source(%dma_start3A_379 : memref<8xi32, #tpu.memory_space<hbm>>) target(%dma_start3A_377 : memref<8xi32, #tpu.memory_space<vmem>>) target_semaphore(%arg19 : memref<!tpu.dma_semaphore, #tpu.memory_space<semaphore_mem>>)
    %add3A_380 = arith.constant 48 : i32
    %add3A_381 = arith.addi %mul3A_2, %add3A_380 : i32
    %dma_start3A_382 = arith.constant 3 : i32
    %dma_start3A_383 = arith.constant 6 : i32
    %dma_start3A_384 = arith.constant 24 : i32
    %dma_start3A_385 = tpu.memref_slice %arg12[%dma_start3A_383, %dma_start3A_384] : memref<8x32xi32, #tpu.memory_space<vmem>> -> memref<1x8xi32, #tpu.memory_space<vmem>>
    %dma_start3A_386 = tpu.memref_squeeze %dma_start3A_385 : memref<1x8xi32, #tpu.memory_space<vmem>> -> memref<8xi32, #tpu.memory_space<vmem>>
    %dma_start3A_387 = tpu.memref_slice %arg2[%dma_start3A_382, %add3A_381] : memref<4x2048xi32, #tpu.memory_space<hbm>> -> memref<1x8xi32, #tpu.memory_space<hbm>>
    %dma_start3A_388 = tpu.memref_squeeze %dma_start3A_387 : memref<1x8xi32, #tpu.memory_space<hbm>> -> memref<8xi32, #tpu.memory_space<hbm>>
    %dma_start3A_389 = arith.constant 24 : i32
    %dma_start3A_390 = tpu.memref_slice %arg12[%dma_start3A_383, %dma_start3A_389] : memref<8x32xi32, #tpu.memory_space<vmem>> -> memref<1x8xi32, #tpu.memory_space<vmem>>
    %dma_start3A_391 = tpu.memref_squeeze %dma_start3A_390 : memref<1x8xi32, #tpu.memory_space<vmem>> -> memref<8xi32, #tpu.memory_space<vmem>>
    %dma_start3A_392 = tpu.memref_slice %arg2[%dma_start3A_382, %add3A_381] : memref<4x2048xi32, #tpu.memory_space<hbm>> -> memref<1x8xi32, #tpu.memory_space<hbm>>
    %dma_start3A_393 = tpu.memref_squeeze %dma_start3A_392 : memref<1x8xi32, #tpu.memory_space<hbm>> -> memref<8xi32, #tpu.memory_space<hbm>>
    tpu.enqueue_dma source(%dma_start3A_393 : memref<8xi32, #tpu.memory_space<hbm>>) target(%dma_start3A_391 : memref<8xi32, #tpu.memory_space<vmem>>) target_semaphore(%arg19 : memref<!tpu.dma_semaphore, #tpu.memory_space<semaphore_mem>>)
    %add3A_394 = arith.constant 56 : i32
    %add3A_395 = arith.addi %mul3A_2, %add3A_394 : i32
    %dma_start3A_396 = arith.constant 0 : i32
    %dma_start3A_397 = arith.constant 7 : i32
    %dma_start3A_398 = arith.constant 0 : i32
    %dma_start3A_399 = tpu.memref_slice %arg12[%dma_start3A_397, %dma_start3A_398] : memref<8x32xi32, #tpu.memory_space<vmem>> -> memref<1x8xi32, #tpu.memory_space<vmem>>
    %dma_start3A_400 = tpu.memref_squeeze %dma_start3A_399 : memref<1x8xi32, #tpu.memory_space<vmem>> -> memref<8xi32, #tpu.memory_space<vmem>>
    %dma_start3A_401 = tpu.memref_slice %arg2[%dma_start3A_396, %add3A_395] : memref<4x2048xi32, #tpu.memory_space<hbm>> -> memref<1x8xi32, #tpu.memory_space<hbm>>
    %dma_start3A_402 = tpu.memref_squeeze %dma_start3A_401 : memref<1x8xi32, #tpu.memory_space<hbm>> -> memref<8xi32, #tpu.memory_space<hbm>>
    %dma_start3A_403 = arith.constant 0 : i32
    %dma_start3A_404 = tpu.memref_slice %arg12[%dma_start3A_397, %dma_start3A_403] : memref<8x32xi32, #tpu.memory_space<vmem>> -> memref<1x8xi32, #tpu.memory_space<vmem>>
    %dma_start3A_405 = tpu.memref_squeeze %dma_start3A_404 : memref<1x8xi32, #tpu.memory_space<vmem>> -> memref<8xi32, #tpu.memory_space<vmem>>
    %dma_start3A_406 = tpu.memref_slice %arg2[%dma_start3A_396, %add3A_395] : memref<4x2048xi32, #tpu.memory_space<hbm>> -> memref<1x8xi32, #tpu.memory_space<hbm>>
    %dma_start3A_407 = tpu.memref_squeeze %dma_start3A_406 : memref<1x8xi32, #tpu.memory_space<hbm>> -> memref<8xi32, #tpu.memory_space<hbm>>
    tpu.enqueue_dma source(%dma_start3A_407 : memref<8xi32, #tpu.memory_space<hbm>>) target(%dma_start3A_405 : memref<8xi32, #tpu.memory_space<vmem>>) target_semaphore(%arg19 : memref<!tpu.dma_semaphore, #tpu.memory_space<semaphore_mem>>)
    %add3A_408 = arith.constant 56 : i32
    %add3A_409 = arith.addi %mul3A_2, %add3A_408 : i32
    %dma_start3A_410 = arith.constant 1 : i32
    %dma_start3A_411 = arith.constant 7 : i32
    %dma_start3A_412 = arith.constant 8 : i32
    %dma_start3A_413 = tpu.memref_slice %arg12[%dma_start3A_411, %dma_start3A_412] : memref<8x32xi32, #tpu.memory_space<vmem>> -> memref<1x8xi32, #tpu.memory_space<vmem>>
    %dma_start3A_414 = tpu.memref_squeeze %dma_start3A_413 : memref<1x8xi32, #tpu.memory_space<vmem>> -> memref<8xi32, #tpu.memory_space<vmem>>
    %dma_start3A_415 = tpu.memref_slice %arg2[%dma_start3A_410, %add3A_409] : memref<4x2048xi32, #tpu.memory_space<hbm>> -> memref<1x8xi32, #tpu.memory_space<hbm>>
    %dma_start3A_416 = tpu.memref_squeeze %dma_start3A_415 : memref<1x8xi32, #tpu.memory_space<hbm>> -> memref<8xi32, #tpu.memory_space<hbm>>
    %dma_start3A_417 = arith.constant 8 : i32
    %dma_start3A_418 = tpu.memref_slice %arg12[%dma_start3A_411, %dma_start3A_417] : memref<8x32xi32, #tpu.memory_space<vmem>> -> memref<1x8xi32, #tpu.memory_space<vmem>>
    %dma_start3A_419 = tpu.memref_squeeze %dma_start3A_418 : memref<1x8xi32, #tpu.memory_space<vmem>> -> memref<8xi32, #tpu.memory_space<vmem>>
    %dma_start3A_420 = tpu.memref_slice %arg2[%dma_start3A_410, %add3A_409] : memref<4x2048xi32, #tpu.memory_space<hbm>> -> memref<1x8xi32, #tpu.memory_space<hbm>>
    %dma_start3A_421 = tpu.memref_squeeze %dma_start3A_420 : memref<1x8xi32, #tpu.memory_space<hbm>> -> memref<8xi32, #tpu.memory_space<hbm>>
    tpu.enqueue_dma source(%dma_start3A_421 : memref<8xi32, #tpu.memory_space<hbm>>) target(%dma_start3A_419 : memref<8xi32, #tpu.memory_space<vmem>>) target_semaphore(%arg19 : memref<!tpu.dma_semaphore, #tpu.memory_space<semaphore_mem>>)
    %add3A_422 = arith.constant 56 : i32
    %add3A_423 = arith.addi %mul3A_2, %add3A_422 : i32
    %dma_start3A_424 = arith.constant 2 : i32
    %dma_start3A_425 = arith.constant 7 : i32
    %dma_start3A_426 = arith.constant 16 : i32
    %dma_start3A_427 = tpu.memref_slice %arg12[%dma_start3A_425, %dma_start3A_426] : memref<8x32xi32, #tpu.memory_space<vmem>> -> memref<1x8xi32, #tpu.memory_space<vmem>>
    %dma_start3A_428 = tpu.memref_squeeze %dma_start3A_427 : memref<1x8xi32, #tpu.memory_space<vmem>> -> memref<8xi32, #tpu.memory_space<vmem>>
    %dma_start3A_429 = tpu.memref_slice %arg2[%dma_start3A_424, %add3A_423] : memref<4x2048xi32, #tpu.memory_space<hbm>> -> memref<1x8xi32, #tpu.memory_space<hbm>>
    %dma_start3A_430 = tpu.memref_squeeze %dma_start3A_429 : memref<1x8xi32, #tpu.memory_space<hbm>> -> memref<8xi32, #tpu.memory_space<hbm>>
    %dma_start3A_431 = arith.constant 16 : i32
    %dma_start3A_432 = tpu.memref_slice %arg12[%dma_start3A_425, %dma_start3A_431] : memref<8x32xi32, #tpu.memory_space<vmem>> -> memref<1x8xi32, #tpu.memory_space<vmem>>
    %dma_start3A_433 = tpu.memref_squeeze %dma_start3A_432 : memref<1x8xi32, #tpu.memory_space<vmem>> -> memref<8xi32, #tpu.memory_space<vmem>>
    %dma_start3A_434 = tpu.memref_slice %arg2[%dma_start3A_424, %add3A_423] : memref<4x2048xi32, #tpu.memory_space<hbm>> -> memref<1x8xi32, #tpu.memory_space<hbm>>
    %dma_start3A_435 = tpu.memref_squeeze %dma_start3A_434 : memref<1x8xi32, #tpu.memory_space<hbm>> -> memref<8xi32, #tpu.memory_space<hbm>>
    tpu.enqueue_dma source(%dma_start3A_435 : memref<8xi32, #tpu.memory_space<hbm>>) target(%dma_start3A_433 : memref<8xi32, #tpu.memory_space<vmem>>) target_semaphore(%arg19 : memref<!tpu.dma_semaphore, #tpu.memory_space<semaphore_mem>>)
    %add3A_436 = arith.constant 56 : i32
    %add3A_437 = arith.addi %mul3A_2, %add3A_436 : i32
    %dma_start3A_438 = arith.constant 3 : i32
    %dma_start3A_439 = arith.constant 7 : i32
    %dma_start3A_440 = arith.constant 24 : i32
    %dma_start3A_441 = tpu.memref_slice %arg12[%dma_start3A_439, %dma_start3A_440] : memref<8x32xi32, #tpu.memory_space<vmem>> -> memref<1x8xi32, #tpu.memory_space<vmem>>
    %dma_start3A_442 = tpu.memref_squeeze %dma_start3A_441 : memref<1x8xi32, #tpu.memory_space<vmem>> -> memref<8xi32, #tpu.memory_space<vmem>>
    %dma_start3A_443 = tpu.memref_slice %arg2[%dma_start3A_438, %add3A_437] : memref<4x2048xi32, #tpu.memory_space<hbm>> -> memref<1x8xi32, #tpu.memory_space<hbm>>
    %dma_start3A_444 = tpu.memref_squeeze %dma_start3A_443 : memref<1x8xi32, #tpu.memory_space<hbm>> -> memref<8xi32, #tpu.memory_space<hbm>>
    %dma_start3A_445 = arith.constant 24 : i32
    %dma_start3A_446 = tpu.memref_slice %arg12[%dma_start3A_439, %dma_start3A_445] : memref<8x32xi32, #tpu.memory_space<vmem>> -> memref<1x8xi32, #tpu.memory_space<vmem>>
    %dma_start3A_447 = tpu.memref_squeeze %dma_start3A_446 : memref<1x8xi32, #tpu.memory_space<vmem>> -> memref<8xi32, #tpu.memory_space<vmem>>
    %dma_start3A_448 = tpu.memref_slice %arg2[%dma_start3A_438, %add3A_437] : memref<4x2048xi32, #tpu.memory_space<hbm>> -> memref<1x8xi32, #tpu.memory_space<hbm>>
    %dma_start3A_449 = tpu.memref_squeeze %dma_start3A_448 : memref<1x8xi32, #tpu.memory_space<hbm>> -> memref<8xi32, #tpu.memory_space<hbm>>
    tpu.enqueue_dma source(%dma_start3A_449 : memref<8xi32, #tpu.memory_space<hbm>>) target(%dma_start3A_447 : memref<8xi32, #tpu.memory_space<vmem>>) target_semaphore(%arg19 : memref<!tpu.dma_semaphore, #tpu.memory_space<semaphore_mem>>)
    %dma_wait3A = arith.constant 0 : i32
    %dma_wait3A_450 = arith.constant 0 : i32
    %dma_wait3A_451 = arith.constant 0 : i32
    %dma_wait3A_452 = tpu.memref_slice %arg12[%dma_wait3A_450, %dma_wait3A_451] : memref<8x32xi32, #tpu.memory_space<vmem>> -> memref<1x8xi32, #tpu.memory_space<vmem>>
    %dma_wait3A_453 = tpu.memref_squeeze %dma_wait3A_452 : memref<1x8xi32, #tpu.memory_space<vmem>> -> memref<8xi32, #tpu.memory_space<vmem>>
    %dma_wait3A_454 = tpu.memref_slice %arg2[%dma_wait3A, %add3A_4] : memref<4x2048xi32, #tpu.memory_space<hbm>> -> memref<1x8xi32, #tpu.memory_space<hbm>>
    %dma_wait3A_455 = tpu.memref_squeeze %dma_wait3A_454 : memref<1x8xi32, #tpu.memory_space<hbm>> -> memref<8xi32, #tpu.memory_space<hbm>>
    %dma_wait3A_456 = arith.constant 0 : i32
    %dma_wait3A_457 = tpu.memref_slice %arg12[%dma_wait3A_450, %dma_wait3A_456] : memref<8x32xi32, #tpu.memory_space<vmem>> -> memref<1x8xi32, #tpu.memory_space<vmem>>
    %dma_wait3A_458 = tpu.memref_squeeze %dma_wait3A_457 : memref<1x8xi32, #tpu.memory_space<vmem>> -> memref<8xi32, #tpu.memory_space<vmem>>
    %dma_wait3A_459 = tpu.memref_slice %arg2[%dma_wait3A, %add3A_4] : memref<4x2048xi32, #tpu.memory_space<hbm>> -> memref<1x8xi32, #tpu.memory_space<hbm>>
    %dma_wait3A_460 = tpu.memref_squeeze %dma_wait3A_459 : memref<1x8xi32, #tpu.memory_space<hbm>> -> memref<8xi32, #tpu.memory_space<hbm>>
    tpu.wait_dma2 semaphore(%arg19 : memref<!tpu.dma_semaphore, #tpu.memory_space<semaphore_mem>>) src(%dma_wait3A_460 : memref<8xi32, #tpu.memory_space<hbm>>) dst(%dma_wait3A_458 : memref<8xi32, #tpu.memory_space<vmem>>)
    %dma_wait3A_461 = arith.constant 1 : i32
    %dma_wait3A_462 = arith.constant 0 : i32
    %dma_wait3A_463 = arith.constant 8 : i32
    %dma_wait3A_464 = tpu.memref_slice %arg12[%dma_wait3A_462, %dma_wait3A_463] : memref<8x32xi32, #tpu.memory_space<vmem>> -> memref<1x8xi32, #tpu.memory_space<vmem>>
    %dma_wait3A_465 = tpu.memref_squeeze %dma_wait3A_464 : memref<1x8xi32, #tpu.memory_space<vmem>> -> memref<8xi32, #tpu.memory_space<vmem>>
    %dma_wait3A_466 = tpu.memref_slice %arg2[%dma_wait3A_461, %add3A_17] : memref<4x2048xi32, #tpu.memory_space<hbm>> -> memref<1x8xi32, #tpu.memory_space<hbm>>
    %dma_wait3A_467 = tpu.memref_squeeze %dma_wait3A_466 : memref<1x8xi32, #tpu.memory_space<hbm>> -> memref<8xi32, #tpu.memory_space<hbm>>
    %dma_wait3A_468 = arith.constant 8 : i32
    %dma_wait3A_469 = tpu.memref_slice %arg12[%dma_wait3A_462, %dma_wait3A_468] : memref<8x32xi32, #tpu.memory_space<vmem>> -> memref<1x8xi32, #tpu.memory_space<vmem>>
    %dma_wait3A_470 = tpu.memref_squeeze %dma_wait3A_469 : memref<1x8xi32, #tpu.memory_space<vmem>> -> memref<8xi32, #tpu.memory_space<vmem>>
    %dma_wait3A_471 = tpu.memref_slice %arg2[%dma_wait3A_461, %add3A_17] : memref<4x2048xi32, #tpu.memory_space<hbm>> -> memref<1x8xi32, #tpu.memory_space<hbm>>
    %dma_wait3A_472 = tpu.memref_squeeze %dma_wait3A_471 : memref<1x8xi32, #tpu.memory_space<hbm>> -> memref<8xi32, #tpu.memory_space<hbm>>
    tpu.wait_dma2 semaphore(%arg19 : memref<!tpu.dma_semaphore, #tpu.memory_space<semaphore_mem>>) src(%dma_wait3A_472 : memref<8xi32, #tpu.memory_space<hbm>>) dst(%dma_wait3A_470 : memref<8xi32, #tpu.memory_space<vmem>>)
    %dma_wait3A_473 = arith.constant 2 : i32
    %dma_wait3A_474 = arith.constant 0 : i32
    %dma_wait3A_475 = arith.constant 16 : i32
    %dma_wait3A_476 = tpu.memref_slice %arg12[%dma_wait3A_474, %dma_wait3A_475] : memref<8x32xi32, #tpu.memory_space<vmem>> -> memref<1x8xi32, #tpu.memory_space<vmem>>
    %dma_wait3A_477 = tpu.memref_squeeze %dma_wait3A_476 : memref<1x8xi32, #tpu.memory_space<vmem>> -> memref<8xi32, #tpu.memory_space<vmem>>
    %dma_wait3A_478 = tpu.memref_slice %arg2[%dma_wait3A_473, %add3A_31] : memref<4x2048xi32, #tpu.memory_space<hbm>> -> memref<1x8xi32, #tpu.memory_space<hbm>>
    %dma_wait3A_479 = tpu.memref_squeeze %dma_wait3A_478 : memref<1x8xi32, #tpu.memory_space<hbm>> -> memref<8xi32, #tpu.memory_space<hbm>>
    %dma_wait3A_480 = arith.constant 16 : i32
    %dma_wait3A_481 = tpu.memref_slice %arg12[%dma_wait3A_474, %dma_wait3A_480] : memref<8x32xi32, #tpu.memory_space<vmem>> -> memref<1x8xi32, #tpu.memory_space<vmem>>
    %dma_wait3A_482 = tpu.memref_squeeze %dma_wait3A_481 : memref<1x8xi32, #tpu.memory_space<vmem>> -> memref<8xi32, #tpu.memory_space<vmem>>
    %dma_wait3A_483 = tpu.memref_slice %arg2[%dma_wait3A_473, %add3A_31] : memref<4x2048xi32, #tpu.memory_space<hbm>> -> memref<1x8xi32, #tpu.memory_space<hbm>>
    %dma_wait3A_484 = tpu.memref_squeeze %dma_wait3A_483 : memref<1x8xi32, #tpu.memory_space<hbm>> -> memref<8xi32, #tpu.memory_space<hbm>>
    tpu.wait_dma2 semaphore(%arg19 : memref<!tpu.dma_semaphore, #tpu.memory_space<semaphore_mem>>) src(%dma_wait3A_484 : memref<8xi32, #tpu.memory_space<hbm>>) dst(%dma_wait3A_482 : memref<8xi32, #tpu.memory_space<vmem>>)
    %dma_wait3A_485 = arith.constant 3 : i32
    %dma_wait3A_486 = arith.constant 0 : i32
    %dma_wait3A_487 = arith.constant 24 : i32
    %dma_wait3A_488 = tpu.memref_slice %arg12[%dma_wait3A_486, %dma_wait3A_487] : memref<8x32xi32, #tpu.memory_space<vmem>> -> memref<1x8xi32, #tpu.memory_space<vmem>>
    %dma_wait3A_489 = tpu.memref_squeeze %dma_wait3A_488 : memref<1x8xi32, #tpu.memory_space<vmem>> -> memref<8xi32, #tpu.memory_space<vmem>>
    %dma_wait3A_490 = tpu.memref_slice %arg2[%dma_wait3A_485, %add3A_45] : memref<4x2048xi32, #tpu.memory_space<hbm>> -> memref<1x8xi32, #tpu.memory_space<hbm>>
    %dma_wait3A_491 = tpu.memref_squeeze %dma_wait3A_490 : memref<1x8xi32, #tpu.memory_space<hbm>> -> memref<8xi32, #tpu.memory_space<hbm>>
    %dma_wait3A_492 = arith.constant 24 : i32
    %dma_wait3A_493 = tpu.memref_slice %arg12[%dma_wait3A_486, %dma_wait3A_492] : memref<8x32xi32, #tpu.memory_space<vmem>> -> memref<1x8xi32, #tpu.memory_space<vmem>>
    %dma_wait3A_494 = tpu.memref_squeeze %dma_wait3A_493 : memref<1x8xi32, #tpu.memory_space<vmem>> -> memref<8xi32, #tpu.memory_space<vmem>>
    %dma_wait3A_495 = tpu.memref_slice %arg2[%dma_wait3A_485, %add3A_45] : memref<4x2048xi32, #tpu.memory_space<hbm>> -> memref<1x8xi32, #tpu.memory_space<hbm>>
    %dma_wait3A_496 = tpu.memref_squeeze %dma_wait3A_495 : memref<1x8xi32, #tpu.memory_space<hbm>> -> memref<8xi32, #tpu.memory_space<hbm>>
    tpu.wait_dma2 semaphore(%arg19 : memref<!tpu.dma_semaphore, #tpu.memory_space<semaphore_mem>>) src(%dma_wait3A_496 : memref<8xi32, #tpu.memory_space<hbm>>) dst(%dma_wait3A_494 : memref<8xi32, #tpu.memory_space<vmem>>)
    %dma_wait3A_497 = arith.constant 0 : i32
    %dma_wait3A_498 = arith.constant 1 : i32
    %dma_wait3A_499 = arith.constant 0 : i32
    %dma_wait3A_500 = tpu.memref_slice %arg12[%dma_wait3A_498, %dma_wait3A_499] : memref<8x32xi32, #tpu.memory_space<vmem>> -> memref<1x8xi32, #tpu.memory_space<vmem>>
    %dma_wait3A_501 = tpu.memref_squeeze %dma_wait3A_500 : memref<1x8xi32, #tpu.memory_space<vmem>> -> memref<8xi32, #tpu.memory_space<vmem>>
    %dma_wait3A_502 = tpu.memref_slice %arg2[%dma_wait3A_497, %add3A_59] : memref<4x2048xi32, #tpu.memory_space<hbm>> -> memref<1x8xi32, #tpu.memory_space<hbm>>
    %dma_wait3A_503 = tpu.memref_squeeze %dma_wait3A_502 : memref<1x8xi32, #tpu.memory_space<hbm>> -> memref<8xi32, #tpu.memory_space<hbm>>
    %dma_wait3A_504 = arith.constant 0 : i32
    %dma_wait3A_505 = tpu.memref_slice %arg12[%dma_wait3A_498, %dma_wait3A_504] : memref<8x32xi32, #tpu.memory_space<vmem>> -> memref<1x8xi32, #tpu.memory_space<vmem>>
    %dma_wait3A_506 = tpu.memref_squeeze %dma_wait3A_505 : memref<1x8xi32, #tpu.memory_space<vmem>> -> memref<8xi32, #tpu.memory_space<vmem>>
    %dma_wait3A_507 = tpu.memref_slice %arg2[%dma_wait3A_497, %add3A_59] : memref<4x2048xi32, #tpu.memory_space<hbm>> -> memref<1x8xi32, #tpu.memory_space<hbm>>
    %dma_wait3A_508 = tpu.memref_squeeze %dma_wait3A_507 : memref<1x8xi32, #tpu.memory_space<hbm>> -> memref<8xi32, #tpu.memory_space<hbm>>
    tpu.wait_dma2 semaphore(%arg19 : memref<!tpu.dma_semaphore, #tpu.memory_space<semaphore_mem>>) src(%dma_wait3A_508 : memref<8xi32, #tpu.memory_space<hbm>>) dst(%dma_wait3A_506 : memref<8xi32, #tpu.memory_space<vmem>>)
    %dma_wait3A_509 = arith.constant 1 : i32
    %dma_wait3A_510 = arith.constant 1 : i32
    %dma_wait3A_511 = arith.constant 8 : i32
    %dma_wait3A_512 = tpu.memref_slice %arg12[%dma_wait3A_510, %dma_wait3A_511] : memref<8x32xi32, #tpu.memory_space<vmem>> -> memref<1x8xi32, #tpu.memory_space<vmem>>
    %dma_wait3A_513 = tpu.memref_squeeze %dma_wait3A_512 : memref<1x8xi32, #tpu.memory_space<vmem>> -> memref<8xi32, #tpu.memory_space<vmem>>
    %dma_wait3A_514 = tpu.memref_slice %arg2[%dma_wait3A_509, %add3A_73] : memref<4x2048xi32, #tpu.memory_space<hbm>> -> memref<1x8xi32, #tpu.memory_space<hbm>>
    %dma_wait3A_515 = tpu.memref_squeeze %dma_wait3A_514 : memref<1x8xi32, #tpu.memory_space<hbm>> -> memref<8xi32, #tpu.memory_space<hbm>>
    %dma_wait3A_516 = arith.constant 8 : i32
    %dma_wait3A_517 = tpu.memref_slice %arg12[%dma_wait3A_510, %dma_wait3A_516] : memref<8x32xi32, #tpu.memory_space<vmem>> -> memref<1x8xi32, #tpu.memory_space<vmem>>
    %dma_wait3A_518 = tpu.memref_squeeze %dma_wait3A_517 : memref<1x8xi32, #tpu.memory_space<vmem>> -> memref<8xi32, #tpu.memory_space<vmem>>
    %dma_wait3A_519 = tpu.memref_slice %arg2[%dma_wait3A_509, %add3A_73] : memref<4x2048xi32, #tpu.memory_space<hbm>> -> memref<1x8xi32, #tpu.memory_space<hbm>>
    %dma_wait3A_520 = tpu.memref_squeeze %dma_wait3A_519 : memref<1x8xi32, #tpu.memory_space<hbm>> -> memref<8xi32, #tpu.memory_space<hbm>>
    tpu.wait_dma2 semaphore(%arg19 : memref<!tpu.dma_semaphore, #tpu.memory_space<semaphore_mem>>) src(%dma_wait3A_520 : memref<8xi32, #tpu.memory_space<hbm>>) dst(%dma_wait3A_518 : memref<8xi32, #tpu.memory_space<vmem>>)
    %dma_wait3A_521 = arith.constant 2 : i32
    %dma_wait3A_522 = arith.constant 1 : i32
    %dma_wait3A_523 = arith.constant 16 : i32
    %dma_wait3A_524 = tpu.memref_slice %arg12[%dma_wait3A_522, %dma_wait3A_523] : memref<8x32xi32, #tpu.memory_space<vmem>> -> memref<1x8xi32, #tpu.memory_space<vmem>>
    %dma_wait3A_525 = tpu.memref_squeeze %dma_wait3A_524 : memref<1x8xi32, #tpu.memory_space<vmem>> -> memref<8xi32, #tpu.memory_space<vmem>>
    %dma_wait3A_526 = tpu.memref_slice %arg2[%dma_wait3A_521, %add3A_87] : memref<4x2048xi32, #tpu.memory_space<hbm>> -> memref<1x8xi32, #tpu.memory_space<hbm>>
    %dma_wait3A_527 = tpu.memref_squeeze %dma_wait3A_526 : memref<1x8xi32, #tpu.memory_space<hbm>> -> memref<8xi32, #tpu.memory_space<hbm>>
    %dma_wait3A_528 = arith.constant 16 : i32
    %dma_wait3A_529 = tpu.memref_slice %arg12[%dma_wait3A_522, %dma_wait3A_528] : memref<8x32xi32, #tpu.memory_space<vmem>> -> memref<1x8xi32, #tpu.memory_space<vmem>>
    %dma_wait3A_530 = tpu.memref_squeeze %dma_wait3A_529 : memref<1x8xi32, #tpu.memory_space<vmem>> -> memref<8xi32, #tpu.memory_space<vmem>>
    %dma_wait3A_531 = tpu.memref_slice %arg2[%dma_wait3A_521, %add3A_87] : memref<4x2048xi32, #tpu.memory_space<hbm>> -> memref<1x8xi32, #tpu.memory_space<hbm>>
    %dma_wait3A_532 = tpu.memref_squeeze %dma_wait3A_531 : memref<1x8xi32, #tpu.memory_space<hbm>> -> memref<8xi32, #tpu.memory_space<hbm>>
    tpu.wait_dma2 semaphore(%arg19 : memref<!tpu.dma_semaphore, #tpu.memory_space<semaphore_mem>>) src(%dma_wait3A_532 : memref<8xi32, #tpu.memory_space<hbm>>) dst(%dma_wait3A_530 : memref<8xi32, #tpu.memory_space<vmem>>)
    %dma_wait3A_533 = arith.constant 3 : i32
    %dma_wait3A_534 = arith.constant 1 : i32
    %dma_wait3A_535 = arith.constant 24 : i32
    %dma_wait3A_536 = tpu.memref_slice %arg12[%dma_wait3A_534, %dma_wait3A_535] : memref<8x32xi32, #tpu.memory_space<vmem>> -> memref<1x8xi32, #tpu.memory_space<vmem>>
    %dma_wait3A_537 = tpu.memref_squeeze %dma_wait3A_536 : memref<1x8xi32, #tpu.memory_space<vmem>> -> memref<8xi32, #tpu.memory_space<vmem>>
    %dma_wait3A_538 = tpu.memref_slice %arg2[%dma_wait3A_533, %add3A_101] : memref<4x2048xi32, #tpu.memory_space<hbm>> -> memref<1x8xi32, #tpu.memory_space<hbm>>
    %dma_wait3A_539 = tpu.memref_squeeze %dma_wait3A_538 : memref<1x8xi32, #tpu.memory_space<hbm>> -> memref<8xi32, #tpu.memory_space<hbm>>
    %dma_wait3A_540 = arith.constant 24 : i32
    %dma_wait3A_541 = tpu.memref_slice %arg12[%dma_wait3A_534, %dma_wait3A_540] : memref<8x32xi32, #tpu.memory_space<vmem>> -> memref<1x8xi32, #tpu.memory_space<vmem>>
    %dma_wait3A_542 = tpu.memref_squeeze %dma_wait3A_541 : memref<1x8xi32, #tpu.memory_space<vmem>> -> memref<8xi32, #tpu.memory_space<vmem>>
    %dma_wait3A_543 = tpu.memref_slice %arg2[%dma_wait3A_533, %add3A_101] : memref<4x2048xi32, #tpu.memory_space<hbm>> -> memref<1x8xi32, #tpu.memory_space<hbm>>
    %dma_wait3A_544 = tpu.memref_squeeze %dma_wait3A_543 : memref<1x8xi32, #tpu.memory_space<hbm>> -> memref<8xi32, #tpu.memory_space<hbm>>
    tpu.wait_dma2 semaphore(%arg19 : memref<!tpu.dma_semaphore, #tpu.memory_space<semaphore_mem>>) src(%dma_wait3A_544 : memref<8xi32, #tpu.memory_space<hbm>>) dst(%dma_wait3A_542 : memref<8xi32, #tpu.memory_space<vmem>>)
    %dma_wait3A_545 = arith.constant 0 : i32
    %dma_wait3A_546 = arith.constant 2 : i32
    %dma_wait3A_547 = arith.constant 0 : i32
    %dma_wait3A_548 = tpu.memref_slice %arg12[%dma_wait3A_546, %dma_wait3A_547] : memref<8x32xi32, #tpu.memory_space<vmem>> -> memref<1x8xi32, #tpu.memory_space<vmem>>
    %dma_wait3A_549 = tpu.memref_squeeze %dma_wait3A_548 : memref<1x8xi32, #tpu.memory_space<vmem>> -> memref<8xi32, #tpu.memory_space<vmem>>
    %dma_wait3A_550 = tpu.memref_slice %arg2[%dma_wait3A_545, %add3A_115] : memref<4x2048xi32, #tpu.memory_space<hbm>> -> memref<1x8xi32, #tpu.memory_space<hbm>>
    %dma_wait3A_551 = tpu.memref_squeeze %dma_wait3A_550 : memref<1x8xi32, #tpu.memory_space<hbm>> -> memref<8xi32, #tpu.memory_space<hbm>>
    %dma_wait3A_552 = arith.constant 0 : i32
    %dma_wait3A_553 = tpu.memref_slice %arg12[%dma_wait3A_546, %dma_wait3A_552] : memref<8x32xi32, #tpu.memory_space<vmem>> -> memref<1x8xi32, #tpu.memory_space<vmem>>
    %dma_wait3A_554 = tpu.memref_squeeze %dma_wait3A_553 : memref<1x8xi32, #tpu.memory_space<vmem>> -> memref<8xi32, #tpu.memory_space<vmem>>
    %dma_wait3A_555 = tpu.memref_slice %arg2[%dma_wait3A_545, %add3A_115] : memref<4x2048xi32, #tpu.memory_space<hbm>> -> memref<1x8xi32, #tpu.memory_space<hbm>>
    %dma_wait3A_556 = tpu.memref_squeeze %dma_wait3A_555 : memref<1x8xi32, #tpu.memory_space<hbm>> -> memref<8xi32, #tpu.memory_space<hbm>>
    tpu.wait_dma2 semaphore(%arg19 : memref<!tpu.dma_semaphore, #tpu.memory_space<semaphore_mem>>) src(%dma_wait3A_556 : memref<8xi32, #tpu.memory_space<hbm>>) dst(%dma_wait3A_554 : memref<8xi32, #tpu.memory_space<vmem>>)
    %dma_wait3A_557 = arith.constant 1 : i32
    %dma_wait3A_558 = arith.constant 2 : i32
    %dma_wait3A_559 = arith.constant 8 : i32
    %dma_wait3A_560 = tpu.memref_slice %arg12[%dma_wait3A_558, %dma_wait3A_559] : memref<8x32xi32, #tpu.memory_space<vmem>> -> memref<1x8xi32, #tpu.memory_space<vmem>>
    %dma_wait3A_561 = tpu.memref_squeeze %dma_wait3A_560 : memref<1x8xi32, #tpu.memory_space<vmem>> -> memref<8xi32, #tpu.memory_space<vmem>>
    %dma_wait3A_562 = tpu.memref_slice %arg2[%dma_wait3A_557, %add3A_129] : memref<4x2048xi32, #tpu.memory_space<hbm>> -> memref<1x8xi32, #tpu.memory_space<hbm>>
    %dma_wait3A_563 = tpu.memref_squeeze %dma_wait3A_562 : memref<1x8xi32, #tpu.memory_space<hbm>> -> memref<8xi32, #tpu.memory_space<hbm>>
    %dma_wait3A_564 = arith.constant 8 : i32
    %dma_wait3A_565 = tpu.memref_slice %arg12[%dma_wait3A_558, %dma_wait3A_564] : memref<8x32xi32, #tpu.memory_space<vmem>> -> memref<1x8xi32, #tpu.memory_space<vmem>>
    %dma_wait3A_566 = tpu.memref_squeeze %dma_wait3A_565 : memref<1x8xi32, #tpu.memory_space<vmem>> -> memref<8xi32, #tpu.memory_space<vmem>>
    %dma_wait3A_567 = tpu.memref_slice %arg2[%dma_wait3A_557, %add3A_129] : memref<4x2048xi32, #tpu.memory_space<hbm>> -> memref<1x8xi32, #tpu.memory_space<hbm>>
    %dma_wait3A_568 = tpu.memref_squeeze %dma_wait3A_567 : memref<1x8xi32, #tpu.memory_space<hbm>> -> memref<8xi32, #tpu.memory_space<hbm>>
    tpu.wait_dma2 semaphore(%arg19 : memref<!tpu.dma_semaphore, #tpu.memory_space<semaphore_mem>>) src(%dma_wait3A_568 : memref<8xi32, #tpu.memory_space<hbm>>) dst(%dma_wait3A_566 : memref<8xi32, #tpu.memory_space<vmem>>)
    %dma_wait3A_569 = arith.constant 2 : i32
    %dma_wait3A_570 = arith.constant 2 : i32
    %dma_wait3A_571 = arith.constant 16 : i32
    %dma_wait3A_572 = tpu.memref_slice %arg12[%dma_wait3A_570, %dma_wait3A_571] : memref<8x32xi32, #tpu.memory_space<vmem>> -> memref<1x8xi32, #tpu.memory_space<vmem>>
    %dma_wait3A_573 = tpu.memref_squeeze %dma_wait3A_572 : memref<1x8xi32, #tpu.memory_space<vmem>> -> memref<8xi32, #tpu.memory_space<vmem>>
    %dma_wait3A_574 = tpu.memref_slice %arg2[%dma_wait3A_569, %add3A_143] : memref<4x2048xi32, #tpu.memory_space<hbm>> -> memref<1x8xi32, #tpu.memory_space<hbm>>
    %dma_wait3A_575 = tpu.memref_squeeze %dma_wait3A_574 : memref<1x8xi32, #tpu.memory_space<hbm>> -> memref<8xi32, #tpu.memory_space<hbm>>
    %dma_wait3A_576 = arith.constant 16 : i32
    %dma_wait3A_577 = tpu.memref_slice %arg12[%dma_wait3A_570, %dma_wait3A_576] : memref<8x32xi32, #tpu.memory_space<vmem>> -> memref<1x8xi32, #tpu.memory_space<vmem>>
    %dma_wait3A_578 = tpu.memref_squeeze %dma_wait3A_577 : memref<1x8xi32, #tpu.memory_space<vmem>> -> memref<8xi32, #tpu.memory_space<vmem>>
    %dma_wait3A_579 = tpu.memref_slice %arg2[%dma_wait3A_569, %add3A_143] : memref<4x2048xi32, #tpu.memory_space<hbm>> -> memref<1x8xi32, #tpu.memory_space<hbm>>
    %dma_wait3A_580 = tpu.memref_squeeze %dma_wait3A_579 : memref<1x8xi32, #tpu.memory_space<hbm>> -> memref<8xi32, #tpu.memory_space<hbm>>
    tpu.wait_dma2 semaphore(%arg19 : memref<!tpu.dma_semaphore, #tpu.memory_space<semaphore_mem>>) src(%dma_wait3A_580 : memref<8xi32, #tpu.memory_space<hbm>>) dst(%dma_wait3A_578 : memref<8xi32, #tpu.memory_space<vmem>>)
    %dma_wait3A_581 = arith.constant 3 : i32
    %dma_wait3A_582 = arith.constant 2 : i32
    %dma_wait3A_583 = arith.constant 24 : i32
    %dma_wait3A_584 = tpu.memref_slice %arg12[%dma_wait3A_582, %dma_wait3A_583] : memref<8x32xi32, #tpu.memory_space<vmem>> -> memref<1x8xi32, #tpu.memory_space<vmem>>
    %dma_wait3A_585 = tpu.memref_squeeze %dma_wait3A_584 : memref<1x8xi32, #tpu.memory_space<vmem>> -> memref<8xi32, #tpu.memory_space<vmem>>
    %dma_wait3A_586 = tpu.memref_slice %arg2[%dma_wait3A_581, %add3A_157] : memref<4x2048xi32, #tpu.memory_space<hbm>> -> memref<1x8xi32, #tpu.memory_space<hbm>>
    %dma_wait3A_587 = tpu.memref_squeeze %dma_wait3A_586 : memref<1x8xi32, #tpu.memory_space<hbm>> -> memref<8xi32, #tpu.memory_space<hbm>>
    %dma_wait3A_588 = arith.constant 24 : i32
    %dma_wait3A_589 = tpu.memref_slice %arg12[%dma_wait3A_582, %dma_wait3A_588] : memref<8x32xi32, #tpu.memory_space<vmem>> -> memref<1x8xi32, #tpu.memory_space<vmem>>
    %dma_wait3A_590 = tpu.memref_squeeze %dma_wait3A_589 : memref<1x8xi32, #tpu.memory_space<vmem>> -> memref<8xi32, #tpu.memory_space<vmem>>
    %dma_wait3A_591 = tpu.memref_slice %arg2[%dma_wait3A_581, %add3A_157] : memref<4x2048xi32, #tpu.memory_space<hbm>> -> memref<1x8xi32, #tpu.memory_space<hbm>>
    %dma_wait3A_592 = tpu.memref_squeeze %dma_wait3A_591 : memref<1x8xi32, #tpu.memory_space<hbm>> -> memref<8xi32, #tpu.memory_space<hbm>>
    tpu.wait_dma2 semaphore(%arg19 : memref<!tpu.dma_semaphore, #tpu.memory_space<semaphore_mem>>) src(%dma_wait3A_592 : memref<8xi32, #tpu.memory_space<hbm>>) dst(%dma_wait3A_590 : memref<8xi32, #tpu.memory_space<vmem>>)
    %dma_wait3A_593 = arith.constant 0 : i32
    %dma_wait3A_594 = arith.constant 3 : i32
    %dma_wait3A_595 = arith.constant 0 : i32
    %dma_wait3A_596 = tpu.memref_slice %arg12[%dma_wait3A_594, %dma_wait3A_595] : memref<8x32xi32, #tpu.memory_space<vmem>> -> memref<1x8xi32, #tpu.memory_space<vmem>>
    %dma_wait3A_597 = tpu.memref_squeeze %dma_wait3A_596 : memref<1x8xi32, #tpu.memory_space<vmem>> -> memref<8xi32, #tpu.memory_space<vmem>>
    %dma_wait3A_598 = tpu.memref_slice %arg2[%dma_wait3A_593, %add3A_171] : memref<4x2048xi32, #tpu.memory_space<hbm>> -> memref<1x8xi32, #tpu.memory_space<hbm>>
    %dma_wait3A_599 = tpu.memref_squeeze %dma_wait3A_598 : memref<1x8xi32, #tpu.memory_space<hbm>> -> memref<8xi32, #tpu.memory_space<hbm>>
    %dma_wait3A_600 = arith.constant 0 : i32
    %dma_wait3A_601 = tpu.memref_slice %arg12[%dma_wait3A_594, %dma_wait3A_600] : memref<8x32xi32, #tpu.memory_space<vmem>> -> memref<1x8xi32, #tpu.memory_space<vmem>>
    %dma_wait3A_602 = tpu.memref_squeeze %dma_wait3A_601 : memref<1x8xi32, #tpu.memory_space<vmem>> -> memref<8xi32, #tpu.memory_space<vmem>>
    %dma_wait3A_603 = tpu.memref_slice %arg2[%dma_wait3A_593, %add3A_171] : memref<4x2048xi32, #tpu.memory_space<hbm>> -> memref<1x8xi32, #tpu.memory_space<hbm>>
    %dma_wait3A_604 = tpu.memref_squeeze %dma_wait3A_603 : memref<1x8xi32, #tpu.memory_space<hbm>> -> memref<8xi32, #tpu.memory_space<hbm>>
    tpu.wait_dma2 semaphore(%arg19 : memref<!tpu.dma_semaphore, #tpu.memory_space<semaphore_mem>>) src(%dma_wait3A_604 : memref<8xi32, #tpu.memory_space<hbm>>) dst(%dma_wait3A_602 : memref<8xi32, #tpu.memory_space<vmem>>)
    %dma_wait3A_605 = arith.constant 1 : i32
    %dma_wait3A_606 = arith.constant 3 : i32
    %dma_wait3A_607 = arith.constant 8 : i32
    %dma_wait3A_608 = tpu.memref_slice %arg12[%dma_wait3A_606, %dma_wait3A_607] : memref<8x32xi32, #tpu.memory_space<vmem>> -> memref<1x8xi32, #tpu.memory_space<vmem>>
    %dma_wait3A_609 = tpu.memref_squeeze %dma_wait3A_608 : memref<1x8xi32, #tpu.memory_space<vmem>> -> memref<8xi32, #tpu.memory_space<vmem>>
    %dma_wait3A_610 = tpu.memref_slice %arg2[%dma_wait3A_605, %add3A_185] : memref<4x2048xi32, #tpu.memory_space<hbm>> -> memref<1x8xi32, #tpu.memory_space<hbm>>
    %dma_wait3A_611 = tpu.memref_squeeze %dma_wait3A_610 : memref<1x8xi32, #tpu.memory_space<hbm>> -> memref<8xi32, #tpu.memory_space<hbm>>
    %dma_wait3A_612 = arith.constant 8 : i32
    %dma_wait3A_613 = tpu.memref_slice %arg12[%dma_wait3A_606, %dma_wait3A_612] : memref<8x32xi32, #tpu.memory_space<vmem>> -> memref<1x8xi32, #tpu.memory_space<vmem>>
    %dma_wait3A_614 = tpu.memref_squeeze %dma_wait3A_613 : memref<1x8xi32, #tpu.memory_space<vmem>> -> memref<8xi32, #tpu.memory_space<vmem>>
    %dma_wait3A_615 = tpu.memref_slice %arg2[%dma_wait3A_605, %add3A_185] : memref<4x2048xi32, #tpu.memory_space<hbm>> -> memref<1x8xi32, #tpu.memory_space<hbm>>
    %dma_wait3A_616 = tpu.memref_squeeze %dma_wait3A_615 : memref<1x8xi32, #tpu.memory_space<hbm>> -> memref<8xi32, #tpu.memory_space<hbm>>
    tpu.wait_dma2 semaphore(%arg19 : memref<!tpu.dma_semaphore, #tpu.memory_space<semaphore_mem>>) src(%dma_wait3A_616 : memref<8xi32, #tpu.memory_space<hbm>>) dst(%dma_wait3A_614 : memref<8xi32, #tpu.memory_space<vmem>>)
    %dma_wait3A_617 = arith.constant 2 : i32
    %dma_wait3A_618 = arith.constant 3 : i32
    %dma_wait3A_619 = arith.constant 16 : i32
    %dma_wait3A_620 = tpu.memref_slice %arg12[%dma_wait3A_618, %dma_wait3A_619] : memref<8x32xi32, #tpu.memory_space<vmem>> -> memref<1x8xi32, #tpu.memory_space<vmem>>
    %dma_wait3A_621 = tpu.memref_squeeze %dma_wait3A_620 : memref<1x8xi32, #tpu.memory_space<vmem>> -> memref<8xi32, #tpu.memory_space<vmem>>
    %dma_wait3A_622 = tpu.memref_slice %arg2[%dma_wait3A_617, %add3A_199] : memref<4x2048xi32, #tpu.memory_space<hbm>> -> memref<1x8xi32, #tpu.memory_space<hbm>>
    %dma_wait3A_623 = tpu.memref_squeeze %dma_wait3A_622 : memref<1x8xi32, #tpu.memory_space<hbm>> -> memref<8xi32, #tpu.memory_space<hbm>>
    %dma_wait3A_624 = arith.constant 16 : i32
    %dma_wait3A_625 = tpu.memref_slice %arg12[%dma_wait3A_618, %dma_wait3A_624] : memref<8x32xi32, #tpu.memory_space<vmem>> -> memref<1x8xi32, #tpu.memory_space<vmem>>
    %dma_wait3A_626 = tpu.memref_squeeze %dma_wait3A_625 : memref<1x8xi32, #tpu.memory_space<vmem>> -> memref<8xi32, #tpu.memory_space<vmem>>
    %dma_wait3A_627 = tpu.memref_slice %arg2[%dma_wait3A_617, %add3A_199] : memref<4x2048xi32, #tpu.memory_space<hbm>> -> memref<1x8xi32, #tpu.memory_space<hbm>>
    %dma_wait3A_628 = tpu.memref_squeeze %dma_wait3A_627 : memref<1x8xi32, #tpu.memory_space<hbm>> -> memref<8xi32, #tpu.memory_space<hbm>>
    tpu.wait_dma2 semaphore(%arg19 : memref<!tpu.dma_semaphore, #tpu.memory_space<semaphore_mem>>) src(%dma_wait3A_628 : memref<8xi32, #tpu.memory_space<hbm>>) dst(%dma_wait3A_626 : memref<8xi32, #tpu.memory_space<vmem>>)
    %dma_wait3A_629 = arith.constant 3 : i32
    %dma_wait3A_630 = arith.constant 3 : i32
    %dma_wait3A_631 = arith.constant 24 : i32
    %dma_wait3A_632 = tpu.memref_slice %arg12[%dma_wait3A_630, %dma_wait3A_631] : memref<8x32xi32, #tpu.memory_space<vmem>> -> memref<1x8xi32, #tpu.memory_space<vmem>>
    %dma_wait3A_633 = tpu.memref_squeeze %dma_wait3A_632 : memref<1x8xi32, #tpu.memory_space<vmem>> -> memref<8xi32, #tpu.memory_space<vmem>>
    %dma_wait3A_634 = tpu.memref_slice %arg2[%dma_wait3A_629, %add3A_213] : memref<4x2048xi32, #tpu.memory_space<hbm>> -> memref<1x8xi32, #tpu.memory_space<hbm>>
    %dma_wait3A_635 = tpu.memref_squeeze %dma_wait3A_634 : memref<1x8xi32, #tpu.memory_space<hbm>> -> memref<8xi32, #tpu.memory_space<hbm>>
    %dma_wait3A_636 = arith.constant 24 : i32
    %dma_wait3A_637 = tpu.memref_slice %arg12[%dma_wait3A_630, %dma_wait3A_636] : memref<8x32xi32, #tpu.memory_space<vmem>> -> memref<1x8xi32, #tpu.memory_space<vmem>>
    %dma_wait3A_638 = tpu.memref_squeeze %dma_wait3A_637 : memref<1x8xi32, #tpu.memory_space<vmem>> -> memref<8xi32, #tpu.memory_space<vmem>>
    %dma_wait3A_639 = tpu.memref_slice %arg2[%dma_wait3A_629, %add3A_213] : memref<4x2048xi32, #tpu.memory_space<hbm>> -> memref<1x8xi32, #tpu.memory_space<hbm>>
    %dma_wait3A_640 = tpu.memref_squeeze %dma_wait3A_639 : memref<1x8xi32, #tpu.memory_space<hbm>> -> memref<8xi32, #tpu.memory_space<hbm>>
    tpu.wait_dma2 semaphore(%arg19 : memref<!tpu.dma_semaphore, #tpu.memory_space<semaphore_mem>>) src(%dma_wait3A_640 : memref<8xi32, #tpu.memory_space<hbm>>) dst(%dma_wait3A_638 : memref<8xi32, #tpu.memory_space<vmem>>)
    %dma_wait3A_641 = arith.constant 0 : i32
    %dma_wait3A_642 = arith.constant 4 : i32
    %dma_wait3A_643 = arith.constant 0 : i32
    %dma_wait3A_644 = tpu.memref_slice %arg12[%dma_wait3A_642, %dma_wait3A_643] : memref<8x32xi32, #tpu.memory_space<vmem>> -> memref<1x8xi32, #tpu.memory_space<vmem>>
    %dma_wait3A_645 = tpu.memref_squeeze %dma_wait3A_644 : memref<1x8xi32, #tpu.memory_space<vmem>> -> memref<8xi32, #tpu.memory_space<vmem>>
    %dma_wait3A_646 = tpu.memref_slice %arg2[%dma_wait3A_641, %add3A_227] : memref<4x2048xi32, #tpu.memory_space<hbm>> -> memref<1x8xi32, #tpu.memory_space<hbm>>
    %dma_wait3A_647 = tpu.memref_squeeze %dma_wait3A_646 : memref<1x8xi32, #tpu.memory_space<hbm>> -> memref<8xi32, #tpu.memory_space<hbm>>
    %dma_wait3A_648 = arith.constant 0 : i32
    %dma_wait3A_649 = tpu.memref_slice %arg12[%dma_wait3A_642, %dma_wait3A_648] : memref<8x32xi32, #tpu.memory_space<vmem>> -> memref<1x8xi32, #tpu.memory_space<vmem>>
    %dma_wait3A_650 = tpu.memref_squeeze %dma_wait3A_649 : memref<1x8xi32, #tpu.memory_space<vmem>> -> memref<8xi32, #tpu.memory_space<vmem>>
    %dma_wait3A_651 = tpu.memref_slice %arg2[%dma_wait3A_641, %add3A_227] : memref<4x2048xi32, #tpu.memory_space<hbm>> -> memref<1x8xi32, #tpu.memory_space<hbm>>
    %dma_wait3A_652 = tpu.memref_squeeze %dma_wait3A_651 : memref<1x8xi32, #tpu.memory_space<hbm>> -> memref<8xi32, #tpu.memory_space<hbm>>
    tpu.wait_dma2 semaphore(%arg19 : memref<!tpu.dma_semaphore, #tpu.memory_space<semaphore_mem>>) src(%dma_wait3A_652 : memref<8xi32, #tpu.memory_space<hbm>>) dst(%dma_wait3A_650 : memref<8xi32, #tpu.memory_space<vmem>>)
    %dma_wait3A_653 = arith.constant 1 : i32
    %dma_wait3A_654 = arith.constant 4 : i32
    %dma_wait3A_655 = arith.constant 8 : i32
    %dma_wait3A_656 = tpu.memref_slice %arg12[%dma_wait3A_654, %dma_wait3A_655] : memref<8x32xi32, #tpu.memory_space<vmem>> -> memref<1x8xi32, #tpu.memory_space<vmem>>
    %dma_wait3A_657 = tpu.memref_squeeze %dma_wait3A_656 : memref<1x8xi32, #tpu.memory_space<vmem>> -> memref<8xi32, #tpu.memory_space<vmem>>
    %dma_wait3A_658 = tpu.memref_slice %arg2[%dma_wait3A_653, %add3A_241] : memref<4x2048xi32, #tpu.memory_space<hbm>> -> memref<1x8xi32, #tpu.memory_space<hbm>>
    %dma_wait3A_659 = tpu.memref_squeeze %dma_wait3A_658 : memref<1x8xi32, #tpu.memory_space<hbm>> -> memref<8xi32, #tpu.memory_space<hbm>>
    %dma_wait3A_660 = arith.constant 8 : i32
    %dma_wait3A_661 = tpu.memref_slice %arg12[%dma_wait3A_654, %dma_wait3A_660] : memref<8x32xi32, #tpu.memory_space<vmem>> -> memref<1x8xi32, #tpu.memory_space<vmem>>
    %dma_wait3A_662 = tpu.memref_squeeze %dma_wait3A_661 : memref<1x8xi32, #tpu.memory_space<vmem>> -> memref<8xi32, #tpu.memory_space<vmem>>
    %dma_wait3A_663 = tpu.memref_slice %arg2[%dma_wait3A_653, %add3A_241] : memref<4x2048xi32, #tpu.memory_space<hbm>> -> memref<1x8xi32, #tpu.memory_space<hbm>>
    %dma_wait3A_664 = tpu.memref_squeeze %dma_wait3A_663 : memref<1x8xi32, #tpu.memory_space<hbm>> -> memref<8xi32, #tpu.memory_space<hbm>>
    tpu.wait_dma2 semaphore(%arg19 : memref<!tpu.dma_semaphore, #tpu.memory_space<semaphore_mem>>) src(%dma_wait3A_664 : memref<8xi32, #tpu.memory_space<hbm>>) dst(%dma_wait3A_662 : memref<8xi32, #tpu.memory_space<vmem>>)
    %dma_wait3A_665 = arith.constant 2 : i32
    %dma_wait3A_666 = arith.constant 4 : i32
    %dma_wait3A_667 = arith.constant 16 : i32
    %dma_wait3A_668 = tpu.memref_slice %arg12[%dma_wait3A_666, %dma_wait3A_667] : memref<8x32xi32, #tpu.memory_space<vmem>> -> memref<1x8xi32, #tpu.memory_space<vmem>>
    %dma_wait3A_669 = tpu.memref_squeeze %dma_wait3A_668 : memref<1x8xi32, #tpu.memory_space<vmem>> -> memref<8xi32, #tpu.memory_space<vmem>>
    %dma_wait3A_670 = tpu.memref_slice %arg2[%dma_wait3A_665, %add3A_255] : memref<4x2048xi32, #tpu.memory_space<hbm>> -> memref<1x8xi32, #tpu.memory_space<hbm>>
    %dma_wait3A_671 = tpu.memref_squeeze %dma_wait3A_670 : memref<1x8xi32, #tpu.memory_space<hbm>> -> memref<8xi32, #tpu.memory_space<hbm>>
    %dma_wait3A_672 = arith.constant 16 : i32
    %dma_wait3A_673 = tpu.memref_slice %arg12[%dma_wait3A_666, %dma_wait3A_672] : memref<8x32xi32, #tpu.memory_space<vmem>> -> memref<1x8xi32, #tpu.memory_space<vmem>>
    %dma_wait3A_674 = tpu.memref_squeeze %dma_wait3A_673 : memref<1x8xi32, #tpu.memory_space<vmem>> -> memref<8xi32, #tpu.memory_space<vmem>>
    %dma_wait3A_675 = tpu.memref_slice %arg2[%dma_wait3A_665, %add3A_255] : memref<4x2048xi32, #tpu.memory_space<hbm>> -> memref<1x8xi32, #tpu.memory_space<hbm>>
    %dma_wait3A_676 = tpu.memref_squeeze %dma_wait3A_675 : memref<1x8xi32, #tpu.memory_space<hbm>> -> memref<8xi32, #tpu.memory_space<hbm>>
    tpu.wait_dma2 semaphore(%arg19 : memref<!tpu.dma_semaphore, #tpu.memory_space<semaphore_mem>>) src(%dma_wait3A_676 : memref<8xi32, #tpu.memory_space<hbm>>) dst(%dma_wait3A_674 : memref<8xi32, #tpu.memory_space<vmem>>)
    %dma_wait3A_677 = arith.constant 3 : i32
    %dma_wait3A_678 = arith.constant 4 : i32
    %dma_wait3A_679 = arith.constant 24 : i32
    %dma_wait3A_680 = tpu.memref_slice %arg12[%dma_wait3A_678, %dma_wait3A_679] : memref<8x32xi32, #tpu.memory_space<vmem>> -> memref<1x8xi32, #tpu.memory_space<vmem>>
    %dma_wait3A_681 = tpu.memref_squeeze %dma_wait3A_680 : memref<1x8xi32, #tpu.memory_space<vmem>> -> memref<8xi32, #tpu.memory_space<vmem>>
    %dma_wait3A_682 = tpu.memref_slice %arg2[%dma_wait3A_677, %add3A_269] : memref<4x2048xi32, #tpu.memory_space<hbm>> -> memref<1x8xi32, #tpu.memory_space<hbm>>
    %dma_wait3A_683 = tpu.memref_squeeze %dma_wait3A_682 : memref<1x8xi32, #tpu.memory_space<hbm>> -> memref<8xi32, #tpu.memory_space<hbm>>
    %dma_wait3A_684 = arith.constant 24 : i32
    %dma_wait3A_685 = tpu.memref_slice %arg12[%dma_wait3A_678, %dma_wait3A_684] : memref<8x32xi32, #tpu.memory_space<vmem>> -> memref<1x8xi32, #tpu.memory_space<vmem>>
    %dma_wait3A_686 = tpu.memref_squeeze %dma_wait3A_685 : memref<1x8xi32, #tpu.memory_space<vmem>> -> memref<8xi32, #tpu.memory_space<vmem>>
    %dma_wait3A_687 = tpu.memref_slice %arg2[%dma_wait3A_677, %add3A_269] : memref<4x2048xi32, #tpu.memory_space<hbm>> -> memref<1x8xi32, #tpu.memory_space<hbm>>
    %dma_wait3A_688 = tpu.memref_squeeze %dma_wait3A_687 : memref<1x8xi32, #tpu.memory_space<hbm>> -> memref<8xi32, #tpu.memory_space<hbm>>
    tpu.wait_dma2 semaphore(%arg19 : memref<!tpu.dma_semaphore, #tpu.memory_space<semaphore_mem>>) src(%dma_wait3A_688 : memref<8xi32, #tpu.memory_space<hbm>>) dst(%dma_wait3A_686 : memref<8xi32, #tpu.memory_space<vmem>>)
    %dma_wait3A_689 = arith.constant 0 : i32
    %dma_wait3A_690 = arith.constant 5 : i32
    %dma_wait3A_691 = arith.constant 0 : i32
    %dma_wait3A_692 = tpu.memref_slice %arg12[%dma_wait3A_690, %dma_wait3A_691] : memref<8x32xi32, #tpu.memory_space<vmem>> -> memref<1x8xi32, #tpu.memory_space<vmem>>
    %dma_wait3A_693 = tpu.memref_squeeze %dma_wait3A_692 : memref<1x8xi32, #tpu.memory_space<vmem>> -> memref<8xi32, #tpu.memory_space<vmem>>
    %dma_wait3A_694 = tpu.memref_slice %arg2[%dma_wait3A_689, %add3A_283] : memref<4x2048xi32, #tpu.memory_space<hbm>> -> memref<1x8xi32, #tpu.memory_space<hbm>>
    %dma_wait3A_695 = tpu.memref_squeeze %dma_wait3A_694 : memref<1x8xi32, #tpu.memory_space<hbm>> -> memref<8xi32, #tpu.memory_space<hbm>>
    %dma_wait3A_696 = arith.constant 0 : i32
    %dma_wait3A_697 = tpu.memref_slice %arg12[%dma_wait3A_690, %dma_wait3A_696] : memref<8x32xi32, #tpu.memory_space<vmem>> -> memref<1x8xi32, #tpu.memory_space<vmem>>
    %dma_wait3A_698 = tpu.memref_squeeze %dma_wait3A_697 : memref<1x8xi32, #tpu.memory_space<vmem>> -> memref<8xi32, #tpu.memory_space<vmem>>
    %dma_wait3A_699 = tpu.memref_slice %arg2[%dma_wait3A_689, %add3A_283] : memref<4x2048xi32, #tpu.memory_space<hbm>> -> memref<1x8xi32, #tpu.memory_space<hbm>>
    %dma_wait3A_700 = tpu.memref_squeeze %dma_wait3A_699 : memref<1x8xi32, #tpu.memory_space<hbm>> -> memref<8xi32, #tpu.memory_space<hbm>>
    tpu.wait_dma2 semaphore(%arg19 : memref<!tpu.dma_semaphore, #tpu.memory_space<semaphore_mem>>) src(%dma_wait3A_700 : memref<8xi32, #tpu.memory_space<hbm>>) dst(%dma_wait3A_698 : memref<8xi32, #tpu.memory_space<vmem>>)
    %dma_wait3A_701 = arith.constant 1 : i32
    %dma_wait3A_702 = arith.constant 5 : i32
    %dma_wait3A_703 = arith.constant 8 : i32
    %dma_wait3A_704 = tpu.memref_slice %arg12[%dma_wait3A_702, %dma_wait3A_703] : memref<8x32xi32, #tpu.memory_space<vmem>> -> memref<1x8xi32, #tpu.memory_space<vmem>>
    %dma_wait3A_705 = tpu.memref_squeeze %dma_wait3A_704 : memref<1x8xi32, #tpu.memory_space<vmem>> -> memref<8xi32, #tpu.memory_space<vmem>>
    %dma_wait3A_706 = tpu.memref_slice %arg2[%dma_wait3A_701, %add3A_297] : memref<4x2048xi32, #tpu.memory_space<hbm>> -> memref<1x8xi32, #tpu.memory_space<hbm>>
    %dma_wait3A_707 = tpu.memref_squeeze %dma_wait3A_706 : memref<1x8xi32, #tpu.memory_space<hbm>> -> memref<8xi32, #tpu.memory_space<hbm>>
    %dma_wait3A_708 = arith.constant 8 : i32
    %dma_wait3A_709 = tpu.memref_slice %arg12[%dma_wait3A_702, %dma_wait3A_708] : memref<8x32xi32, #tpu.memory_space<vmem>> -> memref<1x8xi32, #tpu.memory_space<vmem>>
    %dma_wait3A_710 = tpu.memref_squeeze %dma_wait3A_709 : memref<1x8xi32, #tpu.memory_space<vmem>> -> memref<8xi32, #tpu.memory_space<vmem>>
    %dma_wait3A_711 = tpu.memref_slice %arg2[%dma_wait3A_701, %add3A_297] : memref<4x2048xi32, #tpu.memory_space<hbm>> -> memref<1x8xi32, #tpu.memory_space<hbm>>
    %dma_wait3A_712 = tpu.memref_squeeze %dma_wait3A_711 : memref<1x8xi32, #tpu.memory_space<hbm>> -> memref<8xi32, #tpu.memory_space<hbm>>
    tpu.wait_dma2 semaphore(%arg19 : memref<!tpu.dma_semaphore, #tpu.memory_space<semaphore_mem>>) src(%dma_wait3A_712 : memref<8xi32, #tpu.memory_space<hbm>>) dst(%dma_wait3A_710 : memref<8xi32, #tpu.memory_space<vmem>>)
    %dma_wait3A_713 = arith.constant 2 : i32
    %dma_wait3A_714 = arith.constant 5 : i32
    %dma_wait3A_715 = arith.constant 16 : i32
    %dma_wait3A_716 = tpu.memref_slice %arg12[%dma_wait3A_714, %dma_wait3A_715] : memref<8x32xi32, #tpu.memory_space<vmem>> -> memref<1x8xi32, #tpu.memory_space<vmem>>
    %dma_wait3A_717 = tpu.memref_squeeze %dma_wait3A_716 : memref<1x8xi32, #tpu.memory_space<vmem>> -> memref<8xi32, #tpu.memory_space<vmem>>
    %dma_wait3A_718 = tpu.memref_slice %arg2[%dma_wait3A_713, %add3A_311] : memref<4x2048xi32, #tpu.memory_space<hbm>> -> memref<1x8xi32, #tpu.memory_space<hbm>>
    %dma_wait3A_719 = tpu.memref_squeeze %dma_wait3A_718 : memref<1x8xi32, #tpu.memory_space<hbm>> -> memref<8xi32, #tpu.memory_space<hbm>>
    %dma_wait3A_720 = arith.constant 16 : i32
    %dma_wait3A_721 = tpu.memref_slice %arg12[%dma_wait3A_714, %dma_wait3A_720] : memref<8x32xi32, #tpu.memory_space<vmem>> -> memref<1x8xi32, #tpu.memory_space<vmem>>
    %dma_wait3A_722 = tpu.memref_squeeze %dma_wait3A_721 : memref<1x8xi32, #tpu.memory_space<vmem>> -> memref<8xi32, #tpu.memory_space<vmem>>
    %dma_wait3A_723 = tpu.memref_slice %arg2[%dma_wait3A_713, %add3A_311] : memref<4x2048xi32, #tpu.memory_space<hbm>> -> memref<1x8xi32, #tpu.memory_space<hbm>>
    %dma_wait3A_724 = tpu.memref_squeeze %dma_wait3A_723 : memref<1x8xi32, #tpu.memory_space<hbm>> -> memref<8xi32, #tpu.memory_space<hbm>>
    tpu.wait_dma2 semaphore(%arg19 : memref<!tpu.dma_semaphore, #tpu.memory_space<semaphore_mem>>) src(%dma_wait3A_724 : memref<8xi32, #tpu.memory_space<hbm>>) dst(%dma_wait3A_722 : memref<8xi32, #tpu.memory_space<vmem>>)
    %dma_wait3A_725 = arith.constant 3 : i32
    %dma_wait3A_726 = arith.constant 5 : i32
    %dma_wait3A_727 = arith.constant 24 : i32
    %dma_wait3A_728 = tpu.memref_slice %arg12[%dma_wait3A_726, %dma_wait3A_727] : memref<8x32xi32, #tpu.memory_space<vmem>> -> memref<1x8xi32, #tpu.memory_space<vmem>>
    %dma_wait3A_729 = tpu.memref_squeeze %dma_wait3A_728 : memref<1x8xi32, #tpu.memory_space<vmem>> -> memref<8xi32, #tpu.memory_space<vmem>>
    %dma_wait3A_730 = tpu.memref_slice %arg2[%dma_wait3A_725, %add3A_325] : memref<4x2048xi32, #tpu.memory_space<hbm>> -> memref<1x8xi32, #tpu.memory_space<hbm>>
    %dma_wait3A_731 = tpu.memref_squeeze %dma_wait3A_730 : memref<1x8xi32, #tpu.memory_space<hbm>> -> memref<8xi32, #tpu.memory_space<hbm>>
    %dma_wait3A_732 = arith.constant 24 : i32
    %dma_wait3A_733 = tpu.memref_slice %arg12[%dma_wait3A_726, %dma_wait3A_732] : memref<8x32xi32, #tpu.memory_space<vmem>> -> memref<1x8xi32, #tpu.memory_space<vmem>>
    %dma_wait3A_734 = tpu.memref_squeeze %dma_wait3A_733 : memref<1x8xi32, #tpu.memory_space<vmem>> -> memref<8xi32, #tpu.memory_space<vmem>>
    %dma_wait3A_735 = tpu.memref_slice %arg2[%dma_wait3A_725, %add3A_325] : memref<4x2048xi32, #tpu.memory_space<hbm>> -> memref<1x8xi32, #tpu.memory_space<hbm>>
    %dma_wait3A_736 = tpu.memref_squeeze %dma_wait3A_735 : memref<1x8xi32, #tpu.memory_space<hbm>> -> memref<8xi32, #tpu.memory_space<hbm>>
    tpu.wait_dma2 semaphore(%arg19 : memref<!tpu.dma_semaphore, #tpu.memory_space<semaphore_mem>>) src(%dma_wait3A_736 : memref<8xi32, #tpu.memory_space<hbm>>) dst(%dma_wait3A_734 : memref<8xi32, #tpu.memory_space<vmem>>)
    %dma_wait3A_737 = arith.constant 0 : i32
    %dma_wait3A_738 = arith.constant 6 : i32
    %dma_wait3A_739 = arith.constant 0 : i32
    %dma_wait3A_740 = tpu.memref_slice %arg12[%dma_wait3A_738, %dma_wait3A_739] : memref<8x32xi32, #tpu.memory_space<vmem>> -> memref<1x8xi32, #tpu.memory_space<vmem>>
    %dma_wait3A_741 = tpu.memref_squeeze %dma_wait3A_740 : memref<1x8xi32, #tpu.memory_space<vmem>> -> memref<8xi32, #tpu.memory_space<vmem>>
    %dma_wait3A_742 = tpu.memref_slice %arg2[%dma_wait3A_737, %add3A_339] : memref<4x2048xi32, #tpu.memory_space<hbm>> -> memref<1x8xi32, #tpu.memory_space<hbm>>
    %dma_wait3A_743 = tpu.memref_squeeze %dma_wait3A_742 : memref<1x8xi32, #tpu.memory_space<hbm>> -> memref<8xi32, #tpu.memory_space<hbm>>
    %dma_wait3A_744 = arith.constant 0 : i32
    %dma_wait3A_745 = tpu.memref_slice %arg12[%dma_wait3A_738, %dma_wait3A_744] : memref<8x32xi32, #tpu.memory_space<vmem>> -> memref<1x8xi32, #tpu.memory_space<vmem>>
    %dma_wait3A_746 = tpu.memref_squeeze %dma_wait3A_745 : memref<1x8xi32, #tpu.memory_space<vmem>> -> memref<8xi32, #tpu.memory_space<vmem>>
    %dma_wait3A_747 = tpu.memref_slice %arg2[%dma_wait3A_737, %add3A_339] : memref<4x2048xi32, #tpu.memory_space<hbm>> -> memref<1x8xi32, #tpu.memory_space<hbm>>
    %dma_wait3A_748 = tpu.memref_squeeze %dma_wait3A_747 : memref<1x8xi32, #tpu.memory_space<hbm>> -> memref<8xi32, #tpu.memory_space<hbm>>
    tpu.wait_dma2 semaphore(%arg19 : memref<!tpu.dma_semaphore, #tpu.memory_space<semaphore_mem>>) src(%dma_wait3A_748 : memref<8xi32, #tpu.memory_space<hbm>>) dst(%dma_wait3A_746 : memref<8xi32, #tpu.memory_space<vmem>>)
    %dma_wait3A_749 = arith.constant 1 : i32
    %dma_wait3A_750 = arith.constant 6 : i32
    %dma_wait3A_751 = arith.constant 8 : i32
    %dma_wait3A_752 = tpu.memref_slice %arg12[%dma_wait3A_750, %dma_wait3A_751] : memref<8x32xi32, #tpu.memory_space<vmem>> -> memref<1x8xi32, #tpu.memory_space<vmem>>
    %dma_wait3A_753 = tpu.memref_squeeze %dma_wait3A_752 : memref<1x8xi32, #tpu.memory_space<vmem>> -> memref<8xi32, #tpu.memory_space<vmem>>
    %dma_wait3A_754 = tpu.memref_slice %arg2[%dma_wait3A_749, %add3A_353] : memref<4x2048xi32, #tpu.memory_space<hbm>> -> memref<1x8xi32, #tpu.memory_space<hbm>>
    %dma_wait3A_755 = tpu.memref_squeeze %dma_wait3A_754 : memref<1x8xi32, #tpu.memory_space<hbm>> -> memref<8xi32, #tpu.memory_space<hbm>>
    %dma_wait3A_756 = arith.constant 8 : i32
    %dma_wait3A_757 = tpu.memref_slice %arg12[%dma_wait3A_750, %dma_wait3A_756] : memref<8x32xi32, #tpu.memory_space<vmem>> -> memref<1x8xi32, #tpu.memory_space<vmem>>
    %dma_wait3A_758 = tpu.memref_squeeze %dma_wait3A_757 : memref<1x8xi32, #tpu.memory_space<vmem>> -> memref<8xi32, #tpu.memory_space<vmem>>
    %dma_wait3A_759 = tpu.memref_slice %arg2[%dma_wait3A_749, %add3A_353] : memref<4x2048xi32, #tpu.memory_space<hbm>> -> memref<1x8xi32, #tpu.memory_space<hbm>>
    %dma_wait3A_760 = tpu.memref_squeeze %dma_wait3A_759 : memref<1x8xi32, #tpu.memory_space<hbm>> -> memref<8xi32, #tpu.memory_space<hbm>>
    tpu.wait_dma2 semaphore(%arg19 : memref<!tpu.dma_semaphore, #tpu.memory_space<semaphore_mem>>) src(%dma_wait3A_760 : memref<8xi32, #tpu.memory_space<hbm>>) dst(%dma_wait3A_758 : memref<8xi32, #tpu.memory_space<vmem>>)
    %dma_wait3A_761 = arith.constant 2 : i32
    %dma_wait3A_762 = arith.constant 6 : i32
    %dma_wait3A_763 = arith.constant 16 : i32
    %dma_wait3A_764 = tpu.memref_slice %arg12[%dma_wait3A_762, %dma_wait3A_763] : memref<8x32xi32, #tpu.memory_space<vmem>> -> memref<1x8xi32, #tpu.memory_space<vmem>>
    %dma_wait3A_765 = tpu.memref_squeeze %dma_wait3A_764 : memref<1x8xi32, #tpu.memory_space<vmem>> -> memref<8xi32, #tpu.memory_space<vmem>>
    %dma_wait3A_766 = tpu.memref_slice %arg2[%dma_wait3A_761, %add3A_367] : memref<4x2048xi32, #tpu.memory_space<hbm>> -> memref<1x8xi32, #tpu.memory_space<hbm>>
    %dma_wait3A_767 = tpu.memref_squeeze %dma_wait3A_766 : memref<1x8xi32, #tpu.memory_space<hbm>> -> memref<8xi32, #tpu.memory_space<hbm>>
    %dma_wait3A_768 = arith.constant 16 : i32
    %dma_wait3A_769 = tpu.memref_slice %arg12[%dma_wait3A_762, %dma_wait3A_768] : memref<8x32xi32, #tpu.memory_space<vmem>> -> memref<1x8xi32, #tpu.memory_space<vmem>>
    %dma_wait3A_770 = tpu.memref_squeeze %dma_wait3A_769 : memref<1x8xi32, #tpu.memory_space<vmem>> -> memref<8xi32, #tpu.memory_space<vmem>>
    %dma_wait3A_771 = tpu.memref_slice %arg2[%dma_wait3A_761, %add3A_367] : memref<4x2048xi32, #tpu.memory_space<hbm>> -> memref<1x8xi32, #tpu.memory_space<hbm>>
    %dma_wait3A_772 = tpu.memref_squeeze %dma_wait3A_771 : memref<1x8xi32, #tpu.memory_space<hbm>> -> memref<8xi32, #tpu.memory_space<hbm>>
    tpu.wait_dma2 semaphore(%arg19 : memref<!tpu.dma_semaphore, #tpu.memory_space<semaphore_mem>>) src(%dma_wait3A_772 : memref<8xi32, #tpu.memory_space<hbm>>) dst(%dma_wait3A_770 : memref<8xi32, #tpu.memory_space<vmem>>)
    %dma_wait3A_773 = arith.constant 3 : i32
    %dma_wait3A_774 = arith.constant 6 : i32
    %dma_wait3A_775 = arith.constant 24 : i32
    %dma_wait3A_776 = tpu.memref_slice %arg12[%dma_wait3A_774, %dma_wait3A_775] : memref<8x32xi32, #tpu.memory_space<vmem>> -> memref<1x8xi32, #tpu.memory_space<vmem>>
    %dma_wait3A_777 = tpu.memref_squeeze %dma_wait3A_776 : memref<1x8xi32, #tpu.memory_space<vmem>> -> memref<8xi32, #tpu.memory_space<vmem>>
    %dma_wait3A_778 = tpu.memref_slice %arg2[%dma_wait3A_773, %add3A_381] : memref<4x2048xi32, #tpu.memory_space<hbm>> -> memref<1x8xi32, #tpu.memory_space<hbm>>
    %dma_wait3A_779 = tpu.memref_squeeze %dma_wait3A_778 : memref<1x8xi32, #tpu.memory_space<hbm>> -> memref<8xi32, #tpu.memory_space<hbm>>
    %dma_wait3A_780 = arith.constant 24 : i32
    %dma_wait3A_781 = tpu.memref_slice %arg12[%dma_wait3A_774, %dma_wait3A_780] : memref<8x32xi32, #tpu.memory_space<vmem>> -> memref<1x8xi32, #tpu.memory_space<vmem>>
    %dma_wait3A_782 = tpu.memref_squeeze %dma_wait3A_781 : memref<1x8xi32, #tpu.memory_space<vmem>> -> memref<8xi32, #tpu.memory_space<vmem>>
    %dma_wait3A_783 = tpu.memref_slice %arg2[%dma_wait3A_773, %add3A_381] : memref<4x2048xi32, #tpu.memory_space<hbm>> -> memref<1x8xi32, #tpu.memory_space<hbm>>
    %dma_wait3A_784 = tpu.memref_squeeze %dma_wait3A_783 : memref<1x8xi32, #tpu.memory_space<hbm>> -> memref<8xi32, #tpu.memory_space<hbm>>
    tpu.wait_dma2 semaphore(%arg19 : memref<!tpu.dma_semaphore, #tpu.memory_space<semaphore_mem>>) src(%dma_wait3A_784 : memref<8xi32, #tpu.memory_space<hbm>>) dst(%dma_wait3A_782 : memref<8xi32, #tpu.memory_space<vmem>>)
    %dma_wait3A_785 = arith.constant 0 : i32
    %dma_wait3A_786 = arith.constant 7 : i32
    %dma_wait3A_787 = arith.constant 0 : i32
    %dma_wait3A_788 = tpu.memref_slice %arg12[%dma_wait3A_786, %dma_wait3A_787] : memref<8x32xi32, #tpu.memory_space<vmem>> -> memref<1x8xi32, #tpu.memory_space<vmem>>
    %dma_wait3A_789 = tpu.memref_squeeze %dma_wait3A_788 : memref<1x8xi32, #tpu.memory_space<vmem>> -> memref<8xi32, #tpu.memory_space<vmem>>
    %dma_wait3A_790 = tpu.memref_slice %arg2[%dma_wait3A_785, %add3A_395] : memref<4x2048xi32, #tpu.memory_space<hbm>> -> memref<1x8xi32, #tpu.memory_space<hbm>>
    %dma_wait3A_791 = tpu.memref_squeeze %dma_wait3A_790 : memref<1x8xi32, #tpu.memory_space<hbm>> -> memref<8xi32, #tpu.memory_space<hbm>>
    %dma_wait3A_792 = arith.constant 0 : i32
    %dma_wait3A_793 = tpu.memref_slice %arg12[%dma_wait3A_786, %dma_wait3A_792] : memref<8x32xi32, #tpu.memory_space<vmem>> -> memref<1x8xi32, #tpu.memory_space<vmem>>
    %dma_wait3A_794 = tpu.memref_squeeze %dma_wait3A_793 : memref<1x8xi32, #tpu.memory_space<vmem>> -> memref<8xi32, #tpu.memory_space<vmem>>
    %dma_wait3A_795 = tpu.memref_slice %arg2[%dma_wait3A_785, %add3A_395] : memref<4x2048xi32, #tpu.memory_space<hbm>> -> memref<1x8xi32, #tpu.memory_space<hbm>>
    %dma_wait3A_796 = tpu.memref_squeeze %dma_wait3A_795 : memref<1x8xi32, #tpu.memory_space<hbm>> -> memref<8xi32, #tpu.memory_space<hbm>>
    tpu.wait_dma2 semaphore(%arg19 : memref<!tpu.dma_semaphore, #tpu.memory_space<semaphore_mem>>) src(%dma_wait3A_796 : memref<8xi32, #tpu.memory_space<hbm>>) dst(%dma_wait3A_794 : memref<8xi32, #tpu.memory_space<vmem>>)
    %dma_wait3A_797 = arith.constant 1 : i32
    %dma_wait3A_798 = arith.constant 7 : i32
    %dma_wait3A_799 = arith.constant 8 : i32
    %dma_wait3A_800 = tpu.memref_slice %arg12[%dma_wait3A_798, %dma_wait3A_799] : memref<8x32xi32, #tpu.memory_space<vmem>> -> memref<1x8xi32, #tpu.memory_space<vmem>>
    %dma_wait3A_801 = tpu.memref_squeeze %dma_wait3A_800 : memref<1x8xi32, #tpu.memory_space<vmem>> -> memref<8xi32, #tpu.memory_space<vmem>>
    %dma_wait3A_802 = tpu.memref_slice %arg2[%dma_wait3A_797, %add3A_409] : memref<4x2048xi32, #tpu.memory_space<hbm>> -> memref<1x8xi32, #tpu.memory_space<hbm>>
    %dma_wait3A_803 = tpu.memref_squeeze %dma_wait3A_802 : memref<1x8xi32, #tpu.memory_space<hbm>> -> memref<8xi32, #tpu.memory_space<hbm>>
    %dma_wait3A_804 = arith.constant 8 : i32
    %dma_wait3A_805 = tpu.memref_slice %arg12[%dma_wait3A_798, %dma_wait3A_804] : memref<8x32xi32, #tpu.memory_space<vmem>> -> memref<1x8xi32, #tpu.memory_space<vmem>>
    %dma_wait3A_806 = tpu.memref_squeeze %dma_wait3A_805 : memref<1x8xi32, #tpu.memory_space<vmem>> -> memref<8xi32, #tpu.memory_space<vmem>>
    %dma_wait3A_807 = tpu.memref_slice %arg2[%dma_wait3A_797, %add3A_409] : memref<4x2048xi32, #tpu.memory_space<hbm>> -> memref<1x8xi32, #tpu.memory_space<hbm>>
    %dma_wait3A_808 = tpu.memref_squeeze %dma_wait3A_807 : memref<1x8xi32, #tpu.memory_space<hbm>> -> memref<8xi32, #tpu.memory_space<hbm>>
    tpu.wait_dma2 semaphore(%arg19 : memref<!tpu.dma_semaphore, #tpu.memory_space<semaphore_mem>>) src(%dma_wait3A_808 : memref<8xi32, #tpu.memory_space<hbm>>) dst(%dma_wait3A_806 : memref<8xi32, #tpu.memory_space<vmem>>)
    %dma_wait3A_809 = arith.constant 2 : i32
    %dma_wait3A_810 = arith.constant 7 : i32
    %dma_wait3A_811 = arith.constant 16 : i32
    %dma_wait3A_812 = tpu.memref_slice %arg12[%dma_wait3A_810, %dma_wait3A_811] : memref<8x32xi32, #tpu.memory_space<vmem>> -> memref<1x8xi32, #tpu.memory_space<vmem>>
    %dma_wait3A_813 = tpu.memref_squeeze %dma_wait3A_812 : memref<1x8xi32, #tpu.memory_space<vmem>> -> memref<8xi32, #tpu.memory_space<vmem>>
    %dma_wait3A_814 = tpu.memref_slice %arg2[%dma_wait3A_809, %add3A_423] : memref<4x2048xi32, #tpu.memory_space<hbm>> -> memref<1x8xi32, #tpu.memory_space<hbm>>
    %dma_wait3A_815 = tpu.memref_squeeze %dma_wait3A_814 : memref<1x8xi32, #tpu.memory_space<hbm>> -> memref<8xi32, #tpu.memory_space<hbm>>
    %dma_wait3A_816 = arith.constant 16 : i32
    %dma_wait3A_817 = tpu.memref_slice %arg12[%dma_wait3A_810, %dma_wait3A_816] : memref<8x32xi32, #tpu.memory_space<vmem>> -> memref<1x8xi32, #tpu.memory_space<vmem>>
    %dma_wait3A_818 = tpu.memref_squeeze %dma_wait3A_817 : memref<1x8xi32, #tpu.memory_space<vmem>> -> memref<8xi32, #tpu.memory_space<vmem>>
    %dma_wait3A_819 = tpu.memref_slice %arg2[%dma_wait3A_809, %add3A_423] : memref<4x2048xi32, #tpu.memory_space<hbm>> -> memref<1x8xi32, #tpu.memory_space<hbm>>
    %dma_wait3A_820 = tpu.memref_squeeze %dma_wait3A_819 : memref<1x8xi32, #tpu.memory_space<hbm>> -> memref<8xi32, #tpu.memory_space<hbm>>
    tpu.wait_dma2 semaphore(%arg19 : memref<!tpu.dma_semaphore, #tpu.memory_space<semaphore_mem>>) src(%dma_wait3A_820 : memref<8xi32, #tpu.memory_space<hbm>>) dst(%dma_wait3A_818 : memref<8xi32, #tpu.memory_space<vmem>>)
    %dma_wait3A_821 = arith.constant 3 : i32
    %dma_wait3A_822 = arith.constant 7 : i32
    %dma_wait3A_823 = arith.constant 24 : i32
    %dma_wait3A_824 = tpu.memref_slice %arg12[%dma_wait3A_822, %dma_wait3A_823] : memref<8x32xi32, #tpu.memory_space<vmem>> -> memref<1x8xi32, #tpu.memory_space<vmem>>
    %dma_wait3A_825 = tpu.memref_squeeze %dma_wait3A_824 : memref<1x8xi32, #tpu.memory_space<vmem>> -> memref<8xi32, #tpu.memory_space<vmem>>
    %dma_wait3A_826 = tpu.memref_slice %arg2[%dma_wait3A_821, %add3A_437] : memref<4x2048xi32, #tpu.memory_space<hbm>> -> memref<1x8xi32, #tpu.memory_space<hbm>>
    %dma_wait3A_827 = tpu.memref_squeeze %dma_wait3A_826 : memref<1x8xi32, #tpu.memory_space<hbm>> -> memref<8xi32, #tpu.memory_space<hbm>>
    %dma_wait3A_828 = arith.constant 24 : i32
    %dma_wait3A_829 = tpu.memref_slice %arg12[%dma_wait3A_822, %dma_wait3A_828] : memref<8x32xi32, #tpu.memory_space<vmem>> -> memref<1x8xi32, #tpu.memory_space<vmem>>
    %dma_wait3A_830 = tpu.memref_squeeze %dma_wait3A_829 : memref<1x8xi32, #tpu.memory_space<vmem>> -> memref<8xi32, #tpu.memory_space<vmem>>
    %dma_wait3A_831 = tpu.memref_slice %arg2[%dma_wait3A_821, %add3A_437] : memref<4x2048xi32, #tpu.memory_space<hbm>> -> memref<1x8xi32, #tpu.memory_space<hbm>>
    %dma_wait3A_832 = tpu.memref_squeeze %dma_wait3A_831 : memref<1x8xi32, #tpu.memory_space<hbm>> -> memref<8xi32, #tpu.memory_space<hbm>>
    tpu.wait_dma2 semaphore(%arg19 : memref<!tpu.dma_semaphore, #tpu.memory_space<semaphore_mem>>) src(%dma_wait3A_832 : memref<8xi32, #tpu.memory_space<hbm>>) dst(%dma_wait3A_830 : memref<8xi32, #tpu.memory_space<vmem>>)
    %add3A_833 = arith.constant 0 : i32
    %add3A_834 = arith.addi %mul3A_2, %add3A_833 : i32
    %dma_start3A_835 = arith.constant 0 : i32
    %dma_start3A_836 = tpu.memref_slice %arg4[%add3A_834, %dma_start3A_835] : memref<2048x1024xf32, #tpu.memory_space<hbm>> -> memref<8x1024xf32, #tpu.memory_space<hbm>>
    %dma_start3A_837 = arith.constant 0 : i32
    %dma_start3A_838 = tpu.memref_slice %arg4[%add3A_834, %dma_start3A_837] : memref<2048x1024xf32, #tpu.memory_space<hbm>> -> memref<8x1024xf32, #tpu.memory_space<hbm>>
    tpu.enqueue_dma source(%dma_start3A_838 : memref<8x1024xf32, #tpu.memory_space<hbm>>) target(%arg9 : memref<8x1024xf32, #tpu.memory_space<vmem>>) target_semaphore(%arg19 : memref<!tpu.dma_semaphore, #tpu.memory_space<semaphore_mem>>)
    %dma_start3A_839 = arith.constant 0 : i32
    %dma_start3A_840 = arith.constant 0 : i32
    %dma_start3A_841 = tpu.memref_slice %arg12[%dma_start3A_839, %dma_start3A_840] : memref<8x32xi32, #tpu.memory_space<vmem>> -> memref<1x32xi32, #tpu.memory_space<vmem>>
    %dma_start3A_842 = tpu.memref_squeeze %dma_start3A_841 : memref<1x32xi32, #tpu.memory_space<vmem>> -> memref<32xi32, #tpu.memory_space<vmem>>
    %dma_start3A_843 = arith.constant 0 : i32
    %dma_start3A_844 = arith.constant 0 : i32
    %dma_start3A_845 = tpu.memref_slice %arg3[%dma_start3A_843, %dma_start3A_844] : memref<100000x1024xf32, #tpu.memory_space<hbm>> -> memref<100000x1024xf32, #tpu.memory_space<hbm>>
    tpu.enqueue_indirect_dma source(%dma_start3A_845 : memref<100000x1024xf32, #tpu.memory_space<hbm>>) target(%arg6 : memref<32x1024xf32, #tpu.memory_space<vmem>>) offsets(%dma_start3A_842 : memref<32xi32, #tpu.memory_space<vmem>>) semaphore(%arg13 : memref<!tpu.dma_semaphore, #tpu.memory_space<semaphore_mem>>)
    %add3A_846 = arith.constant 8 : i32
    %add3A_847 = arith.addi %mul3A_2, %add3A_846 : i32
    %dma_start3A_848 = arith.constant 0 : i32
    %dma_start3A_849 = tpu.memref_slice %arg4[%add3A_847, %dma_start3A_848] : memref<2048x1024xf32, #tpu.memory_space<hbm>> -> memref<8x1024xf32, #tpu.memory_space<hbm>>
    %dma_start3A_850 = arith.constant 0 : i32
    %dma_start3A_851 = tpu.memref_slice %arg4[%add3A_847, %dma_start3A_850] : memref<2048x1024xf32, #tpu.memory_space<hbm>> -> memref<8x1024xf32, #tpu.memory_space<hbm>>
    tpu.enqueue_dma source(%dma_start3A_851 : memref<8x1024xf32, #tpu.memory_space<hbm>>) target(%arg10 : memref<8x1024xf32, #tpu.memory_space<vmem>>) target_semaphore(%arg20 : memref<!tpu.dma_semaphore, #tpu.memory_space<semaphore_mem>>)
    %dma_start3A_852 = arith.constant 1 : i32
    %dma_start3A_853 = arith.constant 0 : i32
    %dma_start3A_854 = tpu.memref_slice %arg12[%dma_start3A_852, %dma_start3A_853] : memref<8x32xi32, #tpu.memory_space<vmem>> -> memref<1x32xi32, #tpu.memory_space<vmem>>
    %dma_start3A_855 = tpu.memref_squeeze %dma_start3A_854 : memref<1x32xi32, #tpu.memory_space<vmem>> -> memref<32xi32, #tpu.memory_space<vmem>>
    %dma_start3A_856 = arith.constant 0 : i32
    %dma_start3A_857 = arith.constant 0 : i32
    %dma_start3A_858 = tpu.memref_slice %arg3[%dma_start3A_856, %dma_start3A_857] : memref<100000x1024xf32, #tpu.memory_space<hbm>> -> memref<100000x1024xf32, #tpu.memory_space<hbm>>
    tpu.enqueue_indirect_dma source(%dma_start3A_858 : memref<100000x1024xf32, #tpu.memory_space<hbm>>) target(%arg7 : memref<32x1024xf32, #tpu.memory_space<vmem>>) offsets(%dma_start3A_855 : memref<32xi32, #tpu.memory_space<vmem>>) semaphore(%arg14 : memref<!tpu.dma_semaphore, #tpu.memory_space<semaphore_mem>>)
    %dma_start3A_859 = arith.constant 2 : i32
    %dma_start3A_860 = arith.constant 0 : i32
    %dma_start3A_861 = tpu.memref_slice %arg12[%dma_start3A_859, %dma_start3A_860] : memref<8x32xi32, #tpu.memory_space<vmem>> -> memref<1x32xi32, #tpu.memory_space<vmem>>
    %dma_start3A_862 = tpu.memref_squeeze %dma_start3A_861 : memref<1x32xi32, #tpu.memory_space<vmem>> -> memref<32xi32, #tpu.memory_space<vmem>>
    %dma_start3A_863 = arith.constant 0 : i32
    %dma_start3A_864 = arith.constant 0 : i32
    %dma_start3A_865 = tpu.memref_slice %arg3[%dma_start3A_863, %dma_start3A_864] : memref<100000x1024xf32, #tpu.memory_space<hbm>> -> memref<100000x1024xf32, #tpu.memory_space<hbm>>
    tpu.enqueue_indirect_dma source(%dma_start3A_865 : memref<100000x1024xf32, #tpu.memory_space<hbm>>) target(%arg8 : memref<32x1024xf32, #tpu.memory_space<vmem>>) offsets(%dma_start3A_862 : memref<32xi32, #tpu.memory_space<vmem>>) semaphore(%arg15 : memref<!tpu.dma_semaphore, #tpu.memory_space<semaphore_mem>>)
    %add3A_866 = arith.constant 16 : i32
    %add3A_867 = arith.addi %mul3A_2, %add3A_866 : i32
    %dma_start3A_868 = arith.constant 0 : i32
    %dma_start3A_869 = tpu.memref_slice %arg4[%add3A_867, %dma_start3A_868] : memref<2048x1024xf32, #tpu.memory_space<hbm>> -> memref<8x1024xf32, #tpu.memory_space<hbm>>
    %dma_start3A_870 = arith.constant 0 : i32
    %dma_start3A_871 = tpu.memref_slice %arg4[%add3A_867, %dma_start3A_870] : memref<2048x1024xf32, #tpu.memory_space<hbm>> -> memref<8x1024xf32, #tpu.memory_space<hbm>>
    tpu.enqueue_dma source(%dma_start3A_871 : memref<8x1024xf32, #tpu.memory_space<hbm>>) target(%arg11 : memref<8x1024xf32, #tpu.memory_space<vmem>>) target_semaphore(%arg21 : memref<!tpu.dma_semaphore, #tpu.memory_space<semaphore_mem>>)
    %dma_wait3A_872 = arith.constant 0 : i32
    %dma_wait3A_873 = arith.constant 0 : i32
    %dma_wait3A_874 = tpu.memref_slice %arg12[%dma_wait3A_872, %dma_wait3A_873] : memref<8x32xi32, #tpu.memory_space<vmem>> -> memref<1x32xi32, #tpu.memory_space<vmem>>
    %dma_wait3A_875 = tpu.memref_squeeze %dma_wait3A_874 : memref<1x32xi32, #tpu.memory_space<vmem>> -> memref<32xi32, #tpu.memory_space<vmem>>
    %dma_wait3A_876 = arith.constant 0 : i32
    %dma_wait3A_877 = arith.constant 0 : i32
    %dma_wait3A_878 = tpu.memref_slice %arg3[%dma_wait3A_876, %dma_wait3A_877] : memref<100000x1024xf32, #tpu.memory_space<hbm>> -> memref<100000x1024xf32, #tpu.memory_space<hbm>>
    tpu.wait_indirect_dma semaphore(%arg13 : memref<!tpu.dma_semaphore, #tpu.memory_space<semaphore_mem>>) src(%dma_wait3A_878 : memref<100000x1024xf32, #tpu.memory_space<hbm>>) dst(%arg6 : memref<32x1024xf32, #tpu.memory_space<vmem>>)
    %dma_wait3A_879 = arith.constant 0 : i32
    %dma_wait3A_880 = tpu.memref_slice %arg4[%add3A_834, %dma_wait3A_879] : memref<2048x1024xf32, #tpu.memory_space<hbm>> -> memref<8x1024xf32, #tpu.memory_space<hbm>>
    %dma_wait3A_881 = arith.constant 0 : i32
    %dma_wait3A_882 = tpu.memref_slice %arg4[%add3A_834, %dma_wait3A_881] : memref<2048x1024xf32, #tpu.memory_space<hbm>> -> memref<8x1024xf32, #tpu.memory_space<hbm>>
    tpu.wait_dma2 semaphore(%arg19 : memref<!tpu.dma_semaphore, #tpu.memory_space<semaphore_mem>>) src(%dma_wait3A_882 : memref<8x1024xf32, #tpu.memory_space<hbm>>) dst(%arg9 : memref<8x1024xf32, #tpu.memory_space<vmem>>)
    %parallel_loop3A = arith.constant 0 : i32
    %parallel_loop3A_883 = arith.constant 8 : i32
    %parallel_loop3A_884 = arith.constant 1 : i32
    scf.for %parallel_loop3A_1544 = %parallel_loop3A to %parallel_loop3A_883 step %parallel_loop3A_884  : i32 {
      %parallel_loop3A_1545 = arith.constant 0 : i32
      %parallel_loop3A_1546 = arith.constant 64 : i32
      %parallel_loop3A_1547 = arith.constant 2 : i32
      scf.for %parallel_loop3A_1548 = %parallel_loop3A_1545 to %parallel_loop3A_1546 step %parallel_loop3A_1547  : i32 {
        %parallel_loop3A_1549 = arith.constant 0 : i32
        %parallel_loop3A_1550 = arith.addi %parallel_loop3A_1548, %parallel_loop3A_1549 : i32
        %parallel_loop3A_1551 = arith.constant 16 : i32
        %parallel_loop3A_1552 = arith.muli %parallel_loop3A_1550, %parallel_loop3A_1551 : i32
        %parallel_loop3A_1553 = arith.index_cast %parallel_loop3A_1544 : i32 to index
        %parallel_loop3A_1554 = arith.index_cast %parallel_loop3A_1552 : i32 to index
        %parallel_loop3A_1555 = tpu.vector_load %arg9[%parallel_loop3A_1553, %parallel_loop3A_1554] {strides = array<i32>} : memref<8x1024xf32, #tpu.memory_space<vmem>>, vector<1x16xf32>,
        %parallel_loop3A_1556 = vector.shape_cast %parallel_loop3A_1555 : vector<1x16xf32> to vector<16xf32>
        %parallel_loop3A_1557 = arith.constant 0 : i32
        %parallel_loop3A_1558 = arith.addi %parallel_loop3A_1557, %parallel_loop3A_1544 : i32
        %parallel_loop3A_1559 = arith.index_cast %parallel_loop3A_1558 : i32 to index
        %parallel_loop3A_1560 = arith.index_cast %parallel_loop3A_1552 : i32 to index
        %parallel_loop3A_1561 = tpu.vector_load %arg6[%parallel_loop3A_1559, %parallel_loop3A_1560] {strides = array<i32>} : memref<32x1024xf32, #tpu.memory_space<vmem>>, vector<1x16xf32>,
        %parallel_loop3A_1562 = vector.shape_cast %parallel_loop3A_1561 : vector<1x16xf32> to vector<16xf32>
        %parallel_loop3A_1563 = vector.shape_cast %parallel_loop3A_1556 : vector<16xf32> to vector<1x16xf32>
        tpu.vector_store %arg6[%parallel_loop3A_1559, %parallel_loop3A_1560], %parallel_loop3A_1563 {add = true, strides = array<i32>} : memref<32x1024xf32, #tpu.memory_space<vmem>>, vector<1x16xf32>,
        %parallel_loop3A_1564 = arith.constant 8 : i32
        %parallel_loop3A_1565 = arith.addi %parallel_loop3A_1564, %parallel_loop3A_1544 : i32
        %parallel_loop3A_1566 = arith.index_cast %parallel_loop3A_1565 : i32 to index
        %parallel_loop3A_1567 = arith.index_cast %parallel_loop3A_1552 : i32 to index
        %parallel_loop3A_1568 = tpu.vector_load %arg6[%parallel_loop3A_1566, %parallel_loop3A_1567] {strides = array<i32>} : memref<32x1024xf32, #tpu.memory_space<vmem>>, vector<1x16xf32>,
        %parallel_loop3A_1569 = vector.shape_cast %parallel_loop3A_1568 : vector<1x16xf32> to vector<16xf32>
        %parallel_loop3A_1570 = vector.shape_cast %parallel_loop3A_1556 : vector<16xf32> to vector<1x16xf32>
        tpu.vector_store %arg6[%parallel_loop3A_1566, %parallel_loop3A_1567], %parallel_loop3A_1570 {add = true, strides = array<i32>} : memref<32x1024xf32, #tpu.memory_space<vmem>>, vector<1x16xf32>,
        %parallel_loop3A_1571 = arith.constant 16 : i32
        %parallel_loop3A_1572 = arith.addi %parallel_loop3A_1571, %parallel_loop3A_1544 : i32
        %parallel_loop3A_1573 = arith.index_cast %parallel_loop3A_1572 : i32 to index
        %parallel_loop3A_1574 = arith.index_cast %parallel_loop3A_1552 : i32 to index
        %parallel_loop3A_1575 = tpu.vector_load %arg6[%parallel_loop3A_1573, %parallel_loop3A_1574] {strides = array<i32>} : memref<32x1024xf32, #tpu.memory_space<vmem>>, vector<1x16xf32>,
        %parallel_loop3A_1576 = vector.shape_cast %parallel_loop3A_1575 : vector<1x16xf32> to vector<16xf32>
        %parallel_loop3A_1577 = vector.shape_cast %parallel_loop3A_1556 : vector<16xf32> to vector<1x16xf32>
        tpu.vector_store %arg6[%parallel_loop3A_1573, %parallel_loop3A_1574], %parallel_loop3A_1577 {add = true, strides = array<i32>} : memref<32x1024xf32, #tpu.memory_space<vmem>>, vector<1x16xf32>,
        %parallel_loop3A_1578 = arith.constant 24 : i32
        %parallel_loop3A_1579 = arith.addi %parallel_loop3A_1578, %parallel_loop3A_1544 : i32
        %parallel_loop3A_1580 = arith.index_cast %parallel_loop3A_1579 : i32 to index
        %parallel_loop3A_1581 = arith.index_cast %parallel_loop3A_1552 : i32 to index
        %parallel_loop3A_1582 = tpu.vector_load %arg6[%parallel_loop3A_1580, %parallel_loop3A_1581] {strides = array<i32>} : memref<32x1024xf32, #tpu.memory_space<vmem>>, vector<1x16xf32>,
        %parallel_loop3A_1583 = vector.shape_cast %parallel_loop3A_1582 : vector<1x16xf32> to vector<16xf32>
        %parallel_loop3A_1584 = vector.shape_cast %parallel_loop3A_1556 : vector<16xf32> to vector<1x16xf32>
        tpu.vector_store %arg6[%parallel_loop3A_1580, %parallel_loop3A_1581], %parallel_loop3A_1584 {add = true, strides = array<i32>} : memref<32x1024xf32, #tpu.memory_space<vmem>>, vector<1x16xf32>,
        %parallel_loop3A_1585 = arith.constant 1 : i32
        %parallel_loop3A_1586 = arith.addi %parallel_loop3A_1548, %parallel_loop3A_1585 : i32
        %parallel_loop3A_1587 = arith.constant 16 : i32
        %parallel_loop3A_1588 = arith.muli %parallel_loop3A_1586, %parallel_loop3A_1587 : i32
        %parallel_loop3A_1589 = arith.index_cast %parallel_loop3A_1544 : i32 to index
        %parallel_loop3A_1590 = arith.index_cast %parallel_loop3A_1588 : i32 to index
        %parallel_loop3A_1591 = tpu.vector_load %arg9[%parallel_loop3A_1589, %parallel_loop3A_1590] {strides = array<i32>} : memref<8x1024xf32, #tpu.memory_space<vmem>>, vector<1x16xf32>,
        %parallel_loop3A_1592 = vector.shape_cast %parallel_loop3A_1591 : vector<1x16xf32> to vector<16xf32>
        %parallel_loop3A_1593 = arith.constant 0 : i32
        %parallel_loop3A_1594 = arith.addi %parallel_loop3A_1593, %parallel_loop3A_1544 : i32
        %parallel_loop3A_1595 = arith.index_cast %parallel_loop3A_1594 : i32 to index
        %parallel_loop3A_1596 = arith.index_cast %parallel_loop3A_1588 : i32 to index
        %parallel_loop3A_1597 = tpu.vector_load %arg6[%parallel_loop3A_1595, %parallel_loop3A_1596] {strides = array<i32>} : memref<32x1024xf32, #tpu.memory_space<vmem>>, vector<1x16xf32>,
        %parallel_loop3A_1598 = vector.shape_cast %parallel_loop3A_1597 : vector<1x16xf32> to vector<16xf32>
        %parallel_loop3A_1599 = vector.shape_cast %parallel_loop3A_1592 : vector<16xf32> to vector<1x16xf32>
        tpu.vector_store %arg6[%parallel_loop3A_1595, %parallel_loop3A_1596], %parallel_loop3A_1599 {add = true, strides = array<i32>} : memref<32x1024xf32, #tpu.memory_space<vmem>>, vector<1x16xf32>,
        %parallel_loop3A_1600 = arith.constant 8 : i32
        %parallel_loop3A_1601 = arith.addi %parallel_loop3A_1600, %parallel_loop3A_1544 : i32
        %parallel_loop3A_1602 = arith.index_cast %parallel_loop3A_1601 : i32 to index
        %parallel_loop3A_1603 = arith.index_cast %parallel_loop3A_1588 : i32 to index
        %parallel_loop3A_1604 = tpu.vector_load %arg6[%parallel_loop3A_1602, %parallel_loop3A_1603] {strides = array<i32>} : memref<32x1024xf32, #tpu.memory_space<vmem>>, vector<1x16xf32>,
        %parallel_loop3A_1605 = vector.shape_cast %parallel_loop3A_1604 : vector<1x16xf32> to vector<16xf32>
        %parallel_loop3A_1606 = vector.shape_cast %parallel_loop3A_1592 : vector<16xf32> to vector<1x16xf32>
        tpu.vector_store %arg6[%parallel_loop3A_1602, %parallel_loop3A_1603], %parallel_loop3A_1606 {add = true, strides = array<i32>} : memref<32x1024xf32, #tpu.memory_space<vmem>>, vector<1x16xf32>,
        %parallel_loop3A_1607 = arith.constant 16 : i32
        %parallel_loop3A_1608 = arith.addi %parallel_loop3A_1607, %parallel_loop3A_1544 : i32
        %parallel_loop3A_1609 = arith.index_cast %parallel_loop3A_1608 : i32 to index
        %parallel_loop3A_1610 = arith.index_cast %parallel_loop3A_1588 : i32 to index
        %parallel_loop3A_1611 = tpu.vector_load %arg6[%parallel_loop3A_1609, %parallel_loop3A_1610] {strides = array<i32>} : memref<32x1024xf32, #tpu.memory_space<vmem>>, vector<1x16xf32>,
        %parallel_loop3A_1612 = vector.shape_cast %parallel_loop3A_1611 : vector<1x16xf32> to vector<16xf32>
        %parallel_loop3A_1613 = vector.shape_cast %parallel_loop3A_1592 : vector<16xf32> to vector<1x16xf32>
        tpu.vector_store %arg6[%parallel_loop3A_1609, %parallel_loop3A_1610], %parallel_loop3A_1613 {add = true, strides = array<i32>} : memref<32x1024xf32, #tpu.memory_space<vmem>>, vector<1x16xf32>,
        %parallel_loop3A_1614 = arith.constant 24 : i32
        %parallel_loop3A_1615 = arith.addi %parallel_loop3A_1614, %parallel_loop3A_1544 : i32
        %parallel_loop3A_1616 = arith.index_cast %parallel_loop3A_1615 : i32 to index
        %parallel_loop3A_1617 = arith.index_cast %parallel_loop3A_1588 : i32 to index
        %parallel_loop3A_1618 = tpu.vector_load %arg6[%parallel_loop3A_1616, %parallel_loop3A_1617] {strides = array<i32>} : memref<32x1024xf32, #tpu.memory_space<vmem>>, vector<1x16xf32>,
        %parallel_loop3A_1619 = vector.shape_cast %parallel_loop3A_1618 : vector<1x16xf32> to vector<16xf32>
        %parallel_loop3A_1620 = vector.shape_cast %parallel_loop3A_1592 : vector<16xf32> to vector<1x16xf32>
        tpu.vector_store %arg6[%parallel_loop3A_1616, %parallel_loop3A_1617], %parallel_loop3A_1620 {add = true, strides = array<i32>} : memref<32x1024xf32, #tpu.memory_space<vmem>>, vector<1x16xf32>,
      } {sc.loop_unroll_factor = 1 : i64, sc.parallel_access}
    } {sc.loop_unroll_factor = 1 : i64, sc.parallel_access}
    %add3A_885 = arith.constant 0 : i32
    %add3A_886 = arith.addi %add3A_885, %mul3A_2 : i32
    %add3A_887 = arith.constant 0 : i32
    %add3A_888 = arith.addi %add3A_886, %add3A_887 : i32
    %dma_start3A_889 = arith.constant 0 : i32
    %dma_start3A_890 = arith.constant 0 : i32
    %dma_start3A_891 = tpu.memref_slice %arg6[%dma_start3A_889, %dma_start3A_890] : memref<32x1024xf32, #tpu.memory_space<vmem>> -> memref<8x1024xf32, #tpu.memory_space<vmem>>
    %dma_start3A_892 = arith.constant 0 : i32
    %dma_start3A_893 = tpu.memref_slice %arg5[%add3A_888, %dma_start3A_892] : memref<8192x1024xf32, #tpu.memory_space<hbm>> -> memref<8x1024xf32, #tpu.memory_space<hbm>>
    %dma_start3A_894 = arith.constant 0 : i32
    %dma_start3A_895 = tpu.memref_slice %arg5[%add3A_888, %dma_start3A_894] : memref<8192x1024xf32, #tpu.memory_space<hbm>> -> memref<8x1024xf32, #tpu.memory_space<hbm>>
    %dma_start3A_896 = arith.constant 0 : i32
    %dma_start3A_897 = arith.constant 0 : i32
    %dma_start3A_898 = tpu.memref_slice %arg6[%dma_start3A_896, %dma_start3A_897] : memref<32x1024xf32, #tpu.memory_space<vmem>> -> memref<8x1024xf32, #tpu.memory_space<vmem>>
    tpu.enqueue_dma source(%dma_start3A_898 : memref<8x1024xf32, #tpu.memory_space<vmem>>) target(%dma_start3A_895 : memref<8x1024xf32, #tpu.memory_space<hbm>>) target_semaphore(%arg16 : memref<!tpu.dma_semaphore, #tpu.memory_space<semaphore_mem>>)
    %add3A_899 = arith.constant 2048 : i32
    %add3A_900 = arith.addi %add3A_899, %mul3A_2 : i32
    %add3A_901 = arith.constant 0 : i32
    %add3A_902 = arith.addi %add3A_900, %add3A_901 : i32
    %dma_start3A_903 = arith.constant 8 : i32
    %dma_start3A_904 = arith.constant 0 : i32
    %dma_start3A_905 = tpu.memref_slice %arg6[%dma_start3A_903, %dma_start3A_904] : memref<32x1024xf32, #tpu.memory_space<vmem>> -> memref<8x1024xf32, #tpu.memory_space<vmem>>
    %dma_start3A_906 = arith.constant 0 : i32
    %dma_start3A_907 = tpu.memref_slice %arg5[%add3A_902, %dma_start3A_906] : memref<8192x1024xf32, #tpu.memory_space<hbm>> -> memref<8x1024xf32, #tpu.memory_space<hbm>>
    %dma_start3A_908 = arith.constant 0 : i32
    %dma_start3A_909 = tpu.memref_slice %arg5[%add3A_902, %dma_start3A_908] : memref<8192x1024xf32, #tpu.memory_space<hbm>> -> memref<8x1024xf32, #tpu.memory_space<hbm>>
    %dma_start3A_910 = arith.constant 8 : i32
    %dma_start3A_911 = arith.constant 0 : i32
    %dma_start3A_912 = tpu.memref_slice %arg6[%dma_start3A_910, %dma_start3A_911] : memref<32x1024xf32, #tpu.memory_space<vmem>> -> memref<8x1024xf32, #tpu.memory_space<vmem>>
    tpu.enqueue_dma source(%dma_start3A_912 : memref<8x1024xf32, #tpu.memory_space<vmem>>) target(%dma_start3A_909 : memref<8x1024xf32, #tpu.memory_space<hbm>>) target_semaphore(%arg16 : memref<!tpu.dma_semaphore, #tpu.memory_space<semaphore_mem>>)
    %add3A_913 = arith.constant 4096 : i32
    %add3A_914 = arith.addi %add3A_913, %mul3A_2 : i32
    %add3A_915 = arith.constant 0 : i32
    %add3A_916 = arith.addi %add3A_914, %add3A_915 : i32
    %dma_start3A_917 = arith.constant 16 : i32
    %dma_start3A_918 = arith.constant 0 : i32
    %dma_start3A_919 = tpu.memref_slice %arg6[%dma_start3A_917, %dma_start3A_918] : memref<32x1024xf32, #tpu.memory_space<vmem>> -> memref<8x1024xf32, #tpu.memory_space<vmem>>
    %dma_start3A_920 = arith.constant 0 : i32
    %dma_start3A_921 = tpu.memref_slice %arg5[%add3A_916, %dma_start3A_920] : memref<8192x1024xf32, #tpu.memory_space<hbm>> -> memref<8x1024xf32, #tpu.memory_space<hbm>>
    %dma_start3A_922 = arith.constant 0 : i32
    %dma_start3A_923 = tpu.memref_slice %arg5[%add3A_916, %dma_start3A_922] : memref<8192x1024xf32, #tpu.memory_space<hbm>> -> memref<8x1024xf32, #tpu.memory_space<hbm>>
    %dma_start3A_924 = arith.constant 16 : i32
    %dma_start3A_925 = arith.constant 0 : i32
    %dma_start3A_926 = tpu.memref_slice %arg6[%dma_start3A_924, %dma_start3A_925] : memref<32x1024xf32, #tpu.memory_space<vmem>> -> memref<8x1024xf32, #tpu.memory_space<vmem>>
    tpu.enqueue_dma source(%dma_start3A_926 : memref<8x1024xf32, #tpu.memory_space<vmem>>) target(%dma_start3A_923 : memref<8x1024xf32, #tpu.memory_space<hbm>>) target_semaphore(%arg16 : memref<!tpu.dma_semaphore, #tpu.memory_space<semaphore_mem>>)
    %add3A_927 = arith.constant 6144 : i32
    %add3A_928 = arith.addi %add3A_927, %mul3A_2 : i32
    %add3A_929 = arith.constant 0 : i32
    %add3A_930 = arith.addi %add3A_928, %add3A_929 : i32
    %dma_start3A_931 = arith.constant 24 : i32
    %dma_start3A_932 = arith.constant 0 : i32
    %dma_start3A_933 = tpu.memref_slice %arg6[%dma_start3A_931, %dma_start3A_932] : memref<32x1024xf32, #tpu.memory_space<vmem>> -> memref<8x1024xf32, #tpu.memory_space<vmem>>
    %dma_start3A_934 = arith.constant 0 : i32
    %dma_start3A_935 = tpu.memref_slice %arg5[%add3A_930, %dma_start3A_934] : memref<8192x1024xf32, #tpu.memory_space<hbm>> -> memref<8x1024xf32, #tpu.memory_space<hbm>>
    %dma_start3A_936 = arith.constant 0 : i32
    %dma_start3A_937 = tpu.memref_slice %arg5[%add3A_930, %dma_start3A_936] : memref<8192x1024xf32, #tpu.memory_space<hbm>> -> memref<8x1024xf32, #tpu.memory_space<hbm>>
    %dma_start3A_938 = arith.constant 24 : i32
    %dma_start3A_939 = arith.constant 0 : i32
    %dma_start3A_940 = tpu.memref_slice %arg6[%dma_start3A_938, %dma_start3A_939] : memref<32x1024xf32, #tpu.memory_space<vmem>> -> memref<8x1024xf32, #tpu.memory_space<vmem>>
    tpu.enqueue_dma source(%dma_start3A_940 : memref<8x1024xf32, #tpu.memory_space<vmem>>) target(%dma_start3A_937 : memref<8x1024xf32, #tpu.memory_space<hbm>>) target_semaphore(%arg16 : memref<!tpu.dma_semaphore, #tpu.memory_space<semaphore_mem>>)
    %dma_wait3A_941 = arith.constant 0 : i32
    %dma_wait3A_942 = arith.constant 0 : i32
    %dma_wait3A_943 = tpu.memref_slice %arg3[%dma_wait3A_941, %dma_wait3A_942] : memref<100000x1024xf32, #tpu.memory_space<hbm>> -> memref<32x1024xf32, #tpu.memory_space<hbm>>
    %dma_wait3A_944 = arith.constant 0 : i32
    %dma_wait3A_945 = arith.constant 0 : i32
    %dma_wait3A_946 = tpu.memref_slice %arg3[%dma_wait3A_944, %dma_wait3A_945] : memref<100000x1024xf32, #tpu.memory_space<hbm>> -> memref<32x1024xf32, #tpu.memory_space<hbm>>
    tpu.wait_dma2 semaphore(%arg16 : memref<!tpu.dma_semaphore, #tpu.memory_space<semaphore_mem>>) src(%dma_wait3A_946 : memref<32x1024xf32, #tpu.memory_space<hbm>>) dst(%arg6 : memref<32x1024xf32, #tpu.memory_space<vmem>>)
    %dma_start3A_947 = arith.constant 3 : i32
    %dma_start3A_948 = arith.constant 0 : i32
    %dma_start3A_949 = tpu.memref_slice %arg12[%dma_start3A_947, %dma_start3A_948] : memref<8x32xi32, #tpu.memory_space<vmem>> -> memref<1x32xi32, #tpu.memory_space<vmem>>
    %dma_start3A_950 = tpu.memref_squeeze %dma_start3A_949 : memref<1x32xi32, #tpu.memory_space<vmem>> -> memref<32xi32, #tpu.memory_space<vmem>>
    %dma_start3A_951 = arith.constant 0 : i32
    %dma_start3A_952 = arith.constant 0 : i32
    %dma_start3A_953 = tpu.memref_slice %arg3[%dma_start3A_951, %dma_start3A_952] : memref<100000x1024xf32, #tpu.memory_space<hbm>> -> memref<100000x1024xf32, #tpu.memory_space<hbm>>
    tpu.enqueue_indirect_dma source(%dma_start3A_953 : memref<100000x1024xf32, #tpu.memory_space<hbm>>) target(%arg6 : memref<32x1024xf32, #tpu.memory_space<vmem>>) offsets(%dma_start3A_950 : memref<32xi32, #tpu.memory_space<vmem>>) semaphore(%arg13 : memref<!tpu.dma_semaphore, #tpu.memory_space<semaphore_mem>>)
    %add3A_954 = arith.constant 24 : i32
    %add3A_955 = arith.addi %mul3A_2, %add3A_954 : i32
    %dma_start3A_956 = arith.constant 0 : i32
    %dma_start3A_957 = tpu.memref_slice %arg4[%add3A_955, %dma_start3A_956] : memref<2048x1024xf32, #tpu.memory_space<hbm>> -> memref<8x1024xf32, #tpu.memory_space<hbm>>
    %dma_start3A_958 = arith.constant 0 : i32
    %dma_start3A_959 = tpu.memref_slice %arg4[%add3A_955, %dma_start3A_958] : memref<2048x1024xf32, #tpu.memory_space<hbm>> -> memref<8x1024xf32, #tpu.memory_space<hbm>>
    tpu.enqueue_dma source(%dma_start3A_959 : memref<8x1024xf32, #tpu.memory_space<hbm>>) target(%arg9 : memref<8x1024xf32, #tpu.memory_space<vmem>>) target_semaphore(%arg19 : memref<!tpu.dma_semaphore, #tpu.memory_space<semaphore_mem>>)
    %dma_wait3A_960 = arith.constant 1 : i32
    %dma_wait3A_961 = arith.constant 0 : i32
    %dma_wait3A_962 = tpu.memref_slice %arg12[%dma_wait3A_960, %dma_wait3A_961] : memref<8x32xi32, #tpu.memory_space<vmem>> -> memref<1x32xi32, #tpu.memory_space<vmem>>
    %dma_wait3A_963 = tpu.memref_squeeze %dma_wait3A_962 : memref<1x32xi32, #tpu.memory_space<vmem>> -> memref<32xi32, #tpu.memory_space<vmem>>
    %dma_wait3A_964 = arith.constant 0 : i32
    %dma_wait3A_965 = arith.constant 0 : i32
    %dma_wait3A_966 = tpu.memref_slice %arg3[%dma_wait3A_964, %dma_wait3A_965] : memref<100000x1024xf32, #tpu.memory_space<hbm>> -> memref<100000x1024xf32, #tpu.memory_space<hbm>>
    tpu.wait_indirect_dma semaphore(%arg14 : memref<!tpu.dma_semaphore, #tpu.memory_space<semaphore_mem>>) src(%dma_wait3A_966 : memref<100000x1024xf32, #tpu.memory_space<hbm>>) dst(%arg7 : memref<32x1024xf32, #tpu.memory_space<vmem>>)
    %dma_wait3A_967 = arith.constant 0 : i32
    %dma_wait3A_968 = tpu.memref_slice %arg4[%add3A_847, %dma_wait3A_967] : memref<2048x1024xf32, #tpu.memory_space<hbm>> -> memref<8x1024xf32, #tpu.memory_space<hbm>>
    %dma_wait3A_969 = arith.constant 0 : i32
    %dma_wait3A_970 = tpu.memref_slice %arg4[%add3A_847, %dma_wait3A_969] : memref<2048x1024xf32, #tpu.memory_space<hbm>> -> memref<8x1024xf32, #tpu.memory_space<hbm>>
    tpu.wait_dma2 semaphore(%arg20 : memref<!tpu.dma_semaphore, #tpu.memory_space<semaphore_mem>>) src(%dma_wait3A_970 : memref<8x1024xf32, #tpu.memory_space<hbm>>) dst(%arg10 : memref<8x1024xf32, #tpu.memory_space<vmem>>)
    %parallel_loop3A_971 = arith.constant 0 : i32
    %parallel_loop3A_972 = arith.constant 8 : i32
    %parallel_loop3A_973 = arith.constant 1 : i32
    scf.for %parallel_loop3A_1544 = %parallel_loop3A_971 to %parallel_loop3A_972 step %parallel_loop3A_973  : i32 {
      %parallel_loop3A_1545 = arith.constant 0 : i32
      %parallel_loop3A_1546 = arith.constant 64 : i32
      %parallel_loop3A_1547 = arith.constant 2 : i32
      scf.for %parallel_loop3A_1548 = %parallel_loop3A_1545 to %parallel_loop3A_1546 step %parallel_loop3A_1547  : i32 {
        %parallel_loop3A_1549 = arith.constant 0 : i32
        %parallel_loop3A_1550 = arith.addi %parallel_loop3A_1548, %parallel_loop3A_1549 : i32
        %parallel_loop3A_1551 = arith.constant 16 : i32
        %parallel_loop3A_1552 = arith.muli %parallel_loop3A_1550, %parallel_loop3A_1551 : i32
        %parallel_loop3A_1553 = arith.index_cast %parallel_loop3A_1544 : i32 to index
        %parallel_loop3A_1554 = arith.index_cast %parallel_loop3A_1552 : i32 to index
        %parallel_loop3A_1555 = tpu.vector_load %arg10[%parallel_loop3A_1553, %parallel_loop3A_1554] {strides = array<i32>} : memref<8x1024xf32, #tpu.memory_space<vmem>>, vector<1x16xf32>,
        %parallel_loop3A_1556 = vector.shape_cast %parallel_loop3A_1555 : vector<1x16xf32> to vector<16xf32>
        %parallel_loop3A_1557 = arith.constant 0 : i32
        %parallel_loop3A_1558 = arith.addi %parallel_loop3A_1557, %parallel_loop3A_1544 : i32
        %parallel_loop3A_1559 = arith.index_cast %parallel_loop3A_1558 : i32 to index
        %parallel_loop3A_1560 = arith.index_cast %parallel_loop3A_1552 : i32 to index
        %parallel_loop3A_1561 = tpu.vector_load %arg7[%parallel_loop3A_1559, %parallel_loop3A_1560] {strides = array<i32>} : memref<32x1024xf32, #tpu.memory_space<vmem>>, vector<1x16xf32>,
        %parallel_loop3A_1562 = vector.shape_cast %parallel_loop3A_1561 : vector<1x16xf32> to vector<16xf32>
        %parallel_loop3A_1563 = vector.shape_cast %parallel_loop3A_1556 : vector<16xf32> to vector<1x16xf32>
        tpu.vector_store %arg7[%parallel_loop3A_1559, %parallel_loop3A_1560], %parallel_loop3A_1563 {add = true, strides = array<i32>} : memref<32x1024xf32, #tpu.memory_space<vmem>>, vector<1x16xf32>,
        %parallel_loop3A_1564 = arith.constant 8 : i32
        %parallel_loop3A_1565 = arith.addi %parallel_loop3A_1564, %parallel_loop3A_1544 : i32
        %parallel_loop3A_1566 = arith.index_cast %parallel_loop3A_1565 : i32 to index
        %parallel_loop3A_1567 = arith.index_cast %parallel_loop3A_1552 : i32 to index
        %parallel_loop3A_1568 = tpu.vector_load %arg7[%parallel_loop3A_1566, %parallel_loop3A_1567] {strides = array<i32>} : memref<32x1024xf32, #tpu.memory_space<vmem>>, vector<1x16xf32>,
        %parallel_loop3A_1569 = vector.shape_cast %parallel_loop3A_1568 : vector<1x16xf32> to vector<16xf32>
        %parallel_loop3A_1570 = vector.shape_cast %parallel_loop3A_1556 : vector<16xf32> to vector<1x16xf32>
        tpu.vector_store %arg7[%parallel_loop3A_1566, %parallel_loop3A_1567], %parallel_loop3A_1570 {add = true, strides = array<i32>} : memref<32x1024xf32, #tpu.memory_space<vmem>>, vector<1x16xf32>,
        %parallel_loop3A_1571 = arith.constant 16 : i32
        %parallel_loop3A_1572 = arith.addi %parallel_loop3A_1571, %parallel_loop3A_1544 : i32
        %parallel_loop3A_1573 = arith.index_cast %parallel_loop3A_1572 : i32 to index
        %parallel_loop3A_1574 = arith.index_cast %parallel_loop3A_1552 : i32 to index
        %parallel_loop3A_1575 = tpu.vector_load %arg7[%parallel_loop3A_1573, %parallel_loop3A_1574] {strides = array<i32>} : memref<32x1024xf32, #tpu.memory_space<vmem>>, vector<1x16xf32>,
        %parallel_loop3A_1576 = vector.shape_cast %parallel_loop3A_1575 : vector<1x16xf32> to vector<16xf32>
        %parallel_loop3A_1577 = vector.shape_cast %parallel_loop3A_1556 : vector<16xf32> to vector<1x16xf32>
        tpu.vector_store %arg7[%parallel_loop3A_1573, %parallel_loop3A_1574], %parallel_loop3A_1577 {add = true, strides = array<i32>} : memref<32x1024xf32, #tpu.memory_space<vmem>>, vector<1x16xf32>,
        %parallel_loop3A_1578 = arith.constant 24 : i32
        %parallel_loop3A_1579 = arith.addi %parallel_loop3A_1578, %parallel_loop3A_1544 : i32
        %parallel_loop3A_1580 = arith.index_cast %parallel_loop3A_1579 : i32 to index
        %parallel_loop3A_1581 = arith.index_cast %parallel_loop3A_1552 : i32 to index
        %parallel_loop3A_1582 = tpu.vector_load %arg7[%parallel_loop3A_1580, %parallel_loop3A_1581] {strides = array<i32>} : memref<32x1024xf32, #tpu.memory_space<vmem>>, vector<1x16xf32>,
        %parallel_loop3A_1583 = vector.shape_cast %parallel_loop3A_1582 : vector<1x16xf32> to vector<16xf32>
        %parallel_loop3A_1584 = vector.shape_cast %parallel_loop3A_1556 : vector<16xf32> to vector<1x16xf32>
        tpu.vector_store %arg7[%parallel_loop3A_1580, %parallel_loop3A_1581], %parallel_loop3A_1584 {add = true, strides = array<i32>} : memref<32x1024xf32, #tpu.memory_space<vmem>>, vector<1x16xf32>,
        %parallel_loop3A_1585 = arith.constant 1 : i32
        %parallel_loop3A_1586 = arith.addi %parallel_loop3A_1548, %parallel_loop3A_1585 : i32
        %parallel_loop3A_1587 = arith.constant 16 : i32
        %parallel_loop3A_1588 = arith.muli %parallel_loop3A_1586, %parallel_loop3A_1587 : i32
        %parallel_loop3A_1589 = arith.index_cast %parallel_loop3A_1544 : i32 to index
        %parallel_loop3A_1590 = arith.index_cast %parallel_loop3A_1588 : i32 to index
        %parallel_loop3A_1591 = tpu.vector_load %arg10[%parallel_loop3A_1589, %parallel_loop3A_1590] {strides = array<i32>} : memref<8x1024xf32, #tpu.memory_space<vmem>>, vector<1x16xf32>,
        %parallel_loop3A_1592 = vector.shape_cast %parallel_loop3A_1591 : vector<1x16xf32> to vector<16xf32>
        %parallel_loop3A_1593 = arith.constant 0 : i32
        %parallel_loop3A_1594 = arith.addi %parallel_loop3A_1593, %parallel_loop3A_1544 : i32
        %parallel_loop3A_1595 = arith.index_cast %parallel_loop3A_1594 : i32 to index
        %parallel_loop3A_1596 = arith.index_cast %parallel_loop3A_1588 : i32 to index
        %parallel_loop3A_1597 = tpu.vector_load %arg7[%parallel_loop3A_1595, %parallel_loop3A_1596] {strides = array<i32>} : memref<32x1024xf32, #tpu.memory_space<vmem>>, vector<1x16xf32>,
        %parallel_loop3A_1598 = vector.shape_cast %parallel_loop3A_1597 : vector<1x16xf32> to vector<16xf32>
        %parallel_loop3A_1599 = vector.shape_cast %parallel_loop3A_1592 : vector<16xf32> to vector<1x16xf32>
        tpu.vector_store %arg7[%parallel_loop3A_1595, %parallel_loop3A_1596], %parallel_loop3A_1599 {add = true, strides = array<i32>} : memref<32x1024xf32, #tpu.memory_space<vmem>>, vector<1x16xf32>,
        %parallel_loop3A_1600 = arith.constant 8 : i32
        %parallel_loop3A_1601 = arith.addi %parallel_loop3A_1600, %parallel_loop3A_1544 : i32
        %parallel_loop3A_1602 = arith.index_cast %parallel_loop3A_1601 : i32 to index
        %parallel_loop3A_1603 = arith.index_cast %parallel_loop3A_1588 : i32 to index
        %parallel_loop3A_1604 = tpu.vector_load %arg7[%parallel_loop3A_1602, %parallel_loop3A_1603] {strides = array<i32>} : memref<32x1024xf32, #tpu.memory_space<vmem>>, vector<1x16xf32>,
        %parallel_loop3A_1605 = vector.shape_cast %parallel_loop3A_1604 : vector<1x16xf32> to vector<16xf32>
        %parallel_loop3A_1606 = vector.shape_cast %parallel_loop3A_1592 : vector<16xf32> to vector<1x16xf32>
        tpu.vector_store %arg7[%parallel_loop3A_1602, %parallel_loop3A_1603], %parallel_loop3A_1606 {add = true, strides = array<i32>} : memref<32x1024xf32, #tpu.memory_space<vmem>>, vector<1x16xf32>,
        %parallel_loop3A_1607 = arith.constant 16 : i32
        %parallel_loop3A_1608 = arith.addi %parallel_loop3A_1607, %parallel_loop3A_1544 : i32
        %parallel_loop3A_1609 = arith.index_cast %parallel_loop3A_1608 : i32 to index
        %parallel_loop3A_1610 = arith.index_cast %parallel_loop3A_1588 : i32 to index
        %parallel_loop3A_1611 = tpu.vector_load %arg7[%parallel_loop3A_1609, %parallel_loop3A_1610] {strides = array<i32>} : memref<32x1024xf32, #tpu.memory_space<vmem>>, vector<1x16xf32>,
        %parallel_loop3A_1612 = vector.shape_cast %parallel_loop3A_1611 : vector<1x16xf32> to vector<16xf32>
        %parallel_loop3A_1613 = vector.shape_cast %parallel_loop3A_1592 : vector<16xf32> to vector<1x16xf32>
        tpu.vector_store %arg7[%parallel_loop3A_1609, %parallel_loop3A_1610], %parallel_loop3A_1613 {add = true, strides = array<i32>} : memref<32x1024xf32, #tpu.memory_space<vmem>>, vector<1x16xf32>,
        %parallel_loop3A_1614 = arith.constant 24 : i32
        %parallel_loop3A_1615 = arith.addi %parallel_loop3A_1614, %parallel_loop3A_1544 : i32
        %parallel_loop3A_1616 = arith.index_cast %parallel_loop3A_1615 : i32 to index
        %parallel_loop3A_1617 = arith.index_cast %parallel_loop3A_1588 : i32 to index
        %parallel_loop3A_1618 = tpu.vector_load %arg7[%parallel_loop3A_1616, %parallel_loop3A_1617] {strides = array<i32>} : memref<32x1024xf32, #tpu.memory_space<vmem>>, vector<1x16xf32>,
        %parallel_loop3A_1619 = vector.shape_cast %parallel_loop3A_1618 : vector<1x16xf32> to vector<16xf32>
        %parallel_loop3A_1620 = vector.shape_cast %parallel_loop3A_1592 : vector<16xf32> to vector<1x16xf32>
        tpu.vector_store %arg7[%parallel_loop3A_1616, %parallel_loop3A_1617], %parallel_loop3A_1620 {add = true, strides = array<i32>} : memref<32x1024xf32, #tpu.memory_space<vmem>>, vector<1x16xf32>,
      } {sc.loop_unroll_factor = 1 : i64, sc.parallel_access}
    } {sc.loop_unroll_factor = 1 : i64, sc.parallel_access}
    %add3A_974 = arith.constant 0 : i32
    %add3A_975 = arith.addi %add3A_974, %mul3A_2 : i32
    %add3A_976 = arith.constant 8 : i32
    %add3A_977 = arith.addi %add3A_975, %add3A_976 : i32
    %dma_start3A_978 = arith.constant 0 : i32
    %dma_start3A_979 = arith.constant 0 : i32
    %dma_start3A_980 = tpu.memref_slice %arg7[%dma_start3A_978, %dma_start3A_979] : memref<32x1024xf32, #tpu.memory_space<vmem>> -> memref<8x1024xf32, #tpu.memory_space<vmem>>
    %dma_start3A_981 = arith.constant 0 : i32
    %dma_start3A_982 = tpu.memref_slice %arg5[%add3A_977, %dma_start3A_981] : memref<8192x1024xf32, #tpu.memory_space<hbm>> -> memref<8x1024xf32, #tpu.memory_space<hbm>>
    %dma_start3A_983 = arith.constant 0 : i32
    %dma_start3A_984 = tpu.memref_slice %arg5[%add3A_977, %dma_start3A_983] : memref<8192x1024xf32, #tpu.memory_space<hbm>> -> memref<8x1024xf32, #tpu.memory_space<hbm>>
    %dma_start3A_985 = arith.constant 0 : i32
    %dma_start3A_986 = arith.constant 0 : i32
    %dma_start3A_987 = tpu.memref_slice %arg7[%dma_start3A_985, %dma_start3A_986] : memref<32x1024xf32, #tpu.memory_space<vmem>> -> memref<8x1024xf32, #tpu.memory_space<vmem>>
    tpu.enqueue_dma source(%dma_start3A_987 : memref<8x1024xf32, #tpu.memory_space<vmem>>) target(%dma_start3A_984 : memref<8x1024xf32, #tpu.memory_space<hbm>>) target_semaphore(%arg17 : memref<!tpu.dma_semaphore, #tpu.memory_space<semaphore_mem>>)
    %add3A_988 = arith.constant 2048 : i32
    %add3A_989 = arith.addi %add3A_988, %mul3A_2 : i32
    %add3A_990 = arith.constant 8 : i32
    %add3A_991 = arith.addi %add3A_989, %add3A_990 : i32
    %dma_start3A_992 = arith.constant 8 : i32
    %dma_start3A_993 = arith.constant 0 : i32
    %dma_start3A_994 = tpu.memref_slice %arg7[%dma_start3A_992, %dma_start3A_993] : memref<32x1024xf32, #tpu.memory_space<vmem>> -> memref<8x1024xf32, #tpu.memory_space<vmem>>
    %dma_start3A_995 = arith.constant 0 : i32
    %dma_start3A_996 = tpu.memref_slice %arg5[%add3A_991, %dma_start3A_995] : memref<8192x1024xf32, #tpu.memory_space<hbm>> -> memref<8x1024xf32, #tpu.memory_space<hbm>>
    %dma_start3A_997 = arith.constant 0 : i32
    %dma_start3A_998 = tpu.memref_slice %arg5[%add3A_991, %dma_start3A_997] : memref<8192x1024xf32, #tpu.memory_space<hbm>> -> memref<8x1024xf32, #tpu.memory_space<hbm>>
    %dma_start3A_999 = arith.constant 8 : i32
    %dma_start3A_1000 = arith.constant 0 : i32
    %dma_start3A_1001 = tpu.memref_slice %arg7[%dma_start3A_999, %dma_start3A_1000] : memref<32x1024xf32, #tpu.memory_space<vmem>> -> memref<8x1024xf32, #tpu.memory_space<vmem>>
    tpu.enqueue_dma source(%dma_start3A_1001 : memref<8x1024xf32, #tpu.memory_space<vmem>>) target(%dma_start3A_998 : memref<8x1024xf32, #tpu.memory_space<hbm>>) target_semaphore(%arg17 : memref<!tpu.dma_semaphore, #tpu.memory_space<semaphore_mem>>)
    %add3A_1002 = arith.constant 4096 : i32
    %add3A_1003 = arith.addi %add3A_1002, %mul3A_2 : i32
    %add3A_1004 = arith.constant 8 : i32
    %add3A_1005 = arith.addi %add3A_1003, %add3A_1004 : i32
    %dma_start3A_1006 = arith.constant 16 : i32
    %dma_start3A_1007 = arith.constant 0 : i32
    %dma_start3A_1008 = tpu.memref_slice %arg7[%dma_start3A_1006, %dma_start3A_1007] : memref<32x1024xf32, #tpu.memory_space<vmem>> -> memref<8x1024xf32, #tpu.memory_space<vmem>>
    %dma_start3A_1009 = arith.constant 0 : i32
    %dma_start3A_1010 = tpu.memref_slice %arg5[%add3A_1005, %dma_start3A_1009] : memref<8192x1024xf32, #tpu.memory_space<hbm>> -> memref<8x1024xf32, #tpu.memory_space<hbm>>
    %dma_start3A_1011 = arith.constant 0 : i32
    %dma_start3A_1012 = tpu.memref_slice %arg5[%add3A_1005, %dma_start3A_1011] : memref<8192x1024xf32, #tpu.memory_space<hbm>> -> memref<8x1024xf32, #tpu.memory_space<hbm>>
    %dma_start3A_1013 = arith.constant 16 : i32
    %dma_start3A_1014 = arith.constant 0 : i32
    %dma_start3A_1015 = tpu.memref_slice %arg7[%dma_start3A_1013, %dma_start3A_1014] : memref<32x1024xf32, #tpu.memory_space<vmem>> -> memref<8x1024xf32, #tpu.memory_space<vmem>>
    tpu.enqueue_dma source(%dma_start3A_1015 : memref<8x1024xf32, #tpu.memory_space<vmem>>) target(%dma_start3A_1012 : memref<8x1024xf32, #tpu.memory_space<hbm>>) target_semaphore(%arg17 : memref<!tpu.dma_semaphore, #tpu.memory_space<semaphore_mem>>)
    %add3A_1016 = arith.constant 6144 : i32
    %add3A_1017 = arith.addi %add3A_1016, %mul3A_2 : i32
    %add3A_1018 = arith.constant 8 : i32
    %add3A_1019 = arith.addi %add3A_1017, %add3A_1018 : i32
    %dma_start3A_1020 = arith.constant 24 : i32
    %dma_start3A_1021 = arith.constant 0 : i32
    %dma_start3A_1022 = tpu.memref_slice %arg7[%dma_start3A_1020, %dma_start3A_1021] : memref<32x1024xf32, #tpu.memory_space<vmem>> -> memref<8x1024xf32, #tpu.memory_space<vmem>>
    %dma_start3A_1023 = arith.constant 0 : i32
    %dma_start3A_1024 = tpu.memref_slice %arg5[%add3A_1019, %dma_start3A_1023] : memref<8192x1024xf32, #tpu.memory_space<hbm>> -> memref<8x1024xf32, #tpu.memory_space<hbm>>
    %dma_start3A_1025 = arith.constant 0 : i32
    %dma_start3A_1026 = tpu.memref_slice %arg5[%add3A_1019, %dma_start3A_1025] : memref<8192x1024xf32, #tpu.memory_space<hbm>> -> memref<8x1024xf32, #tpu.memory_space<hbm>>
    %dma_start3A_1027 = arith.constant 24 : i32
    %dma_start3A_1028 = arith.constant 0 : i32
    %dma_start3A_1029 = tpu.memref_slice %arg7[%dma_start3A_1027, %dma_start3A_1028] : memref<32x1024xf32, #tpu.memory_space<vmem>> -> memref<8x1024xf32, #tpu.memory_space<vmem>>
    tpu.enqueue_dma source(%dma_start3A_1029 : memref<8x1024xf32, #tpu.memory_space<vmem>>) target(%dma_start3A_1026 : memref<8x1024xf32, #tpu.memory_space<hbm>>) target_semaphore(%arg17 : memref<!tpu.dma_semaphore, #tpu.memory_space<semaphore_mem>>)
    %dma_wait3A_1030 = arith.constant 0 : i32
    %dma_wait3A_1031 = arith.constant 0 : i32
    %dma_wait3A_1032 = tpu.memref_slice %arg3[%dma_wait3A_1030, %dma_wait3A_1031] : memref<100000x1024xf32, #tpu.memory_space<hbm>> -> memref<32x1024xf32, #tpu.memory_space<hbm>>
    %dma_wait3A_1033 = arith.constant 0 : i32
    %dma_wait3A_1034 = arith.constant 0 : i32
    %dma_wait3A_1035 = tpu.memref_slice %arg3[%dma_wait3A_1033, %dma_wait3A_1034] : memref<100000x1024xf32, #tpu.memory_space<hbm>> -> memref<32x1024xf32, #tpu.memory_space<hbm>>
    tpu.wait_dma2 semaphore(%arg17 : memref<!tpu.dma_semaphore, #tpu.memory_space<semaphore_mem>>) src(%dma_wait3A_1035 : memref<32x1024xf32, #tpu.memory_space<hbm>>) dst(%arg7 : memref<32x1024xf32, #tpu.memory_space<vmem>>)
    %dma_start3A_1036 = arith.constant 4 : i32
    %dma_start3A_1037 = arith.constant 0 : i32
    %dma_start3A_1038 = tpu.memref_slice %arg12[%dma_start3A_1036, %dma_start3A_1037] : memref<8x32xi32, #tpu.memory_space<vmem>> -> memref<1x32xi32, #tpu.memory_space<vmem>>
    %dma_start3A_1039 = tpu.memref_squeeze %dma_start3A_1038 : memref<1x32xi32, #tpu.memory_space<vmem>> -> memref<32xi32, #tpu.memory_space<vmem>>
    %dma_start3A_1040 = arith.constant 0 : i32
    %dma_start3A_1041 = arith.constant 0 : i32
    %dma_start3A_1042 = tpu.memref_slice %arg3[%dma_start3A_1040, %dma_start3A_1041] : memref<100000x1024xf32, #tpu.memory_space<hbm>> -> memref<100000x1024xf32, #tpu.memory_space<hbm>>
    tpu.enqueue_indirect_dma source(%dma_start3A_1042 : memref<100000x1024xf32, #tpu.memory_space<hbm>>) target(%arg7 : memref<32x1024xf32, #tpu.memory_space<vmem>>) offsets(%dma_start3A_1039 : memref<32xi32, #tpu.memory_space<vmem>>) semaphore(%arg14 : memref<!tpu.dma_semaphore, #tpu.memory_space<semaphore_mem>>)
    %add3A_1043 = arith.constant 32 : i32
    %add3A_1044 = arith.addi %mul3A_2, %add3A_1043 : i32
    %dma_start3A_1045 = arith.constant 0 : i32
    %dma_start3A_1046 = tpu.memref_slice %arg4[%add3A_1044, %dma_start3A_1045] : memref<2048x1024xf32, #tpu.memory_space<hbm>> -> memref<8x1024xf32, #tpu.memory_space<hbm>>
    %dma_start3A_1047 = arith.constant 0 : i32
    %dma_start3A_1048 = tpu.memref_slice %arg4[%add3A_1044, %dma_start3A_1047] : memref<2048x1024xf32, #tpu.memory_space<hbm>> -> memref<8x1024xf32, #tpu.memory_space<hbm>>
    tpu.enqueue_dma source(%dma_start3A_1048 : memref<8x1024xf32, #tpu.memory_space<hbm>>) target(%arg10 : memref<8x1024xf32, #tpu.memory_space<vmem>>) target_semaphore(%arg20 : memref<!tpu.dma_semaphore, #tpu.memory_space<semaphore_mem>>)
    %dma_wait3A_1049 = arith.constant 2 : i32
    %dma_wait3A_1050 = arith.constant 0 : i32
    %dma_wait3A_1051 = tpu.memref_slice %arg12[%dma_wait3A_1049, %dma_wait3A_1050] : memref<8x32xi32, #tpu.memory_space<vmem>> -> memref<1x32xi32, #tpu.memory_space<vmem>>
    %dma_wait3A_1052 = tpu.memref_squeeze %dma_wait3A_1051 : memref<1x32xi32, #tpu.memory_space<vmem>> -> memref<32xi32, #tpu.memory_space<vmem>>
    %dma_wait3A_1053 = arith.constant 0 : i32
    %dma_wait3A_1054 = arith.constant 0 : i32
    %dma_wait3A_1055 = tpu.memref_slice %arg3[%dma_wait3A_1053, %dma_wait3A_1054] : memref<100000x1024xf32, #tpu.memory_space<hbm>> -> memref<100000x1024xf32, #tpu.memory_space<hbm>>
    tpu.wait_indirect_dma semaphore(%arg15 : memref<!tpu.dma_semaphore, #tpu.memory_space<semaphore_mem>>) src(%dma_wait3A_1055 : memref<100000x1024xf32, #tpu.memory_space<hbm>>) dst(%arg8 : memref<32x1024xf32, #tpu.memory_space<vmem>>)
    %dma_wait3A_1056 = arith.constant 0 : i32
    %dma_wait3A_1057 = tpu.memref_slice %arg4[%add3A_867, %dma_wait3A_1056] : memref<2048x1024xf32, #tpu.memory_space<hbm>> -> memref<8x1024xf32, #tpu.memory_space<hbm>>
    %dma_wait3A_1058 = arith.constant 0 : i32
    %dma_wait3A_1059 = tpu.memref_slice %arg4[%add3A_867, %dma_wait3A_1058] : memref<2048x1024xf32, #tpu.memory_space<hbm>> -> memref<8x1024xf32, #tpu.memory_space<hbm>>
    tpu.wait_dma2 semaphore(%arg21 : memref<!tpu.dma_semaphore, #tpu.memory_space<semaphore_mem>>) src(%dma_wait3A_1059 : memref<8x1024xf32, #tpu.memory_space<hbm>>) dst(%arg11 : memref<8x1024xf32, #tpu.memory_space<vmem>>)
    %parallel_loop3A_1060 = arith.constant 0 : i32
    %parallel_loop3A_1061 = arith.constant 8 : i32
    %parallel_loop3A_1062 = arith.constant 1 : i32
    scf.for %parallel_loop3A_1544 = %parallel_loop3A_1060 to %parallel_loop3A_1061 step %parallel_loop3A_1062  : i32 {
      %parallel_loop3A_1545 = arith.constant 0 : i32
      %parallel_loop3A_1546 = arith.constant 64 : i32
      %parallel_loop3A_1547 = arith.constant 2 : i32
      scf.for %parallel_loop3A_1548 = %parallel_loop3A_1545 to %parallel_loop3A_1546 step %parallel_loop3A_1547  : i32 {
        %parallel_loop3A_1549 = arith.constant 0 : i32
        %parallel_loop3A_1550 = arith.addi %parallel_loop3A_1548, %parallel_loop3A_1549 : i32
        %parallel_loop3A_1551 = arith.constant 16 : i32
        %parallel_loop3A_1552 = arith.muli %parallel_loop3A_1550, %parallel_loop3A_1551 : i32
        %parallel_loop3A_1553 = arith.index_cast %parallel_loop3A_1544 : i32 to index
        %parallel_loop3A_1554 = arith.index_cast %parallel_loop3A_1552 : i32 to index
        %parallel_loop3A_1555 = tpu.vector_load %arg11[%parallel_loop3A_1553, %parallel_loop3A_1554] {strides = array<i32>} : memref<8x1024xf32, #tpu.memory_space<vmem>>, vector<1x16xf32>,
        %parallel_loop3A_1556 = vector.shape_cast %parallel_loop3A_1555 : vector<1x16xf32> to vector<16xf32>
        %parallel_loop3A_1557 = arith.constant 0 : i32
        %parallel_loop3A_1558 = arith.addi %parallel_loop3A_1557, %parallel_loop3A_1544 : i32
        %parallel_loop3A_1559 = arith.index_cast %parallel_loop3A_1558 : i32 to index
        %parallel_loop3A_1560 = arith.index_cast %parallel_loop3A_1552 : i32 to index
        %parallel_loop3A_1561 = tpu.vector_load %arg8[%parallel_loop3A_1559, %parallel_loop3A_1560] {strides = array<i32>} : memref<32x1024xf32, #tpu.memory_space<vmem>>, vector<1x16xf32>,
        %parallel_loop3A_1562 = vector.shape_cast %parallel_loop3A_1561 : vector<1x16xf32> to vector<16xf32>
        %parallel_loop3A_1563 = vector.shape_cast %parallel_loop3A_1556 : vector<16xf32> to vector<1x16xf32>
        tpu.vector_store %arg8[%parallel_loop3A_1559, %parallel_loop3A_1560], %parallel_loop3A_1563 {add = true, strides = array<i32>} : memref<32x1024xf32, #tpu.memory_space<vmem>>, vector<1x16xf32>,
        %parallel_loop3A_1564 = arith.constant 8 : i32
        %parallel_loop3A_1565 = arith.addi %parallel_loop3A_1564, %parallel_loop3A_1544 : i32
        %parallel_loop3A_1566 = arith.index_cast %parallel_loop3A_1565 : i32 to index
        %parallel_loop3A_1567 = arith.index_cast %parallel_loop3A_1552 : i32 to index
        %parallel_loop3A_1568 = tpu.vector_load %arg8[%parallel_loop3A_1566, %parallel_loop3A_1567] {strides = array<i32>} : memref<32x1024xf32, #tpu.memory_space<vmem>>, vector<1x16xf32>,
        %parallel_loop3A_1569 = vector.shape_cast %parallel_loop3A_1568 : vector<1x16xf32> to vector<16xf32>
        %parallel_loop3A_1570 = vector.shape_cast %parallel_loop3A_1556 : vector<16xf32> to vector<1x16xf32>
        tpu.vector_store %arg8[%parallel_loop3A_1566, %parallel_loop3A_1567], %parallel_loop3A_1570 {add = true, strides = array<i32>} : memref<32x1024xf32, #tpu.memory_space<vmem>>, vector<1x16xf32>,
        %parallel_loop3A_1571 = arith.constant 16 : i32
        %parallel_loop3A_1572 = arith.addi %parallel_loop3A_1571, %parallel_loop3A_1544 : i32
        %parallel_loop3A_1573 = arith.index_cast %parallel_loop3A_1572 : i32 to index
        %parallel_loop3A_1574 = arith.index_cast %parallel_loop3A_1552 : i32 to index
        %parallel_loop3A_1575 = tpu.vector_load %arg8[%parallel_loop3A_1573, %parallel_loop3A_1574] {strides = array<i32>} : memref<32x1024xf32, #tpu.memory_space<vmem>>, vector<1x16xf32>,
        %parallel_loop3A_1576 = vector.shape_cast %parallel_loop3A_1575 : vector<1x16xf32> to vector<16xf32>
        %parallel_loop3A_1577 = vector.shape_cast %parallel_loop3A_1556 : vector<16xf32> to vector<1x16xf32>
        tpu.vector_store %arg8[%parallel_loop3A_1573, %parallel_loop3A_1574], %parallel_loop3A_1577 {add = true, strides = array<i32>} : memref<32x1024xf32, #tpu.memory_space<vmem>>, vector<1x16xf32>,
        %parallel_loop3A_1578 = arith.constant 24 : i32
        %parallel_loop3A_1579 = arith.addi %parallel_loop3A_1578, %parallel_loop3A_1544 : i32
        %parallel_loop3A_1580 = arith.index_cast %parallel_loop3A_1579 : i32 to index
        %parallel_loop3A_1581 = arith.index_cast %parallel_loop3A_1552 : i32 to index
        %parallel_loop3A_1582 = tpu.vector_load %arg8[%parallel_loop3A_1580, %parallel_loop3A_1581] {strides = array<i32>} : memref<32x1024xf32, #tpu.memory_space<vmem>>, vector<1x16xf32>,
        %parallel_loop3A_1583 = vector.shape_cast %parallel_loop3A_1582 : vector<1x16xf32> to vector<16xf32>
        %parallel_loop3A_1584 = vector.shape_cast %parallel_loop3A_1556 : vector<16xf32> to vector<1x16xf32>
        tpu.vector_store %arg8[%parallel_loop3A_1580, %parallel_loop3A_1581], %parallel_loop3A_1584 {add = true, strides = array<i32>} : memref<32x1024xf32, #tpu.memory_space<vmem>>, vector<1x16xf32>,
        %parallel_loop3A_1585 = arith.constant 1 : i32
        %parallel_loop3A_1586 = arith.addi %parallel_loop3A_1548, %parallel_loop3A_1585 : i32
        %parallel_loop3A_1587 = arith.constant 16 : i32
        %parallel_loop3A_1588 = arith.muli %parallel_loop3A_1586, %parallel_loop3A_1587 : i32
        %parallel_loop3A_1589 = arith.index_cast %parallel_loop3A_1544 : i32 to index
        %parallel_loop3A_1590 = arith.index_cast %parallel_loop3A_1588 : i32 to index
        %parallel_loop3A_1591 = tpu.vector_load %arg11[%parallel_loop3A_1589, %parallel_loop3A_1590] {strides = array<i32>} : memref<8x1024xf32, #tpu.memory_space<vmem>>, vector<1x16xf32>,
        %parallel_loop3A_1592 = vector.shape_cast %parallel_loop3A_1591 : vector<1x16xf32> to vector<16xf32>
        %parallel_loop3A_1593 = arith.constant 0 : i32
        %parallel_loop3A_1594 = arith.addi %parallel_loop3A_1593, %parallel_loop3A_1544 : i32
        %parallel_loop3A_1595 = arith.index_cast %parallel_loop3A_1594 : i32 to index
        %parallel_loop3A_1596 = arith.index_cast %parallel_loop3A_1588 : i32 to index
        %parallel_loop3A_1597 = tpu.vector_load %arg8[%parallel_loop3A_1595, %parallel_loop3A_1596] {strides = array<i32>} : memref<32x1024xf32, #tpu.memory_space<vmem>>, vector<1x16xf32>,
        %parallel_loop3A_1598 = vector.shape_cast %parallel_loop3A_1597 : vector<1x16xf32> to vector<16xf32>
        %parallel_loop3A_1599 = vector.shape_cast %parallel_loop3A_1592 : vector<16xf32> to vector<1x16xf32>
        tpu.vector_store %arg8[%parallel_loop3A_1595, %parallel_loop3A_1596], %parallel_loop3A_1599 {add = true, strides = array<i32>} : memref<32x1024xf32, #tpu.memory_space<vmem>>, vector<1x16xf32>,
        %parallel_loop3A_1600 = arith.constant 8 : i32
        %parallel_loop3A_1601 = arith.addi %parallel_loop3A_1600, %parallel_loop3A_1544 : i32
        %parallel_loop3A_1602 = arith.index_cast %parallel_loop3A_1601 : i32 to index
        %parallel_loop3A_1603 = arith.index_cast %parallel_loop3A_1588 : i32 to index
        %parallel_loop3A_1604 = tpu.vector_load %arg8[%parallel_loop3A_1602, %parallel_loop3A_1603] {strides = array<i32>} : memref<32x1024xf32, #tpu.memory_space<vmem>>, vector<1x16xf32>,
        %parallel_loop3A_1605 = vector.shape_cast %parallel_loop3A_1604 : vector<1x16xf32> to vector<16xf32>
        %parallel_loop3A_1606 = vector.shape_cast %parallel_loop3A_1592 : vector<16xf32> to vector<1x16xf32>
        tpu.vector_store %arg8[%parallel_loop3A_1602, %parallel_loop3A_1603], %parallel_loop3A_1606 {add = true, strides = array<i32>} : memref<32x1024xf32, #tpu.memory_space<vmem>>, vector<1x16xf32>,
        %parallel_loop3A_1607 = arith.constant 16 : i32
        %parallel_loop3A_1608 = arith.addi %parallel_loop3A_1607, %parallel_loop3A_1544 : i32
        %parallel_loop3A_1609 = arith.index_cast %parallel_loop3A_1608 : i32 to index
        %parallel_loop3A_1610 = arith.index_cast %parallel_loop3A_1588 : i32 to index
        %parallel_loop3A_1611 = tpu.vector_load %arg8[%parallel_loop3A_1609, %parallel_loop3A_1610] {strides = array<i32>} : memref<32x1024xf32, #tpu.memory_space<vmem>>, vector<1x16xf32>,
        %parallel_loop3A_1612 = vector.shape_cast %parallel_loop3A_1611 : vector<1x16xf32> to vector<16xf32>
        %parallel_loop3A_1613 = vector.shape_cast %parallel_loop3A_1592 : vector<16xf32> to vector<1x16xf32>
        tpu.vector_store %arg8[%parallel_loop3A_1609, %parallel_loop3A_1610], %parallel_loop3A_1613 {add = true, strides = array<i32>} : memref<32x1024xf32, #tpu.memory_space<vmem>>, vector<1x16xf32>,
        %parallel_loop3A_1614 = arith.constant 24 : i32
        %parallel_loop3A_1615 = arith.addi %parallel_loop3A_1614, %parallel_loop3A_1544 : i32
        %parallel_loop3A_1616 = arith.index_cast %parallel_loop3A_1615 : i32 to index
        %parallel_loop3A_1617 = arith.index_cast %parallel_loop3A_1588 : i32 to index
        %parallel_loop3A_1618 = tpu.vector_load %arg8[%parallel_loop3A_1616, %parallel_loop3A_1617] {strides = array<i32>} : memref<32x1024xf32, #tpu.memory_space<vmem>>, vector<1x16xf32>,
        %parallel_loop3A_1619 = vector.shape_cast %parallel_loop3A_1618 : vector<1x16xf32> to vector<16xf32>
        %parallel_loop3A_1620 = vector.shape_cast %parallel_loop3A_1592 : vector<16xf32> to vector<1x16xf32>
        tpu.vector_store %arg8[%parallel_loop3A_1616, %parallel_loop3A_1617], %parallel_loop3A_1620 {add = true, strides = array<i32>} : memref<32x1024xf32, #tpu.memory_space<vmem>>, vector<1x16xf32>,
      } {sc.loop_unroll_factor = 1 : i64, sc.parallel_access}
    } {sc.loop_unroll_factor = 1 : i64, sc.parallel_access}
    %add3A_1063 = arith.constant 0 : i32
    %add3A_1064 = arith.addi %add3A_1063, %mul3A_2 : i32
    %add3A_1065 = arith.constant 16 : i32
    %add3A_1066 = arith.addi %add3A_1064, %add3A_1065 : i32
    %dma_start3A_1067 = arith.constant 0 : i32
    %dma_start3A_1068 = arith.constant 0 : i32
    %dma_start3A_1069 = tpu.memref_slice %arg8[%dma_start3A_1067, %dma_start3A_1068] : memref<32x1024xf32, #tpu.memory_space<vmem>> -> memref<8x1024xf32, #tpu.memory_space<vmem>>
    %dma_start3A_1070 = arith.constant 0 : i32
    %dma_start3A_1071 = tpu.memref_slice %arg5[%add3A_1066, %dma_start3A_1070] : memref<8192x1024xf32, #tpu.memory_space<hbm>> -> memref<8x1024xf32, #tpu.memory_space<hbm>>
    %dma_start3A_1072 = arith.constant 0 : i32
    %dma_start3A_1073 = tpu.memref_slice %arg5[%add3A_1066, %dma_start3A_1072] : memref<8192x1024xf32, #tpu.memory_space<hbm>> -> memref<8x1024xf32, #tpu.memory_space<hbm>>
    %dma_start3A_1074 = arith.constant 0 : i32
    %dma_start3A_1075 = arith.constant 0 : i32
    %dma_start3A_1076 = tpu.memref_slice %arg8[%dma_start3A_1074, %dma_start3A_1075] : memref<32x1024xf32, #tpu.memory_space<vmem>> -> memref<8x1024xf32, #tpu.memory_space<vmem>>
    tpu.enqueue_dma source(%dma_start3A_1076 : memref<8x1024xf32, #tpu.memory_space<vmem>>) target(%dma_start3A_1073 : memref<8x1024xf32, #tpu.memory_space<hbm>>) target_semaphore(%arg18 : memref<!tpu.dma_semaphore, #tpu.memory_space<semaphore_mem>>)
    %add3A_1077 = arith.constant 2048 : i32
    %add3A_1078 = arith.addi %add3A_1077, %mul3A_2 : i32
    %add3A_1079 = arith.constant 16 : i32
    %add3A_1080 = arith.addi %add3A_1078, %add3A_1079 : i32
    %dma_start3A_1081 = arith.constant 8 : i32
    %dma_start3A_1082 = arith.constant 0 : i32
    %dma_start3A_1083 = tpu.memref_slice %arg8[%dma_start3A_1081, %dma_start3A_1082] : memref<32x1024xf32, #tpu.memory_space<vmem>> -> memref<8x1024xf32, #tpu.memory_space<vmem>>
    %dma_start3A_1084 = arith.constant 0 : i32
    %dma_start3A_1085 = tpu.memref_slice %arg5[%add3A_1080, %dma_start3A_1084] : memref<8192x1024xf32, #tpu.memory_space<hbm>> -> memref<8x1024xf32, #tpu.memory_space<hbm>>
    %dma_start3A_1086 = arith.constant 0 : i32
    %dma_start3A_1087 = tpu.memref_slice %arg5[%add3A_1080, %dma_start3A_1086] : memref<8192x1024xf32, #tpu.memory_space<hbm>> -> memref<8x1024xf32, #tpu.memory_space<hbm>>
    %dma_start3A_1088 = arith.constant 8 : i32
    %dma_start3A_1089 = arith.constant 0 : i32
    %dma_start3A_1090 = tpu.memref_slice %arg8[%dma_start3A_1088, %dma_start3A_1089] : memref<32x1024xf32, #tpu.memory_space<vmem>> -> memref<8x1024xf32, #tpu.memory_space<vmem>>
    tpu.enqueue_dma source(%dma_start3A_1090 : memref<8x1024xf32, #tpu.memory_space<vmem>>) target(%dma_start3A_1087 : memref<8x1024xf32, #tpu.memory_space<hbm>>) target_semaphore(%arg18 : memref<!tpu.dma_semaphore, #tpu.memory_space<semaphore_mem>>)
    %add3A_1091 = arith.constant 4096 : i32
    %add3A_1092 = arith.addi %add3A_1091, %mul3A_2 : i32
    %add3A_1093 = arith.constant 16 : i32
    %add3A_1094 = arith.addi %add3A_1092, %add3A_1093 : i32
    %dma_start3A_1095 = arith.constant 16 : i32
    %dma_start3A_1096 = arith.constant 0 : i32
    %dma_start3A_1097 = tpu.memref_slice %arg8[%dma_start3A_1095, %dma_start3A_1096] : memref<32x1024xf32, #tpu.memory_space<vmem>> -> memref<8x1024xf32, #tpu.memory_space<vmem>>
    %dma_start3A_1098 = arith.constant 0 : i32
    %dma_start3A_1099 = tpu.memref_slice %arg5[%add3A_1094, %dma_start3A_1098] : memref<8192x1024xf32, #tpu.memory_space<hbm>> -> memref<8x1024xf32, #tpu.memory_space<hbm>>
    %dma_start3A_1100 = arith.constant 0 : i32
    %dma_start3A_1101 = tpu.memref_slice %arg5[%add3A_1094, %dma_start3A_1100] : memref<8192x1024xf32, #tpu.memory_space<hbm>> -> memref<8x1024xf32, #tpu.memory_space<hbm>>
    %dma_start3A_1102 = arith.constant 16 : i32
    %dma_start3A_1103 = arith.constant 0 : i32
    %dma_start3A_1104 = tpu.memref_slice %arg8[%dma_start3A_1102, %dma_start3A_1103] : memref<32x1024xf32, #tpu.memory_space<vmem>> -> memref<8x1024xf32, #tpu.memory_space<vmem>>
    tpu.enqueue_dma source(%dma_start3A_1104 : memref<8x1024xf32, #tpu.memory_space<vmem>>) target(%dma_start3A_1101 : memref<8x1024xf32, #tpu.memory_space<hbm>>) target_semaphore(%arg18 : memref<!tpu.dma_semaphore, #tpu.memory_space<semaphore_mem>>)
    %add3A_1105 = arith.constant 6144 : i32
    %add3A_1106 = arith.addi %add3A_1105, %mul3A_2 : i32
    %add3A_1107 = arith.constant 16 : i32
    %add3A_1108 = arith.addi %add3A_1106, %add3A_1107 : i32
    %dma_start3A_1109 = arith.constant 24 : i32
    %dma_start3A_1110 = arith.constant 0 : i32
    %dma_start3A_1111 = tpu.memref_slice %arg8[%dma_start3A_1109, %dma_start3A_1110] : memref<32x1024xf32, #tpu.memory_space<vmem>> -> memref<8x1024xf32, #tpu.memory_space<vmem>>
    %dma_start3A_1112 = arith.constant 0 : i32
    %dma_start3A_1113 = tpu.memref_slice %arg5[%add3A_1108, %dma_start3A_1112] : memref<8192x1024xf32, #tpu.memory_space<hbm>> -> memref<8x1024xf32, #tpu.memory_space<hbm>>
    %dma_start3A_1114 = arith.constant 0 : i32
    %dma_start3A_1115 = tpu.memref_slice %arg5[%add3A_1108, %dma_start3A_1114] : memref<8192x1024xf32, #tpu.memory_space<hbm>> -> memref<8x1024xf32, #tpu.memory_space<hbm>>
    %dma_start3A_1116 = arith.constant 24 : i32
    %dma_start3A_1117 = arith.constant 0 : i32
    %dma_start3A_1118 = tpu.memref_slice %arg8[%dma_start3A_1116, %dma_start3A_1117] : memref<32x1024xf32, #tpu.memory_space<vmem>> -> memref<8x1024xf32, #tpu.memory_space<vmem>>
    tpu.enqueue_dma source(%dma_start3A_1118 : memref<8x1024xf32, #tpu.memory_space<vmem>>) target(%dma_start3A_1115 : memref<8x1024xf32, #tpu.memory_space<hbm>>) target_semaphore(%arg18 : memref<!tpu.dma_semaphore, #tpu.memory_space<semaphore_mem>>)
    %dma_wait3A_1119 = arith.constant 0 : i32
    %dma_wait3A_1120 = arith.constant 0 : i32
    %dma_wait3A_1121 = tpu.memref_slice %arg3[%dma_wait3A_1119, %dma_wait3A_1120] : memref<100000x1024xf32, #tpu.memory_space<hbm>> -> memref<32x1024xf32, #tpu.memory_space<hbm>>
    %dma_wait3A_1122 = arith.constant 0 : i32
    %dma_wait3A_1123 = arith.constant 0 : i32
    %dma_wait3A_1124 = tpu.memref_slice %arg3[%dma_wait3A_1122, %dma_wait3A_1123] : memref<100000x1024xf32, #tpu.memory_space<hbm>> -> memref<32x1024xf32, #tpu.memory_space<hbm>>
    tpu.wait_dma2 semaphore(%arg18 : memref<!tpu.dma_semaphore, #tpu.memory_space<semaphore_mem>>) src(%dma_wait3A_1124 : memref<32x1024xf32, #tpu.memory_space<hbm>>) dst(%arg8 : memref<32x1024xf32, #tpu.memory_space<vmem>>)
    %dma_start3A_1125 = arith.constant 5 : i32
    %dma_start3A_1126 = arith.constant 0 : i32
    %dma_start3A_1127 = tpu.memref_slice %arg12[%dma_start3A_1125, %dma_start3A_1126] : memref<8x32xi32, #tpu.memory_space<vmem>> -> memref<1x32xi32, #tpu.memory_space<vmem>>
    %dma_start3A_1128 = tpu.memref_squeeze %dma_start3A_1127 : memref<1x32xi32, #tpu.memory_space<vmem>> -> memref<32xi32, #tpu.memory_space<vmem>>
    %dma_start3A_1129 = arith.constant 0 : i32
    %dma_start3A_1130 = arith.constant 0 : i32
    %dma_start3A_1131 = tpu.memref_slice %arg3[%dma_start3A_1129, %dma_start3A_1130] : memref<100000x1024xf32, #tpu.memory_space<hbm>> -> memref<100000x1024xf32, #tpu.memory_space<hbm>>
    tpu.enqueue_indirect_dma source(%dma_start3A_1131 : memref<100000x1024xf32, #tpu.memory_space<hbm>>) target(%arg8 : memref<32x1024xf32, #tpu.memory_space<vmem>>) offsets(%dma_start3A_1128 : memref<32xi32, #tpu.memory_space<vmem>>) semaphore(%arg15 : memref<!tpu.dma_semaphore, #tpu.memory_space<semaphore_mem>>)
    %add3A_1132 = arith.constant 40 : i32
    %add3A_1133 = arith.addi %mul3A_2, %add3A_1132 : i32
    %dma_start3A_1134 = arith.constant 0 : i32
    %dma_start3A_1135 = tpu.memref_slice %arg4[%add3A_1133, %dma_start3A_1134] : memref<2048x1024xf32, #tpu.memory_space<hbm>> -> memref<8x1024xf32, #tpu.memory_space<hbm>>
    %dma_start3A_1136 = arith.constant 0 : i32
    %dma_start3A_1137 = tpu.memref_slice %arg4[%add3A_1133, %dma_start3A_1136] : memref<2048x1024xf32, #tpu.memory_space<hbm>> -> memref<8x1024xf32, #tpu.memory_space<hbm>>
    tpu.enqueue_dma source(%dma_start3A_1137 : memref<8x1024xf32, #tpu.memory_space<hbm>>) target(%arg11 : memref<8x1024xf32, #tpu.memory_space<vmem>>) target_semaphore(%arg21 : memref<!tpu.dma_semaphore, #tpu.memory_space<semaphore_mem>>)
    %dma_wait3A_1138 = arith.constant 3 : i32
    %dma_wait3A_1139 = arith.constant 0 : i32
    %dma_wait3A_1140 = tpu.memref_slice %arg12[%dma_wait3A_1138, %dma_wait3A_1139] : memref<8x32xi32, #tpu.memory_space<vmem>> -> memref<1x32xi32, #tpu.memory_space<vmem>>
    %dma_wait3A_1141 = tpu.memref_squeeze %dma_wait3A_1140 : memref<1x32xi32, #tpu.memory_space<vmem>> -> memref<32xi32, #tpu.memory_space<vmem>>
    %dma_wait3A_1142 = arith.constant 0 : i32
    %dma_wait3A_1143 = arith.constant 0 : i32
    %dma_wait3A_1144 = tpu.memref_slice %arg3[%dma_wait3A_1142, %dma_wait3A_1143] : memref<100000x1024xf32, #tpu.memory_space<hbm>> -> memref<100000x1024xf32, #tpu.memory_space<hbm>>
    tpu.wait_indirect_dma semaphore(%arg13 : memref<!tpu.dma_semaphore, #tpu.memory_space<semaphore_mem>>) src(%dma_wait3A_1144 : memref<100000x1024xf32, #tpu.memory_space<hbm>>) dst(%arg6 : memref<32x1024xf32, #tpu.memory_space<vmem>>)
    %dma_wait3A_1145 = arith.constant 0 : i32
    %dma_wait3A_1146 = tpu.memref_slice %arg4[%add3A_955, %dma_wait3A_1145] : memref<2048x1024xf32, #tpu.memory_space<hbm>> -> memref<8x1024xf32, #tpu.memory_space<hbm>>
    %dma_wait3A_1147 = arith.constant 0 : i32
    %dma_wait3A_1148 = tpu.memref_slice %arg4[%add3A_955, %dma_wait3A_1147] : memref<2048x1024xf32, #tpu.memory_space<hbm>> -> memref<8x1024xf32, #tpu.memory_space<hbm>>
    tpu.wait_dma2 semaphore(%arg19 : memref<!tpu.dma_semaphore, #tpu.memory_space<semaphore_mem>>) src(%dma_wait3A_1148 : memref<8x1024xf32, #tpu.memory_space<hbm>>) dst(%arg9 : memref<8x1024xf32, #tpu.memory_space<vmem>>)
    %parallel_loop3A_1149 = arith.constant 0 : i32
    %parallel_loop3A_1150 = arith.constant 8 : i32
    %parallel_loop3A_1151 = arith.constant 1 : i32
    scf.for %parallel_loop3A_1544 = %parallel_loop3A_1149 to %parallel_loop3A_1150 step %parallel_loop3A_1151  : i32 {
      %parallel_loop3A_1545 = arith.constant 0 : i32
      %parallel_loop3A_1546 = arith.constant 64 : i32
      %parallel_loop3A_1547 = arith.constant 2 : i32
      scf.for %parallel_loop3A_1548 = %parallel_loop3A_1545 to %parallel_loop3A_1546 step %parallel_loop3A_1547  : i32 {
        %parallel_loop3A_1549 = arith.constant 0 : i32
        %parallel_loop3A_1550 = arith.addi %parallel_loop3A_1548, %parallel_loop3A_1549 : i32
        %parallel_loop3A_1551 = arith.constant 16 : i32
        %parallel_loop3A_1552 = arith.muli %parallel_loop3A_1550, %parallel_loop3A_1551 : i32
        %parallel_loop3A_1553 = arith.index_cast %parallel_loop3A_1544 : i32 to index
        %parallel_loop3A_1554 = arith.index_cast %parallel_loop3A_1552 : i32 to index
        %parallel_loop3A_1555 = tpu.vector_load %arg9[%parallel_loop3A_1553, %parallel_loop3A_1554] {strides = array<i32>} : memref<8x1024xf32, #tpu.memory_space<vmem>>, vector<1x16xf32>,
        %parallel_loop3A_1556 = vector.shape_cast %parallel_loop3A_1555 : vector<1x16xf32> to vector<16xf32>
        %parallel_loop3A_1557 = arith.constant 0 : i32
        %parallel_loop3A_1558 = arith.addi %parallel_loop3A_1557, %parallel_loop3A_1544 : i32
        %parallel_loop3A_1559 = arith.index_cast %parallel_loop3A_1558 : i32 to index
        %parallel_loop3A_1560 = arith.index_cast %parallel_loop3A_1552 : i32 to index
        %parallel_loop3A_1561 = tpu.vector_load %arg6[%parallel_loop3A_1559, %parallel_loop3A_1560] {strides = array<i32>} : memref<32x1024xf32, #tpu.memory_space<vmem>>, vector<1x16xf32>,
        %parallel_loop3A_1562 = vector.shape_cast %parallel_loop3A_1561 : vector<1x16xf32> to vector<16xf32>
        %parallel_loop3A_1563 = vector.shape_cast %parallel_loop3A_1556 : vector<16xf32> to vector<1x16xf32>
        tpu.vector_store %arg6[%parallel_loop3A_1559, %parallel_loop3A_1560], %parallel_loop3A_1563 {add = true, strides = array<i32>} : memref<32x1024xf32, #tpu.memory_space<vmem>>, vector<1x16xf32>,
        %parallel_loop3A_1564 = arith.constant 8 : i32
        %parallel_loop3A_1565 = arith.addi %parallel_loop3A_1564, %parallel_loop3A_1544 : i32
        %parallel_loop3A_1566 = arith.index_cast %parallel_loop3A_1565 : i32 to index
        %parallel_loop3A_1567 = arith.index_cast %parallel_loop3A_1552 : i32 to index
        %parallel_loop3A_1568 = tpu.vector_load %arg6[%parallel_loop3A_1566, %parallel_loop3A_1567] {strides = array<i32>} : memref<32x1024xf32, #tpu.memory_space<vmem>>, vector<1x16xf32>,
        %parallel_loop3A_1569 = vector.shape_cast %parallel_loop3A_1568 : vector<1x16xf32> to vector<16xf32>
        %parallel_loop3A_1570 = vector.shape_cast %parallel_loop3A_1556 : vector<16xf32> to vector<1x16xf32>
        tpu.vector_store %arg6[%parallel_loop3A_1566, %parallel_loop3A_1567], %parallel_loop3A_1570 {add = true, strides = array<i32>} : memref<32x1024xf32, #tpu.memory_space<vmem>>, vector<1x16xf32>,
        %parallel_loop3A_1571 = arith.constant 16 : i32
        %parallel_loop3A_1572 = arith.addi %parallel_loop3A_1571, %parallel_loop3A_1544 : i32
        %parallel_loop3A_1573 = arith.index_cast %parallel_loop3A_1572 : i32 to index
        %parallel_loop3A_1574 = arith.index_cast %parallel_loop3A_1552 : i32 to index
        %parallel_loop3A_1575 = tpu.vector_load %arg6[%parallel_loop3A_1573, %parallel_loop3A_1574] {strides = array<i32>} : memref<32x1024xf32, #tpu.memory_space<vmem>>, vector<1x16xf32>,
        %parallel_loop3A_1576 = vector.shape_cast %parallel_loop3A_1575 : vector<1x16xf32> to vector<16xf32>
        %parallel_loop3A_1577 = vector.shape_cast %parallel_loop3A_1556 : vector<16xf32> to vector<1x16xf32>
        tpu.vector_store %arg6[%parallel_loop3A_1573, %parallel_loop3A_1574], %parallel_loop3A_1577 {add = true, strides = array<i32>} : memref<32x1024xf32, #tpu.memory_space<vmem>>, vector<1x16xf32>,
        %parallel_loop3A_1578 = arith.constant 24 : i32
        %parallel_loop3A_1579 = arith.addi %parallel_loop3A_1578, %parallel_loop3A_1544 : i32
        %parallel_loop3A_1580 = arith.index_cast %parallel_loop3A_1579 : i32 to index
        %parallel_loop3A_1581 = arith.index_cast %parallel_loop3A_1552 : i32 to index
        %parallel_loop3A_1582 = tpu.vector_load %arg6[%parallel_loop3A_1580, %parallel_loop3A_1581] {strides = array<i32>} : memref<32x1024xf32, #tpu.memory_space<vmem>>, vector<1x16xf32>,
        %parallel_loop3A_1583 = vector.shape_cast %parallel_loop3A_1582 : vector<1x16xf32> to vector<16xf32>
        %parallel_loop3A_1584 = vector.shape_cast %parallel_loop3A_1556 : vector<16xf32> to vector<1x16xf32>
        tpu.vector_store %arg6[%parallel_loop3A_1580, %parallel_loop3A_1581], %parallel_loop3A_1584 {add = true, strides = array<i32>} : memref<32x1024xf32, #tpu.memory_space<vmem>>, vector<1x16xf32>,
        %parallel_loop3A_1585 = arith.constant 1 : i32
        %parallel_loop3A_1586 = arith.addi %parallel_loop3A_1548, %parallel_loop3A_1585 : i32
        %parallel_loop3A_1587 = arith.constant 16 : i32
        %parallel_loop3A_1588 = arith.muli %parallel_loop3A_1586, %parallel_loop3A_1587 : i32
        %parallel_loop3A_1589 = arith.index_cast %parallel_loop3A_1544 : i32 to index
        %parallel_loop3A_1590 = arith.index_cast %parallel_loop3A_1588 : i32 to index
        %parallel_loop3A_1591 = tpu.vector_load %arg9[%parallel_loop3A_1589, %parallel_loop3A_1590] {strides = array<i32>} : memref<8x1024xf32, #tpu.memory_space<vmem>>, vector<1x16xf32>,
        %parallel_loop3A_1592 = vector.shape_cast %parallel_loop3A_1591 : vector<1x16xf32> to vector<16xf32>
        %parallel_loop3A_1593 = arith.constant 0 : i32
        %parallel_loop3A_1594 = arith.addi %parallel_loop3A_1593, %parallel_loop3A_1544 : i32
        %parallel_loop3A_1595 = arith.index_cast %parallel_loop3A_1594 : i32 to index
        %parallel_loop3A_1596 = arith.index_cast %parallel_loop3A_1588 : i32 to index
        %parallel_loop3A_1597 = tpu.vector_load %arg6[%parallel_loop3A_1595, %parallel_loop3A_1596] {strides = array<i32>} : memref<32x1024xf32, #tpu.memory_space<vmem>>, vector<1x16xf32>,
        %parallel_loop3A_1598 = vector.shape_cast %parallel_loop3A_1597 : vector<1x16xf32> to vector<16xf32>
        %parallel_loop3A_1599 = vector.shape_cast %parallel_loop3A_1592 : vector<16xf32> to vector<1x16xf32>
        tpu.vector_store %arg6[%parallel_loop3A_1595, %parallel_loop3A_1596], %parallel_loop3A_1599 {add = true, strides = array<i32>} : memref<32x1024xf32, #tpu.memory_space<vmem>>, vector<1x16xf32>,
        %parallel_loop3A_1600 = arith.constant 8 : i32
        %parallel_loop3A_1601 = arith.addi %parallel_loop3A_1600, %parallel_loop3A_1544 : i32
        %parallel_loop3A_1602 = arith.index_cast %parallel_loop3A_1601 : i32 to index
        %parallel_loop3A_1603 = arith.index_cast %parallel_loop3A_1588 : i32 to index
        %parallel_loop3A_1604 = tpu.vector_load %arg6[%parallel_loop3A_1602, %parallel_loop3A_1603] {strides = array<i32>} : memref<32x1024xf32, #tpu.memory_space<vmem>>, vector<1x16xf32>,
        %parallel_loop3A_1605 = vector.shape_cast %parallel_loop3A_1604 : vector<1x16xf32> to vector<16xf32>
        %parallel_loop3A_1606 = vector.shape_cast %parallel_loop3A_1592 : vector<16xf32> to vector<1x16xf32>
        tpu.vector_store %arg6[%parallel_loop3A_1602, %parallel_loop3A_1603], %parallel_loop3A_1606 {add = true, strides = array<i32>} : memref<32x1024xf32, #tpu.memory_space<vmem>>, vector<1x16xf32>,
        %parallel_loop3A_1607 = arith.constant 16 : i32
        %parallel_loop3A_1608 = arith.addi %parallel_loop3A_1607, %parallel_loop3A_1544 : i32
        %parallel_loop3A_1609 = arith.index_cast %parallel_loop3A_1608 : i32 to index
        %parallel_loop3A_1610 = arith.index_cast %parallel_loop3A_1588 : i32 to index
        %parallel_loop3A_1611 = tpu.vector_load %arg6[%parallel_loop3A_1609, %parallel_loop3A_1610] {strides = array<i32>} : memref<32x1024xf32, #tpu.memory_space<vmem>>, vector<1x16xf32>,
        %parallel_loop3A_1612 = vector.shape_cast %parallel_loop3A_1611 : vector<1x16xf32> to vector<16xf32>
        %parallel_loop3A_1613 = vector.shape_cast %parallel_loop3A_1592 : vector<16xf32> to vector<1x16xf32>
        tpu.vector_store %arg6[%parallel_loop3A_1609, %parallel_loop3A_1610], %parallel_loop3A_1613 {add = true, strides = array<i32>} : memref<32x1024xf32, #tpu.memory_space<vmem>>, vector<1x16xf32>,
        %parallel_loop3A_1614 = arith.constant 24 : i32
        %parallel_loop3A_1615 = arith.addi %parallel_loop3A_1614, %parallel_loop3A_1544 : i32
        %parallel_loop3A_1616 = arith.index_cast %parallel_loop3A_1615 : i32 to index
        %parallel_loop3A_1617 = arith.index_cast %parallel_loop3A_1588 : i32 to index
        %parallel_loop3A_1618 = tpu.vector_load %arg6[%parallel_loop3A_1616, %parallel_loop3A_1617] {strides = array<i32>} : memref<32x1024xf32, #tpu.memory_space<vmem>>, vector<1x16xf32>,
        %parallel_loop3A_1619 = vector.shape_cast %parallel_loop3A_1618 : vector<1x16xf32> to vector<16xf32>
        %parallel_loop3A_1620 = vector.shape_cast %parallel_loop3A_1592 : vector<16xf32> to vector<1x16xf32>
        tpu.vector_store %arg6[%parallel_loop3A_1616, %parallel_loop3A_1617], %parallel_loop3A_1620 {add = true, strides = array<i32>} : memref<32x1024xf32, #tpu.memory_space<vmem>>, vector<1x16xf32>,
      } {sc.loop_unroll_factor = 1 : i64, sc.parallel_access}
    } {sc.loop_unroll_factor = 1 : i64, sc.parallel_access}
    %add3A_1152 = arith.constant 0 : i32
    %add3A_1153 = arith.addi %add3A_1152, %mul3A_2 : i32
    %add3A_1154 = arith.constant 24 : i32
    %add3A_1155 = arith.addi %add3A_1153, %add3A_1154 : i32
    %dma_start3A_1156 = arith.constant 0 : i32
    %dma_start3A_1157 = arith.constant 0 : i32
    %dma_start3A_1158 = tpu.memref_slice %arg6[%dma_start3A_1156, %dma_start3A_1157] : memref<32x1024xf32, #tpu.memory_space<vmem>> -> memref<8x1024xf32, #tpu.memory_space<vmem>>
    %dma_start3A_1159 = arith.constant 0 : i32
    %dma_start3A_1160 = tpu.memref_slice %arg5[%add3A_1155, %dma_start3A_1159] : memref<8192x1024xf32, #tpu.memory_space<hbm>> -> memref<8x1024xf32, #tpu.memory_space<hbm>>
    %dma_start3A_1161 = arith.constant 0 : i32
    %dma_start3A_1162 = tpu.memref_slice %arg5[%add3A_1155, %dma_start3A_1161] : memref<8192x1024xf32, #tpu.memory_space<hbm>> -> memref<8x1024xf32, #tpu.memory_space<hbm>>
    %dma_start3A_1163 = arith.constant 0 : i32
    %dma_start3A_1164 = arith.constant 0 : i32
    %dma_start3A_1165 = tpu.memref_slice %arg6[%dma_start3A_1163, %dma_start3A_1164] : memref<32x1024xf32, #tpu.memory_space<vmem>> -> memref<8x1024xf32, #tpu.memory_space<vmem>>
    tpu.enqueue_dma source(%dma_start3A_1165 : memref<8x1024xf32, #tpu.memory_space<vmem>>) target(%dma_start3A_1162 : memref<8x1024xf32, #tpu.memory_space<hbm>>) target_semaphore(%arg16 : memref<!tpu.dma_semaphore, #tpu.memory_space<semaphore_mem>>)
    %add3A_1166 = arith.constant 2048 : i32
    %add3A_1167 = arith.addi %add3A_1166, %mul3A_2 : i32
    %add3A_1168 = arith.constant 24 : i32
    %add3A_1169 = arith.addi %add3A_1167, %add3A_1168 : i32
    %dma_start3A_1170 = arith.constant 8 : i32
    %dma_start3A_1171 = arith.constant 0 : i32
    %dma_start3A_1172 = tpu.memref_slice %arg6[%dma_start3A_1170, %dma_start3A_1171] : memref<32x1024xf32, #tpu.memory_space<vmem>> -> memref<8x1024xf32, #tpu.memory_space<vmem>>
    %dma_start3A_1173 = arith.constant 0 : i32
    %dma_start3A_1174 = tpu.memref_slice %arg5[%add3A_1169, %dma_start3A_1173] : memref<8192x1024xf32, #tpu.memory_space<hbm>> -> memref<8x1024xf32, #tpu.memory_space<hbm>>
    %dma_start3A_1175 = arith.constant 0 : i32
    %dma_start3A_1176 = tpu.memref_slice %arg5[%add3A_1169, %dma_start3A_1175] : memref<8192x1024xf32, #tpu.memory_space<hbm>> -> memref<8x1024xf32, #tpu.memory_space<hbm>>
    %dma_start3A_1177 = arith.constant 8 : i32
    %dma_start3A_1178 = arith.constant 0 : i32
    %dma_start3A_1179 = tpu.memref_slice %arg6[%dma_start3A_1177, %dma_start3A_1178] : memref<32x1024xf32, #tpu.memory_space<vmem>> -> memref<8x1024xf32, #tpu.memory_space<vmem>>
    tpu.enqueue_dma source(%dma_start3A_1179 : memref<8x1024xf32, #tpu.memory_space<vmem>>) target(%dma_start3A_1176 : memref<8x1024xf32, #tpu.memory_space<hbm>>) target_semaphore(%arg16 : memref<!tpu.dma_semaphore, #tpu.memory_space<semaphore_mem>>)
    %add3A_1180 = arith.constant 4096 : i32
    %add3A_1181 = arith.addi %add3A_1180, %mul3A_2 : i32
    %add3A_1182 = arith.constant 24 : i32
    %add3A_1183 = arith.addi %add3A_1181, %add3A_1182 : i32
    %dma_start3A_1184 = arith.constant 16 : i32
    %dma_start3A_1185 = arith.constant 0 : i32
    %dma_start3A_1186 = tpu.memref_slice %arg6[%dma_start3A_1184, %dma_start3A_1185] : memref<32x1024xf32, #tpu.memory_space<vmem>> -> memref<8x1024xf32, #tpu.memory_space<vmem>>
    %dma_start3A_1187 = arith.constant 0 : i32
    %dma_start3A_1188 = tpu.memref_slice %arg5[%add3A_1183, %dma_start3A_1187] : memref<8192x1024xf32, #tpu.memory_space<hbm>> -> memref<8x1024xf32, #tpu.memory_space<hbm>>
    %dma_start3A_1189 = arith.constant 0 : i32
    %dma_start3A_1190 = tpu.memref_slice %arg5[%add3A_1183, %dma_start3A_1189] : memref<8192x1024xf32, #tpu.memory_space<hbm>> -> memref<8x1024xf32, #tpu.memory_space<hbm>>
    %dma_start3A_1191 = arith.constant 16 : i32
    %dma_start3A_1192 = arith.constant 0 : i32
    %dma_start3A_1193 = tpu.memref_slice %arg6[%dma_start3A_1191, %dma_start3A_1192] : memref<32x1024xf32, #tpu.memory_space<vmem>> -> memref<8x1024xf32, #tpu.memory_space<vmem>>
    tpu.enqueue_dma source(%dma_start3A_1193 : memref<8x1024xf32, #tpu.memory_space<vmem>>) target(%dma_start3A_1190 : memref<8x1024xf32, #tpu.memory_space<hbm>>) target_semaphore(%arg16 : memref<!tpu.dma_semaphore, #tpu.memory_space<semaphore_mem>>)
    %add3A_1194 = arith.constant 6144 : i32
    %add3A_1195 = arith.addi %add3A_1194, %mul3A_2 : i32
    %add3A_1196 = arith.constant 24 : i32
    %add3A_1197 = arith.addi %add3A_1195, %add3A_1196 : i32
    %dma_start3A_1198 = arith.constant 24 : i32
    %dma_start3A_1199 = arith.constant 0 : i32
    %dma_start3A_1200 = tpu.memref_slice %arg6[%dma_start3A_1198, %dma_start3A_1199] : memref<32x1024xf32, #tpu.memory_space<vmem>> -> memref<8x1024xf32, #tpu.memory_space<vmem>>
    %dma_start3A_1201 = arith.constant 0 : i32
    %dma_start3A_1202 = tpu.memref_slice %arg5[%add3A_1197, %dma_start3A_1201] : memref<8192x1024xf32, #tpu.memory_space<hbm>> -> memref<8x1024xf32, #tpu.memory_space<hbm>>
    %dma_start3A_1203 = arith.constant 0 : i32
    %dma_start3A_1204 = tpu.memref_slice %arg5[%add3A_1197, %dma_start3A_1203] : memref<8192x1024xf32, #tpu.memory_space<hbm>> -> memref<8x1024xf32, #tpu.memory_space<hbm>>
    %dma_start3A_1205 = arith.constant 24 : i32
    %dma_start3A_1206 = arith.constant 0 : i32
    %dma_start3A_1207 = tpu.memref_slice %arg6[%dma_start3A_1205, %dma_start3A_1206] : memref<32x1024xf32, #tpu.memory_space<vmem>> -> memref<8x1024xf32, #tpu.memory_space<vmem>>
    tpu.enqueue_dma source(%dma_start3A_1207 : memref<8x1024xf32, #tpu.memory_space<vmem>>) target(%dma_start3A_1204 : memref<8x1024xf32, #tpu.memory_space<hbm>>) target_semaphore(%arg16 : memref<!tpu.dma_semaphore, #tpu.memory_space<semaphore_mem>>)
    %dma_wait3A_1208 = arith.constant 0 : i32
    %dma_wait3A_1209 = arith.constant 0 : i32
    %dma_wait3A_1210 = tpu.memref_slice %arg3[%dma_wait3A_1208, %dma_wait3A_1209] : memref<100000x1024xf32, #tpu.memory_space<hbm>> -> memref<32x1024xf32, #tpu.memory_space<hbm>>
    %dma_wait3A_1211 = arith.constant 0 : i32
    %dma_wait3A_1212 = arith.constant 0 : i32
    %dma_wait3A_1213 = tpu.memref_slice %arg3[%dma_wait3A_1211, %dma_wait3A_1212] : memref<100000x1024xf32, #tpu.memory_space<hbm>> -> memref<32x1024xf32, #tpu.memory_space<hbm>>
    tpu.wait_dma2 semaphore(%arg16 : memref<!tpu.dma_semaphore, #tpu.memory_space<semaphore_mem>>) src(%dma_wait3A_1213 : memref<32x1024xf32, #tpu.memory_space<hbm>>) dst(%arg6 : memref<32x1024xf32, #tpu.memory_space<vmem>>)
    %dma_start3A_1214 = arith.constant 6 : i32
    %dma_start3A_1215 = arith.constant 0 : i32
    %dma_start3A_1216 = tpu.memref_slice %arg12[%dma_start3A_1214, %dma_start3A_1215] : memref<8x32xi32, #tpu.memory_space<vmem>> -> memref<1x32xi32, #tpu.memory_space<vmem>>
    %dma_start3A_1217 = tpu.memref_squeeze %dma_start3A_1216 : memref<1x32xi32, #tpu.memory_space<vmem>> -> memref<32xi32, #tpu.memory_space<vmem>>
    %dma_start3A_1218 = arith.constant 0 : i32
    %dma_start3A_1219 = arith.constant 0 : i32
    %dma_start3A_1220 = tpu.memref_slice %arg3[%dma_start3A_1218, %dma_start3A_1219] : memref<100000x1024xf32, #tpu.memory_space<hbm>> -> memref<100000x1024xf32, #tpu.memory_space<hbm>>
    tpu.enqueue_indirect_dma source(%dma_start3A_1220 : memref<100000x1024xf32, #tpu.memory_space<hbm>>) target(%arg6 : memref<32x1024xf32, #tpu.memory_space<vmem>>) offsets(%dma_start3A_1217 : memref<32xi32, #tpu.memory_space<vmem>>) semaphore(%arg13 : memref<!tpu.dma_semaphore, #tpu.memory_space<semaphore_mem>>)
    %add3A_1221 = arith.constant 48 : i32
    %add3A_1222 = arith.addi %mul3A_2, %add3A_1221 : i32
    %dma_start3A_1223 = arith.constant 0 : i32
    %dma_start3A_1224 = tpu.memref_slice %arg4[%add3A_1222, %dma_start3A_1223] : memref<2048x1024xf32, #tpu.memory_space<hbm>> -> memref<8x1024xf32, #tpu.memory_space<hbm>>
    %dma_start3A_1225 = arith.constant 0 : i32
    %dma_start3A_1226 = tpu.memref_slice %arg4[%add3A_1222, %dma_start3A_1225] : memref<2048x1024xf32, #tpu.memory_space<hbm>> -> memref<8x1024xf32, #tpu.memory_space<hbm>>
    tpu.enqueue_dma source(%dma_start3A_1226 : memref<8x1024xf32, #tpu.memory_space<hbm>>) target(%arg9 : memref<8x1024xf32, #tpu.memory_space<vmem>>) target_semaphore(%arg19 : memref<!tpu.dma_semaphore, #tpu.memory_space<semaphore_mem>>)
    %dma_wait3A_1227 = arith.constant 4 : i32
    %dma_wait3A_1228 = arith.constant 0 : i32
    %dma_wait3A_1229 = tpu.memref_slice %arg12[%dma_wait3A_1227, %dma_wait3A_1228] : memref<8x32xi32, #tpu.memory_space<vmem>> -> memref<1x32xi32, #tpu.memory_space<vmem>>
    %dma_wait3A_1230 = tpu.memref_squeeze %dma_wait3A_1229 : memref<1x32xi32, #tpu.memory_space<vmem>> -> memref<32xi32, #tpu.memory_space<vmem>>
    %dma_wait3A_1231 = arith.constant 0 : i32
    %dma_wait3A_1232 = arith.constant 0 : i32
    %dma_wait3A_1233 = tpu.memref_slice %arg3[%dma_wait3A_1231, %dma_wait3A_1232] : memref<100000x1024xf32, #tpu.memory_space<hbm>> -> memref<100000x1024xf32, #tpu.memory_space<hbm>>
    tpu.wait_indirect_dma semaphore(%arg14 : memref<!tpu.dma_semaphore, #tpu.memory_space<semaphore_mem>>) src(%dma_wait3A_1233 : memref<100000x1024xf32, #tpu.memory_space<hbm>>) dst(%arg7 : memref<32x1024xf32, #tpu.memory_space<vmem>>)
    %dma_wait3A_1234 = arith.constant 0 : i32
    %dma_wait3A_1235 = tpu.memref_slice %arg4[%add3A_1044, %dma_wait3A_1234] : memref<2048x1024xf32, #tpu.memory_space<hbm>> -> memref<8x1024xf32, #tpu.memory_space<hbm>>
    %dma_wait3A_1236 = arith.constant 0 : i32
    %dma_wait3A_1237 = tpu.memref_slice %arg4[%add3A_1044, %dma_wait3A_1236] : memref<2048x1024xf32, #tpu.memory_space<hbm>> -> memref<8x1024xf32, #tpu.memory_space<hbm>>
    tpu.wait_dma2 semaphore(%arg20 : memref<!tpu.dma_semaphore, #tpu.memory_space<semaphore_mem>>) src(%dma_wait3A_1237 : memref<8x1024xf32, #tpu.memory_space<hbm>>) dst(%arg10 : memref<8x1024xf32, #tpu.memory_space<vmem>>)
    %parallel_loop3A_1238 = arith.constant 0 : i32
    %parallel_loop3A_1239 = arith.constant 8 : i32
    %parallel_loop3A_1240 = arith.constant 1 : i32
    scf.for %parallel_loop3A_1544 = %parallel_loop3A_1238 to %parallel_loop3A_1239 step %parallel_loop3A_1240  : i32 {
      %parallel_loop3A_1545 = arith.constant 0 : i32
      %parallel_loop3A_1546 = arith.constant 64 : i32
      %parallel_loop3A_1547 = arith.constant 2 : i32
      scf.for %parallel_loop3A_1548 = %parallel_loop3A_1545 to %parallel_loop3A_1546 step %parallel_loop3A_1547  : i32 {
        %parallel_loop3A_1549 = arith.constant 0 : i32
        %parallel_loop3A_1550 = arith.addi %parallel_loop3A_1548, %parallel_loop3A_1549 : i32
        %parallel_loop3A_1551 = arith.constant 16 : i32
        %parallel_loop3A_1552 = arith.muli %parallel_loop3A_1550, %parallel_loop3A_1551 : i32
        %parallel_loop3A_1553 = arith.index_cast %parallel_loop3A_1544 : i32 to index
        %parallel_loop3A_1554 = arith.index_cast %parallel_loop3A_1552 : i32 to index
        %parallel_loop3A_1555 = tpu.vector_load %arg10[%parallel_loop3A_1553, %parallel_loop3A_1554] {strides = array<i32>} : memref<8x1024xf32, #tpu.memory_space<vmem>>, vector<1x16xf32>,
        %parallel_loop3A_1556 = vector.shape_cast %parallel_loop3A_1555 : vector<1x16xf32> to vector<16xf32>
        %parallel_loop3A_1557 = arith.constant 0 : i32
        %parallel_loop3A_1558 = arith.addi %parallel_loop3A_1557, %parallel_loop3A_1544 : i32
        %parallel_loop3A_1559 = arith.index_cast %parallel_loop3A_1558 : i32 to index
        %parallel_loop3A_1560 = arith.index_cast %parallel_loop3A_1552 : i32 to index
        %parallel_loop3A_1561 = tpu.vector_load %arg7[%parallel_loop3A_1559, %parallel_loop3A_1560] {strides = array<i32>} : memref<32x1024xf32, #tpu.memory_space<vmem>>, vector<1x16xf32>,
        %parallel_loop3A_1562 = vector.shape_cast %parallel_loop3A_1561 : vector<1x16xf32> to vector<16xf32>
        %parallel_loop3A_1563 = vector.shape_cast %parallel_loop3A_1556 : vector<16xf32> to vector<1x16xf32>
        tpu.vector_store %arg7[%parallel_loop3A_1559, %parallel_loop3A_1560], %parallel_loop3A_1563 {add = true, strides = array<i32>} : memref<32x1024xf32, #tpu.memory_space<vmem>>, vector<1x16xf32>,
        %parallel_loop3A_1564 = arith.constant 8 : i32
        %parallel_loop3A_1565 = arith.addi %parallel_loop3A_1564, %parallel_loop3A_1544 : i32
        %parallel_loop3A_1566 = arith.index_cast %parallel_loop3A_1565 : i32 to index
        %parallel_loop3A_1567 = arith.index_cast %parallel_loop3A_1552 : i32 to index
        %parallel_loop3A_1568 = tpu.vector_load %arg7[%parallel_loop3A_1566, %parallel_loop3A_1567] {strides = array<i32>} : memref<32x1024xf32, #tpu.memory_space<vmem>>, vector<1x16xf32>,
        %parallel_loop3A_1569 = vector.shape_cast %parallel_loop3A_1568 : vector<1x16xf32> to vector<16xf32>
        %parallel_loop3A_1570 = vector.shape_cast %parallel_loop3A_1556 : vector<16xf32> to vector<1x16xf32>
        tpu.vector_store %arg7[%parallel_loop3A_1566, %parallel_loop3A_1567], %parallel_loop3A_1570 {add = true, strides = array<i32>} : memref<32x1024xf32, #tpu.memory_space<vmem>>, vector<1x16xf32>,
        %parallel_loop3A_1571 = arith.constant 16 : i32
        %parallel_loop3A_1572 = arith.addi %parallel_loop3A_1571, %parallel_loop3A_1544 : i32
        %parallel_loop3A_1573 = arith.index_cast %parallel_loop3A_1572 : i32 to index
        %parallel_loop3A_1574 = arith.index_cast %parallel_loop3A_1552 : i32 to index
        %parallel_loop3A_1575 = tpu.vector_load %arg7[%parallel_loop3A_1573, %parallel_loop3A_1574] {strides = array<i32>} : memref<32x1024xf32, #tpu.memory_space<vmem>>, vector<1x16xf32>,
        %parallel_loop3A_1576 = vector.shape_cast %parallel_loop3A_1575 : vector<1x16xf32> to vector<16xf32>
        %parallel_loop3A_1577 = vector.shape_cast %parallel_loop3A_1556 : vector<16xf32> to vector<1x16xf32>
        tpu.vector_store %arg7[%parallel_loop3A_1573, %parallel_loop3A_1574], %parallel_loop3A_1577 {add = true, strides = array<i32>} : memref<32x1024xf32, #tpu.memory_space<vmem>>, vector<1x16xf32>,
        %parallel_loop3A_1578 = arith.constant 24 : i32
        %parallel_loop3A_1579 = arith.addi %parallel_loop3A_1578, %parallel_loop3A_1544 : i32
        %parallel_loop3A_1580 = arith.index_cast %parallel_loop3A_1579 : i32 to index
        %parallel_loop3A_1581 = arith.index_cast %parallel_loop3A_1552 : i32 to index
        %parallel_loop3A_1582 = tpu.vector_load %arg7[%parallel_loop3A_1580, %parallel_loop3A_1581] {strides = array<i32>} : memref<32x1024xf32, #tpu.memory_space<vmem>>, vector<1x16xf32>,
        %parallel_loop3A_1583 = vector.shape_cast %parallel_loop3A_1582 : vector<1x16xf32> to vector<16xf32>
        %parallel_loop3A_1584 = vector.shape_cast %parallel_loop3A_1556 : vector<16xf32> to vector<1x16xf32>
        tpu.vector_store %arg7[%parallel_loop3A_1580, %parallel_loop3A_1581], %parallel_loop3A_1584 {add = true, strides = array<i32>} : memref<32x1024xf32, #tpu.memory_space<vmem>>, vector<1x16xf32>,
        %parallel_loop3A_1585 = arith.constant 1 : i32
        %parallel_loop3A_1586 = arith.addi %parallel_loop3A_1548, %parallel_loop3A_1585 : i32
        %parallel_loop3A_1587 = arith.constant 16 : i32
        %parallel_loop3A_1588 = arith.muli %parallel_loop3A_1586, %parallel_loop3A_1587 : i32
        %parallel_loop3A_1589 = arith.index_cast %parallel_loop3A_1544 : i32 to index
        %parallel_loop3A_1590 = arith.index_cast %parallel_loop3A_1588 : i32 to index
        %parallel_loop3A_1591 = tpu.vector_load %arg10[%parallel_loop3A_1589, %parallel_loop3A_1590] {strides = array<i32>} : memref<8x1024xf32, #tpu.memory_space<vmem>>, vector<1x16xf32>,
        %parallel_loop3A_1592 = vector.shape_cast %parallel_loop3A_1591 : vector<1x16xf32> to vector<16xf32>
        %parallel_loop3A_1593 = arith.constant 0 : i32
        %parallel_loop3A_1594 = arith.addi %parallel_loop3A_1593, %parallel_loop3A_1544 : i32
        %parallel_loop3A_1595 = arith.index_cast %parallel_loop3A_1594 : i32 to index
        %parallel_loop3A_1596 = arith.index_cast %parallel_loop3A_1588 : i32 to index
        %parallel_loop3A_1597 = tpu.vector_load %arg7[%parallel_loop3A_1595, %parallel_loop3A_1596] {strides = array<i32>} : memref<32x1024xf32, #tpu.memory_space<vmem>>, vector<1x16xf32>,
        %parallel_loop3A_1598 = vector.shape_cast %parallel_loop3A_1597 : vector<1x16xf32> to vector<16xf32>
        %parallel_loop3A_1599 = vector.shape_cast %parallel_loop3A_1592 : vector<16xf32> to vector<1x16xf32>
        tpu.vector_store %arg7[%parallel_loop3A_1595, %parallel_loop3A_1596], %parallel_loop3A_1599 {add = true, strides = array<i32>} : memref<32x1024xf32, #tpu.memory_space<vmem>>, vector<1x16xf32>,
        %parallel_loop3A_1600 = arith.constant 8 : i32
        %parallel_loop3A_1601 = arith.addi %parallel_loop3A_1600, %parallel_loop3A_1544 : i32
        %parallel_loop3A_1602 = arith.index_cast %parallel_loop3A_1601 : i32 to index
        %parallel_loop3A_1603 = arith.index_cast %parallel_loop3A_1588 : i32 to index
        %parallel_loop3A_1604 = tpu.vector_load %arg7[%parallel_loop3A_1602, %parallel_loop3A_1603] {strides = array<i32>} : memref<32x1024xf32, #tpu.memory_space<vmem>>, vector<1x16xf32>,
        %parallel_loop3A_1605 = vector.shape_cast %parallel_loop3A_1604 : vector<1x16xf32> to vector<16xf32>
        %parallel_loop3A_1606 = vector.shape_cast %parallel_loop3A_1592 : vector<16xf32> to vector<1x16xf32>
        tpu.vector_store %arg7[%parallel_loop3A_1602, %parallel_loop3A_1603], %parallel_loop3A_1606 {add = true, strides = array<i32>} : memref<32x1024xf32, #tpu.memory_space<vmem>>, vector<1x16xf32>,
        %parallel_loop3A_1607 = arith.constant 16 : i32
        %parallel_loop3A_1608 = arith.addi %parallel_loop3A_1607, %parallel_loop3A_1544 : i32
        %parallel_loop3A_1609 = arith.index_cast %parallel_loop3A_1608 : i32 to index
        %parallel_loop3A_1610 = arith.index_cast %parallel_loop3A_1588 : i32 to index
        %parallel_loop3A_1611 = tpu.vector_load %arg7[%parallel_loop3A_1609, %parallel_loop3A_1610] {strides = array<i32>} : memref<32x1024xf32, #tpu.memory_space<vmem>>, vector<1x16xf32>,
        %parallel_loop3A_1612 = vector.shape_cast %parallel_loop3A_1611 : vector<1x16xf32> to vector<16xf32>
        %parallel_loop3A_1613 = vector.shape_cast %parallel_loop3A_1592 : vector<16xf32> to vector<1x16xf32>
        tpu.vector_store %arg7[%parallel_loop3A_1609, %parallel_loop3A_1610], %parallel_loop3A_1613 {add = true, strides = array<i32>} : memref<32x1024xf32, #tpu.memory_space<vmem>>, vector<1x16xf32>,
        %parallel_loop3A_1614 = arith.constant 24 : i32
        %parallel_loop3A_1615 = arith.addi %parallel_loop3A_1614, %parallel_loop3A_1544 : i32
        %parallel_loop3A_1616 = arith.index_cast %parallel_loop3A_1615 : i32 to index
        %parallel_loop3A_1617 = arith.index_cast %parallel_loop3A_1588 : i32 to index
        %parallel_loop3A_1618 = tpu.vector_load %arg7[%parallel_loop3A_1616, %parallel_loop3A_1617] {strides = array<i32>} : memref<32x1024xf32, #tpu.memory_space<vmem>>, vector<1x16xf32>,
        %parallel_loop3A_1619 = vector.shape_cast %parallel_loop3A_1618 : vector<1x16xf32> to vector<16xf32>
        %parallel_loop3A_1620 = vector.shape_cast %parallel_loop3A_1592 : vector<16xf32> to vector<1x16xf32>
        tpu.vector_store %arg7[%parallel_loop3A_1616, %parallel_loop3A_1617], %parallel_loop3A_1620 {add = true, strides = array<i32>} : memref<32x1024xf32, #tpu.memory_space<vmem>>, vector<1x16xf32>,
      } {sc.loop_unroll_factor = 1 : i64, sc.parallel_access}
    } {sc.loop_unroll_factor = 1 : i64, sc.parallel_access}
    %add3A_1241 = arith.constant 0 : i32
    %add3A_1242 = arith.addi %add3A_1241, %mul3A_2 : i32
    %add3A_1243 = arith.constant 32 : i32
    %add3A_1244 = arith.addi %add3A_1242, %add3A_1243 : i32
    %dma_start3A_1245 = arith.constant 0 : i32
    %dma_start3A_1246 = arith.constant 0 : i32
    %dma_start3A_1247 = tpu.memref_slice %arg7[%dma_start3A_1245, %dma_start3A_1246] : memref<32x1024xf32, #tpu.memory_space<vmem>> -> memref<8x1024xf32, #tpu.memory_space<vmem>>
    %dma_start3A_1248 = arith.constant 0 : i32
    %dma_start3A_1249 = tpu.memref_slice %arg5[%add3A_1244, %dma_start3A_1248] : memref<8192x1024xf32, #tpu.memory_space<hbm>> -> memref<8x1024xf32, #tpu.memory_space<hbm>>
    %dma_start3A_1250 = arith.constant 0 : i32
    %dma_start3A_1251 = tpu.memref_slice %arg5[%add3A_1244, %dma_start3A_1250] : memref<8192x1024xf32, #tpu.memory_space<hbm>> -> memref<8x1024xf32, #tpu.memory_space<hbm>>
    %dma_start3A_1252 = arith.constant 0 : i32
    %dma_start3A_1253 = arith.constant 0 : i32
    %dma_start3A_1254 = tpu.memref_slice %arg7[%dma_start3A_1252, %dma_start3A_1253] : memref<32x1024xf32, #tpu.memory_space<vmem>> -> memref<8x1024xf32, #tpu.memory_space<vmem>>
    tpu.enqueue_dma source(%dma_start3A_1254 : memref<8x1024xf32, #tpu.memory_space<vmem>>) target(%dma_start3A_1251 : memref<8x1024xf32, #tpu.memory_space<hbm>>) target_semaphore(%arg17 : memref<!tpu.dma_semaphore, #tpu.memory_space<semaphore_mem>>)
    %add3A_1255 = arith.constant 2048 : i32
    %add3A_1256 = arith.addi %add3A_1255, %mul3A_2 : i32
    %add3A_1257 = arith.constant 32 : i32
    %add3A_1258 = arith.addi %add3A_1256, %add3A_1257 : i32
    %dma_start3A_1259 = arith.constant 8 : i32
    %dma_start3A_1260 = arith.constant 0 : i32
    %dma_start3A_1261 = tpu.memref_slice %arg7[%dma_start3A_1259, %dma_start3A_1260] : memref<32x1024xf32, #tpu.memory_space<vmem>> -> memref<8x1024xf32, #tpu.memory_space<vmem>>
    %dma_start3A_1262 = arith.constant 0 : i32
    %dma_start3A_1263 = tpu.memref_slice %arg5[%add3A_1258, %dma_start3A_1262] : memref<8192x1024xf32, #tpu.memory_space<hbm>> -> memref<8x1024xf32, #tpu.memory_space<hbm>>
    %dma_start3A_1264 = arith.constant 0 : i32
    %dma_start3A_1265 = tpu.memref_slice %arg5[%add3A_1258, %dma_start3A_1264] : memref<8192x1024xf32, #tpu.memory_space<hbm>> -> memref<8x1024xf32, #tpu.memory_space<hbm>>
    %dma_start3A_1266 = arith.constant 8 : i32
    %dma_start3A_1267 = arith.constant 0 : i32
    %dma_start3A_1268 = tpu.memref_slice %arg7[%dma_start3A_1266, %dma_start3A_1267] : memref<32x1024xf32, #tpu.memory_space<vmem>> -> memref<8x1024xf32, #tpu.memory_space<vmem>>
    tpu.enqueue_dma source(%dma_start3A_1268 : memref<8x1024xf32, #tpu.memory_space<vmem>>) target(%dma_start3A_1265 : memref<8x1024xf32, #tpu.memory_space<hbm>>) target_semaphore(%arg17 : memref<!tpu.dma_semaphore, #tpu.memory_space<semaphore_mem>>)
    %add3A_1269 = arith.constant 4096 : i32
    %add3A_1270 = arith.addi %add3A_1269, %mul3A_2 : i32
    %add3A_1271 = arith.constant 32 : i32
    %add3A_1272 = arith.addi %add3A_1270, %add3A_1271 : i32
    %dma_start3A_1273 = arith.constant 16 : i32
    %dma_start3A_1274 = arith.constant 0 : i32
    %dma_start3A_1275 = tpu.memref_slice %arg7[%dma_start3A_1273, %dma_start3A_1274] : memref<32x1024xf32, #tpu.memory_space<vmem>> -> memref<8x1024xf32, #tpu.memory_space<vmem>>
    %dma_start3A_1276 = arith.constant 0 : i32
    %dma_start3A_1277 = tpu.memref_slice %arg5[%add3A_1272, %dma_start3A_1276] : memref<8192x1024xf32, #tpu.memory_space<hbm>> -> memref<8x1024xf32, #tpu.memory_space<hbm>>
    %dma_start3A_1278 = arith.constant 0 : i32
    %dma_start3A_1279 = tpu.memref_slice %arg5[%add3A_1272, %dma_start3A_1278] : memref<8192x1024xf32, #tpu.memory_space<hbm>> -> memref<8x1024xf32, #tpu.memory_space<hbm>>
    %dma_start3A_1280 = arith.constant 16 : i32
    %dma_start3A_1281 = arith.constant 0 : i32
    %dma_start3A_1282 = tpu.memref_slice %arg7[%dma_start3A_1280, %dma_start3A_1281] : memref<32x1024xf32, #tpu.memory_space<vmem>> -> memref<8x1024xf32, #tpu.memory_space<vmem>>
    tpu.enqueue_dma source(%dma_start3A_1282 : memref<8x1024xf32, #tpu.memory_space<vmem>>) target(%dma_start3A_1279 : memref<8x1024xf32, #tpu.memory_space<hbm>>) target_semaphore(%arg17 : memref<!tpu.dma_semaphore, #tpu.memory_space<semaphore_mem>>)
    %add3A_1283 = arith.constant 6144 : i32
    %add3A_1284 = arith.addi %add3A_1283, %mul3A_2 : i32
    %add3A_1285 = arith.constant 32 : i32
    %add3A_1286 = arith.addi %add3A_1284, %add3A_1285 : i32
    %dma_start3A_1287 = arith.constant 24 : i32
    %dma_start3A_1288 = arith.constant 0 : i32
    %dma_start3A_1289 = tpu.memref_slice %arg7[%dma_start3A_1287, %dma_start3A_1288] : memref<32x1024xf32, #tpu.memory_space<vmem>> -> memref<8x1024xf32, #tpu.memory_space<vmem>>
    %dma_start3A_1290 = arith.constant 0 : i32
    %dma_start3A_1291 = tpu.memref_slice %arg5[%add3A_1286, %dma_start3A_1290] : memref<8192x1024xf32, #tpu.memory_space<hbm>> -> memref<8x1024xf32, #tpu.memory_space<hbm>>
    %dma_start3A_1292 = arith.constant 0 : i32
    %dma_start3A_1293 = tpu.memref_slice %arg5[%add3A_1286, %dma_start3A_1292] : memref<8192x1024xf32, #tpu.memory_space<hbm>> -> memref<8x1024xf32, #tpu.memory_space<hbm>>
    %dma_start3A_1294 = arith.constant 24 : i32
    %dma_start3A_1295 = arith.constant 0 : i32
    %dma_start3A_1296 = tpu.memref_slice %arg7[%dma_start3A_1294, %dma_start3A_1295] : memref<32x1024xf32, #tpu.memory_space<vmem>> -> memref<8x1024xf32, #tpu.memory_space<vmem>>
    tpu.enqueue_dma source(%dma_start3A_1296 : memref<8x1024xf32, #tpu.memory_space<vmem>>) target(%dma_start3A_1293 : memref<8x1024xf32, #tpu.memory_space<hbm>>) target_semaphore(%arg17 : memref<!tpu.dma_semaphore, #tpu.memory_space<semaphore_mem>>)
    %dma_wait3A_1297 = arith.constant 0 : i32
    %dma_wait3A_1298 = arith.constant 0 : i32
    %dma_wait3A_1299 = tpu.memref_slice %arg3[%dma_wait3A_1297, %dma_wait3A_1298] : memref<100000x1024xf32, #tpu.memory_space<hbm>> -> memref<32x1024xf32, #tpu.memory_space<hbm>>
    %dma_wait3A_1300 = arith.constant 0 : i32
    %dma_wait3A_1301 = arith.constant 0 : i32
    %dma_wait3A_1302 = tpu.memref_slice %arg3[%dma_wait3A_1300, %dma_wait3A_1301] : memref<100000x1024xf32, #tpu.memory_space<hbm>> -> memref<32x1024xf32, #tpu.memory_space<hbm>>
    tpu.wait_dma2 semaphore(%arg17 : memref<!tpu.dma_semaphore, #tpu.memory_space<semaphore_mem>>) src(%dma_wait3A_1302 : memref<32x1024xf32, #tpu.memory_space<hbm>>) dst(%arg7 : memref<32x1024xf32, #tpu.memory_space<vmem>>)
    %dma_start3A_1303 = arith.constant 7 : i32
    %dma_start3A_1304 = arith.constant 0 : i32
    %dma_start3A_1305 = tpu.memref_slice %arg12[%dma_start3A_1303, %dma_start3A_1304] : memref<8x32xi32, #tpu.memory_space<vmem>> -> memref<1x32xi32, #tpu.memory_space<vmem>>
    %dma_start3A_1306 = tpu.memref_squeeze %dma_start3A_1305 : memref<1x32xi32, #tpu.memory_space<vmem>> -> memref<32xi32, #tpu.memory_space<vmem>>
    %dma_start3A_1307 = arith.constant 0 : i32
    %dma_start3A_1308 = arith.constant 0 : i32
    %dma_start3A_1309 = tpu.memref_slice %arg3[%dma_start3A_1307, %dma_start3A_1308] : memref<100000x1024xf32, #tpu.memory_space<hbm>> -> memref<100000x1024xf32, #tpu.memory_space<hbm>>
    tpu.enqueue_indirect_dma source(%dma_start3A_1309 : memref<100000x1024xf32, #tpu.memory_space<hbm>>) target(%arg7 : memref<32x1024xf32, #tpu.memory_space<vmem>>) offsets(%dma_start3A_1306 : memref<32xi32, #tpu.memory_space<vmem>>) semaphore(%arg14 : memref<!tpu.dma_semaphore, #tpu.memory_space<semaphore_mem>>)
    %add3A_1310 = arith.constant 56 : i32
    %add3A_1311 = arith.addi %mul3A_2, %add3A_1310 : i32
    %dma_start3A_1312 = arith.constant 0 : i32
    %dma_start3A_1313 = tpu.memref_slice %arg4[%add3A_1311, %dma_start3A_1312] : memref<2048x1024xf32, #tpu.memory_space<hbm>> -> memref<8x1024xf32, #tpu.memory_space<hbm>>
    %dma_start3A_1314 = arith.constant 0 : i32
    %dma_start3A_1315 = tpu.memref_slice %arg4[%add3A_1311, %dma_start3A_1314] : memref<2048x1024xf32, #tpu.memory_space<hbm>> -> memref<8x1024xf32, #tpu.memory_space<hbm>>
    tpu.enqueue_dma source(%dma_start3A_1315 : memref<8x1024xf32, #tpu.memory_space<hbm>>) target(%arg10 : memref<8x1024xf32, #tpu.memory_space<vmem>>) target_semaphore(%arg20 : memref<!tpu.dma_semaphore, #tpu.memory_space<semaphore_mem>>)
    %dma_wait3A_1316 = arith.constant 5 : i32
    %dma_wait3A_1317 = arith.constant 0 : i32
    %dma_wait3A_1318 = tpu.memref_slice %arg12[%dma_wait3A_1316, %dma_wait3A_1317] : memref<8x32xi32, #tpu.memory_space<vmem>> -> memref<1x32xi32, #tpu.memory_space<vmem>>
    %dma_wait3A_1319 = tpu.memref_squeeze %dma_wait3A_1318 : memref<1x32xi32, #tpu.memory_space<vmem>> -> memref<32xi32, #tpu.memory_space<vmem>>
    %dma_wait3A_1320 = arith.constant 0 : i32
    %dma_wait3A_1321 = arith.constant 0 : i32
    %dma_wait3A_1322 = tpu.memref_slice %arg3[%dma_wait3A_1320, %dma_wait3A_1321] : memref<100000x1024xf32, #tpu.memory_space<hbm>> -> memref<100000x1024xf32, #tpu.memory_space<hbm>>
    tpu.wait_indirect_dma semaphore(%arg15 : memref<!tpu.dma_semaphore, #tpu.memory_space<semaphore_mem>>) src(%dma_wait3A_1322 : memref<100000x1024xf32, #tpu.memory_space<hbm>>) dst(%arg8 : memref<32x1024xf32, #tpu.memory_space<vmem>>)
    %dma_wait3A_1323 = arith.constant 0 : i32
    %dma_wait3A_1324 = tpu.memref_slice %arg4[%add3A_1133, %dma_wait3A_1323] : memref<2048x1024xf32, #tpu.memory_space<hbm>> -> memref<8x1024xf32, #tpu.memory_space<hbm>>
    %dma_wait3A_1325 = arith.constant 0 : i32
    %dma_wait3A_1326 = tpu.memref_slice %arg4[%add3A_1133, %dma_wait3A_1325] : memref<2048x1024xf32, #tpu.memory_space<hbm>> -> memref<8x1024xf32, #tpu.memory_space<hbm>>
    tpu.wait_dma2 semaphore(%arg21 : memref<!tpu.dma_semaphore, #tpu.memory_space<semaphore_mem>>) src(%dma_wait3A_1326 : memref<8x1024xf32, #tpu.memory_space<hbm>>) dst(%arg11 : memref<8x1024xf32, #tpu.memory_space<vmem>>)
    %parallel_loop3A_1327 = arith.constant 0 : i32
    %parallel_loop3A_1328 = arith.constant 8 : i32
    %parallel_loop3A_1329 = arith.constant 1 : i32
    scf.for %parallel_loop3A_1544 = %parallel_loop3A_1327 to %parallel_loop3A_1328 step %parallel_loop3A_1329  : i32 {
      %parallel_loop3A_1545 = arith.constant 0 : i32
      %parallel_loop3A_1546 = arith.constant 64 : i32
      %parallel_loop3A_1547 = arith.constant 2 : i32
      scf.for %parallel_loop3A_1548 = %parallel_loop3A_1545 to %parallel_loop3A_1546 step %parallel_loop3A_1547  : i32 {
        %parallel_loop3A_1549 = arith.constant 0 : i32
        %parallel_loop3A_1550 = arith.addi %parallel_loop3A_1548, %parallel_loop3A_1549 : i32
        %parallel_loop3A_1551 = arith.constant 16 : i32
        %parallel_loop3A_1552 = arith.muli %parallel_loop3A_1550, %parallel_loop3A_1551 : i32
        %parallel_loop3A_1553 = arith.index_cast %parallel_loop3A_1544 : i32 to index
        %parallel_loop3A_1554 = arith.index_cast %parallel_loop3A_1552 : i32 to index
        %parallel_loop3A_1555 = tpu.vector_load %arg11[%parallel_loop3A_1553, %parallel_loop3A_1554] {strides = array<i32>} : memref<8x1024xf32, #tpu.memory_space<vmem>>, vector<1x16xf32>,
        %parallel_loop3A_1556 = vector.shape_cast %parallel_loop3A_1555 : vector<1x16xf32> to vector<16xf32>
        %parallel_loop3A_1557 = arith.constant 0 : i32
        %parallel_loop3A_1558 = arith.addi %parallel_loop3A_1557, %parallel_loop3A_1544 : i32
        %parallel_loop3A_1559 = arith.index_cast %parallel_loop3A_1558 : i32 to index
        %parallel_loop3A_1560 = arith.index_cast %parallel_loop3A_1552 : i32 to index
        %parallel_loop3A_1561 = tpu.vector_load %arg8[%parallel_loop3A_1559, %parallel_loop3A_1560] {strides = array<i32>} : memref<32x1024xf32, #tpu.memory_space<vmem>>, vector<1x16xf32>,
        %parallel_loop3A_1562 = vector.shape_cast %parallel_loop3A_1561 : vector<1x16xf32> to vector<16xf32>
        %parallel_loop3A_1563 = vector.shape_cast %parallel_loop3A_1556 : vector<16xf32> to vector<1x16xf32>
        tpu.vector_store %arg8[%parallel_loop3A_1559, %parallel_loop3A_1560], %parallel_loop3A_1563 {add = true, strides = array<i32>} : memref<32x1024xf32, #tpu.memory_space<vmem>>, vector<1x16xf32>,
        %parallel_loop3A_1564 = arith.constant 8 : i32
        %parallel_loop3A_1565 = arith.addi %parallel_loop3A_1564, %parallel_loop3A_1544 : i32
        %parallel_loop3A_1566 = arith.index_cast %parallel_loop3A_1565 : i32 to index
        %parallel_loop3A_1567 = arith.index_cast %parallel_loop3A_1552 : i32 to index
        %parallel_loop3A_1568 = tpu.vector_load %arg8[%parallel_loop3A_1566, %parallel_loop3A_1567] {strides = array<i32>} : memref<32x1024xf32, #tpu.memory_space<vmem>>, vector<1x16xf32>,
        %parallel_loop3A_1569 = vector.shape_cast %parallel_loop3A_1568 : vector<1x16xf32> to vector<16xf32>
        %parallel_loop3A_1570 = vector.shape_cast %parallel_loop3A_1556 : vector<16xf32> to vector<1x16xf32>
        tpu.vector_store %arg8[%parallel_loop3A_1566, %parallel_loop3A_1567], %parallel_loop3A_1570 {add = true, strides = array<i32>} : memref<32x1024xf32, #tpu.memory_space<vmem>>, vector<1x16xf32>,
        %parallel_loop3A_1571 = arith.constant 16 : i32
        %parallel_loop3A_1572 = arith.addi %parallel_loop3A_1571, %parallel_loop3A_1544 : i32
        %parallel_loop3A_1573 = arith.index_cast %parallel_loop3A_1572 : i32 to index
        %parallel_loop3A_1574 = arith.index_cast %parallel_loop3A_1552 : i32 to index
        %parallel_loop3A_1575 = tpu.vector_load %arg8[%parallel_loop3A_1573, %parallel_loop3A_1574] {strides = array<i32>} : memref<32x1024xf32, #tpu.memory_space<vmem>>, vector<1x16xf32>,
        %parallel_loop3A_1576 = vector.shape_cast %parallel_loop3A_1575 : vector<1x16xf32> to vector<16xf32>
        %parallel_loop3A_1577 = vector.shape_cast %parallel_loop3A_1556 : vector<16xf32> to vector<1x16xf32>
        tpu.vector_store %arg8[%parallel_loop3A_1573, %parallel_loop3A_1574], %parallel_loop3A_1577 {add = true, strides = array<i32>} : memref<32x1024xf32, #tpu.memory_space<vmem>>, vector<1x16xf32>,
        %parallel_loop3A_1578 = arith.constant 24 : i32
        %parallel_loop3A_1579 = arith.addi %parallel_loop3A_1578, %parallel_loop3A_1544 : i32
        %parallel_loop3A_1580 = arith.index_cast %parallel_loop3A_1579 : i32 to index
        %parallel_loop3A_1581 = arith.index_cast %parallel_loop3A_1552 : i32 to index
        %parallel_loop3A_1582 = tpu.vector_load %arg8[%parallel_loop3A_1580, %parallel_loop3A_1581] {strides = array<i32>} : memref<32x1024xf32, #tpu.memory_space<vmem>>, vector<1x16xf32>,
        %parallel_loop3A_1583 = vector.shape_cast %parallel_loop3A_1582 : vector<1x16xf32> to vector<16xf32>
        %parallel_loop3A_1584 = vector.shape_cast %parallel_loop3A_1556 : vector<16xf32> to vector<1x16xf32>
        tpu.vector_store %arg8[%parallel_loop3A_1580, %parallel_loop3A_1581], %parallel_loop3A_1584 {add = true, strides = array<i32>} : memref<32x1024xf32, #tpu.memory_space<vmem>>, vector<1x16xf32>,
        %parallel_loop3A_1585 = arith.constant 1 : i32
        %parallel_loop3A_1586 = arith.addi %parallel_loop3A_1548, %parallel_loop3A_1585 : i32
        %parallel_loop3A_1587 = arith.constant 16 : i32
        %parallel_loop3A_1588 = arith.muli %parallel_loop3A_1586, %parallel_loop3A_1587 : i32
        %parallel_loop3A_1589 = arith.index_cast %parallel_loop3A_1544 : i32 to index
        %parallel_loop3A_1590 = arith.index_cast %parallel_loop3A_1588 : i32 to index
        %parallel_loop3A_1591 = tpu.vector_load %arg11[%parallel_loop3A_1589, %parallel_loop3A_1590] {strides = array<i32>} : memref<8x1024xf32, #tpu.memory_space<vmem>>, vector<1x16xf32>,
        %parallel_loop3A_1592 = vector.shape_cast %parallel_loop3A_1591 : vector<1x16xf32> to vector<16xf32>
        %parallel_loop3A_1593 = arith.constant 0 : i32
        %parallel_loop3A_1594 = arith.addi %parallel_loop3A_1593, %parallel_loop3A_1544 : i32
        %parallel_loop3A_1595 = arith.index_cast %parallel_loop3A_1594 : i32 to index
        %parallel_loop3A_1596 = arith.index_cast %parallel_loop3A_1588 : i32 to index
        %parallel_loop3A_1597 = tpu.vector_load %arg8[%parallel_loop3A_1595, %parallel_loop3A_1596] {strides = array<i32>} : memref<32x1024xf32, #tpu.memory_space<vmem>>, vector<1x16xf32>,
        %parallel_loop3A_1598 = vector.shape_cast %parallel_loop3A_1597 : vector<1x16xf32> to vector<16xf32>
        %parallel_loop3A_1599 = vector.shape_cast %parallel_loop3A_1592 : vector<16xf32> to vector<1x16xf32>
        tpu.vector_store %arg8[%parallel_loop3A_1595, %parallel_loop3A_1596], %parallel_loop3A_1599 {add = true, strides = array<i32>} : memref<32x1024xf32, #tpu.memory_space<vmem>>, vector<1x16xf32>,
        %parallel_loop3A_1600 = arith.constant 8 : i32
        %parallel_loop3A_1601 = arith.addi %parallel_loop3A_1600, %parallel_loop3A_1544 : i32
        %parallel_loop3A_1602 = arith.index_cast %parallel_loop3A_1601 : i32 to index
        %parallel_loop3A_1603 = arith.index_cast %parallel_loop3A_1588 : i32 to index
        %parallel_loop3A_1604 = tpu.vector_load %arg8[%parallel_loop3A_1602, %parallel_loop3A_1603] {strides = array<i32>} : memref<32x1024xf32, #tpu.memory_space<vmem>>, vector<1x16xf32>,
        %parallel_loop3A_1605 = vector.shape_cast %parallel_loop3A_1604 : vector<1x16xf32> to vector<16xf32>
        %parallel_loop3A_1606 = vector.shape_cast %parallel_loop3A_1592 : vector<16xf32> to vector<1x16xf32>
        tpu.vector_store %arg8[%parallel_loop3A_1602, %parallel_loop3A_1603], %parallel_loop3A_1606 {add = true, strides = array<i32>} : memref<32x1024xf32, #tpu.memory_space<vmem>>, vector<1x16xf32>,
        %parallel_loop3A_1607 = arith.constant 16 : i32
        %parallel_loop3A_1608 = arith.addi %parallel_loop3A_1607, %parallel_loop3A_1544 : i32
        %parallel_loop3A_1609 = arith.index_cast %parallel_loop3A_1608 : i32 to index
        %parallel_loop3A_1610 = arith.index_cast %parallel_loop3A_1588 : i32 to index
        %parallel_loop3A_1611 = tpu.vector_load %arg8[%parallel_loop3A_1609, %parallel_loop3A_1610] {strides = array<i32>} : memref<32x1024xf32, #tpu.memory_space<vmem>>, vector<1x16xf32>,
        %parallel_loop3A_1612 = vector.shape_cast %parallel_loop3A_1611 : vector<1x16xf32> to vector<16xf32>
        %parallel_loop3A_1613 = vector.shape_cast %parallel_loop3A_1592 : vector<16xf32> to vector<1x16xf32>
        tpu.vector_store %arg8[%parallel_loop3A_1609, %parallel_loop3A_1610], %parallel_loop3A_1613 {add = true, strides = array<i32>} : memref<32x1024xf32, #tpu.memory_space<vmem>>, vector<1x16xf32>,
        %parallel_loop3A_1614 = arith.constant 24 : i32
        %parallel_loop3A_1615 = arith.addi %parallel_loop3A_1614, %parallel_loop3A_1544 : i32
        %parallel_loop3A_1616 = arith.index_cast %parallel_loop3A_1615 : i32 to index
        %parallel_loop3A_1617 = arith.index_cast %parallel_loop3A_1588 : i32 to index
        %parallel_loop3A_1618 = tpu.vector_load %arg8[%parallel_loop3A_1616, %parallel_loop3A_1617] {strides = array<i32>} : memref<32x1024xf32, #tpu.memory_space<vmem>>, vector<1x16xf32>,
        %parallel_loop3A_1619 = vector.shape_cast %parallel_loop3A_1618 : vector<1x16xf32> to vector<16xf32>
        %parallel_loop3A_1620 = vector.shape_cast %parallel_loop3A_1592 : vector<16xf32> to vector<1x16xf32>
        tpu.vector_store %arg8[%parallel_loop3A_1616, %parallel_loop3A_1617], %parallel_loop3A_1620 {add = true, strides = array<i32>} : memref<32x1024xf32, #tpu.memory_space<vmem>>, vector<1x16xf32>,
      } {sc.loop_unroll_factor = 1 : i64, sc.parallel_access}
    } {sc.loop_unroll_factor = 1 : i64, sc.parallel_access}
    %add3A_1330 = arith.constant 0 : i32
    %add3A_1331 = arith.addi %add3A_1330, %mul3A_2 : i32
    %add3A_1332 = arith.constant 40 : i32
    %add3A_1333 = arith.addi %add3A_1331, %add3A_1332 : i32
    %dma_start3A_1334 = arith.constant 0 : i32
    %dma_start3A_1335 = arith.constant 0 : i32
    %dma_start3A_1336 = tpu.memref_slice %arg8[%dma_start3A_1334, %dma_start3A_1335] : memref<32x1024xf32, #tpu.memory_space<vmem>> -> memref<8x1024xf32, #tpu.memory_space<vmem>>
    %dma_start3A_1337 = arith.constant 0 : i32
    %dma_start3A_1338 = tpu.memref_slice %arg5[%add3A_1333, %dma_start3A_1337] : memref<8192x1024xf32, #tpu.memory_space<hbm>> -> memref<8x1024xf32, #tpu.memory_space<hbm>>
    %dma_start3A_1339 = arith.constant 0 : i32
    %dma_start3A_1340 = tpu.memref_slice %arg5[%add3A_1333, %dma_start3A_1339] : memref<8192x1024xf32, #tpu.memory_space<hbm>> -> memref<8x1024xf32, #tpu.memory_space<hbm>>
    %dma_start3A_1341 = arith.constant 0 : i32
    %dma_start3A_1342 = arith.constant 0 : i32
    %dma_start3A_1343 = tpu.memref_slice %arg8[%dma_start3A_1341, %dma_start3A_1342] : memref<32x1024xf32, #tpu.memory_space<vmem>> -> memref<8x1024xf32, #tpu.memory_space<vmem>>
    tpu.enqueue_dma source(%dma_start3A_1343 : memref<8x1024xf32, #tpu.memory_space<vmem>>) target(%dma_start3A_1340 : memref<8x1024xf32, #tpu.memory_space<hbm>>) target_semaphore(%arg18 : memref<!tpu.dma_semaphore, #tpu.memory_space<semaphore_mem>>)
    %add3A_1344 = arith.constant 2048 : i32
    %add3A_1345 = arith.addi %add3A_1344, %mul3A_2 : i32
    %add3A_1346 = arith.constant 40 : i32
    %add3A_1347 = arith.addi %add3A_1345, %add3A_1346 : i32
    %dma_start3A_1348 = arith.constant 8 : i32
    %dma_start3A_1349 = arith.constant 0 : i32
    %dma_start3A_1350 = tpu.memref_slice %arg8[%dma_start3A_1348, %dma_start3A_1349] : memref<32x1024xf32, #tpu.memory_space<vmem>> -> memref<8x1024xf32, #tpu.memory_space<vmem>>
    %dma_start3A_1351 = arith.constant 0 : i32
    %dma_start3A_1352 = tpu.memref_slice %arg5[%add3A_1347, %dma_start3A_1351] : memref<8192x1024xf32, #tpu.memory_space<hbm>> -> memref<8x1024xf32, #tpu.memory_space<hbm>>
    %dma_start3A_1353 = arith.constant 0 : i32
    %dma_start3A_1354 = tpu.memref_slice %arg5[%add3A_1347, %dma_start3A_1353] : memref<8192x1024xf32, #tpu.memory_space<hbm>> -> memref<8x1024xf32, #tpu.memory_space<hbm>>
    %dma_start3A_1355 = arith.constant 8 : i32
    %dma_start3A_1356 = arith.constant 0 : i32
    %dma_start3A_1357 = tpu.memref_slice %arg8[%dma_start3A_1355, %dma_start3A_1356] : memref<32x1024xf32, #tpu.memory_space<vmem>> -> memref<8x1024xf32, #tpu.memory_space<vmem>>
    tpu.enqueue_dma source(%dma_start3A_1357 : memref<8x1024xf32, #tpu.memory_space<vmem>>) target(%dma_start3A_1354 : memref<8x1024xf32, #tpu.memory_space<hbm>>) target_semaphore(%arg18 : memref<!tpu.dma_semaphore, #tpu.memory_space<semaphore_mem>>)
    %add3A_1358 = arith.constant 4096 : i32
    %add3A_1359 = arith.addi %add3A_1358, %mul3A_2 : i32
    %add3A_1360 = arith.constant 40 : i32
    %add3A_1361 = arith.addi %add3A_1359, %add3A_1360 : i32
    %dma_start3A_1362 = arith.constant 16 : i32
    %dma_start3A_1363 = arith.constant 0 : i32
    %dma_start3A_1364 = tpu.memref_slice %arg8[%dma_start3A_1362, %dma_start3A_1363] : memref<32x1024xf32, #tpu.memory_space<vmem>> -> memref<8x1024xf32, #tpu.memory_space<vmem>>
    %dma_start3A_1365 = arith.constant 0 : i32
    %dma_start3A_1366 = tpu.memref_slice %arg5[%add3A_1361, %dma_start3A_1365] : memref<8192x1024xf32, #tpu.memory_space<hbm>> -> memref<8x1024xf32, #tpu.memory_space<hbm>>
    %dma_start3A_1367 = arith.constant 0 : i32
    %dma_start3A_1368 = tpu.memref_slice %arg5[%add3A_1361, %dma_start3A_1367] : memref<8192x1024xf32, #tpu.memory_space<hbm>> -> memref<8x1024xf32, #tpu.memory_space<hbm>>
    %dma_start3A_1369 = arith.constant 16 : i32
    %dma_start3A_1370 = arith.constant 0 : i32
    %dma_start3A_1371 = tpu.memref_slice %arg8[%dma_start3A_1369, %dma_start3A_1370] : memref<32x1024xf32, #tpu.memory_space<vmem>> -> memref<8x1024xf32, #tpu.memory_space<vmem>>
    tpu.enqueue_dma source(%dma_start3A_1371 : memref<8x1024xf32, #tpu.memory_space<vmem>>) target(%dma_start3A_1368 : memref<8x1024xf32, #tpu.memory_space<hbm>>) target_semaphore(%arg18 : memref<!tpu.dma_semaphore, #tpu.memory_space<semaphore_mem>>)
    %add3A_1372 = arith.constant 6144 : i32
    %add3A_1373 = arith.addi %add3A_1372, %mul3A_2 : i32
    %add3A_1374 = arith.constant 40 : i32
    %add3A_1375 = arith.addi %add3A_1373, %add3A_1374 : i32
    %dma_start3A_1376 = arith.constant 24 : i32
    %dma_start3A_1377 = arith.constant 0 : i32
    %dma_start3A_1378 = tpu.memref_slice %arg8[%dma_start3A_1376, %dma_start3A_1377] : memref<32x1024xf32, #tpu.memory_space<vmem>> -> memref<8x1024xf32, #tpu.memory_space<vmem>>
    %dma_start3A_1379 = arith.constant 0 : i32
    %dma_start3A_1380 = tpu.memref_slice %arg5[%add3A_1375, %dma_start3A_1379] : memref<8192x1024xf32, #tpu.memory_space<hbm>> -> memref<8x1024xf32, #tpu.memory_space<hbm>>
    %dma_start3A_1381 = arith.constant 0 : i32
    %dma_start3A_1382 = tpu.memref_slice %arg5[%add3A_1375, %dma_start3A_1381] : memref<8192x1024xf32, #tpu.memory_space<hbm>> -> memref<8x1024xf32, #tpu.memory_space<hbm>>
    %dma_start3A_1383 = arith.constant 24 : i32
    %dma_start3A_1384 = arith.constant 0 : i32
    %dma_start3A_1385 = tpu.memref_slice %arg8[%dma_start3A_1383, %dma_start3A_1384] : memref<32x1024xf32, #tpu.memory_space<vmem>> -> memref<8x1024xf32, #tpu.memory_space<vmem>>
    tpu.enqueue_dma source(%dma_start3A_1385 : memref<8x1024xf32, #tpu.memory_space<vmem>>) target(%dma_start3A_1382 : memref<8x1024xf32, #tpu.memory_space<hbm>>) target_semaphore(%arg18 : memref<!tpu.dma_semaphore, #tpu.memory_space<semaphore_mem>>)
    %dma_wait3A_1386 = arith.constant 6 : i32
    %dma_wait3A_1387 = arith.constant 0 : i32
    %dma_wait3A_1388 = tpu.memref_slice %arg12[%dma_wait3A_1386, %dma_wait3A_1387] : memref<8x32xi32, #tpu.memory_space<vmem>> -> memref<1x32xi32, #tpu.memory_space<vmem>>
    %dma_wait3A_1389 = tpu.memref_squeeze %dma_wait3A_1388 : memref<1x32xi32, #tpu.memory_space<vmem>> -> memref<32xi32, #tpu.memory_space<vmem>>
    %dma_wait3A_1390 = arith.constant 0 : i32
    %dma_wait3A_1391 = arith.constant 0 : i32
    %dma_wait3A_1392 = tpu.memref_slice %arg3[%dma_wait3A_1390, %dma_wait3A_1391] : memref<100000x1024xf32, #tpu.memory_space<hbm>> -> memref<100000x1024xf32, #tpu.memory_space<hbm>>
    tpu.wait_indirect_dma semaphore(%arg13 : memref<!tpu.dma_semaphore, #tpu.memory_space<semaphore_mem>>) src(%dma_wait3A_1392 : memref<100000x1024xf32, #tpu.memory_space<hbm>>) dst(%arg6 : memref<32x1024xf32, #tpu.memory_space<vmem>>)
    %dma_wait3A_1393 = arith.constant 0 : i32
    %dma_wait3A_1394 = tpu.memref_slice %arg4[%add3A_1222, %dma_wait3A_1393] : memref<2048x1024xf32, #tpu.memory_space<hbm>> -> memref<8x1024xf32, #tpu.memory_space<hbm>>
    %dma_wait3A_1395 = arith.constant 0 : i32
    %dma_wait3A_1396 = tpu.memref_slice %arg4[%add3A_1222, %dma_wait3A_1395] : memref<2048x1024xf32, #tpu.memory_space<hbm>> -> memref<8x1024xf32, #tpu.memory_space<hbm>>
    tpu.wait_dma2 semaphore(%arg19 : memref<!tpu.dma_semaphore, #tpu.memory_space<semaphore_mem>>) src(%dma_wait3A_1396 : memref<8x1024xf32, #tpu.memory_space<hbm>>) dst(%arg9 : memref<8x1024xf32, #tpu.memory_space<vmem>>)
    %parallel_loop3A_1397 = arith.constant 0 : i32
    %parallel_loop3A_1398 = arith.constant 8 : i32
    %parallel_loop3A_1399 = arith.constant 1 : i32
    scf.for %parallel_loop3A_1544 = %parallel_loop3A_1397 to %parallel_loop3A_1398 step %parallel_loop3A_1399  : i32 {
      %parallel_loop3A_1545 = arith.constant 0 : i32
      %parallel_loop3A_1546 = arith.constant 64 : i32
      %parallel_loop3A_1547 = arith.constant 2 : i32
      scf.for %parallel_loop3A_1548 = %parallel_loop3A_1545 to %parallel_loop3A_1546 step %parallel_loop3A_1547  : i32 {
        %parallel_loop3A_1549 = arith.constant 0 : i32
        %parallel_loop3A_1550 = arith.addi %parallel_loop3A_1548, %parallel_loop3A_1549 : i32
        %parallel_loop3A_1551 = arith.constant 16 : i32
        %parallel_loop3A_1552 = arith.muli %parallel_loop3A_1550, %parallel_loop3A_1551 : i32
        %parallel_loop3A_1553 = arith.index_cast %parallel_loop3A_1544 : i32 to index
        %parallel_loop3A_1554 = arith.index_cast %parallel_loop3A_1552 : i32 to index
        %parallel_loop3A_1555 = tpu.vector_load %arg9[%parallel_loop3A_1553, %parallel_loop3A_1554] {strides = array<i32>} : memref<8x1024xf32, #tpu.memory_space<vmem>>, vector<1x16xf32>,
        %parallel_loop3A_1556 = vector.shape_cast %parallel_loop3A_1555 : vector<1x16xf32> to vector<16xf32>
        %parallel_loop3A_1557 = arith.constant 0 : i32
        %parallel_loop3A_1558 = arith.addi %parallel_loop3A_1557, %parallel_loop3A_1544 : i32
        %parallel_loop3A_1559 = arith.index_cast %parallel_loop3A_1558 : i32 to index
        %parallel_loop3A_1560 = arith.index_cast %parallel_loop3A_1552 : i32 to index
        %parallel_loop3A_1561 = tpu.vector_load %arg6[%parallel_loop3A_1559, %parallel_loop3A_1560] {strides = array<i32>} : memref<32x1024xf32, #tpu.memory_space<vmem>>, vector<1x16xf32>,
        %parallel_loop3A_1562 = vector.shape_cast %parallel_loop3A_1561 : vector<1x16xf32> to vector<16xf32>
        %parallel_loop3A_1563 = vector.shape_cast %parallel_loop3A_1556 : vector<16xf32> to vector<1x16xf32>
        tpu.vector_store %arg6[%parallel_loop3A_1559, %parallel_loop3A_1560], %parallel_loop3A_1563 {add = true, strides = array<i32>} : memref<32x1024xf32, #tpu.memory_space<vmem>>, vector<1x16xf32>,
        %parallel_loop3A_1564 = arith.constant 8 : i32
        %parallel_loop3A_1565 = arith.addi %parallel_loop3A_1564, %parallel_loop3A_1544 : i32
        %parallel_loop3A_1566 = arith.index_cast %parallel_loop3A_1565 : i32 to index
        %parallel_loop3A_1567 = arith.index_cast %parallel_loop3A_1552 : i32 to index
        %parallel_loop3A_1568 = tpu.vector_load %arg6[%parallel_loop3A_1566, %parallel_loop3A_1567] {strides = array<i32>} : memref<32x1024xf32, #tpu.memory_space<vmem>>, vector<1x16xf32>,
        %parallel_loop3A_1569 = vector.shape_cast %parallel_loop3A_1568 : vector<1x16xf32> to vector<16xf32>
        %parallel_loop3A_1570 = vector.shape_cast %parallel_loop3A_1556 : vector<16xf32> to vector<1x16xf32>
        tpu.vector_store %arg6[%parallel_loop3A_1566, %parallel_loop3A_1567], %parallel_loop3A_1570 {add = true, strides = array<i32>} : memref<32x1024xf32, #tpu.memory_space<vmem>>, vector<1x16xf32>,
        %parallel_loop3A_1571 = arith.constant 16 : i32
        %parallel_loop3A_1572 = arith.addi %parallel_loop3A_1571, %parallel_loop3A_1544 : i32
        %parallel_loop3A_1573 = arith.index_cast %parallel_loop3A_1572 : i32 to index
        %parallel_loop3A_1574 = arith.index_cast %parallel_loop3A_1552 : i32 to index
        %parallel_loop3A_1575 = tpu.vector_load %arg6[%parallel_loop3A_1573, %parallel_loop3A_1574] {strides = array<i32>} : memref<32x1024xf32, #tpu.memory_space<vmem>>, vector<1x16xf32>,
        %parallel_loop3A_1576 = vector.shape_cast %parallel_loop3A_1575 : vector<1x16xf32> to vector<16xf32>
        %parallel_loop3A_1577 = vector.shape_cast %parallel_loop3A_1556 : vector<16xf32> to vector<1x16xf32>
        tpu.vector_store %arg6[%parallel_loop3A_1573, %parallel_loop3A_1574], %parallel_loop3A_1577 {add = true, strides = array<i32>} : memref<32x1024xf32, #tpu.memory_space<vmem>>, vector<1x16xf32>,
        %parallel_loop3A_1578 = arith.constant 24 : i32
        %parallel_loop3A_1579 = arith.addi %parallel_loop3A_1578, %parallel_loop3A_1544 : i32
        %parallel_loop3A_1580 = arith.index_cast %parallel_loop3A_1579 : i32 to index
        %parallel_loop3A_1581 = arith.index_cast %parallel_loop3A_1552 : i32 to index
        %parallel_loop3A_1582 = tpu.vector_load %arg6[%parallel_loop3A_1580, %parallel_loop3A_1581] {strides = array<i32>} : memref<32x1024xf32, #tpu.memory_space<vmem>>, vector<1x16xf32>,
        %parallel_loop3A_1583 = vector.shape_cast %parallel_loop3A_1582 : vector<1x16xf32> to vector<16xf32>
        %parallel_loop3A_1584 = vector.shape_cast %parallel_loop3A_1556 : vector<16xf32> to vector<1x16xf32>
        tpu.vector_store %arg6[%parallel_loop3A_1580, %parallel_loop3A_1581], %parallel_loop3A_1584 {add = true, strides = array<i32>} : memref<32x1024xf32, #tpu.memory_space<vmem>>, vector<1x16xf32>,
        %parallel_loop3A_1585 = arith.constant 1 : i32
        %parallel_loop3A_1586 = arith.addi %parallel_loop3A_1548, %parallel_loop3A_1585 : i32
        %parallel_loop3A_1587 = arith.constant 16 : i32
        %parallel_loop3A_1588 = arith.muli %parallel_loop3A_1586, %parallel_loop3A_1587 : i32
        %parallel_loop3A_1589 = arith.index_cast %parallel_loop3A_1544 : i32 to index
        %parallel_loop3A_1590 = arith.index_cast %parallel_loop3A_1588 : i32 to index
        %parallel_loop3A_1591 = tpu.vector_load %arg9[%parallel_loop3A_1589, %parallel_loop3A_1590] {strides = array<i32>} : memref<8x1024xf32, #tpu.memory_space<vmem>>, vector<1x16xf32>,
        %parallel_loop3A_1592 = vector.shape_cast %parallel_loop3A_1591 : vector<1x16xf32> to vector<16xf32>
        %parallel_loop3A_1593 = arith.constant 0 : i32
        %parallel_loop3A_1594 = arith.addi %parallel_loop3A_1593, %parallel_loop3A_1544 : i32
        %parallel_loop3A_1595 = arith.index_cast %parallel_loop3A_1594 : i32 to index
        %parallel_loop3A_1596 = arith.index_cast %parallel_loop3A_1588 : i32 to index
        %parallel_loop3A_1597 = tpu.vector_load %arg6[%parallel_loop3A_1595, %parallel_loop3A_1596] {strides = array<i32>} : memref<32x1024xf32, #tpu.memory_space<vmem>>, vector<1x16xf32>,
        %parallel_loop3A_1598 = vector.shape_cast %parallel_loop3A_1597 : vector<1x16xf32> to vector<16xf32>
        %parallel_loop3A_1599 = vector.shape_cast %parallel_loop3A_1592 : vector<16xf32> to vector<1x16xf32>
        tpu.vector_store %arg6[%parallel_loop3A_1595, %parallel_loop3A_1596], %parallel_loop3A_1599 {add = true, strides = array<i32>} : memref<32x1024xf32, #tpu.memory_space<vmem>>, vector<1x16xf32>,
        %parallel_loop3A_1600 = arith.constant 8 : i32
        %parallel_loop3A_1601 = arith.addi %parallel_loop3A_1600, %parallel_loop3A_1544 : i32
        %parallel_loop3A_1602 = arith.index_cast %parallel_loop3A_1601 : i32 to index
        %parallel_loop3A_1603 = arith.index_cast %parallel_loop3A_1588 : i32 to index
        %parallel_loop3A_1604 = tpu.vector_load %arg6[%parallel_loop3A_1602, %parallel_loop3A_1603] {strides = array<i32>} : memref<32x1024xf32, #tpu.memory_space<vmem>>, vector<1x16xf32>,
        %parallel_loop3A_1605 = vector.shape_cast %parallel_loop3A_1604 : vector<1x16xf32> to vector<16xf32>
        %parallel_loop3A_1606 = vector.shape_cast %parallel_loop3A_1592 : vector<16xf32> to vector<1x16xf32>
        tpu.vector_store %arg6[%parallel_loop3A_1602, %parallel_loop3A_1603], %parallel_loop3A_1606 {add = true, strides = array<i32>} : memref<32x1024xf32, #tpu.memory_space<vmem>>, vector<1x16xf32>,
        %parallel_loop3A_1607 = arith.constant 16 : i32
        %parallel_loop3A_1608 = arith.addi %parallel_loop3A_1607, %parallel_loop3A_1544 : i32
        %parallel_loop3A_1609 = arith.index_cast %parallel_loop3A_1608 : i32 to index
        %parallel_loop3A_1610 = arith.index_cast %parallel_loop3A_1588 : i32 to index
        %parallel_loop3A_1611 = tpu.vector_load %arg6[%parallel_loop3A_1609, %parallel_loop3A_1610] {strides = array<i32>} : memref<32x1024xf32, #tpu.memory_space<vmem>>, vector<1x16xf32>,
        %parallel_loop3A_1612 = vector.shape_cast %parallel_loop3A_1611 : vector<1x16xf32> to vector<16xf32>
        %parallel_loop3A_1613 = vector.shape_cast %parallel_loop3A_1592 : vector<16xf32> to vector<1x16xf32>
        tpu.vector_store %arg6[%parallel_loop3A_1609, %parallel_loop3A_1610], %parallel_loop3A_1613 {add = true, strides = array<i32>} : memref<32x1024xf32, #tpu.memory_space<vmem>>, vector<1x16xf32>,
        %parallel_loop3A_1614 = arith.constant 24 : i32
        %parallel_loop3A_1615 = arith.addi %parallel_loop3A_1614, %parallel_loop3A_1544 : i32
        %parallel_loop3A_1616 = arith.index_cast %parallel_loop3A_1615 : i32 to index
        %parallel_loop3A_1617 = arith.index_cast %parallel_loop3A_1588 : i32 to index
        %parallel_loop3A_1618 = tpu.vector_load %arg6[%parallel_loop3A_1616, %parallel_loop3A_1617] {strides = array<i32>} : memref<32x1024xf32, #tpu.memory_space<vmem>>, vector<1x16xf32>,
        %parallel_loop3A_1619 = vector.shape_cast %parallel_loop3A_1618 : vector<1x16xf32> to vector<16xf32>
        %parallel_loop3A_1620 = vector.shape_cast %parallel_loop3A_1592 : vector<16xf32> to vector<1x16xf32>
        tpu.vector_store %arg6[%parallel_loop3A_1616, %parallel_loop3A_1617], %parallel_loop3A_1620 {add = true, strides = array<i32>} : memref<32x1024xf32, #tpu.memory_space<vmem>>, vector<1x16xf32>,
      } {sc.loop_unroll_factor = 1 : i64, sc.parallel_access}
    } {sc.loop_unroll_factor = 1 : i64, sc.parallel_access}
    %add3A_1400 = arith.constant 0 : i32
    %add3A_1401 = arith.addi %add3A_1400, %mul3A_2 : i32
    %add3A_1402 = arith.constant 48 : i32
    %add3A_1403 = arith.addi %add3A_1401, %add3A_1402 : i32
    %dma_start3A_1404 = arith.constant 0 : i32
    %dma_start3A_1405 = arith.constant 0 : i32
    %dma_start3A_1406 = tpu.memref_slice %arg6[%dma_start3A_1404, %dma_start3A_1405] : memref<32x1024xf32, #tpu.memory_space<vmem>> -> memref<8x1024xf32, #tpu.memory_space<vmem>>
    %dma_start3A_1407 = arith.constant 0 : i32
    %dma_start3A_1408 = tpu.memref_slice %arg5[%add3A_1403, %dma_start3A_1407] : memref<8192x1024xf32, #tpu.memory_space<hbm>> -> memref<8x1024xf32, #tpu.memory_space<hbm>>
    %dma_start3A_1409 = arith.constant 0 : i32
    %dma_start3A_1410 = tpu.memref_slice %arg5[%add3A_1403, %dma_start3A_1409] : memref<8192x1024xf32, #tpu.memory_space<hbm>> -> memref<8x1024xf32, #tpu.memory_space<hbm>>
    %dma_start3A_1411 = arith.constant 0 : i32
    %dma_start3A_1412 = arith.constant 0 : i32
    %dma_start3A_1413 = tpu.memref_slice %arg6[%dma_start3A_1411, %dma_start3A_1412] : memref<32x1024xf32, #tpu.memory_space<vmem>> -> memref<8x1024xf32, #tpu.memory_space<vmem>>
    tpu.enqueue_dma source(%dma_start3A_1413 : memref<8x1024xf32, #tpu.memory_space<vmem>>) target(%dma_start3A_1410 : memref<8x1024xf32, #tpu.memory_space<hbm>>) target_semaphore(%arg16 : memref<!tpu.dma_semaphore, #tpu.memory_space<semaphore_mem>>)
    %add3A_1414 = arith.constant 2048 : i32
    %add3A_1415 = arith.addi %add3A_1414, %mul3A_2 : i32
    %add3A_1416 = arith.constant 48 : i32
    %add3A_1417 = arith.addi %add3A_1415, %add3A_1416 : i32
    %dma_start3A_1418 = arith.constant 8 : i32
    %dma_start3A_1419 = arith.constant 0 : i32
    %dma_start3A_1420 = tpu.memref_slice %arg6[%dma_start3A_1418, %dma_start3A_1419] : memref<32x1024xf32, #tpu.memory_space<vmem>> -> memref<8x1024xf32, #tpu.memory_space<vmem>>
    %dma_start3A_1421 = arith.constant 0 : i32
    %dma_start3A_1422 = tpu.memref_slice %arg5[%add3A_1417, %dma_start3A_1421] : memref<8192x1024xf32, #tpu.memory_space<hbm>> -> memref<8x1024xf32, #tpu.memory_space<hbm>>
    %dma_start3A_1423 = arith.constant 0 : i32
    %dma_start3A_1424 = tpu.memref_slice %arg5[%add3A_1417, %dma_start3A_1423] : memref<8192x1024xf32, #tpu.memory_space<hbm>> -> memref<8x1024xf32, #tpu.memory_space<hbm>>
    %dma_start3A_1425 = arith.constant 8 : i32
    %dma_start3A_1426 = arith.constant 0 : i32
    %dma_start3A_1427 = tpu.memref_slice %arg6[%dma_start3A_1425, %dma_start3A_1426] : memref<32x1024xf32, #tpu.memory_space<vmem>> -> memref<8x1024xf32, #tpu.memory_space<vmem>>
    tpu.enqueue_dma source(%dma_start3A_1427 : memref<8x1024xf32, #tpu.memory_space<vmem>>) target(%dma_start3A_1424 : memref<8x1024xf32, #tpu.memory_space<hbm>>) target_semaphore(%arg16 : memref<!tpu.dma_semaphore, #tpu.memory_space<semaphore_mem>>)
    %add3A_1428 = arith.constant 4096 : i32
    %add3A_1429 = arith.addi %add3A_1428, %mul3A_2 : i32
    %add3A_1430 = arith.constant 48 : i32
    %add3A_1431 = arith.addi %add3A_1429, %add3A_1430 : i32
    %dma_start3A_1432 = arith.constant 16 : i32
    %dma_start3A_1433 = arith.constant 0 : i32
    %dma_start3A_1434 = tpu.memref_slice %arg6[%dma_start3A_1432, %dma_start3A_1433] : memref<32x1024xf32, #tpu.memory_space<vmem>> -> memref<8x1024xf32, #tpu.memory_space<vmem>>
    %dma_start3A_1435 = arith.constant 0 : i32
    %dma_start3A_1436 = tpu.memref_slice %arg5[%add3A_1431, %dma_start3A_1435] : memref<8192x1024xf32, #tpu.memory_space<hbm>> -> memref<8x1024xf32, #tpu.memory_space<hbm>>
    %dma_start3A_1437 = arith.constant 0 : i32
    %dma_start3A_1438 = tpu.memref_slice %arg5[%add3A_1431, %dma_start3A_1437] : memref<8192x1024xf32, #tpu.memory_space<hbm>> -> memref<8x1024xf32, #tpu.memory_space<hbm>>
    %dma_start3A_1439 = arith.constant 16 : i32
    %dma_start3A_1440 = arith.constant 0 : i32
    %dma_start3A_1441 = tpu.memref_slice %arg6[%dma_start3A_1439, %dma_start3A_1440] : memref<32x1024xf32, #tpu.memory_space<vmem>> -> memref<8x1024xf32, #tpu.memory_space<vmem>>
    tpu.enqueue_dma source(%dma_start3A_1441 : memref<8x1024xf32, #tpu.memory_space<vmem>>) target(%dma_start3A_1438 : memref<8x1024xf32, #tpu.memory_space<hbm>>) target_semaphore(%arg16 : memref<!tpu.dma_semaphore, #tpu.memory_space<semaphore_mem>>)
    %add3A_1442 = arith.constant 6144 : i32
    %add3A_1443 = arith.addi %add3A_1442, %mul3A_2 : i32
    %add3A_1444 = arith.constant 48 : i32
    %add3A_1445 = arith.addi %add3A_1443, %add3A_1444 : i32
    %dma_start3A_1446 = arith.constant 24 : i32
    %dma_start3A_1447 = arith.constant 0 : i32
    %dma_start3A_1448 = tpu.memref_slice %arg6[%dma_start3A_1446, %dma_start3A_1447] : memref<32x1024xf32, #tpu.memory_space<vmem>> -> memref<8x1024xf32, #tpu.memory_space<vmem>>
    %dma_start3A_1449 = arith.constant 0 : i32
    %dma_start3A_1450 = tpu.memref_slice %arg5[%add3A_1445, %dma_start3A_1449] : memref<8192x1024xf32, #tpu.memory_space<hbm>> -> memref<8x1024xf32, #tpu.memory_space<hbm>>
    %dma_start3A_1451 = arith.constant 0 : i32
    %dma_start3A_1452 = tpu.memref_slice %arg5[%add3A_1445, %dma_start3A_1451] : memref<8192x1024xf32, #tpu.memory_space<hbm>> -> memref<8x1024xf32, #tpu.memory_space<hbm>>
    %dma_start3A_1453 = arith.constant 24 : i32
    %dma_start3A_1454 = arith.constant 0 : i32
    %dma_start3A_1455 = tpu.memref_slice %arg6[%dma_start3A_1453, %dma_start3A_1454] : memref<32x1024xf32, #tpu.memory_space<vmem>> -> memref<8x1024xf32, #tpu.memory_space<vmem>>
    tpu.enqueue_dma source(%dma_start3A_1455 : memref<8x1024xf32, #tpu.memory_space<vmem>>) target(%dma_start3A_1452 : memref<8x1024xf32, #tpu.memory_space<hbm>>) target_semaphore(%arg16 : memref<!tpu.dma_semaphore, #tpu.memory_space<semaphore_mem>>)
    %dma_wait3A_1456 = arith.constant 7 : i32
    %dma_wait3A_1457 = arith.constant 0 : i32
    %dma_wait3A_1458 = tpu.memref_slice %arg12[%dma_wait3A_1456, %dma_wait3A_1457] : memref<8x32xi32, #tpu.memory_space<vmem>> -> memref<1x32xi32, #tpu.memory_space<vmem>>
    %dma_wait3A_1459 = tpu.memref_squeeze %dma_wait3A_1458 : memref<1x32xi32, #tpu.memory_space<vmem>> -> memref<32xi32, #tpu.memory_space<vmem>>
    %dma_wait3A_1460 = arith.constant 0 : i32
    %dma_wait3A_1461 = arith.constant 0 : i32
    %dma_wait3A_1462 = tpu.memref_slice %arg3[%dma_wait3A_1460, %dma_wait3A_1461] : memref<100000x1024xf32, #tpu.memory_space<hbm>> -> memref<100000x1024xf32, #tpu.memory_space<hbm>>
    tpu.wait_indirect_dma semaphore(%arg14 : memref<!tpu.dma_semaphore, #tpu.memory_space<semaphore_mem>>) src(%dma_wait3A_1462 : memref<100000x1024xf32, #tpu.memory_space<hbm>>) dst(%arg7 : memref<32x1024xf32, #tpu.memory_space<vmem>>)
    %dma_wait3A_1463 = arith.constant 0 : i32
    %dma_wait3A_1464 = tpu.memref_slice %arg4[%add3A_1311, %dma_wait3A_1463] : memref<2048x1024xf32, #tpu.memory_space<hbm>> -> memref<8x1024xf32, #tpu.memory_space<hbm>>
    %dma_wait3A_1465 = arith.constant 0 : i32
    %dma_wait3A_1466 = tpu.memref_slice %arg4[%add3A_1311, %dma_wait3A_1465] : memref<2048x1024xf32, #tpu.memory_space<hbm>> -> memref<8x1024xf32, #tpu.memory_space<hbm>>
    tpu.wait_dma2 semaphore(%arg20 : memref<!tpu.dma_semaphore, #tpu.memory_space<semaphore_mem>>) src(%dma_wait3A_1466 : memref<8x1024xf32, #tpu.memory_space<hbm>>) dst(%arg10 : memref<8x1024xf32, #tpu.memory_space<vmem>>)
    %parallel_loop3A_1467 = arith.constant 0 : i32
    %parallel_loop3A_1468 = arith.constant 8 : i32
    %parallel_loop3A_1469 = arith.constant 1 : i32
    scf.for %parallel_loop3A_1544 = %parallel_loop3A_1467 to %parallel_loop3A_1468 step %parallel_loop3A_1469  : i32 {
      %parallel_loop3A_1545 = arith.constant 0 : i32
      %parallel_loop3A_1546 = arith.constant 64 : i32
      %parallel_loop3A_1547 = arith.constant 2 : i32
      scf.for %parallel_loop3A_1548 = %parallel_loop3A_1545 to %parallel_loop3A_1546 step %parallel_loop3A_1547  : i32 {
        %parallel_loop3A_1549 = arith.constant 0 : i32
        %parallel_loop3A_1550 = arith.addi %parallel_loop3A_1548, %parallel_loop3A_1549 : i32
        %parallel_loop3A_1551 = arith.constant 16 : i32
        %parallel_loop3A_1552 = arith.muli %parallel_loop3A_1550, %parallel_loop3A_1551 : i32
        %parallel_loop3A_1553 = arith.index_cast %parallel_loop3A_1544 : i32 to index
        %parallel_loop3A_1554 = arith.index_cast %parallel_loop3A_1552 : i32 to index
        %parallel_loop3A_1555 = tpu.vector_load %arg10[%parallel_loop3A_1553, %parallel_loop3A_1554] {strides = array<i32>} : memref<8x1024xf32, #tpu.memory_space<vmem>>, vector<1x16xf32>,
        %parallel_loop3A_1556 = vector.shape_cast %parallel_loop3A_1555 : vector<1x16xf32> to vector<16xf32>
        %parallel_loop3A_1557 = arith.constant 0 : i32
        %parallel_loop3A_1558 = arith.addi %parallel_loop3A_1557, %parallel_loop3A_1544 : i32
        %parallel_loop3A_1559 = arith.index_cast %parallel_loop3A_1558 : i32 to index
        %parallel_loop3A_1560 = arith.index_cast %parallel_loop3A_1552 : i32 to index
        %parallel_loop3A_1561 = tpu.vector_load %arg7[%parallel_loop3A_1559, %parallel_loop3A_1560] {strides = array<i32>} : memref<32x1024xf32, #tpu.memory_space<vmem>>, vector<1x16xf32>,
        %parallel_loop3A_1562 = vector.shape_cast %parallel_loop3A_1561 : vector<1x16xf32> to vector<16xf32>
        %parallel_loop3A_1563 = vector.shape_cast %parallel_loop3A_1556 : vector<16xf32> to vector<1x16xf32>
        tpu.vector_store %arg7[%parallel_loop3A_1559, %parallel_loop3A_1560], %parallel_loop3A_1563 {add = true, strides = array<i32>} : memref<32x1024xf32, #tpu.memory_space<vmem>>, vector<1x16xf32>,
        %parallel_loop3A_1564 = arith.constant 8 : i32
        %parallel_loop3A_1565 = arith.addi %parallel_loop3A_1564, %parallel_loop3A_1544 : i32
        %parallel_loop3A_1566 = arith.index_cast %parallel_loop3A_1565 : i32 to index
        %parallel_loop3A_1567 = arith.index_cast %parallel_loop3A_1552 : i32 to index
        %parallel_loop3A_1568 = tpu.vector_load %arg7[%parallel_loop3A_1566, %parallel_loop3A_1567] {strides = array<i32>} : memref<32x1024xf32, #tpu.memory_space<vmem>>, vector<1x16xf32>,
        %parallel_loop3A_1569 = vector.shape_cast %parallel_loop3A_1568 : vector<1x16xf32> to vector<16xf32>
        %parallel_loop3A_1570 = vector.shape_cast %parallel_loop3A_1556 : vector<16xf32> to vector<1x16xf32>
        tpu.vector_store %arg7[%parallel_loop3A_1566, %parallel_loop3A_1567], %parallel_loop3A_1570 {add = true, strides = array<i32>} : memref<32x1024xf32, #tpu.memory_space<vmem>>, vector<1x16xf32>,
        %parallel_loop3A_1571 = arith.constant 16 : i32
        %parallel_loop3A_1572 = arith.addi %parallel_loop3A_1571, %parallel_loop3A_1544 : i32
        %parallel_loop3A_1573 = arith.index_cast %parallel_loop3A_1572 : i32 to index
        %parallel_loop3A_1574 = arith.index_cast %parallel_loop3A_1552 : i32 to index
        %parallel_loop3A_1575 = tpu.vector_load %arg7[%parallel_loop3A_1573, %parallel_loop3A_1574] {strides = array<i32>} : memref<32x1024xf32, #tpu.memory_space<vmem>>, vector<1x16xf32>,
        %parallel_loop3A_1576 = vector.shape_cast %parallel_loop3A_1575 : vector<1x16xf32> to vector<16xf32>
        %parallel_loop3A_1577 = vector.shape_cast %parallel_loop3A_1556 : vector<16xf32> to vector<1x16xf32>
        tpu.vector_store %arg7[%parallel_loop3A_1573, %parallel_loop3A_1574], %parallel_loop3A_1577 {add = true, strides = array<i32>} : memref<32x1024xf32, #tpu.memory_space<vmem>>, vector<1x16xf32>,
        %parallel_loop3A_1578 = arith.constant 24 : i32
        %parallel_loop3A_1579 = arith.addi %parallel_loop3A_1578, %parallel_loop3A_1544 : i32
        %parallel_loop3A_1580 = arith.index_cast %parallel_loop3A_1579 : i32 to index
        %parallel_loop3A_1581 = arith.index_cast %parallel_loop3A_1552 : i32 to index
        %parallel_loop3A_1582 = tpu.vector_load %arg7[%parallel_loop3A_1580, %parallel_loop3A_1581] {strides = array<i32>} : memref<32x1024xf32, #tpu.memory_space<vmem>>, vector<1x16xf32>,
        %parallel_loop3A_1583 = vector.shape_cast %parallel_loop3A_1582 : vector<1x16xf32> to vector<16xf32>
        %parallel_loop3A_1584 = vector.shape_cast %parallel_loop3A_1556 : vector<16xf32> to vector<1x16xf32>
        tpu.vector_store %arg7[%parallel_loop3A_1580, %parallel_loop3A_1581], %parallel_loop3A_1584 {add = true, strides = array<i32>} : memref<32x1024xf32, #tpu.memory_space<vmem>>, vector<1x16xf32>,
        %parallel_loop3A_1585 = arith.constant 1 : i32
        %parallel_loop3A_1586 = arith.addi %parallel_loop3A_1548, %parallel_loop3A_1585 : i32
        %parallel_loop3A_1587 = arith.constant 16 : i32
        %parallel_loop3A_1588 = arith.muli %parallel_loop3A_1586, %parallel_loop3A_1587 : i32
        %parallel_loop3A_1589 = arith.index_cast %parallel_loop3A_1544 : i32 to index
        %parallel_loop3A_1590 = arith.index_cast %parallel_loop3A_1588 : i32 to index
        %parallel_loop3A_1591 = tpu.vector_load %arg10[%parallel_loop3A_1589, %parallel_loop3A_1590] {strides = array<i32>} : memref<8x1024xf32, #tpu.memory_space<vmem>>, vector<1x16xf32>,
        %parallel_loop3A_1592 = vector.shape_cast %parallel_loop3A_1591 : vector<1x16xf32> to vector<16xf32>
        %parallel_loop3A_1593 = arith.constant 0 : i32
        %parallel_loop3A_1594 = arith.addi %parallel_loop3A_1593, %parallel_loop3A_1544 : i32
        %parallel_loop3A_1595 = arith.index_cast %parallel_loop3A_1594 : i32 to index
        %parallel_loop3A_1596 = arith.index_cast %parallel_loop3A_1588 : i32 to index
        %parallel_loop3A_1597 = tpu.vector_load %arg7[%parallel_loop3A_1595, %parallel_loop3A_1596] {strides = array<i32>} : memref<32x1024xf32, #tpu.memory_space<vmem>>, vector<1x16xf32>,
        %parallel_loop3A_1598 = vector.shape_cast %parallel_loop3A_1597 : vector<1x16xf32> to vector<16xf32>
        %parallel_loop3A_1599 = vector.shape_cast %parallel_loop3A_1592 : vector<16xf32> to vector<1x16xf32>
        tpu.vector_store %arg7[%parallel_loop3A_1595, %parallel_loop3A_1596], %parallel_loop3A_1599 {add = true, strides = array<i32>} : memref<32x1024xf32, #tpu.memory_space<vmem>>, vector<1x16xf32>,
        %parallel_loop3A_1600 = arith.constant 8 : i32
        %parallel_loop3A_1601 = arith.addi %parallel_loop3A_1600, %parallel_loop3A_1544 : i32
        %parallel_loop3A_1602 = arith.index_cast %parallel_loop3A_1601 : i32 to index
        %parallel_loop3A_1603 = arith.index_cast %parallel_loop3A_1588 : i32 to index
        %parallel_loop3A_1604 = tpu.vector_load %arg7[%parallel_loop3A_1602, %parallel_loop3A_1603] {strides = array<i32>} : memref<32x1024xf32, #tpu.memory_space<vmem>>, vector<1x16xf32>,
        %parallel_loop3A_1605 = vector.shape_cast %parallel_loop3A_1604 : vector<1x16xf32> to vector<16xf32>
        %parallel_loop3A_1606 = vector.shape_cast %parallel_loop3A_1592 : vector<16xf32> to vector<1x16xf32>
        tpu.vector_store %arg7[%parallel_loop3A_1602, %parallel_loop3A_1603], %parallel_loop3A_1606 {add = true, strides = array<i32>} : memref<32x1024xf32, #tpu.memory_space<vmem>>, vector<1x16xf32>,
        %parallel_loop3A_1607 = arith.constant 16 : i32
        %parallel_loop3A_1608 = arith.addi %parallel_loop3A_1607, %parallel_loop3A_1544 : i32
        %parallel_loop3A_1609 = arith.index_cast %parallel_loop3A_1608 : i32 to index
        %parallel_loop3A_1610 = arith.index_cast %parallel_loop3A_1588 : i32 to index
        %parallel_loop3A_1611 = tpu.vector_load %arg7[%parallel_loop3A_1609, %parallel_loop3A_1610] {strides = array<i32>} : memref<32x1024xf32, #tpu.memory_space<vmem>>, vector<1x16xf32>,
        %parallel_loop3A_1612 = vector.shape_cast %parallel_loop3A_1611 : vector<1x16xf32> to vector<16xf32>
        %parallel_loop3A_1613 = vector.shape_cast %parallel_loop3A_1592 : vector<16xf32> to vector<1x16xf32>
        tpu.vector_store %arg7[%parallel_loop3A_1609, %parallel_loop3A_1610], %parallel_loop3A_1613 {add = true, strides = array<i32>} : memref<32x1024xf32, #tpu.memory_space<vmem>>, vector<1x16xf32>,
        %parallel_loop3A_1614 = arith.constant 24 : i32
        %parallel_loop3A_1615 = arith.addi %parallel_loop3A_1614, %parallel_loop3A_1544 : i32
        %parallel_loop3A_1616 = arith.index_cast %parallel_loop3A_1615 : i32 to index
        %parallel_loop3A_1617 = arith.index_cast %parallel_loop3A_1588 : i32 to index
        %parallel_loop3A_1618 = tpu.vector_load %arg7[%parallel_loop3A_1616, %parallel_loop3A_1617] {strides = array<i32>} : memref<32x1024xf32, #tpu.memory_space<vmem>>, vector<1x16xf32>,
        %parallel_loop3A_1619 = vector.shape_cast %parallel_loop3A_1618 : vector<1x16xf32> to vector<16xf32>
        %parallel_loop3A_1620 = vector.shape_cast %parallel_loop3A_1592 : vector<16xf32> to vector<1x16xf32>
        tpu.vector_store %arg7[%parallel_loop3A_1616, %parallel_loop3A_1617], %parallel_loop3A_1620 {add = true, strides = array<i32>} : memref<32x1024xf32, #tpu.memory_space<vmem>>, vector<1x16xf32>,
      } {sc.loop_unroll_factor = 1 : i64, sc.parallel_access}
    } {sc.loop_unroll_factor = 1 : i64, sc.parallel_access}
    %add3A_1470 = arith.constant 0 : i32
    %add3A_1471 = arith.addi %add3A_1470, %mul3A_2 : i32
    %add3A_1472 = arith.constant 56 : i32
    %add3A_1473 = arith.addi %add3A_1471, %add3A_1472 : i32
    %dma_start3A_1474 = arith.constant 0 : i32
    %dma_start3A_1475 = arith.constant 0 : i32
    %dma_start3A_1476 = tpu.memref_slice %arg7[%dma_start3A_1474, %dma_start3A_1475] : memref<32x1024xf32, #tpu.memory_space<vmem>> -> memref<8x1024xf32, #tpu.memory_space<vmem>>
    %dma_start3A_1477 = arith.constant 0 : i32
    %dma_start3A_1478 = tpu.memref_slice %arg5[%add3A_1473, %dma_start3A_1477] : memref<8192x1024xf32, #tpu.memory_space<hbm>> -> memref<8x1024xf32, #tpu.memory_space<hbm>>
    %dma_start3A_1479 = arith.constant 0 : i32
    %dma_start3A_1480 = tpu.memref_slice %arg5[%add3A_1473, %dma_start3A_1479] : memref<8192x1024xf32, #tpu.memory_space<hbm>> -> memref<8x1024xf32, #tpu.memory_space<hbm>>
    %dma_start3A_1481 = arith.constant 0 : i32
    %dma_start3A_1482 = arith.constant 0 : i32
    %dma_start3A_1483 = tpu.memref_slice %arg7[%dma_start3A_1481, %dma_start3A_1482] : memref<32x1024xf32, #tpu.memory_space<vmem>> -> memref<8x1024xf32, #tpu.memory_space<vmem>>
    tpu.enqueue_dma source(%dma_start3A_1483 : memref<8x1024xf32, #tpu.memory_space<vmem>>) target(%dma_start3A_1480 : memref<8x1024xf32, #tpu.memory_space<hbm>>) target_semaphore(%arg17 : memref<!tpu.dma_semaphore, #tpu.memory_space<semaphore_mem>>)
    %add3A_1484 = arith.constant 2048 : i32
    %add3A_1485 = arith.addi %add3A_1484, %mul3A_2 : i32
    %add3A_1486 = arith.constant 56 : i32
    %add3A_1487 = arith.addi %add3A_1485, %add3A_1486 : i32
    %dma_start3A_1488 = arith.constant 8 : i32
    %dma_start3A_1489 = arith.constant 0 : i32
    %dma_start3A_1490 = tpu.memref_slice %arg7[%dma_start3A_1488, %dma_start3A_1489] : memref<32x1024xf32, #tpu.memory_space<vmem>> -> memref<8x1024xf32, #tpu.memory_space<vmem>>
    %dma_start3A_1491 = arith.constant 0 : i32
    %dma_start3A_1492 = tpu.memref_slice %arg5[%add3A_1487, %dma_start3A_1491] : memref<8192x1024xf32, #tpu.memory_space<hbm>> -> memref<8x1024xf32, #tpu.memory_space<hbm>>
    %dma_start3A_1493 = arith.constant 0 : i32
    %dma_start3A_1494 = tpu.memref_slice %arg5[%add3A_1487, %dma_start3A_1493] : memref<8192x1024xf32, #tpu.memory_space<hbm>> -> memref<8x1024xf32, #tpu.memory_space<hbm>>
    %dma_start3A_1495 = arith.constant 8 : i32
    %dma_start3A_1496 = arith.constant 0 : i32
    %dma_start3A_1497 = tpu.memref_slice %arg7[%dma_start3A_1495, %dma_start3A_1496] : memref<32x1024xf32, #tpu.memory_space<vmem>> -> memref<8x1024xf32, #tpu.memory_space<vmem>>
    tpu.enqueue_dma source(%dma_start3A_1497 : memref<8x1024xf32, #tpu.memory_space<vmem>>) target(%dma_start3A_1494 : memref<8x1024xf32, #tpu.memory_space<hbm>>) target_semaphore(%arg17 : memref<!tpu.dma_semaphore, #tpu.memory_space<semaphore_mem>>)
    %add3A_1498 = arith.constant 4096 : i32
    %add3A_1499 = arith.addi %add3A_1498, %mul3A_2 : i32
    %add3A_1500 = arith.constant 56 : i32
    %add3A_1501 = arith.addi %add3A_1499, %add3A_1500 : i32
    %dma_start3A_1502 = arith.constant 16 : i32
    %dma_start3A_1503 = arith.constant 0 : i32
    %dma_start3A_1504 = tpu.memref_slice %arg7[%dma_start3A_1502, %dma_start3A_1503] : memref<32x1024xf32, #tpu.memory_space<vmem>> -> memref<8x1024xf32, #tpu.memory_space<vmem>>
    %dma_start3A_1505 = arith.constant 0 : i32
    %dma_start3A_1506 = tpu.memref_slice %arg5[%add3A_1501, %dma_start3A_1505] : memref<8192x1024xf32, #tpu.memory_space<hbm>> -> memref<8x1024xf32, #tpu.memory_space<hbm>>
    %dma_start3A_1507 = arith.constant 0 : i32
    %dma_start3A_1508 = tpu.memref_slice %arg5[%add3A_1501, %dma_start3A_1507] : memref<8192x1024xf32, #tpu.memory_space<hbm>> -> memref<8x1024xf32, #tpu.memory_space<hbm>>
    %dma_start3A_1509 = arith.constant 16 : i32
    %dma_start3A_1510 = arith.constant 0 : i32
    %dma_start3A_1511 = tpu.memref_slice %arg7[%dma_start3A_1509, %dma_start3A_1510] : memref<32x1024xf32, #tpu.memory_space<vmem>> -> memref<8x1024xf32, #tpu.memory_space<vmem>>
    tpu.enqueue_dma source(%dma_start3A_1511 : memref<8x1024xf32, #tpu.memory_space<vmem>>) target(%dma_start3A_1508 : memref<8x1024xf32, #tpu.memory_space<hbm>>) target_semaphore(%arg17 : memref<!tpu.dma_semaphore, #tpu.memory_space<semaphore_mem>>)
    %add3A_1512 = arith.constant 6144 : i32
    %add3A_1513 = arith.addi %add3A_1512, %mul3A_2 : i32
    %add3A_1514 = arith.constant 56 : i32
    %add3A_1515 = arith.addi %add3A_1513, %add3A_1514 : i32
    %dma_start3A_1516 = arith.constant 24 : i32
    %dma_start3A_1517 = arith.constant 0 : i32
    %dma_start3A_1518 = tpu.memref_slice %arg7[%dma_start3A_1516, %dma_start3A_1517] : memref<32x1024xf32, #tpu.memory_space<vmem>> -> memref<8x1024xf32, #tpu.memory_space<vmem>>
    %dma_start3A_1519 = arith.constant 0 : i32
    %dma_start3A_1520 = tpu.memref_slice %arg5[%add3A_1515, %dma_start3A_1519] : memref<8192x1024xf32, #tpu.memory_space<hbm>> -> memref<8x1024xf32, #tpu.memory_space<hbm>>
    %dma_start3A_1521 = arith.constant 0 : i32
    %dma_start3A_1522 = tpu.memref_slice %arg5[%add3A_1515, %dma_start3A_1521] : memref<8192x1024xf32, #tpu.memory_space<hbm>> -> memref<8x1024xf32, #tpu.memory_space<hbm>>
    %dma_start3A_1523 = arith.constant 24 : i32
    %dma_start3A_1524 = arith.constant 0 : i32
    %dma_start3A_1525 = tpu.memref_slice %arg7[%dma_start3A_1523, %dma_start3A_1524] : memref<32x1024xf32, #tpu.memory_space<vmem>> -> memref<8x1024xf32, #tpu.memory_space<vmem>>
    tpu.enqueue_dma source(%dma_start3A_1525 : memref<8x1024xf32, #tpu.memory_space<vmem>>) target(%dma_start3A_1522 : memref<8x1024xf32, #tpu.memory_space<hbm>>) target_semaphore(%arg17 : memref<!tpu.dma_semaphore, #tpu.memory_space<semaphore_mem>>)
    %dma_wait3A_1526 = arith.constant 0 : i32
    %dma_wait3A_1527 = arith.constant 0 : i32
    %dma_wait3A_1528 = tpu.memref_slice %arg3[%dma_wait3A_1526, %dma_wait3A_1527] : memref<100000x1024xf32, #tpu.memory_space<hbm>> -> memref<32x1024xf32, #tpu.memory_space<hbm>>
    %dma_wait3A_1529 = arith.constant 0 : i32
    %dma_wait3A_1530 = arith.constant 0 : i32
    %dma_wait3A_1531 = tpu.memref_slice %arg3[%dma_wait3A_1529, %dma_wait3A_1530] : memref<100000x1024xf32, #tpu.memory_space<hbm>> -> memref<32x1024xf32, #tpu.memory_space<hbm>>
    tpu.wait_dma2 semaphore(%arg18 : memref<!tpu.dma_semaphore, #tpu.memory_space<semaphore_mem>>) src(%dma_wait3A_1531 : memref<32x1024xf32, #tpu.memory_space<hbm>>) dst(%arg8 : memref<32x1024xf32, #tpu.memory_space<vmem>>)
    %dma_wait3A_1532 = arith.constant 0 : i32
    %dma_wait3A_1533 = arith.constant 0 : i32
    %dma_wait3A_1534 = tpu.memref_slice %arg3[%dma_wait3A_1532, %dma_wait3A_1533] : memref<100000x1024xf32, #tpu.memory_space<hbm>> -> memref<32x1024xf32, #tpu.memory_space<hbm>>
    %dma_wait3A_1535 = arith.constant 0 : i32
    %dma_wait3A_1536 = arith.constant 0 : i32
    %dma_wait3A_1537 = tpu.memref_slice %arg3[%dma_wait3A_1535, %dma_wait3A_1536] : memref<100000x1024xf32, #tpu.memory_space<hbm>> -> memref<32x1024xf32, #tpu.memory_space<hbm>>
    tpu.wait_dma2 semaphore(%arg16 : memref<!tpu.dma_semaphore, #tpu.memory_space<semaphore_mem>>) src(%dma_wait3A_1537 : memref<32x1024xf32, #tpu.memory_space<hbm>>) dst(%arg6 : memref<32x1024xf32, #tpu.memory_space<vmem>>)
    %dma_wait3A_1538 = arith.constant 0 : i32
    %dma_wait3A_1539 = arith.constant 0 : i32
    %dma_wait3A_1540 = tpu.memref_slice %arg3[%dma_wait3A_1538, %dma_wait3A_1539] : memref<100000x1024xf32, #tpu.memory_space<hbm>> -> memref<32x1024xf32, #tpu.memory_space<hbm>>
    %dma_wait3A_1541 = arith.constant 0 : i32
    %dma_wait3A_1542 = arith.constant 0 : i32
    %dma_wait3A_1543 = tpu.memref_slice %arg3[%dma_wait3A_1541, %dma_wait3A_1542] : memref<100000x1024xf32, #tpu.memory_space<hbm>> -> memref<32x1024xf32, #tpu.memory_space<hbm>>
    tpu.wait_dma2 semaphore(%arg17 : memref<!tpu.dma_semaphore, #tpu.memory_space<semaphore_mem>>) src(%dma_wait3A_1543 : memref<32x1024xf32, #tpu.memory_space<hbm>>) dst(%arg7 : memref<32x1024xf32, #tpu.memory_space<vmem>>)
    return
  }
}

</mosaic_0001>

<sc_bundles>
// kernel: kernel.3.cloned.1.call-start
scs
__scs_entry_jumppad:
0x0: {  	(pc) =	sbr.rel $0x88, $3  }
0x1: {  	(tag) =	ssettag $0x0;
	lr =	simm.s32 $0x1  }
0x2: {  	[smem:$0x3F9E] =	sst lr;
	_ =	strace $0xD0000000  }
0x3: {  	_ = 	snop  }
0x4: {  	_ = 	snop  }
0x5: {  	_ = 	snop  }
0x6: {  	_ = 	snop  }
0x7: {  	_ = 	snop  }
__scs_overlays_trampoline_lowered:
0x8: {  	[smem:$0x3FAD] =	sst s0  }
0x9: {  	[smem:$0x3FAE] =	sst s1  }
0xa: {  	[smem:$0x3FAF] =	sst s2  }
0xb: {  	[smem:$0x3FB0] =	sst s3  }
0xc: {  	[smem:$0x3FB1] =	sst s4  }
0xd: {  	[smem:$0x3FB2] =	sst s5  }
0xe: {  	[smem:$0x3FB3] =	sst s6  }
0xf: {  	[smem:$0x3FB4] =	sst s7  }
0x10: {  	[smem:$0x3FB5] =	sst s8  }
0x11: {  	[smem:$0x3FB6] =	sst s9;
	s0 =	simm.s32 @!p0 $0x0  }
0x12: {  	s1 =	sld [smem:$0x3F9C];
	s0 =	simm.s32 @p0 $0x1  }
0x13: {  	[smem:$0x3FB7] =	sst s0;
	s0 =	simm.s32 @!p1 $0x0  }
0x14: {  	s2 =	sld [smem:$0x3F9B];
	s0 =	simm.s32 @p1 $0x1  }
0x15: {  	[smem:$0x3FB8] =	sst s0;
	s0 =	simm.s32 @!p2 $0x0  }
0x16: {  	s3 =	sld [smem:$0x3FDB];
	s0 =	simm.s32 @p2 $0x1  }
0x17: {  	s4 =	simm.s32 $0x1BF5;
	[smem:$0x3FBA] =	sst s0  }
0x18: {  	s0 =	sld [smem:$0x3F9D];
	_ =	swait.ge [sflag:s4], $0x0  }
0x19: {  	s7 =	sld [smem:$0x3F9E]  }
0x1a: {  	s8 =	sadd.s32 $0xFFFFE003, lr  }
0x1b: {  	s9 =	sadd.s32 $0xFFFFFEF7, lr;
	s5 =	simm.s32 $0xFFFFFFFF;
	p2 =	slt.u32 s8, $0xFFFFF086  }
0x1c: {  	p1 =	slt.u32 s9, $0xF7A;
	s5 =	simm.s32 @!p2 $0x0  }
0x1d: {  	s5 =	simm.s32 @p1 $0x1;
	p0 =	seq.s32 s7, s2  }
0x1e: {  	s7 =	smul.u32 @!p0 $0xF7A, s2;
	p2 =	seq.s32 @!p0 s5, $0x0  }
0x1f: {  	s9 =	smul.u32 $0xF7A, s1;
	s8 =	simm.s32 @!p0 $0x1BF5;
	p2 =	por !p2, p0  }
0x20: {  	[sflag:s8] =	ssyncset.s32 @!p0 $0xFFFFF086;
	s6 =	sadd.s32 @!p0 s3, s7;
	s7 =	simm.s32 @!p0 $0x108  }
0x21: {  	s3 =	sadd.s32 s3, s9;
	s6 =	sadd.s32 @!p0 $0x88, s6;
	s7 =	simm.s32 @p2 $0x1082  }
0x22: {  	[simem:s7], [sflag:s8] =	dma.local @!p0 [hbm:s6], $0xF7A  }
0x23: {  	s9 =	sor.u32 $0xD0000000, s2;
	s6 =	simm.s32 $0x108;
	_ =	swait.ge @!p0 [sflag:s8], $0x0  }
0x24: {  	s3 =	sadd.s32 $0x88, s3;
	s6 =	simm.s32 @!p1 $0x1082;
	[sflag:s4] =	ssyncset.s32 $0xFFFFF086  }
0x25: {  	[simem:s6], [sflag:s4] =	dma.local [hbm:s3], $0xF7A  }
0x26: {  	[smem:$0x3F9E] =	sst s1;
	(tag) =	ssettag s2;
	_ =	strace s9  }
0x27: {  	s1 =	sld [smem:$0x3FAE]  }
0x28: {  	s2 =	sld [smem:$0x3FAF]  }
0x29: {  	s4 =	sld [smem:$0x3FB1]  }
0x2a: {  	p0 =	seq.s32 s5, $0x0;
	s5 =	sld [smem:$0x3FB2]  }
0x2b: {  	s6 =	sld [smem:$0x3FB3]  }
0x2c: {  	s7 =	sld [smem:$0x3FB4]  }
0x2d: {  	s3 =	simm.s32 $0x108;
	s8 =	sld [smem:$0x3FB5]  }
0x2e: {  	s3 =	simm.s32 @!p0 $0x1082;
	s9 =	sld [smem:$0x3FB6]  }
0x2f: {  	lr =	sadd.s32 s0, s3;
	s0 =	sld [smem:$0x3FAD]  }
0x30: {  	s3 =	sld [smem:$0x3FB0]  }
0x31: {  	[smem:$0x3FB9] =	sst s10  }
0x32: {  	s10 =	sld [smem:$0x3FB7];
	_ =	sdelay $0x3  }
0x33: {  	p0 =	seq.s32 s10, $0x1;
	s10 =	sld [smem:$0x3FB9];
	_ =	sdelay $0x3  }
0x34: {  	[smem:$0x3FB9] =	sst s10  }
0x35: {  	s10 =	sld [smem:$0x3FB8];
	_ =	sdelay $0x3  }
0x36: {  	p1 =	seq.s32 s10, $0x1;
	s10 =	sld [smem:$0x3FB9];
	_ =	sdelay $0x3  }
0x37: {  	[smem:$0x3FB9] =	sst s10  }
0x38: {  	s10 =	sld [smem:$0x3FBA]  }
0x39: {  	_ = 	snop;
	(pc) =	sbr.ind lr, $3  }
0x3a: {  	_ = 	snop  }
0x3b: {  	_ = 	snop  }
0x3c: {  	p2 =	seq.s32 s10, $0x1;
	s10 =	sld [smem:$0x3FB9]  }
0x3d: {  	_ =	shalt  }
0x3e: {  	_ =	shalt  }
0x3f: {  	_ =	shalt  }
0x40: {  	_ =	shalt  }
0x41: {  	_ =	shalt  }
0x42: {  	_ =	shalt  }
0x43: {  	_ =	shalt  }
0x44: {  	_ =	shalt  }
0x45: {  	_ =	shalt  }
0x46: {  	_ =	shalt  }
0x47: {  	_ =	shalt  }
0x48: {  	_ =	shalt  }
0x49: {  	_ =	shalt  }
0x4a: {  	_ =	shalt  }
0x4b: {  	_ =	shalt  }
0x4c: {  	_ =	shalt  }
0x4d: {  	_ =	shalt  }
0x4e: {  	_ =	shalt  }
0x4f: {  	_ =	shalt  }
0x50: {  	_ =	shalt  }
0x51: {  	_ =	shalt  }
0x52: {  	_ =	shalt  }
0x53: {  	_ =	shalt  }
0x54: {  	_ =	shalt  }
0x55: {  	_ =	shalt  }
0x56: {  	_ =	shalt  }
0x57: {  	_ =	shalt  }
0x58: {  	_ =	shalt  }
0x59: {  	_ =	shalt  }
0x5a: {  	_ =	shalt  }
0x5b: {  	_ =	shalt  }
0x5c: {  	_ =	shalt  }
0x5d: {  	_ =	shalt  }
0x5e: {  	_ =	shalt  }
0x5f: {  	_ =	shalt  }
0x60: {  	_ =	shalt  }
0x61: {  	_ =	shalt  }
0x62: {  	_ =	shalt  }
0x63: {  	_ =	shalt  }
0x64: {  	_ =	shalt  }
0x65: {  	_ =	shalt  }
0x66: {  	_ =	shalt  }
0x67: {  	_ =	shalt  }
0x68: {  	_ =	shalt  }
0x69: {  	_ =	shalt  }
0x6a: {  	_ =	shalt  }
0x6b: {  	_ =	shalt  }
0x6c: {  	_ =	shalt  }
0x6d: {  	_ =	shalt  }
0x6e: {  	_ =	shalt  }
0x6f: {  	_ =	shalt  }
0x70: {  	_ =	shalt  }
0x71: {  	_ =	shalt  }
0x72: {  	_ =	shalt  }
0x73: {  	_ =	shalt  }
0x74: {  	_ =	shalt  }
0x75: {  	_ =	shalt  }
0x76: {  	_ =	shalt  }
0x77: {  	_ =	shalt  }
0x78: {  	_ =	shalt  }
0x79: {  	_ =	shalt  }
0x7a: {  	_ =	shalt  }
0x7b: {  	_ =	shalt  }
0x7c: {  	_ =	shalt  }
0x7d: {  	_ =	shalt  }
0x7e: {  	_ =	shalt  }
0x7f: {  	_ =	shalt  }
0x80: {  	_ =	shalt  }
0x81: {  	_ =	shalt  }
0x82: {  	_ =	shalt  }
0x83: {  	_ =	shalt  }
0x84: {  	_ =	shalt  }
0x85: {  	_ =	shalt  }
0x86: {  	_ =	shalt  }
0x87: {  	_ =	shalt  }
.Lfunc_end0:
.L_simem_size_0:
called_computation_lowered:
.L_overlay_start_0:
0x88: {  	s2 =	sld [smem:$0x3FD9]  }
0x89: {  	s3 =	sld [smem:$0x3FFE];
	_ =	sdelay $0x1  }
0x8a: {  	s1 =	srdreg.scid  }
0x8b: {  	s0 =	sand.u32 $0x1, s1  }
0x8c: {  	s18 =	sshll.u32 s0, $0xA;
	s2 =	sadd.s32 s3, s2  }
0x8d: {  	s2 =	sadd.s32 s2, s18  }
0x8e: {  	[smem:$0x3FC5] =	sst s2  }
0x8f: {  	_ = 	snop  }
0x90: {  	s2 =	sld [smem:$0x3FC9]  }
0x91: {  	s19 =	sld [smem:$0x3FC8]  }
0x92: {  	s4 =	sld [smem:$0x3FC7]  }
0x93: {  	s5 =	sld [smem:$0x3FD0];
	(tm) =	ssettm $0x1  }
0x94: {  	s6 =	sld [smem:$0x3FFB];
	_ =	sdelay $0x3  }
0x95: {  	_ =	strace s6  }
0x96: {  	s6 =	sld [smem:$0x3FFC];
	_ =	sdelay $0x3  }
0x97: {  	_ =	strace s6  }
0x98: {  	s6 =	sld [smem:$0x3FFD];
	_ =	sdelay $0x3  }
0x99: {  	_ =	strace s6  }
0x9a: {  	_ =	strace $0x8FFFFFFF  }
0x9b: {  	s20 =	sld [smem:$0x3FDB];
	_ =	sdelay $0x1  }
0x9c: {  	s7 =	simm.s32 $_scs_section_size  }
0x9d: {  	s8 =	simm.s32 $_size__tile_overlayer_lowered;
	s9 =	simm.s32 $_tile_overlayer_lowered  }
0x9e: {  	s23 =	simm.s32 $0x1BFF;
	s22 =	sshll.u32 s9, $0x1;
	s6 =	sadd.s32 s7, s20  }
0x9f: {  	s10 =	simm.s32 $0x0;
	s21 =	sshll.u32 s8, $0x1;
	s8 =	sadd.s32 s22, s6  }
0xa0: {  	[timem:s10], [sflag:s23] =	dma.local [hbm:s8], s21  }
0xa1: {  	_ =	swait.ge [sflag:s23], s21  }
0xa2: {  	s7 =	ssub.s32 $0x0, s21;
	[sflag:s23] =	ssyncset.done $0x0  }
0xa3: {  	[sflag:s23] =	ssyncadd.s32 s7;
	_ =	sdelay $0x1  }
0xa4: {  	s24 =	simm.s32 $0x1B8B  }
0xa5: {  	_ =	swait.ge [sflag:s24], $0x1  }
0xa6: {  	[sflag:s24] =	ssyncset.done $0x0  }
0xa7: {  	s25 =	simm.s32 $0x1B8E;
	[sflag:s24] =	ssyncadd.s32 $0xFFFFFFFF  }
0xa8: {  	s26 =	simm.s32 $execute0_lowered;
	[smem:$0x3FD2] =	sst s25  }
0xa9: {  	s7 =	sshll.u32 s26, $0x1;
	_ =	strace $0x80000046;
	[dreg:$0x1] =	wrdreg $0xFFFFFFFF  }
0xaa: {  	s28 =	simm.s32 $_size_execute0_lowered;
	s6 =	sadd.s32 s6, s7;
	[dreg:$0x0] =	wrdreg $0x0  }
0xab: {  	s7 =	sshll.u32 s28, $0x1;
	[dreg:$0x2] =	wrdreg s6  }
0xac: {  	[dreg:$0x3] =	wrdreg s7  }
0xad: {  	[dreg:$0x4] =	wrdreg $0xC0  }
0xae: {  	_ =	task [dreg:s10], $0x5FFFF  }
0xaf: {  	[dreg:$0x1] =	wrdreg $0xFFFFFFFF  }
0xb0: {  	[dreg:$0x0] =	wrdreg $0x60  }
0xb1: {  	[dreg:$0x2] =	wrdreg s2  }
0xb2: {  	[dreg:$0x3] =	wrdreg s19  }
0xb3: {  	[dreg:$0x4] =	wrdreg s4  }
0xb4: {  	[dreg:$0x5] =	wrdreg s5  }
0xb5: {  	[dreg:$0x6] =	wrdreg $0x9  }
0xb6: {  	_ =	task.clear_ibuf [dreg:s10], $0x7FFFF;
	_ =	strace $0x90000046  }
0xb7: {  	s29 =	simm.s32 $0x9;
	_ =	strace $0x80000048  }
0xb8: {  	_ =	swait.ge [sflag:s29], $0x1  }
0xb9: {  	[sflag:s29] =	ssyncadd.s32 $0xFFFFFFFF  }
0xba: {  	_ =	strace $0x90000048  }
0xbb: {  	_ =	sfence  }
0xbc: {  	s30 =	sld [smem:$0x0];
	_ =	sdelay $0x2  }
0xbd: {  	s31 =	sshll.u32 s1, $0xD;
	s1 =	sshrl.u32 s1, $0x2  }
0xbe: {  	s3 =	sand.u32 $0x4000, s31;
	s1 =	sadd.s32 s1, s30  }
0xbf: {  	s0 =	sor.u32 s3, s0;
	s1 =	sshll.u32 s1, $0x11  }
0xc0: {  	s0 =	sor.u32 s1, s0  }
0xc1: {  	s0 =	sadd.s32 $0x8F2B, s0  }
0xc2: {  	[sflag:s0] =	ssyncadd.remote.s32 $0x1  }
0xc3: {  	_ =	sfence.sel $0xFFFF  }
0xc4: {  	[dreg:$0x0] =	wrdreg $0xFFFFFFFF;
	(pc) =	sbr.abs _section_cstart, $3  }
0xc5: {  	[dreg:$0x1] =	wrdreg $0xFFFFFFFF  }
0xc6: {  	_ =	task.clear_ibuf [dreg:s10], $0x2FFFF;
	_ =	strace $0x9FFFFFFF  }
0xc7: {  	(tm) =	ssettm $0x7FFFFFFF  }
tec
execute0_lowered:
.L_overlay_start_1:
0x0: {  	(tag) =	ssettag $0x1  }
0x1: {  	s0 =	srdreg.scid  }
0x2: {  	s1 =	stileid.u32;
	s0 =	sand.u32 $0x1, s0  }
0x3: {  	s1 =	sshll.u32 s1, $0x7;
	s4 =	sshll.u32 s0, $0x6;
	s0 =	ssub.s32 $0x2, s0  }
0x4: {  	s2 =	sor.u32 s4, s1;
	s1 =	simm.s32 $0x0;
	s3 =	sshrl.u32 s0, $0x1  }
0x5: {  	s10 =	sshll.u32 s2, $0x2;
	[smem:$0x7FF] =	sst s1;
	s0 =	ssub.s32 s0, s3  }
0x6: {  	s3 =	sor.u32 $0x8, s2;
	s5 =	sor.u32 $0x10, s2;
	s9 =	sor.u32 $0x30, s2  }
0x7: {  	s11 =	sand.u32 $0x1E00, s10;
	s13 =	sor.u32 s4, s10;
	s6 =	sand.u32 $0x48, s3  }
0x8: {  	s7 =	sand.u32 $0x50, s5;
	s24 =	sand.u32 $0x70, s9;
	s12 =	sor.u32 s4, s11  }
0x9: {  	s14 =	sor.u32 s6, s11;
	s4 =	sor.u32 $0x18, s2;
	s15 =	sor.u32 s10, s6  }
0xa: {  	s16 =	sor.u32 s7, s11;
	s17 =	sor.u32 s10, s7;
	s6 =	sor.u32 $0x20, s2  }
0xb: {  	s7 =	sor.u32 $0x28, s2;
	s26 =	sor.u32 s24, s11;
	s24 =	sor.u32 s10, s24  }
0xc: {  	s13 =	sshrl.u32 s13, $0x3;
	s8 =	sand.u32 $0x58, s4;
	s30 =	sand.u32 $0x60, s6  }
0xd: {  	s22 =	sand.u32 $0x68, s7;
	s12 =	sshrl.u32 s12, $0x3;
	s29 =	sor.u32 $0x20, s13  }
0xe: {  	s13 =	sor.u32 $0x30, s13;
	s18 =	sor.u32 s8, s11;
	s19 =	sor.u32 s10, s8  }
0xf: {  	s20 =	sor.u32 s30, s11;
	s21 =	sor.u32 s10, s30;
	s8 =	sor.u32 $0x38, s2  }
0x10: {  	s23 =	sor.u32 s22, s11;
	s22 =	sor.u32 s10, s22;
	s25 =	sand.u32 $0x78, s8  }
0x11: {  	s11 =	sor.u32 s25, s11;
	s25 =	sor.u32 s10, s25;
	s10 =	rddreg [dreg:$0x0]  }
0x12: {  	s14 =	sshrl.u32 s14, $0x3;
	s20 =	sshrl.u32 s20, $0x3;
	s30 =	sadd.s32 s10, s12  }
0x13: {  	s28 =	sadd.s32 $0x10, s10;
	s31 =	sadd.s32 s10, s29;
	[dreg:$0x5] =	wrdreg s30  }
0x14: {  	s29 =	sshrl.u32 s15, $0x3;
	s12 =	sadd.s32 s12, s28;
	[dreg:$0x7] =	wrdreg s31  }
0x15: {  	s15 =	sshrl.u32 s16, $0x3;
	s30 =	sadd.s32 s10, s14;
	[dreg:$0x6] =	wrdreg s12  }
0x16: {  	s16 =	sshrl.u32 s17, $0x3;
	s17 =	sadd.s32 s10, s15;
	[dreg:$0x9] =	wrdreg s30  }
0x17: {  	s31 =	sor.u32 $0x20, s29;
	s12 =	sadd.s32 s10, s13;
	[dreg:$0xd] =	wrdreg s17  }
0x18: {  	s13 =	sadd.s32 s14, s28;
	s14 =	sor.u32 $0x30, s29;
	[dreg:$0x8] =	wrdreg s12  }
0x19: {  	s29 =	sor.u32 $0x20, s16;
	[dreg:$0xa] =	wrdreg s13;
	s12 =	sadd.s32 s10, s31  }
0x1a: {  	s30 =	sor.u32 $0x30, s16;
	s13 =	sadd.s32 s20, s28;
	[dreg:$0xb] =	wrdreg s12  }
0x1b: {  	s31 =	sshrl.u32 s19, $0x3;
	s12 =	sadd.s32 s10, s14;
	[dreg:$0x16] =	wrdreg s13  }
0x1c: {  	s14 =	sshrl.u32 s18, $0x3;
	[dreg:$0xc] =	wrdreg s12;
	s12 =	sadd.s32 s15, s28  }
0x1d: {  	s16 =	sor.u32 $0x20, s31;
	s17 =	sadd.s32 s10, s14;
	[dreg:$0xe] =	wrdreg s12  }
0x1e: {  	s13 =	sshrl.u32 s23, $0x3;
	s18 =	sadd.s32 s10, s16;
	[dreg:$0x11] =	wrdreg s17  }
0x1f: {  	s16 =	sadd.s32 s10, s13;
	[dreg:$0x13] =	wrdreg s18  }
0x20: {  	s12 =	sadd.s32 s10, s29;
	[dreg:$0x19] =	wrdreg s16  }
0x21: {  	s11 =	sshrl.u32 s11, $0x3;
	s29 =	sadd.s32 s10, s20;
	[dreg:$0xf] =	wrdreg s12  }
0x22: {  	s20 =	sshrl.u32 s26, $0x3;
	s12 =	sadd.s32 s10, s30;
	[dreg:$0x15] =	wrdreg s29  }
0x23: {  	s15 =	sshrl.u32 s22, $0x3;
	s22 =	sadd.s32 s10, s20;
	[dreg:$0x10] =	wrdreg s12  }
0x24: {  	s29 =	sadd.s32 s11, s28;
	[dreg:$0x1d] =	wrdreg s22  }
0x25: {  	s21 =	sshrl.u32 s21, $0x3;
	s11 =	sadd.s32 s10, s11;
	[smem:$0x7CE] =	sst s29  }
0x26: {  	s19 =	sor.u32 $0x30, s31;
	s31 =	sor.u32 $0x30, s21;
	[smem:$0x7CF] =	sst s11  }
0x27: {  	s26 =	sshrl.u32 s25, $0x3;
	s12 =	sadd.s32 s14, s28;
	s14 =	rddreg [dreg:$0x3]  }
0x28: {  	s30 =	sor.u32 $0x20, s21;
	[dreg:$0x12] =	wrdreg s12;
	s12 =	sadd.s32 s10, s19  }
0x29: {  	s19 =	sshrl.u32 s24, $0x3;
	[dreg:$0x14] =	wrdreg s12;
	s12 =	sadd.s32 s10, s30  }
0x2a: {  	s21 =	sor.u32 $0x20, s19;
	[dreg:$0x17] =	wrdreg s12;
	s12 =	sadd.s32 s10, s31  }
0x2b: {  	s30 =	sor.u32 $0x20, s26;
	s23 =	sadd.s32 s10, s21;
	[dreg:$0x18] =	wrdreg s12  }
0x2c: {  	s31 =	sadd.s32 s10, s30;
	[dreg:$0x1f] =	wrdreg s23  }
0x2d: {  	s3 =	sshll.u32 s3, $0x7;
	s16 =	sshll.u32 s4, $0x7;
	[smem:$0x7D0] =	sst s31  }
0x2e: {  	s21 =	sshll.u32 s7, $0x7;
	s12 =	sadd.s32 s13, s28;
	s13 =	rddreg [dreg:$0x2]  }
0x2f: {  	s25 =	sshll.u32 s8, $0x7;
	s4 =	sadd.s32 s14, s21;
	[dreg:$0x1a] =	wrdreg s12  }
0x30: {  	s17 =	sor.u32 $0x20, s15;
	s31 =	sadd.s32 s14, s25;
	[smem:$0x7DE] =	sst s4  }
0x31: {  	s2 =	sshll.u32 s2, $0x7;
	s12 =	sadd.s32 s10, s17;
	[smem:$0x7E0] =	sst s31  }
0x32: {  	s18 =	sor.u32 $0x30, s15;
	s15 =	sadd.s32 s13, s2;
	[dreg:$0x1b] =	wrdreg s12  }
0x33: {  	s17 =	sadd.s32 s13, s3;
	[smem:$0x7D2] =	sst s15  }
0x34: {  	s5 =	sshll.u32 s5, $0x7;
	s3 =	sadd.s32 s14, s3;
	[smem:$0x7D3] =	sst s17  }
0x35: {  	s24 =	sor.u32 $0x30, s19;
	s19 =	sadd.s32 s13, s5;
	[smem:$0x7D4] =	sst s3  }
0x36: {  	s23 =	sshll.u32 s9, $0x7;
	s22 =	sadd.s32 s13, s16;
	[smem:$0x7D5] =	sst s19  }
0x37: {  	s29 =	sadd.s32 s13, s23;
	[smem:$0x7D7] =	sst s22  }
0x38: {  	s30 =	sadd.s32 s13, s25;
	[smem:$0x7DC] =	sst s29  }
0x39: {  	s12 =	sadd.s32 s10, s18;
	[smem:$0x7DD] =	sst s30  }
0x3a: {  	[dreg:$0x1c] =	wrdreg s12;
	s12 =	sadd.s32 s20, s28  }
0x3b: {  	s18 =	sshll.u32 s6, $0x7;
	s20 =	sadd.s32 s14, s5;
	[dreg:$0x1e] =	wrdreg s12  }
0x3c: {  	s3 =	sadd.s32 s14, s18;
	[smem:$0x7D6] =	sst s20  }
0x3d: {  	s28 =	sadd.s32 s13, s21;
	[smem:$0x7DA] =	sst s3  }
0x3e: {  	s12 =	sadd.s32 s10, s24;
	[smem:$0x7DB] =	sst s28  }
0x3f: {  	s24 =	sadd.s32 s13, s18;
	[smem:$0x7CD] =	sst s12  }
0x40: {  	s12 =	sor.u32 $0x30, s26;
	[smem:$0x7D9] =	sst s24  }
0x41: {  	s26 =	rddreg [dreg:$0x1];
	s10 =	sadd.s32 s10, s12  }
0x42: {  	s12 =	sadd.s32 s14, s2;
	s2 =	sadd.s32 s14, s16;
	[smem:$0x7D1] =	sst s10  }
0x43: {  	[smem:$0x7D8] =	sst s2;
	s2 =	sadd.s32 s14, s23  }
0x44: {  	s0 =	smax.u32 s0, $0x1;
	[smem:$0x7DF] =	sst s2  }
0x45: {  	s3 =	sadd.s32 $0x100, s26;
	_ =	strace $0x80000047;
	[smem:$0x7E1] =	sst s0  }
0x46: {  	s4 =	sadd.s32 $0x200, s26;
	[smem:$0x7E2] =	sst s3  }
0x47: {  	s5 =	sadd.s32 $0x300, s26;
	[smem:$0x7E3] =	sst s4  }
0x48: {  	s6 =	sadd.s32 $0x40000, s12;
	[smem:$0x7E4] =	sst s5  }
0x49: {  	s7 =	sadd.s32 $0x80000, s12;
	[smem:$0x7E5] =	sst s6  }
0x4a: {  	s8 =	sadd.s32 $0xC0000, s12;
	[smem:$0x7E6] =	sst s7  }
0x4b: {  	s9 =	sadd.s32 $0x40400, s12;
	[smem:$0x7E7] =	sst s8  }
0x4c: {  	s10 =	sadd.s32 $0x80400, s12;
	[smem:$0x7E8] =	sst s9  }
0x4d: {  	s11 =	sadd.s32 $0xC0400, s12;
	[smem:$0x7E9] =	sst s10  }
0x4e: {  	s13 =	sadd.s32 $0x40800, s12;
	[smem:$0x7EA] =	sst s11  }
0x4f: {  	s14 =	sadd.s32 $0x80800, s12;
	[smem:$0x7EB] =	sst s13  }
0x50: {  	s15 =	sadd.s32 $0xC0800, s12;
	[smem:$0x7EC] =	sst s14  }
0x51: {  	s16 =	sadd.s32 $0x40C00, s12;
	[smem:$0x7ED] =	sst s15  }
0x52: {  	s17 =	sadd.s32 $0x80C00, s12;
	[smem:$0x7EE] =	sst s16  }
0x53: {  	s18 =	sadd.s32 $0xC0C00, s12;
	[smem:$0x7EF] =	sst s17  }
0x54: {  	s19 =	sadd.s32 $0x41000, s12;
	[smem:$0x7F0] =	sst s18  }
0x55: {  	s20 =	sadd.s32 $0x81000, s12;
	[smem:$0x7F1] =	sst s19  }
0x56: {  	s21 =	sadd.s32 $0xC1000, s12;
	[smem:$0x7F2] =	sst s20  }
0x57: {  	s22 =	sadd.s32 $0x41400, s12;
	[smem:$0x7F3] =	sst s21  }
0x58: {  	s23 =	sadd.s32 $0x81400, s12;
	[smem:$0x7F4] =	sst s22  }
0x59: {  	s24 =	sadd.s32 $0xC1400, s12;
	[smem:$0x7F5] =	sst s23  }
0x5a: {  	s25 =	sadd.s32 $0x41800, s12;
	[smem:$0x7F6] =	sst s24  }
0x5b: {  	s26 =	sadd.s32 $0x81800, s12;
	[smem:$0x7F7] =	sst s25  }
0x5c: {  	s28 =	sadd.s32 $0xC1800, s12;
	[smem:$0x7F8] =	sst s26  }
0x5d: {  	s29 =	sadd.s32 $0x41C00, s12;
	[smem:$0x7F9] =	sst s28  }
0x5e: {  	s30 =	sadd.s32 $0x81C00, s12;
	[smem:$0x7FA] =	sst s29  }
0x5f: {  	[smem:$0x7FB] =	sst s30  }
0x60: {  	v2 =	vlaneseq.u32;
	s31 =	sadd.s32 $0xC1C00, s12;
	[smem:$0x7FC] =	sst s12  }
0x61: {  	vm0 =	vmmov $0xffff;
	v1 =	vshrl.u32 v2, $0x3;
	[smem:$0x7FD] =	sst s31;
	s8 =	simm.s32 $0x8000;
	s9 =	simm.s32 $0xA000  }
0x62: {  	v0 =	vand.u32 $0x7, v2;
	v2 =	vor.u32 $0x8, v2;
	v1 =	vmul.u32 $0x8, v1;
	s10 =	simm.s32 $0xC000;
	s11 =	simm.s32 $0xE000;
	s3 =	simm.s32 $0x0  }
.LBB2_1:
0x63: {  	[smem:$0x7CC] =	sst s3  }
0x64: {  	s0 =	rddreg [dreg:$0x5]  }
0x65: {  	s2 =	simm.s32 $0x1E000;
	s4 =	rddreg [dreg:$0x6]  }
0x66: {  	[tilespmem:s2], [sflag:$0x7] =	stream.linear.gather [hbm4b:s0+s1], $0x8, $0x38;
	[tilespmem:$0x1E400] =	vst v63  }
0x67: {  	s5 =	simm.s32 $0x1E008;
	s6 =	rddreg [dreg:$0x7]  }
0x68: {  	[tilespmem:s5], [sflag:$0x7] =	stream.linear.gather [hbm4b:s4+s1], $0x8, $0x38;
	[tilespmem:$0x1E400] =	vst v63  }
0x69: {  	s7 =	simm.s32 $0x1E010;
	s12 =	rddreg [dreg:$0x8]  }
0x6a: {  	[tilespmem:s7], [sflag:$0x7] =	stream.linear.gather [hbm4b:s6+s1], $0x8, $0x38;
	[tilespmem:$0x1E400] =	vst v63  }
0x6b: {  	s13 =	simm.s32 $0x1E018;
	s14 =	rddreg [dreg:$0x9]  }
0x6c: {  	[tilespmem:s13], [sflag:$0x7] =	stream.linear.gather [hbm4b:s12+s1], $0x8, $0x38;
	[tilespmem:$0x1E400] =	vst v63  }
0x6d: {  	s15 =	simm.s32 $0x1E080;
	s16 =	rddreg [dreg:$0xa]  }
0x6e: {  	[tilespmem:s15], [sflag:$0x7] =	stream.linear.gather [hbm4b:s14+s1], $0x8, $0x38;
	[tilespmem:$0x1E400] =	vst v63  }
0x6f: {  	s17 =	simm.s32 $0x1E088;
	s18 =	rddreg [dreg:$0xb]  }
0x70: {  	[tilespmem:s17], [sflag:$0x7] =	stream.linear.gather [hbm4b:s16+s1], $0x8, $0x38;
	[tilespmem:$0x1E400] =	vst v63  }
0x71: {  	s19 =	simm.s32 $0x1E090;
	s20 =	rddreg [dreg:$0xc]  }
0x72: {  	[tilespmem:s19], [sflag:$0x7] =	stream.linear.gather [hbm4b:s18+s1], $0x8, $0x38;
	[tilespmem:$0x1E400] =	vst v63  }
0x73: {  	s21 =	simm.s32 $0x1E098;
	s22 =	rddreg [dreg:$0xd]  }
0x74: {  	[tilespmem:s21], [sflag:$0x7] =	stream.linear.gather [hbm4b:s20+s1], $0x8, $0x38;
	[tilespmem:$0x1E400] =	vst v63  }
0x75: {  	s23 =	simm.s32 $0x1E100;
	s24 =	rddreg [dreg:$0xe]  }
0x76: {  	[tilespmem:s23], [sflag:$0x7] =	stream.linear.gather [hbm4b:s22+s1], $0x8, $0x38;
	[tilespmem:$0x1E400] =	vst v63  }
0x77: {  	s25 =	simm.s32 $0x1E108;
	s26 =	rddreg [dreg:$0xf]  }
0x78: {  	[tilespmem:s25], [sflag:$0x7] =	stream.linear.gather [hbm4b:s24+s1], $0x8, $0x38;
	[tilespmem:$0x1E400] =	vst v63  }
0x79: {  	s28 =	simm.s32 $0x1E110;
	s29 =	rddreg [dreg:$0x10]  }
0x7a: {  	[tilespmem:s28], [sflag:$0x7] =	stream.linear.gather [hbm4b:s26+s1], $0x8, $0x38;
	[tilespmem:$0x1E400] =	vst v63  }
0x7b: {  	s30 =	simm.s32 $0x1E118;
	s2 =	rddreg [dreg:$0x11]  }
0x7c: {  	[tilespmem:s30], [sflag:$0x7] =	stream.linear.gather [hbm4b:s29+s1], $0x8, $0x38;
	[tilespmem:$0x1E400] =	vst v63  }
0x7d: {  	s3 =	simm.s32 $0x1E180;
	s4 =	rddreg [dreg:$0x12]  }
0x7e: {  	[tilespmem:s3], [sflag:$0x7] =	stream.linear.gather [hbm4b:s2+s1], $0x8, $0x38;
	[tilespmem:$0x1E400] =	vst v63  }
0x7f: {  	s5 =	simm.s32 $0x1E188;
	s6 =	rddreg [dreg:$0x13]  }
0x80: {  	[tilespmem:s5], [sflag:$0x7] =	stream.linear.gather [hbm4b:s4+s1], $0x8, $0x38;
	[tilespmem:$0x1E400] =	vst v63  }
0x81: {  	s7 =	simm.s32 $0x1E190;
	s12 =	rddreg [dreg:$0x14]  }
0x82: {  	[tilespmem:s7], [sflag:$0x7] =	stream.linear.gather [hbm4b:s6+s1], $0x8, $0x38;
	[tilespmem:$0x1E400] =	vst v63  }
0x83: {  	s13 =	simm.s32 $0x1E198;
	s14 =	rddreg [dreg:$0x15]  }
0x84: {  	[tilespmem:s13], [sflag:$0x7] =	stream.linear.gather [hbm4b:s12+s1], $0x8, $0x38;
	[tilespmem:$0x1E400] =	vst v63  }
0x85: {  	s15 =	simm.s32 $0x1E200;
	s16 =	rddreg [dreg:$0x16]  }
0x86: {  	[tilespmem:s15], [sflag:$0x7] =	stream.linear.gather [hbm4b:s14+s1], $0x8, $0x38;
	[tilespmem:$0x1E400] =	vst v63  }
0x87: {  	s17 =	simm.s32 $0x1E208;
	s18 =	rddreg [dreg:$0x17]  }
0x88: {  	[tilespmem:s17], [sflag:$0x7] =	stream.linear.gather [hbm4b:s16+s1], $0x8, $0x38;
	[tilespmem:$0x1E400] =	vst v63  }
0x89: {  	s19 =	simm.s32 $0x1E210;
	s20 =	rddreg [dreg:$0x18]  }
0x8a: {  	[tilespmem:s19], [sflag:$0x7] =	stream.linear.gather [hbm4b:s18+s1], $0x8, $0x38;
	[tilespmem:$0x1E400] =	vst v63  }
0x8b: {  	s21 =	simm.s32 $0x1E218;
	s22 =	rddreg [dreg:$0x19]  }
0x8c: {  	[tilespmem:s21], [sflag:$0x7] =	stream.linear.gather [hbm4b:s20+s1], $0x8, $0x38;
	[tilespmem:$0x1E400] =	vst v63  }
0x8d: {  	s23 =	simm.s32 $0x1E280;
	s24 =	rddreg [dreg:$0x1a]  }
0x8e: {  	[tilespmem:s23], [sflag:$0x7] =	stream.linear.gather [hbm4b:s22+s1], $0x8, $0x38;
	[tilespmem:$0x1E400] =	vst v63  }
0x8f: {  	s25 =	simm.s32 $0x1E288;
	s26 =	rddreg [dreg:$0x1b]  }
0x90: {  	[tilespmem:s25], [sflag:$0x7] =	stream.linear.gather [hbm4b:s24+s1], $0x8, $0x38;
	[tilespmem:$0x1E400] =	vst v63  }
0x91: {  	s28 =	simm.s32 $0x1E290;
	s29 =	rddreg [dreg:$0x1c]  }
0x92: {  	[tilespmem:s28], [sflag:$0x7] =	stream.linear.gather [hbm4b:s26+s1], $0x8, $0x38;
	[tilespmem:$0x1E400] =	vst v63  }
0x93: {  	s30 =	simm.s32 $0x1E298;
	s3 =	rddreg [dreg:$0x1d]  }
0x94: {  	[tilespmem:s30], [sflag:$0x7] =	stream.linear.gather [hbm4b:s29+s1], $0x8, $0x38;
	[tilespmem:$0x1E400] =	vst v63  }
0x95: {  	s4 =	simm.s32 $0x1E300;
	s5 =	rddreg [dreg:$0x1e]  }
0x96: {  	[tilespmem:s4], [sflag:$0x7] =	stream.linear.gather [hbm4b:s3+s1], $0x8, $0x38;
	[tilespmem:$0x1E400] =	vst v63  }
0x97: {  	s6 =	simm.s32 $0x1E308;
	s7 =	rddreg [dreg:$0x1f]  }
0x98: {  	[tilespmem:s6], [sflag:$0x7] =	stream.linear.gather [hbm4b:s5+s1], $0x8, $0x38;
	[tilespmem:$0x1E400] =	vst v63  }
0x99: {  	s12 =	simm.s32 $0x1E310;
	s13 =	sld [smem:$0x7CD]  }
0x9a: {  	[tilespmem:s12], [sflag:$0x7] =	stream.linear.gather [hbm4b:s7+s1], $0x8, $0x38;
	[tilespmem:$0x1E400] =	vst v63  }
0x9b: {  	s14 =	simm.s32 $0x1E318;
	s15 =	sld [smem:$0x7CF]  }
0x9c: {  	[tilespmem:s14], [sflag:$0x7] =	stream.linear.gather [hbm4b:s13+s1], $0x8, $0x38;
	[tilespmem:$0x1E400] =	vst v63  }
0x9d: {  	s16 =	simm.s32 $0x1E380;
	s17 =	sld [smem:$0x7CE]  }
0x9e: {  	[tilespmem:s16], [sflag:$0x7] =	stream.linear.gather [hbm4b:s15+s1], $0x8, $0x38;
	[tilespmem:$0x1E400] =	vst v63  }
0x9f: {  	s18 =	simm.s32 $0x1E388;
	s19 =	sld [smem:$0x7D0]  }
0xa0: {  	[tilespmem:s18], [sflag:$0x7] =	stream.linear.gather [hbm4b:s17+s1], $0x8, $0x38;
	[tilespmem:$0x1E400] =	vst v63  }
0xa1: {  	s20 =	simm.s32 $0x1E390;
	s21 =	sld [smem:$0x7D1]  }
0xa2: {  	[tilespmem:s20], [sflag:$0x7] =	stream.linear.gather [hbm4b:s19+s1], $0x8, $0x38;
	[tilespmem:$0x1E400] =	vst v63  }
0xa3: {  	s22 =	simm.s32 $0x1E398;
	s6 =	simm.s32 $0x7  }
0xa4: {  	[tilespmem:s22], [sflag:$0x7] =	stream.linear.gather [hbm4b:s21+s1], $0x8, $0x38;
	[tilespmem:$0x1E400] =	vst v63  }
0xa5: {  	_ =	swait.ge [sflag:s6], $0x8  }
0xa6: {  	[sflag:s6] =	ssyncset.done $0x0  }
0xa7: {  	[sflag:s6] =	ssyncadd.s32 $0xFFFFFFF8  }
0xa8: {  	_ =	swait.ge [sflag:s6], $0x8  }
0xa9: {  	[sflag:s6] =	ssyncset.done $0x0  }
0xaa: {  	[sflag:s6] =	ssyncadd.s32 $0xFFFFFFF8  }
0xab: {  	_ =	swait.ge [sflag:s6], $0x8  }
0xac: {  	[sflag:s6] =	ssyncset.done $0x0  }
0xad: {  	[sflag:s6] =	ssyncadd.s32 $0xFFFFFFF8  }
0xae: {  	_ =	swait.ge [sflag:s6], $0x8  }
0xaf: {  	[sflag:s6] =	ssyncset.done $0x0  }
0xb0: {  	[sflag:s6] =	ssyncadd.s32 $0xFFFFFFF8  }
0xb1: {  	_ =	swait.ge [sflag:s6], $0x8  }
0xb2: {  	[sflag:s6] =	ssyncset.done $0x0  }
0xb3: {  	[sflag:s6] =	ssyncadd.s32 $0xFFFFFFF8  }
0xb4: {  	_ =	swait.ge [sflag:s6], $0x8  }
0xb5: {  	[sflag:s6] =	ssyncset.done $0x0  }
0xb6: {  	[sflag:s6] =	ssyncadd.s32 $0xFFFFFFF8  }
0xb7: {  	_ =	swait.ge [sflag:s6], $0x8  }
0xb8: {  	[sflag:s6] =	ssyncset.done $0x0  }
0xb9: {  	[sflag:s6] =	ssyncadd.s32 $0xFFFFFFF8  }
0xba: {  	_ =	swait.ge [sflag:s6], $0x8  }
0xbb: {  	[sflag:s6] =	ssyncset.done $0x0  }
0xbc: {  	[sflag:s6] =	ssyncadd.s32 $0xFFFFFFF8  }
0xbd: {  	_ =	swait.ge [sflag:s6], $0x8  }
0xbe: {  	[sflag:s6] =	ssyncset.done $0x0  }
0xbf: {  	[sflag:s6] =	ssyncadd.s32 $0xFFFFFFF8  }
0xc0: {  	_ =	swait.ge [sflag:s6], $0x8  }
0xc1: {  	[sflag:s6] =	ssyncset.done $0x0  }
0xc2: {  	[sflag:s6] =	ssyncadd.s32 $0xFFFFFFF8  }
0xc3: {  	_ =	swait.ge [sflag:s6], $0x8  }
0xc4: {  	[sflag:s6] =	ssyncset.done $0x0  }
0xc5: {  	[sflag:s6] =	ssyncadd.s32 $0xFFFFFFF8  }
0xc6: {  	_ =	swait.ge [sflag:s6], $0x8  }
0xc7: {  	[sflag:s6] =	ssyncset.done $0x0  }
0xc8: {  	[sflag:s6] =	ssyncadd.s32 $0xFFFFFFF8  }
0xc9: {  	_ =	swait.ge [sflag:s6], $0x8  }
0xca: {  	[sflag:s6] =	ssyncset.done $0x0  }
0xcb: {  	[sflag:s6] =	ssyncadd.s32 $0xFFFFFFF8  }
0xcc: {  	_ =	swait.ge [sflag:s6], $0x8  }
0xcd: {  	[sflag:s6] =	ssyncset.done $0x0  }
0xce: {  	[sflag:s6] =	ssyncadd.s32 $0xFFFFFFF8  }
0xcf: {  	_ =	swait.ge [sflag:s6], $0x8  }
0xd0: {  	[sflag:s6] =	ssyncset.done $0x0  }
0xd1: {  	[sflag:s6] =	ssyncadd.s32 $0xFFFFFFF8  }
0xd2: {  	_ =	swait.ge [sflag:s6], $0x8  }
0xd3: {  	[sflag:s6] =	ssyncset.done $0x0  }
0xd4: {  	[sflag:s6] =	ssyncadd.s32 $0xFFFFFFF8  }
0xd5: {  	_ =	swait.ge [sflag:s6], $0x8  }
0xd6: {  	[sflag:s6] =	ssyncset.done $0x0  }
0xd7: {  	[sflag:s6] =	ssyncadd.s32 $0xFFFFFFF8  }
0xd8: {  	_ =	swait.ge [sflag:s6], $0x8  }
0xd9: {  	[sflag:s6] =	ssyncset.done $0x0  }
0xda: {  	[sflag:s6] =	ssyncadd.s32 $0xFFFFFFF8  }
0xdb: {  	_ =	swait.ge [sflag:s6], $0x8  }
0xdc: {  	[sflag:s6] =	ssyncset.done $0x0  }
0xdd: {  	[sflag:s6] =	ssyncadd.s32 $0xFFFFFFF8  }
0xde: {  	_ =	swait.ge [sflag:s6], $0x8  }
0xdf: {  	[sflag:s6] =	ssyncset.done $0x0  }
0xe0: {  	[sflag:s6] =	ssyncadd.s32 $0xFFFFFFF8  }
0xe1: {  	_ =	swait.ge [sflag:s6], $0x8  }
0xe2: {  	[sflag:s6] =	ssyncset.done $0x0  }
0xe3: {  	[sflag:s6] =	ssyncadd.s32 $0xFFFFFFF8  }
0xe4: {  	_ =	swait.ge [sflag:s6], $0x8  }
0xe5: {  	[sflag:s6] =	ssyncset.done $0x0  }
0xe6: {  	[sflag:s6] =	ssyncadd.s32 $0xFFFFFFF8  }
0xe7: {  	_ =	swait.ge [sflag:s6], $0x8  }
0xe8: {  	[sflag:s6] =	ssyncset.done $0x0  }
0xe9: {  	[sflag:s6] =	ssyncadd.s32 $0xFFFFFFF8  }
0xea: {  	_ =	swait.ge [sflag:s6], $0x8  }
0xeb: {  	[sflag:s6] =	ssyncset.done $0x0  }
0xec: {  	[sflag:s6] =	ssyncadd.s32 $0xFFFFFFF8  }
0xed: {  	_ =	swait.ge [sflag:s6], $0x8  }
0xee: {  	[sflag:s6] =	ssyncset.done $0x0  }
0xef: {  	[sflag:s6] =	ssyncadd.s32 $0xFFFFFFF8  }
0xf0: {  	_ =	swait.ge [sflag:s6], $0x8  }
0xf1: {  	[sflag:s6] =	ssyncset.done $0x0  }
0xf2: {  	[sflag:s6] =	ssyncadd.s32 $0xFFFFFFF8  }
0xf3: {  	_ =	swait.ge [sflag:s6], $0x8  }
0xf4: {  	[sflag:s6] =	ssyncset.done $0x0  }
0xf5: {  	[sflag:s6] =	ssyncadd.s32 $0xFFFFFFF8  }
0xf6: {  	_ =	swait.ge [sflag:s6], $0x8  }
0xf7: {  	[sflag:s6] =	ssyncset.done $0x0  }
0xf8: {  	[sflag:s6] =	ssyncadd.s32 $0xFFFFFFF8  }
0xf9: {  	_ =	swait.ge [sflag:s6], $0x8  }
0xfa: {  	[sflag:s6] =	ssyncset.done $0x0  }
0xfb: {  	[sflag:s6] =	ssyncadd.s32 $0xFFFFFFF8  }
0xfc: {  	_ =	swait.ge [sflag:s6], $0x8  }
0xfd: {  	[sflag:s6] =	ssyncset.done $0x0  }
0xfe: {  	[sflag:s6] =	ssyncadd.s32 $0xFFFFFFF8  }
0xff: {  	_ =	swait.ge [sflag:s6], $0x8  }
0x100: {  	[sflag:s6] =	ssyncset.done $0x0  }
0x101: {  	[sflag:s6] =	ssyncadd.s32 $0xFFFFFFF8  }
0x102: {  	_ =	swait.ge [sflag:s6], $0x8  }
0x103: {  	s23 =	sld [smem:$0x7D2]  }
0x104: {  	[sflag:s6] =	ssyncset.done $0x0  }
0x105: {  	s24 =	simm.s32 $0x18000;
	[sflag:s6] =	ssyncadd.s32 $0xFFFFFFF8  }
0x106: {  	[tilespmem:s24], [sflag:$0x7] =	stream.linear.gather [hbm4b:s23+s1], $0x2000, $0x38;
	[tilespmem:$0x1E400] =	vst v63  }
0x107: {  	v3 =	vld [tilespmem:$0x1E000];
	_ =	sdelay $0x4  }
0x108: {  	v4 =	vshll.u32 v3, $0x3  }
0x109: {  	v3 =	vand.u32 $0x7, v3;
	v4 =	vand.u32 $0xFFFFFFC0, v4  }
0x10a: {  	v3 =	vor.u32 v3, v4  }
0x10b: {  	v4 =	vperm.xlane v3, v0;
	_ =	sdelay $0x1  }
0x10c: {  	v4 =	vadd.s32 v1, v4;
	_ =	sdelay $0x2  }
0x10d: {  	s3 =	sld [smem:$0x7E2]  }
0x10e: {  	s2 =	rddreg [dreg:$0x1]  }
0x10f: {  	[tilespmem:s1], [sflag:$0x1] =	stream.indirect_vreg.gather [hbm4b:s2+s1], $0x80, v4, vm0, $0xb8;
	[tilespmem:$0x1E400] =	vst v63  }
0x110: {  	s25 =	simm.s32 $0x800;
	s4 =	sld [smem:$0x7E3];
	v3 =	vperm.xlane v3, v2  }
0x111: {  	[tilespmem:s25], [sflag:$0x1] =	stream.indirect_vreg.gather [hbm4b:s3+s1], $0x80, v4, vm0, $0xb8;
	[tilespmem:$0x1E400] =	vst v63  }
0x112: {  	s26 =	simm.s32 $0x1000;
	s5 =	sld [smem:$0x7E4];
	v3 =	vadd.s32 v1, v3  }
0x113: {  	[tilespmem:s26], [sflag:$0x1] =	stream.indirect_vreg.gather [hbm4b:s4+s1], $0x80, v4, vm0, $0xb8;
	[tilespmem:$0x1E400] =	vst v63  }
0x114: {  	s28 =	simm.s32 $0x1800  }
0x115: {  	[tilespmem:s28], [sflag:$0x1] =	stream.indirect_vreg.gather [hbm4b:s5+s1], $0x80, v4, vm0, $0xb8;
	[tilespmem:$0x1E400] =	vst v63  }
0x116: {  	s29 =	simm.s32 $0x2000  }
0x117: {  	[tilespmem:s29], [sflag:$0x1] =	stream.indirect_vreg.gather [hbm4b:s2+s1], $0x80, v3, vm0, $0xb8;
	[tilespmem:$0x1E400] =	vst v63  }
0x118: {  	s30 =	simm.s32 $0x2800  }
0x119: {  	[tilespmem:s30], [sflag:$0x1] =	stream.indirect_vreg.gather [hbm4b:s3+s1], $0x80, v3, vm0, $0xb8;
	[tilespmem:$0x1E400] =	vst v63  }
0x11a: {  	s7 =	simm.s32 $0x3000  }
0x11b: {  	[tilespmem:s7], [sflag:$0x1] =	stream.indirect_vreg.gather [hbm4b:s4+s1], $0x80, v3, vm0, $0xb8;
	[tilespmem:$0x1E400] =	vst v63  }
0x11c: {  	s12 =	simm.s32 $0x3800  }
0x11d: {  	[tilespmem:s12], [sflag:$0x1] =	stream.indirect_vreg.gather [hbm4b:s5+s1], $0x80, v3, vm0, $0xb8;
	[tilespmem:$0x1E400] =	vst v63  }
0x11e: {  	v3 =	vld [tilespmem:$0x1E010];
	_ =	sdelay $0x4  }
0x11f: {  	v59 =	vshll.u32 v3, $0x3  }
0x120: {  	v3 =	vand.u32 $0x7, v3;
	v4 =	vand.u32 $0xFFFFFFC0, v59  }
0x121: {  	v3 =	vor.u32 v3, v4  }
0x122: {  	v4 =	vperm.xlane v3, v0;
	_ =	sdelay $0x1  }
0x123: {  	v4 =	vadd.s32 v1, v4;
	_ =	sdelay $0x3  }
0x124: {  	s13 =	simm.s32 $0x4000  }
0x125: {  	[tilespmem:s13], [sflag:$0x1] =	stream.indirect_vreg.gather [hbm4b:s2+s1], $0x80, v4, vm0, $0xb8;
	[tilespmem:$0x1E400] =	vst v63  }
0x126: {  	s14 =	simm.s32 $0x4800;
	v3 =	vperm.xlane v3, v2  }
0x127: {  	[tilespmem:s14], [sflag:$0x1] =	stream.indirect_vreg.gather [hbm4b:s3+s1], $0x80, v4, vm0, $0xb8;
	[tilespmem:$0x1E400] =	vst v63  }
0x128: {  	s15 =	simm.s32 $0x5000;
	v3 =	vadd.s32 v1, v3  }
0x129: {  	[tilespmem:s15], [sflag:$0x1] =	stream.indirect_vreg.gather [hbm4b:s4+s1], $0x80, v4, vm0, $0xb8;
	[tilespmem:$0x1E400] =	vst v63  }
0x12a: {  	s16 =	simm.s32 $0x5800  }
0x12b: {  	[tilespmem:s16], [sflag:$0x1] =	stream.indirect_vreg.gather [hbm4b:s5+s1], $0x80, v4, vm0, $0xb8;
	[tilespmem:$0x1E400] =	vst v63  }
0x12c: {  	s17 =	simm.s32 $0x6000  }
0x12d: {  	[tilespmem:s17], [sflag:$0x1] =	stream.indirect_vreg.gather [hbm4b:s2+s1], $0x80, v3, vm0, $0xb8;
	[tilespmem:$0x1E400] =	vst v63  }
0x12e: {  	s18 =	simm.s32 $0x6800  }
0x12f: {  	[tilespmem:s18], [sflag:$0x1] =	stream.indirect_vreg.gather [hbm4b:s3+s1], $0x80, v3, vm0, $0xb8;
	[tilespmem:$0x1E400] =	vst v63  }
0x130: {  	s19 =	simm.s32 $0x7000  }
0x131: {  	[tilespmem:s19], [sflag:$0x1] =	stream.indirect_vreg.gather [hbm4b:s4+s1], $0x80, v3, vm0, $0xb8;
	[tilespmem:$0x1E400] =	vst v63  }
0x132: {  	s20 =	simm.s32 $0x7800;
	s21 =	sld [smem:$0x7D3]  }
0x133: {  	[tilespmem:s20], [sflag:$0x1] =	stream.indirect_vreg.gather [hbm4b:s5+s1], $0x80, v3, vm0, $0xb8;
	[tilespmem:$0x1E400] =	vst v63  }
0x134: {  	s7 =	simm.s32 $0x1A000  }
0x135: {  	[tilespmem:s7], [sflag:$0x8] =	stream.linear.gather [hbm4b:s21+s1], $0x2000, $0x38;
	[tilespmem:$0x1E400] =	vst v63  }
0x136: {  	v3 =	vld [tilespmem:$0x1E080];
	_ =	sdelay $0x4  }
0x137: {  	v60 =	vshll.u32 v3, $0x3  }
0x138: {  	v3 =	vand.u32 $0x7, v3;
	v4 =	vand.u32 $0xFFFFFFC0, v60  }
0x139: {  	v3 =	vor.u32 v3, v4  }
0x13a: {  	v4 =	vperm.xlane v3, v0;
	_ =	sdelay $0x1  }
0x13b: {  	v4 =	vadd.s32 v1, v4;
	_ =	sdelay $0x4  }
0x13c: {  	[tilespmem:s8], [sflag:$0x2] =	stream.indirect_vreg.gather [hbm4b:s2+s1], $0x80, v4, vm0, $0xb8;
	[tilespmem:$0x1E400] =	vst v63  }
0x13d: {  	s22 =	simm.s32 $0x8800;
	v3 =	vperm.xlane v3, v2  }
0x13e: {  	[tilespmem:s22], [sflag:$0x2] =	stream.indirect_vreg.gather [hbm4b:s3+s1], $0x80, v4, vm0, $0xb8;
	[tilespmem:$0x1E400] =	vst v63  }
0x13f: {  	s23 =	simm.s32 $0x9000;
	v3 =	vadd.s32 v1, v3  }
0x140: {  	[tilespmem:s23], [sflag:$0x2] =	stream.indirect_vreg.gather [hbm4b:s4+s1], $0x80, v4, vm0, $0xb8;
	[tilespmem:$0x1E400] =	vst v63  }
0x141: {  	s24 =	simm.s32 $0x9800  }
0x142: {  	[tilespmem:s24], [sflag:$0x2] =	stream.indirect_vreg.gather [hbm4b:s5+s1], $0x80, v4, vm0, $0xb8;
	[tilespmem:$0x1E400] =	vst v63  }
0x143: {  	_ = 	snop  }
0x144: {  	[tilespmem:s9], [sflag:$0x2] =	stream.indirect_vreg.gather [hbm4b:s2+s1], $0x80, v3, vm0, $0xb8;
	[tilespmem:$0x1E400] =	vst v63  }
0x145: {  	s25 =	simm.s32 $0xA800  }
0x146: {  	[tilespmem:s25], [sflag:$0x2] =	stream.indirect_vreg.gather [hbm4b:s3+s1], $0x80, v3, vm0, $0xb8;
	[tilespmem:$0x1E400] =	vst v63  }
0x147: {  	s26 =	simm.s32 $0xB000  }
0x148: {  	[tilespmem:s26], [sflag:$0x2] =	stream.indirect_vreg.gather [hbm4b:s4+s1], $0x80, v3, vm0, $0xb8;
	[tilespmem:$0x1E400] =	vst v63  }
0x149: {  	s28 =	simm.s32 $0xB800  }
0x14a: {  	[tilespmem:s28], [sflag:$0x2] =	stream.indirect_vreg.gather [hbm4b:s5+s1], $0x80, v3, vm0, $0xb8;
	[tilespmem:$0x1E400] =	vst v63  }
0x14b: {  	v3 =	vld [tilespmem:$0x1E090];
	_ =	sdelay $0x4  }
0x14c: {  	v61 =	vshll.u32 v3, $0x3  }
0x14d: {  	v3 =	vand.u32 $0x7, v3;
	v4 =	vand.u32 $0xFFFFFFC0, v61  }
0x14e: {  	v3 =	vor.u32 v3, v4  }
0x14f: {  	v4 =	vperm.xlane v3, v0;
	_ =	sdelay $0x1  }
0x150: {  	v4 =	vadd.s32 v1, v4;
	_ =	sdelay $0x4  }
0x151: {  	[tilespmem:s10], [sflag:$0x2] =	stream.indirect_vreg.gather [hbm4b:s2+s1], $0x80, v4, vm0, $0xb8;
	[tilespmem:$0x1E400] =	vst v63  }
0x152: {  	s29 =	simm.s32 $0xC800;
	v3 =	vperm.xlane v3, v2  }
0x153: {  	[tilespmem:s29], [sflag:$0x2] =	stream.indirect_vreg.gather [hbm4b:s3+s1], $0x80, v4, vm0, $0xb8;
	[tilespmem:$0x1E400] =	vst v63  }
0x154: {  	s30 =	simm.s32 $0xD000;
	v3 =	vadd.s32 v1, v3  }
0x155: {  	[tilespmem:s30], [sflag:$0x2] =	stream.indirect_vreg.gather [hbm4b:s4+s1], $0x80, v4, vm0, $0xb8;
	[tilespmem:$0x1E400] =	vst v63  }
0x156: {  	s7 =	simm.s32 $0xD800  }
0x157: {  	[tilespmem:s7], [sflag:$0x2] =	stream.indirect_vreg.gather [hbm4b:s5+s1], $0x80, v4, vm0, $0xb8;
	[tilespmem:$0x1E400] =	vst v63  }
0x158: {  	_ = 	snop  }
0x159: {  	[tilespmem:s11], [sflag:$0x2] =	stream.indirect_vreg.gather [hbm4b:s2+s1], $0x80, v3, vm0, $0xb8;
	[tilespmem:$0x1E400] =	vst v63  }
0x15a: {  	s8 =	simm.s32 $0xE800  }
0x15b: {  	[tilespmem:s8], [sflag:$0x2] =	stream.indirect_vreg.gather [hbm4b:s3+s1], $0x80, v3, vm0, $0xb8;
	[tilespmem:$0x1E400] =	vst v63  }
0x15c: {  	s9 =	simm.s32 $0xF000  }
0x15d: {  	[tilespmem:s9], [sflag:$0x2] =	stream.indirect_vreg.gather [hbm4b:s4+s1], $0x80, v3, vm0, $0xb8;
	[tilespmem:$0x1E400] =	vst v63  }
0x15e: {  	s10 =	simm.s32 $0xF800  }
0x15f: {  	[tilespmem:s10], [sflag:$0x2] =	stream.indirect_vreg.gather [hbm4b:s5+s1], $0x80, v3, vm0, $0xb8;
	[tilespmem:$0x1E400] =	vst v63  }
0x160: {  	v3 =	vld [tilespmem:$0x1E100];
	_ =	sdelay $0x4  }
0x161: {  	v62 =	vshll.u32 v3, $0x3  }
0x162: {  	v3 =	vand.u32 $0x7, v3;
	v4 =	vand.u32 $0xFFFFFFC0, v62  }
0x163: {  	v3 =	vor.u32 v3, v4  }
0x164: {  	v4 =	vperm.xlane v3, v0;
	_ =	sdelay $0x1  }
0x165: {  	v4 =	vadd.s32 v1, v4;
	_ =	sdelay $0x3  }
0x166: {  	s11 =	simm.s32 $0x10000  }
0x167: {  	[tilespmem:s11], [sflag:$0x3] =	stream.indirect_vreg.gather [hbm4b:s2+s1], $0x80, v4, vm0, $0xb8;
	[tilespmem:$0x1E400] =	vst v63  }
0x168: {  	s12 =	simm.s32 $0x10800;
	v3 =	vperm.xlane v3, v2  }
0x169: {  	[tilespmem:s12], [sflag:$0x3] =	stream.indirect_vreg.gather [hbm4b:s3+s1], $0x80, v4, vm0, $0xb8;
	[tilespmem:$0x1E400] =	vst v63  }
0x16a: {  	s13 =	simm.s32 $0x11000;
	v3 =	vadd.s32 v1, v3  }
0x16b: {  	[tilespmem:s13], [sflag:$0x3] =	stream.indirect_vreg.gather [hbm4b:s4+s1], $0x80, v4, vm0, $0xb8;
	[tilespmem:$0x1E400] =	vst v63  }
0x16c: {  	s14 =	simm.s32 $0x11800  }
0x16d: {  	[tilespmem:s14], [sflag:$0x3] =	stream.indirect_vreg.gather [hbm4b:s5+s1], $0x80, v4, vm0, $0xb8;
	[tilespmem:$0x1E400] =	vst v63  }
0x16e: {  	s15 =	simm.s32 $0x12000  }
0x16f: {  	[tilespmem:s15], [sflag:$0x3] =	stream.indirect_vreg.gather [hbm4b:s2+s1], $0x80, v3, vm0, $0xb8;
	[tilespmem:$0x1E400] =	vst v63  }
0x170: {  	s16 =	simm.s32 $0x12800  }
0x171: {  	[tilespmem:s16], [sflag:$0x3] =	stream.indirect_vreg.gather [hbm4b:s3+s1], $0x80, v3, vm0, $0xb8;
	[tilespmem:$0x1E400] =	vst v63  }
0x172: {  	s17 =	simm.s32 $0x13000  }
0x173: {  	[tilespmem:s17], [sflag:$0x3] =	stream.indirect_vreg.gather [hbm4b:s4+s1], $0x80, v3, vm0, $0xb8;
	[tilespmem:$0x1E400] =	vst v63  }
0x174: {  	s18 =	simm.s32 $0x13800  }
0x175: {  	[tilespmem:s18], [sflag:$0x3] =	stream.indirect_vreg.gather [hbm4b:s5+s1], $0x80, v3, vm0, $0xb8;
	[tilespmem:$0x1E400] =	vst v63  }
0x176: {  	v3 =	vld [tilespmem:$0x1E110];
	_ =	sdelay $0x4  }
0x177: {  	v63 =	vshll.u32 v3, $0x3  }
0x178: {  	v3 =	vand.u32 $0x7, v3;
	v4 =	vand.u32 $0xFFFFFFC0, v63  }
0x179: {  	v3 =	vor.u32 v3, v4  }
0x17a: {  	v4 =	vperm.xlane v3, v0;
	_ =	sdelay $0x1  }
0x17b: {  	v4 =	vadd.s32 v1, v4;
	_ =	sdelay $0x3  }
0x17c: {  	s19 =	simm.s32 $0x14000  }
0x17d: {  	[tilespmem:s19], [sflag:$0x3] =	stream.indirect_vreg.gather [hbm4b:s2+s1], $0x80, v4, vm0, $0xb8;
	[tilespmem:$0x1E400] =	vst v63  }
0x17e: {  	s20 =	simm.s32 $0x14800;
	v3 =	vperm.xlane v3, v2  }
0x17f: {  	[tilespmem:s20], [sflag:$0x3] =	stream.indirect_vreg.gather [hbm4b:s3+s1], $0x80, v4, vm0, $0xb8;
	[tilespmem:$0x1E400] =	vst v63  }
0x180: {  	s21 =	simm.s32 $0x15000;
	v3 =	vadd.s32 v1, v3  }
0x181: {  	[tilespmem:s21], [sflag:$0x3] =	stream.indirect_vreg.gather [hbm4b:s4+s1], $0x80, v4, vm0, $0xb8;
	[tilespmem:$0x1E400] =	vst v63  }
0x182: {  	s22 =	simm.s32 $0x15800  }
0x183: {  	[tilespmem:s22], [sflag:$0x3] =	stream.indirect_vreg.gather [hbm4b:s5+s1], $0x80, v4, vm0, $0xb8;
	[tilespmem:$0x1E400] =	vst v63  }
0x184: {  	s23 =	simm.s32 $0x16000  }
0x185: {  	[tilespmem:s23], [sflag:$0x3] =	stream.indirect_vreg.gather [hbm4b:s2+s1], $0x80, v3, vm0, $0xb8;
	[tilespmem:$0x1E400] =	vst v63  }
0x186: {  	s24 =	simm.s32 $0x16800  }
0x187: {  	[tilespmem:s24], [sflag:$0x3] =	stream.indirect_vreg.gather [hbm4b:s3+s1], $0x80, v3, vm0, $0xb8;
	[tilespmem:$0x1E400] =	vst v63  }
0x188: {  	s25 =	simm.s32 $0x17000  }
0x189: {  	[tilespmem:s25], [sflag:$0x3] =	stream.indirect_vreg.gather [hbm4b:s4+s1], $0x80, v3, vm0, $0xb8;
	[tilespmem:$0x1E400] =	vst v63  }
0x18a: {  	s26 =	simm.s32 $0x17800;
	s28 =	sld [smem:$0x7D5]  }
0x18b: {  	[tilespmem:s26], [sflag:$0x3] =	stream.indirect_vreg.gather [hbm4b:s5+s1], $0x80, v3, vm0, $0xb8;
	[tilespmem:$0x1E400] =	vst v63  }
0x18c: {  	s29 =	simm.s32 $0x1C000;
	s30 =	simm.s32 $0x1  }
0x18d: {  	[tilespmem:s29], [sflag:$0x9] =	stream.linear.gather [hbm4b:s28+s1], $0x2000, $0x38;
	[tilespmem:$0x1E400] =	vst v63  }
0x18e: {  	_ =	swait.ge [sflag:s30], $0x8000  }
0x18f: {  	[sflag:s30] =	ssyncset.done $0x0  }
0x190: {  	[sflag:s30] =	ssyncadd.s32 $0xFFFF8000  }
0x191: {  	_ =	swait.ge [sflag:s6], $0x2000  }
0x192: {  	[sflag:s6] =	ssyncset.done $0x0  }
0x193: {  	s31 =	simm.s32 $0x0;
	[sflag:s6] =	ssyncadd.s32 $0xFFFFE000  }
.LBB2_2:
0x194: {  	s2 =	sshll.u32 s31, $0x7;
	s0 =	simm.s32 $0x0;
	s22 =	simm.s32 $0x100  }
0x195: {  	s30 =	simm.s32 $0x20;
	s26 =	simm.s32 $0x2;
	s4 =	sadd.s32 $0x2000, s2  }
0x196: {  	s6 =	sadd.s32 $0x4000, s2;
	s5 =	sadd.s32 $0x6000, s2;
	s3 =	sand.u32 $0x1C00, s0  }
0x197: {  	s0 =	sand.u32 $0x60, s0;
	s23 =	sand.u32 $0x1C00, s22;
	s7 =	sor.u32 s2, s3  }
0x198: {  	s20 =	sand.u32 $0x60, s30;
	s8 =	sadd.s32 s3, s4;
	s12 =	sor.u32 s0, s7  }
0x199: {  	s10 =	sadd.s32 s3, s6;
	s3 =	sadd.s32 s3, s5;
	s13 =	sor.u32 $0x10, s0;
	v3 =	vld [tilespmem:s12+$0x18000]  }
0x19a: {  	s19 =	sor.u32 s2, s23;
	s24 =	sadd.s32 s23, s4;
	s29 =	sadd.s32 s23, s6  }
0x19b: {  	s14 =	sadd.s32 s23, s5;
	s22 =	sor.u32 $0x10, s20;
	s28 =	sor.u32 s20, s19  }
0x19c: {  	s16 =	sadd.s32 s0, s8;
	s17 =	sadd.s32 s0, s10;
	s15 =	sadd.s32 s0, s3;
	v4 =	vld [tilespmem:s28+$0x18000]  }
0x19d: {  	s7 =	sor.u32 s13, s7;
	s9 =	sadd.s32 s13, s8;
	s11 =	sadd.s32 s13, s10  }
0x19e: {  	s10 =	sadd.s32 s13, s3;
	s0 =	sadd.s32 s20, s24;
	s18 =	sadd.s32 s20, s29;
	[tilespmem:s12+$0x0] =	vst.add.f32.msk $0xffff, v3  }
0x19f: {  	s25 =	sadd.s32 s20, s14;
	s13 =	sor.u32 s22, s19;
	s3 =	sadd.s32 s22, s24;
	[tilespmem:s16+$0x0] =	vst.add.f32.msk $0xffff, v3  }
0x1a0: {  	s8 =	sadd.s32 s22, s29;
	s20 =	sadd.s32 s22, s14;
	s12 =	simm.s32 $0x200;
	[tilespmem:s17+$0x0] =	vst.add.f32.msk $0xffff, v3  }
.LBB2_3:
0x1a1: {  	s14 =	sand.u32 $0x1C00, s12;
	s26 =	sadd.s32 $0x2, s26;
	s30 =	sadd.s32 $0x20, s30;
	[tilespmem:s15+$0x0] =	vst.add.f32.msk $0xffff, v3;
	v3 =	vmov v4  }
0x1a2: {  	s15 =	sand.u32 $0x60, s30;
	s16 =	sor.u32 s2, s14;
	s17 =	sadd.s32 s14, s4;
	v5 =	vld [tilespmem:s7+$0x18000]  }
0x1a3: {  	s29 =	sadd.s32 s14, s6;
	s19 =	sor.u32 s15, s16;
	s22 =	sadd.s32 s15, s17  }
0x1a4: {  	s14 =	sadd.s32 s14, s5;
	s23 =	sadd.s32 s15, s29;
	s24 =	sor.u32 $0x10, s15;
	v4 =	vld [tilespmem:s19+$0x18000]  }
0x1a5: {  	p0 =	slt.u32 s26, $0x3E;
	s1 =	sadd.s32 s15, s14;
	s16 =	sor.u32 s24, s16;
	[tilespmem:s28+$0x0] =	vst.add.f32.msk $0xffff, v3  }
0x1a6: {  	s17 =	sadd.s32 s24, s17;
	s29 =	sadd.s32 s24, s29;
	s14 =	sadd.s32 s24, s14;
	[tilespmem:s0+$0x0] =	vst.add.f32.msk $0xffff, v3  }
.Ltmp0:
0x1a7: {  	s28 =	smov.u32 s19;
	s0 =	smov.u32 s22;
	[tilespmem:s7+$0x0] =	vst.add.f32.msk $0xffff, v5;
	(pc) =	sbr.rel @p0 .LBB2_3-.Ltmp0, $4  }
0x1a8: {  	s15 =	smov.u32 s25;
	s25 =	smov.u32 s1;
	s7 =	smov.u32 s13;
	[tilespmem:s9+$0x0] =	vst.add.f32.msk $0xffff, v5  }
0x1a9: {  	s13 =	smov.u32 s16;
	s9 =	smov.u32 s3;
	s3 =	smov.u32 s17;
	[tilespmem:s11+$0x0] =	vst.add.f32.msk $0xffff, v5  }
0x1aa: {  	s11 =	smov.u32 s8;
	s8 =	smov.u32 s29;
	[tilespmem:s10+$0x0] =	vst.add.f32.msk $0xffff, v5;
	s10 =	smov.u32 s20  }
0x1ab: {  	s12 =	sadd.s32 $0x100, s12;
	s20 =	smov.u32 s14;
	[tilespmem:s18+$0x0] =	vst.add.f32.msk $0xffff, v3;
	s18 =	smov.u32 s23  }
0x1ac: {  	[tilespmem:s15+$0x0] =	vst.add.f32.msk $0xffff, v3  }
0x1ad: {  	[tilespmem:s28+$0x0] =	vst.add.f32.msk $0xffff, v4  }
0x1ae: {  	v3 =	vld [tilespmem:s7+$0x18000]  }
0x1af: {  	[tilespmem:s0+$0x0] =	vst.add.f32.msk $0xffff, v4  }
0x1b0: {  	[tilespmem:s18+$0x0] =	vst.add.f32.msk $0xffff, v4  }
0x1b1: {  	[tilespmem:s25+$0x0] =	vst.add.f32.msk $0xffff, v4  }
0x1b2: {  	v4 =	vld [tilespmem:s13+$0x18000]  }
0x1b3: {  	[tilespmem:s7+$0x0] =	vst.add.f32.msk $0xffff, v3  }
0x1b4: {  	s31 =	sadd.s32 $0x1, s31;
	[tilespmem:s9+$0x0] =	vst.add.f32.msk $0xffff, v3  }
0x1b5: {  	p0 =	sne.s32 s31, $0x8;
	[tilespmem:s11+$0x0] =	vst.add.f32.msk $0xffff, v3  }
.Ltmp1:
0x1b6: {  	[tilespmem:s10+$0x0] =	vst.add.f32.msk $0xffff, v3;
	(pc) =	sbr.rel @p0 .LBB2_2-.Ltmp1, $4  }
0x1b7: {  	[tilespmem:s13+$0x0] =	vst.add.f32.msk $0xffff, v4  }
0x1b8: {  	[tilespmem:s3+$0x0] =	vst.add.f32.msk $0xffff, v4  }
0x1b9: {  	[tilespmem:s8+$0x0] =	vst.add.f32.msk $0xffff, v4  }
0x1ba: {  	[tilespmem:s20+$0x0] =	vst.add.f32.msk $0xffff, v4  }
0x1bb: {  	s0 =	sld [smem:$0x7FC];
	_ =	sdelay $0x1  }
0x1bc: {  	s31 =	simm.s32 $0x0;
	s11 =	sld [smem:$0x7E5]  }
0x1bd: {  	[hbm4b:s0+s31] =	stream.linear.scatter [tilespmem:s31], [sflag:$0x4], $0x2000, $0x38;
	[tilespmem:$0x1E400] =	vst v63  }
0x1be: {  	s5 =	simm.s32 $0x2000;
	s12 =	sld [smem:$0x7E6]  }
0x1bf: {  	[hbm4b:s11+s31] =	stream.linear.scatter [tilespmem:s5], [sflag:$0x4], $0x2000, $0x38;
	[tilespmem:$0x1E400] =	vst v63  }
0x1c0: {  	s6 =	simm.s32 $0x4000;
	s13 =	sld [smem:$0x7E7]  }
0x1c1: {  	[hbm4b:s12+s31] =	stream.linear.scatter [tilespmem:s6], [sflag:$0x4], $0x2000, $0x38;
	[tilespmem:$0x1E400] =	vst v63  }
0x1c2: {  	s7 =	simm.s32 $0x6000;
	s14 =	simm.s32 $0x4  }
0x1c3: {  	[hbm4b:s13+s31] =	stream.linear.scatter [tilespmem:s7], [sflag:$0x4], $0x2000, $0x38;
	[tilespmem:$0x1E400] =	vst v63  }
0x1c4: {  	_ =	swait.ge [sflag:s14], $0x8000  }
0x1c5: {  	[sflag:s14] =	ssyncset.done $0x0  }
0x1c6: {  	[sflag:s14] =	ssyncadd.s32 $0xFFFF8000  }
0x1c7: {  	v3 =	vld [tilespmem:$0x1E180];
	_ =	sdelay $0x4  }
0x1c8: {  	v4 =	vshll.u32 v3, $0x3  }
0x1c9: {  	v3 =	vand.u32 $0x7, v3;
	v4 =	vand.u32 $0xFFFFFFC0, v4  }
0x1ca: {  	v3 =	vor.u32 v3, v4  }
0x1cb: {  	v4 =	vperm.xlane v3, v0;
	_ =	sdelay $0x1  }
0x1cc: {  	v4 =	vadd.s32 v1, v4;
	_ =	sdelay $0x2  }
0x1cd: {  	s1 =	sld [smem:$0x7E2]  }
0x1ce: {  	s0 =	rddreg [dreg:$0x1]  }
0x1cf: {  	[tilespmem:s31], [sflag:$0x1] =	stream.indirect_vreg.gather [hbm4b:s0+s31], $0x80, v4, vm0, $0xb8;
	[tilespmem:$0x1E400] =	vst v63  }
0x1d0: {  	s2 =	simm.s32 $0x800;
	s15 =	sld [smem:$0x7E3];
	v3 =	vperm.xlane v3, v2  }
0x1d1: {  	[tilespmem:s2], [sflag:$0x1] =	stream.indirect_vreg.gather [hbm4b:s1+s31], $0x80, v4, vm0, $0xb8;
	[tilespmem:$0x1E400] =	vst v63  }
0x1d2: {  	s3 =	simm.s32 $0x1000;
	s16 =	sld [smem:$0x7E4];
	v3 =	vadd.s32 v1, v3  }
0x1d3: {  	[tilespmem:s3], [sflag:$0x1] =	stream.indirect_vreg.gather [hbm4b:s15+s31], $0x80, v4, vm0, $0xb8;
	[tilespmem:$0x1E400] =	vst v63  }
0x1d4: {  	s4 =	simm.s32 $0x1800  }
0x1d5: {  	[tilespmem:s4], [sflag:$0x1] =	stream.indirect_vreg.gather [hbm4b:s16+s31], $0x80, v4, vm0, $0xb8;
	[tilespmem:$0x1E400] =	vst v63  }
0x1d6: {  	_ = 	snop  }
0x1d7: {  	[tilespmem:s5], [sflag:$0x1] =	stream.indirect_vreg.gather [hbm4b:s0+s31], $0x80, v3, vm0, $0xb8;
	[tilespmem:$0x1E400] =	vst v63  }
0x1d8: {  	s17 =	simm.s32 $0x2800  }
0x1d9: {  	[tilespmem:s17], [sflag:$0x1] =	stream.indirect_vreg.gather [hbm4b:s1+s31], $0x80, v3, vm0, $0xb8;
	[tilespmem:$0x1E400] =	vst v63  }
0x1da: {  	s18 =	simm.s32 $0x3000  }
0x1db: {  	[tilespmem:s18], [sflag:$0x1] =	stream.indirect_vreg.gather [hbm4b:s15+s31], $0x80, v3, vm0, $0xb8;
	[tilespmem:$0x1E400] =	vst v63  }
0x1dc: {  	s19 =	simm.s32 $0x3800  }
0x1dd: {  	[tilespmem:s19], [sflag:$0x1] =	stream.indirect_vreg.gather [hbm4b:s16+s31], $0x80, v3, vm0, $0xb8;
	[tilespmem:$0x1E400] =	vst v63  }
0x1de: {  	v3 =	vld [tilespmem:$0x1E190];
	_ =	sdelay $0x4  }
0x1df: {  	v63 =	vshll.u32 v3, $0x3  }
0x1e0: {  	v3 =	vand.u32 $0x7, v3;
	v4 =	vand.u32 $0xFFFFFFC0, v63  }
0x1e1: {  	v3 =	vor.u32 v3, v4  }
0x1e2: {  	v4 =	vperm.xlane v3, v0;
	_ =	sdelay $0x1  }
0x1e3: {  	v4 =	vadd.s32 v1, v4;
	_ =	sdelay $0x4  }
0x1e4: {  	[tilespmem:s6], [sflag:$0x1] =	stream.indirect_vreg.gather [hbm4b:s0+s31], $0x80, v4, vm0, $0xb8;
	[tilespmem:$0x1E400] =	vst v63  }
0x1e5: {  	s20 =	simm.s32 $0x4800;
	v3 =	vperm.xlane v3, v2  }
0x1e6: {  	[tilespmem:s20], [sflag:$0x1] =	stream.indirect_vreg.gather [hbm4b:s1+s31], $0x80, v4, vm0, $0xb8;
	[tilespmem:$0x1E400] =	vst v63  }
0x1e7: {  	s21 =	simm.s32 $0x5000;
	v3 =	vadd.s32 v1, v3  }
0x1e8: {  	[tilespmem:s21], [sflag:$0x1] =	stream.indirect_vreg.gather [hbm4b:s15+s31], $0x80, v4, vm0, $0xb8;
	[tilespmem:$0x1E400] =	vst v63  }
0x1e9: {  	s22 =	simm.s32 $0x5800  }
0x1ea: {  	[tilespmem:s22], [sflag:$0x1] =	stream.indirect_vreg.gather [hbm4b:s16+s31], $0x80, v4, vm0, $0xb8;
	[tilespmem:$0x1E400] =	vst v63  }
0x1eb: {  	_ = 	snop  }
0x1ec: {  	[tilespmem:s7], [sflag:$0x1] =	stream.indirect_vreg.gather [hbm4b:s0+s31], $0x80, v3, vm0, $0xb8;
	[tilespmem:$0x1E400] =	vst v63  }
0x1ed: {  	s23 =	simm.s32 $0x6800  }
0x1ee: {  	[tilespmem:s23], [sflag:$0x1] =	stream.indirect_vreg.gather [hbm4b:s1+s31], $0x80, v3, vm0, $0xb8;
	[tilespmem:$0x1E400] =	vst v63  }
0x1ef: {  	s24 =	simm.s32 $0x7000  }
0x1f0: {  	[tilespmem:s24], [sflag:$0x1] =	stream.indirect_vreg.gather [hbm4b:s15+s31], $0x80, v3, vm0, $0xb8;
	[tilespmem:$0x1E400] =	vst v63  }
0x1f1: {  	s25 =	simm.s32 $0x7800;
	s26 =	sld [smem:$0x7D7]  }
0x1f2: {  	[tilespmem:s25], [sflag:$0x1] =	stream.indirect_vreg.gather [hbm4b:s16+s31], $0x80, v3, vm0, $0xb8;
	[tilespmem:$0x1E400] =	vst v63  }
0x1f3: {  	s28 =	simm.s32 $0x18000;
	s29 =	simm.s32 $0x2  }
0x1f4: {  	[tilespmem:s28], [sflag:$0x7] =	stream.linear.gather [hbm4b:s26+s31], $0x2000, $0x38;
	[tilespmem:$0x1E400] =	vst v63  }
0x1f5: {  	_ =	swait.ge [sflag:s29], $0x8000  }
0x1f6: {  	[sflag:s29] =	ssyncset.done $0x0  }
0x1f7: {  	s30 =	simm.s32 $0x8;
	[sflag:s29] =	ssyncadd.s32 $0xFFFF8000  }
0x1f8: {  	_ =	swait.ge [sflag:s30], $0x2000  }
0x1f9: {  	[sflag:s30] =	ssyncset.done $0x0  }
0x1fa: {  	s2 =	simm.s32 $0x0;
	[sflag:s30] =	ssyncadd.s32 $0xFFFFE000  }
.LBB2_6:
0x1fb: {  	s4 =	sshll.u32 s2, $0x7  }
0x1fc: {  	s0 =	sand.u32 $0x1C00, s31;
	s1 =	sand.u32 $0x60, s31;
	s26 =	simm.s32 $0x100  }
0x1fd: {  	s6 =	sadd.s32 $0xA000, s4;
	s5 =	sadd.s32 $0xC000, s4;
	s7 =	sadd.s32 $0xE000, s4  }
0x1fe: {  	s3 =	sor.u32 s4, s0;
	s12 =	sor.u32 $0x10, s1;
	s8 =	sadd.s32 s0, s6  }
0x1ff: {  	s13 =	sor.u32 s1, s3;
	s11 =	sadd.s32 s0, s5;
	s0 =	sadd.s32 s0, s7  }
0x200: {  	s9 =	sor.u32 s12, s3;
	s3 =	simm.s32 $0x20;
	s14 =	sadd.s32 s1, s8  }
0x201: {  	s17 =	sadd.s32 s1, s11;
	v3 =	vld [tilespmem:s13+$0x1A000];
	s16 =	sadd.s32 s1, s0;
	s1 =	sand.u32 $0x1C00, s26  }
0x202: {  	s10 =	sadd.s32 s12, s8;
	s29 =	sand.u32 $0x60, s3;
	s15 =	sor.u32 s4, s1  }
0x203: {  	s30 =	sadd.s32 s12, s11;
	s11 =	sadd.s32 s12, s0;
	s12 =	sor.u32 s29, s15  }
0x204: {  	s0 =	simm.s32 $0x2;
	v4 =	vld [tilespmem:s12+$0x1A000]  }
0x205: {  	s19 =	sadd.s32 s1, s6;
	s22 =	sadd.s32 s1, s5;
	s1 =	sadd.s32 s1, s7  }
0x206: {  	s23 =	sor.u32 $0x10, s29;
	s20 =	sadd.s32 s29, s19;
	s26 =	sadd.s32 s29, s22;
	[tilespmem:s13+$0x8000] =	vst.add.f32.msk $0xffff, v3  }
0x207: {  	s28 =	sadd.s32 s29, s1;
	s18 =	sor.u32 s23, s15;
	s8 =	sadd.s32 s23, s19;
	[tilespmem:s14+$0x0] =	vst.add.f32.msk $0xffff, v3  }
0x208: {  	s25 =	sadd.s32 s23, s1;
	s15 =	simm.s32 $0x200;
	s13 =	sadd.s32 s23, s22;
	[tilespmem:s17+$0x0] =	vst.add.f32.msk $0xffff, v3  }
.LBB2_7:
0x209: {  	s1 =	sand.u32 $0x1C00, s15;
	s0 =	sadd.s32 $0x2, s0;
	s3 =	sadd.s32 $0x20, s3;
	[tilespmem:s16+$0x0] =	vst.add.f32.msk $0xffff, v3;
	v3 =	vmov v4  }
0x20a: {  	s14 =	sand.u32 $0x60, s3;
	s16 =	sor.u32 s4, s1;
	s17 =	sadd.s32 s1, s6;
	v5 =	vld [tilespmem:s9+$0x1A000]  }
0x20b: {  	s23 =	sadd.s32 s1, s5;
	s19 =	sor.u32 s14, s16;
	s22 =	sadd.s32 s14, s17  }
0x20c: {  	s1 =	sadd.s32 s1, s7;
	s24 =	sadd.s32 s14, s23;
	s29 =	sor.u32 $0x10, s14;
	v4 =	vld [tilespmem:s19+$0x1A000]  }
0x20d: {  	p0 =	slt.u32 s0, $0x3E;
	s14 =	sadd.s32 s14, s1;
	s21 =	sor.u32 s29, s16;
	[tilespmem:s12+$0x8000] =	vst.add.f32.msk $0xffff, v3  }
0x20e: {  	s17 =	sadd.s32 s29, s17;
	s23 =	sadd.s32 s29, s23;
	s1 =	sadd.s32 s29, s1;
	[tilespmem:s20+$0x0] =	vst.add.f32.msk $0xffff, v3  }
.Ltmp2:
0x20f: {  	s12 =	smov.u32 s19;
	s20 =	smov.u32 s22;
	[tilespmem:s9+$0x8000] =	vst.add.f32.msk $0xffff, v5;
	(pc) =	sbr.rel @p0 .LBB2_7-.Ltmp2, $4  }
0x210: {  	s16 =	smov.u32 s28;
	s28 =	smov.u32 s14;
	s9 =	smov.u32 s18;
	[tilespmem:s10+$0x0] =	vst.add.f32.msk $0xffff, v5  }
0x211: {  	s18 =	smov.u32 s21;
	s10 =	smov.u32 s8;
	s8 =	smov.u32 s17;
	[tilespmem:s30+$0x0] =	vst.add.f32.msk $0xffff, v5  }
0x212: {  	s30 =	smov.u32 s13;
	s13 =	smov.u32 s23;
	[tilespmem:s11+$0x0] =	vst.add.f32.msk $0xffff, v5;
	s11 =	smov.u32 s25  }
0x213: {  	s15 =	sadd.s32 $0x100, s15;
	s25 =	smov.u32 s1;
	[tilespmem:s26+$0x0] =	vst.add.f32.msk $0xffff, v3;
	s26 =	smov.u32 s24  }
0x214: {  	[tilespmem:s16+$0x0] =	vst.add.f32.msk $0xffff, v3  }
0x215: {  	[tilespmem:s12+$0x8000] =	vst.add.f32.msk $0xffff, v4  }
0x216: {  	v3 =	vld [tilespmem:s9+$0x1A000]  }
0x217: {  	[tilespmem:s20+$0x0] =	vst.add.f32.msk $0xffff, v4  }
0x218: {  	[tilespmem:s26+$0x0] =	vst.add.f32.msk $0xffff, v4  }
0x219: {  	[tilespmem:s28+$0x0] =	vst.add.f32.msk $0xffff, v4  }
0x21a: {  	v4 =	vld [tilespmem:s18+$0x1A000]  }
0x21b: {  	[tilespmem:s9+$0x8000] =	vst.add.f32.msk $0xffff, v3  }
0x21c: {  	s2 =	sadd.s32 $0x1, s2;
	[tilespmem:s10+$0x0] =	vst.add.f32.msk $0xffff, v3  }
0x21d: {  	p0 =	sne.s32 s2, $0x8;
	[tilespmem:s30+$0x0] =	vst.add.f32.msk $0xffff, v3  }
.Ltmp3:
0x21e: {  	[tilespmem:s11+$0x0] =	vst.add.f32.msk $0xffff, v3;
	(pc) =	sbr.rel @p0 .LBB2_6-.Ltmp3, $4  }
0x21f: {  	[tilespmem:s18+$0x8000] =	vst.add.f32.msk $0xffff, v4  }
0x220: {  	[tilespmem:s8+$0x0] =	vst.add.f32.msk $0xffff, v4  }
0x221: {  	[tilespmem:s13+$0x0] =	vst.add.f32.msk $0xffff, v4  }
0x222: {  	[tilespmem:s25+$0x0] =	vst.add.f32.msk $0xffff, v4  }
0x223: {  	s0 =	sld [smem:$0x7D4];
	_ =	sdelay $0x1  }
0x224: {  	s31 =	simm.s32 $0x0;
	s1 =	simm.s32 $0x8000;
	s10 =	sld [smem:$0x7E8]  }
0x225: {  	[hbm4b:s0+s31] =	stream.linear.scatter [tilespmem:s1], [sflag:$0x5], $0x2000, $0x38;
	[tilespmem:$0x1E400] =	vst v63  }
0x226: {  	s5 =	simm.s32 $0xA000;
	s11 =	sld [smem:$0x7E9]  }
0x227: {  	[hbm4b:s10+s31] =	stream.linear.scatter [tilespmem:s5], [sflag:$0x5], $0x2000, $0x38;
	[tilespmem:$0x1E400] =	vst v63  }
0x228: {  	s6 =	simm.s32 $0xC000;
	s12 =	sld [smem:$0x7EA]  }
0x229: {  	[hbm4b:s11+s31] =	stream.linear.scatter [tilespmem:s6], [sflag:$0x5], $0x2000, $0x38;
	[tilespmem:$0x1E400] =	vst v63  }
0x22a: {  	s7 =	simm.s32 $0xE000;
	s13 =	simm.s32 $0x5  }
0x22b: {  	[hbm4b:s12+s31] =	stream.linear.scatter [tilespmem:s7], [sflag:$0x5], $0x2000, $0x38;
	[tilespmem:$0x1E400] =	vst v63  }
0x22c: {  	_ =	swait.ge [sflag:s13], $0x8000  }
0x22d: {  	[sflag:s13] =	ssyncset.done $0x0  }
0x22e: {  	[sflag:s13] =	ssyncadd.s32 $0xFFFF8000  }
0x22f: {  	v3 =	vld [tilespmem:$0x1E200];
	_ =	sdelay $0x4  }
0x230: {  	v4 =	vshll.u32 v3, $0x3  }
0x231: {  	v3 =	vand.u32 $0x7, v3;
	v4 =	vand.u32 $0xFFFFFFC0, v4  }
0x232: {  	v3 =	vor.u32 v3, v4  }
0x233: {  	v4 =	vperm.xlane v3, v0;
	_ =	sdelay $0x1  }
0x234: {  	v4 =	vadd.s32 v1, v4;
	_ =	sdelay $0x2  }
0x235: {  	s14 =	sld [smem:$0x7E2]  }
0x236: {  	s0 =	rddreg [dreg:$0x1]  }
0x237: {  	[tilespmem:s1], [sflag:$0x2] =	stream.indirect_vreg.gather [hbm4b:s0+s31], $0x80, v4, vm0, $0xb8;
	[tilespmem:$0x1E400] =	vst v63  }
0x238: {  	s2 =	simm.s32 $0x8800;
	s15 =	sld [smem:$0x7E3];
	v3 =	vperm.xlane v3, v2  }
0x239: {  	[tilespmem:s2], [sflag:$0x2] =	stream.indirect_vreg.gather [hbm4b:s14+s31], $0x80, v4, vm0, $0xb8;
	[tilespmem:$0x1E400] =	vst v63  }
0x23a: {  	s3 =	simm.s32 $0x9000;
	s16 =	sld [smem:$0x7E4];
	v3 =	vadd.s32 v1, v3  }
0x23b: {  	[tilespmem:s3], [sflag:$0x2] =	stream.indirect_vreg.gather [hbm4b:s15+s31], $0x80, v4, vm0, $0xb8;
	[tilespmem:$0x1E400] =	vst v63  }
0x23c: {  	s4 =	simm.s32 $0x9800  }
0x23d: {  	[tilespmem:s4], [sflag:$0x2] =	stream.indirect_vreg.gather [hbm4b:s16+s31], $0x80, v4, vm0, $0xb8;
	[tilespmem:$0x1E400] =	vst v63  }
0x23e: {  	_ = 	snop  }
0x23f: {  	[tilespmem:s5], [sflag:$0x2] =	stream.indirect_vreg.gather [hbm4b:s0+s31], $0x80, v3, vm0, $0xb8;
	[tilespmem:$0x1E400] =	vst v63  }
0x240: {  	s17 =	simm.s32 $0xA800  }
0x241: {  	[tilespmem:s17], [sflag:$0x2] =	stream.indirect_vreg.gather [hbm4b:s14+s31], $0x80, v3, vm0, $0xb8;
	[tilespmem:$0x1E400] =	vst v63  }
0x242: {  	s18 =	simm.s32 $0xB000  }
0x243: {  	[tilespmem:s18], [sflag:$0x2] =	stream.indirect_vreg.gather [hbm4b:s15+s31], $0x80, v3, vm0, $0xb8;
	[tilespmem:$0x1E400] =	vst v63  }
0x244: {  	s19 =	simm.s32 $0xB800  }
0x245: {  	[tilespmem:s19], [sflag:$0x2] =	stream.indirect_vreg.gather [hbm4b:s16+s31], $0x80, v3, vm0, $0xb8;
	[tilespmem:$0x1E400] =	vst v63  }
0x246: {  	v3 =	vld [tilespmem:$0x1E210];
	_ =	sdelay $0x4  }
0x247: {  	v63 =	vshll.u32 v3, $0x3  }
0x248: {  	v3 =	vand.u32 $0x7, v3;
	v4 =	vand.u32 $0xFFFFFFC0, v63  }
0x249: {  	v3 =	vor.u32 v3, v4  }
0x24a: {  	v4 =	vperm.xlane v3, v0;
	_ =	sdelay $0x1  }
0x24b: {  	v4 =	vadd.s32 v1, v4;
	_ =	sdelay $0x4  }
0x24c: {  	[tilespmem:s6], [sflag:$0x2] =	stream.indirect_vreg.gather [hbm4b:s0+s31], $0x80, v4, vm0, $0xb8;
	[tilespmem:$0x1E400] =	vst v63  }
0x24d: {  	s20 =	simm.s32 $0xC800;
	v3 =	vperm.xlane v3, v2  }
0x24e: {  	[tilespmem:s20], [sflag:$0x2] =	stream.indirect_vreg.gather [hbm4b:s14+s31], $0x80, v4, vm0, $0xb8;
	[tilespmem:$0x1E400] =	vst v63  }
0x24f: {  	s21 =	simm.s32 $0xD000;
	v3 =	vadd.s32 v1, v3  }
0x250: {  	[tilespmem:s21], [sflag:$0x2] =	stream.indirect_vreg.gather [hbm4b:s15+s31], $0x80, v4, vm0, $0xb8;
	[tilespmem:$0x1E400] =	vst v63  }
0x251: {  	s22 =	simm.s32 $0xD800  }
0x252: {  	[tilespmem:s22], [sflag:$0x2] =	stream.indirect_vreg.gather [hbm4b:s16+s31], $0x80, v4, vm0, $0xb8;
	[tilespmem:$0x1E400] =	vst v63  }
0x253: {  	_ = 	snop  }
0x254: {  	[tilespmem:s7], [sflag:$0x2] =	stream.indirect_vreg.gather [hbm4b:s0+s31], $0x80, v3, vm0, $0xb8;
	[tilespmem:$0x1E400] =	vst v63  }
0x255: {  	s23 =	simm.s32 $0xE800  }
0x256: {  	[tilespmem:s23], [sflag:$0x2] =	stream.indirect_vreg.gather [hbm4b:s14+s31], $0x80, v3, vm0, $0xb8;
	[tilespmem:$0x1E400] =	vst v63  }
0x257: {  	s24 =	simm.s32 $0xF000  }
0x258: {  	[tilespmem:s24], [sflag:$0x2] =	stream.indirect_vreg.gather [hbm4b:s15+s31], $0x80, v3, vm0, $0xb8;
	[tilespmem:$0x1E400] =	vst v63  }
0x259: {  	s25 =	simm.s32 $0xF800;
	s26 =	sld [smem:$0x7D9]  }
0x25a: {  	[tilespmem:s25], [sflag:$0x2] =	stream.indirect_vreg.gather [hbm4b:s16+s31], $0x80, v3, vm0, $0xb8;
	[tilespmem:$0x1E400] =	vst v63  }
0x25b: {  	s28 =	simm.s32 $0x1A000;
	s29 =	simm.s32 $0x3  }
0x25c: {  	[tilespmem:s28], [sflag:$0x8] =	stream.linear.gather [hbm4b:s26+s31], $0x2000, $0x38;
	[tilespmem:$0x1E400] =	vst v63  }
0x25d: {  	_ =	swait.ge [sflag:s29], $0x8000  }
0x25e: {  	[sflag:s29] =	ssyncset.done $0x0  }
0x25f: {  	s30 =	simm.s32 $0x9;
	[sflag:s29] =	ssyncadd.s32 $0xFFFF8000  }
0x260: {  	_ =	swait.ge [sflag:s30], $0x2000  }
0x261: {  	[sflag:s30] =	ssyncset.done $0x0  }
0x262: {  	s2 =	simm.s32 $0x0;
	[sflag:s30] =	ssyncadd.s32 $0xFFFFE000  }
.LBB2_10:
0x263: {  	s4 =	sshll.u32 s2, $0x7  }
0x264: {  	s0 =	sand.u32 $0x1C00, s31;
	s1 =	sand.u32 $0x60, s31;
	s26 =	simm.s32 $0x100  }
0x265: {  	s6 =	sadd.s32 $0x12000, s4;
	s5 =	sadd.s32 $0x14000, s4;
	s7 =	sadd.s32 $0x16000, s4  }
0x266: {  	s3 =	sor.u32 s4, s0;
	s12 =	sor.u32 $0x10, s1;
	s8 =	sadd.s32 s0, s6  }
0x267: {  	s13 =	sor.u32 s1, s3;
	s11 =	sadd.s32 s0, s5;
	s0 =	sadd.s32 s0, s7  }
0x268: {  	s9 =	sor.u32 s12, s3;
	s3 =	simm.s32 $0x20;
	s14 =	sadd.s32 s1, s8  }
0x269: {  	s17 =	sadd.s32 s1, s11;
	v3 =	vld [tilespmem:s13+$0x1C000];
	s16 =	sadd.s32 s1, s0;
	s1 =	sand.u32 $0x1C00, s26  }
0x26a: {  	s10 =	sadd.s32 s12, s8;
	s29 =	sand.u32 $0x60, s3;
	s15 =	sor.u32 s4, s1  }
0x26b: {  	s30 =	sadd.s32 s12, s11;
	s11 =	sadd.s32 s12, s0;
	s12 =	sor.u32 s29, s15  }
0x26c: {  	s0 =	simm.s32 $0x2;
	v4 =	vld [tilespmem:s12+$0x1C000]  }
0x26d: {  	s19 =	sadd.s32 s1, s6;
	s21 =	sadd.s32 s1, s5;
	s1 =	sadd.s32 s1, s7  }
0x26e: {  	s22 =	sor.u32 $0x10, s29;
	s20 =	sadd.s32 s29, s19;
	s26 =	sadd.s32 s29, s21;
	[tilespmem:s13+$0x10000] =	vst.add.f32.msk $0xffff, v3  }
0x26f: {  	s28 =	sadd.s32 s29, s1;
	s18 =	sor.u32 s22, s15;
	s8 =	sadd.s32 s22, s19;
	[tilespmem:s14+$0x0] =	vst.add.f32.msk $0xffff, v3  }
0x270: {  	s25 =	sadd.s32 s22, s1;
	s15 =	simm.s32 $0x200;
	s13 =	sadd.s32 s22, s21;
	[tilespmem:s17+$0x0] =	vst.add.f32.msk $0xffff, v3  }
.LBB2_11:
0x271: {  	s1 =	sand.u32 $0x1C00, s15;
	s0 =	sadd.s32 $0x2, s0;
	s3 =	sadd.s32 $0x20, s3;
	[tilespmem:s16+$0x0] =	vst.add.f32.msk $0xffff, v3;
	v3 =	vmov v4  }
0x272: {  	s14 =	sand.u32 $0x60, s3;
	s16 =	sor.u32 s4, s1;
	s17 =	sadd.s32 s1, s6;
	v5 =	vld [tilespmem:s9+$0x1C000]  }
0x273: {  	s22 =	sadd.s32 s1, s5;
	s19 =	sor.u32 s14, s16;
	s21 =	sadd.s32 s14, s17  }
0x274: {  	s1 =	sadd.s32 s1, s7;
	s23 =	sadd.s32 s14, s22;
	s24 =	sor.u32 $0x10, s14;
	v4 =	vld [tilespmem:s19+$0x1C000]  }
0x275: {  	p0 =	slt.u32 s0, $0x3E;
	s14 =	sadd.s32 s14, s1;
	s29 =	sor.u32 s24, s16;
	[tilespmem:s12+$0x10000] =	vst.add.f32.msk $0xffff, v3  }
0x276: {  	s17 =	sadd.s32 s24, s17;
	s22 =	sadd.s32 s24, s22;
	s1 =	sadd.s32 s24, s1;
	[tilespmem:s20+$0x0] =	vst.add.f32.msk $0xffff, v3  }
.Ltmp4:
0x277: {  	s12 =	smov.u32 s19;
	s20 =	smov.u32 s21;
	[tilespmem:s9+$0x10000] =	vst.add.f32.msk $0xffff, v5;
	(pc) =	sbr.rel @p0 .LBB2_11-.Ltmp4, $4  }
0x278: {  	s16 =	smov.u32 s28;
	s28 =	smov.u32 s14;
	s9 =	smov.u32 s18;
	[tilespmem:s10+$0x0] =	vst.add.f32.msk $0xffff, v5  }
0x279: {  	s18 =	smov.u32 s29;
	s10 =	smov.u32 s8;
	s8 =	smov.u32 s17;
	[tilespmem:s30+$0x0] =	vst.add.f32.msk $0xffff, v5  }
0x27a: {  	s30 =	smov.u32 s13;
	s13 =	smov.u32 s22;
	[tilespmem:s11+$0x0] =	vst.add.f32.msk $0xffff, v5;
	s11 =	smov.u32 s25  }
0x27b: {  	s15 =	sadd.s32 $0x100, s15;
	s25 =	smov.u32 s1;
	[tilespmem:s26+$0x0] =	vst.add.f32.msk $0xffff, v3;
	s26 =	smov.u32 s23  }
0x27c: {  	[tilespmem:s16+$0x0] =	vst.add.f32.msk $0xffff, v3  }
0x27d: {  	[tilespmem:s12+$0x10000] =	vst.add.f32.msk $0xffff, v4  }
0x27e: {  	v3 =	vld [tilespmem:s9+$0x1C000]  }
0x27f: {  	[tilespmem:s20+$0x0] =	vst.add.f32.msk $0xffff, v4  }
0x280: {  	[tilespmem:s26+$0x0] =	vst.add.f32.msk $0xffff, v4  }
0x281: {  	[tilespmem:s28+$0x0] =	vst.add.f32.msk $0xffff, v4  }
0x282: {  	v4 =	vld [tilespmem:s18+$0x1C000]  }
0x283: {  	[tilespmem:s9+$0x10000] =	vst.add.f32.msk $0xffff, v3  }
0x284: {  	s2 =	sadd.s32 $0x1, s2;
	[tilespmem:s10+$0x0] =	vst.add.f32.msk $0xffff, v3  }
0x285: {  	p0 =	sne.s32 s2, $0x8;
	[tilespmem:s30+$0x0] =	vst.add.f32.msk $0xffff, v3  }
.Ltmp5:
0x286: {  	[tilespmem:s11+$0x0] =	vst.add.f32.msk $0xffff, v3;
	(pc) =	sbr.rel @p0 .LBB2_10-.Ltmp5, $4  }
0x287: {  	[tilespmem:s18+$0x10000] =	vst.add.f32.msk $0xffff, v4  }
0x288: {  	[tilespmem:s8+$0x0] =	vst.add.f32.msk $0xffff, v4  }
0x289: {  	[tilespmem:s13+$0x0] =	vst.add.f32.msk $0xffff, v4  }
0x28a: {  	[tilespmem:s25+$0x0] =	vst.add.f32.msk $0xffff, v4  }
0x28b: {  	s0 =	sld [smem:$0x7D6];
	_ =	sdelay $0x1  }
0x28c: {  	s31 =	simm.s32 $0x0;
	s1 =	simm.s32 $0x10000;
	s10 =	sld [smem:$0x7EB]  }
0x28d: {  	[hbm4b:s0+s31] =	stream.linear.scatter [tilespmem:s1], [sflag:$0x6], $0x2000, $0x38;
	[tilespmem:$0x1E400] =	vst v63  }
0x28e: {  	s5 =	simm.s32 $0x12000;
	s11 =	sld [smem:$0x7EC]  }
0x28f: {  	[hbm4b:s10+s31] =	stream.linear.scatter [tilespmem:s5], [sflag:$0x6], $0x2000, $0x38;
	[tilespmem:$0x1E400] =	vst v63  }
0x290: {  	s6 =	simm.s32 $0x14000;
	s12 =	sld [smem:$0x7ED]  }
0x291: {  	[hbm4b:s11+s31] =	stream.linear.scatter [tilespmem:s6], [sflag:$0x6], $0x2000, $0x38;
	[tilespmem:$0x1E400] =	vst v63  }
0x292: {  	s7 =	simm.s32 $0x16000;
	s13 =	simm.s32 $0x6  }
0x293: {  	[hbm4b:s12+s31] =	stream.linear.scatter [tilespmem:s7], [sflag:$0x6], $0x2000, $0x38;
	[tilespmem:$0x1E400] =	vst v63  }
0x294: {  	_ =	swait.ge [sflag:s13], $0x8000  }
0x295: {  	[sflag:s13] =	ssyncset.done $0x0  }
0x296: {  	[sflag:s13] =	ssyncadd.s32 $0xFFFF8000  }
0x297: {  	v3 =	vld [tilespmem:$0x1E280];
	_ =	sdelay $0x4  }
0x298: {  	v4 =	vshll.u32 v3, $0x3  }
0x299: {  	v3 =	vand.u32 $0x7, v3;
	v4 =	vand.u32 $0xFFFFFFC0, v4  }
0x29a: {  	v3 =	vor.u32 v3, v4  }
0x29b: {  	v4 =	vperm.xlane v3, v0;
	_ =	sdelay $0x1  }
0x29c: {  	v4 =	vadd.s32 v1, v4;
	_ =	sdelay $0x2  }
0x29d: {  	s14 =	sld [smem:$0x7E2]  }
0x29e: {  	s0 =	rddreg [dreg:$0x1]  }
0x29f: {  	[tilespmem:s1], [sflag:$0x3] =	stream.indirect_vreg.gather [hbm4b:s0+s31], $0x80, v4, vm0, $0xb8;
	[tilespmem:$0x1E400] =	vst v63  }
0x2a0: {  	s2 =	simm.s32 $0x10800;
	s15 =	sld [smem:$0x7E3];
	v3 =	vperm.xlane v3, v2  }
0x2a1: {  	[tilespmem:s2], [sflag:$0x3] =	stream.indirect_vreg.gather [hbm4b:s14+s31], $0x80, v4, vm0, $0xb8;
	[tilespmem:$0x1E400] =	vst v63  }
0x2a2: {  	s3 =	simm.s32 $0x11000;
	s16 =	sld [smem:$0x7E4];
	v3 =	vadd.s32 v1, v3  }
0x2a3: {  	[tilespmem:s3], [sflag:$0x3] =	stream.indirect_vreg.gather [hbm4b:s15+s31], $0x80, v4, vm0, $0xb8;
	[tilespmem:$0x1E400] =	vst v63  }
0x2a4: {  	s4 =	simm.s32 $0x11800  }
0x2a5: {  	[tilespmem:s4], [sflag:$0x3] =	stream.indirect_vreg.gather [hbm4b:s16+s31], $0x80, v4, vm0, $0xb8;
	[tilespmem:$0x1E400] =	vst v63  }
0x2a6: {  	_ = 	snop  }
0x2a7: {  	[tilespmem:s5], [sflag:$0x3] =	stream.indirect_vreg.gather [hbm4b:s0+s31], $0x80, v3, vm0, $0xb8;
	[tilespmem:$0x1E400] =	vst v63  }
0x2a8: {  	s17 =	simm.s32 $0x12800  }
0x2a9: {  	[tilespmem:s17], [sflag:$0x3] =	stream.indirect_vreg.gather [hbm4b:s14+s31], $0x80, v3, vm0, $0xb8;
	[tilespmem:$0x1E400] =	vst v63  }
0x2aa: {  	s18 =	simm.s32 $0x13000  }
0x2ab: {  	[tilespmem:s18], [sflag:$0x3] =	stream.indirect_vreg.gather [hbm4b:s15+s31], $0x80, v3, vm0, $0xb8;
	[tilespmem:$0x1E400] =	vst v63  }
0x2ac: {  	s19 =	simm.s32 $0x13800  }
0x2ad: {  	[tilespmem:s19], [sflag:$0x3] =	stream.indirect_vreg.gather [hbm4b:s16+s31], $0x80, v3, vm0, $0xb8;
	[tilespmem:$0x1E400] =	vst v63  }
0x2ae: {  	v3 =	vld [tilespmem:$0x1E290];
	_ =	sdelay $0x4  }
0x2af: {  	v63 =	vshll.u32 v3, $0x3  }
0x2b0: {  	v3 =	vand.u32 $0x7, v3;
	v4 =	vand.u32 $0xFFFFFFC0, v63  }
0x2b1: {  	v3 =	vor.u32 v3, v4  }
0x2b2: {  	v4 =	vperm.xlane v3, v0;
	_ =	sdelay $0x1  }
0x2b3: {  	v4 =	vadd.s32 v1, v4;
	_ =	sdelay $0x4  }
0x2b4: {  	[tilespmem:s6], [sflag:$0x3] =	stream.indirect_vreg.gather [hbm4b:s0+s31], $0x80, v4, vm0, $0xb8;
	[tilespmem:$0x1E400] =	vst v63  }
0x2b5: {  	s20 =	simm.s32 $0x14800;
	v3 =	vperm.xlane v3, v2  }
0x2b6: {  	[tilespmem:s20], [sflag:$0x3] =	stream.indirect_vreg.gather [hbm4b:s14+s31], $0x80, v4, vm0, $0xb8;
	[tilespmem:$0x1E400] =	vst v63  }
0x2b7: {  	s21 =	simm.s32 $0x15000;
	v3 =	vadd.s32 v1, v3  }
0x2b8: {  	[tilespmem:s21], [sflag:$0x3] =	stream.indirect_vreg.gather [hbm4b:s15+s31], $0x80, v4, vm0, $0xb8;
	[tilespmem:$0x1E400] =	vst v63  }
0x2b9: {  	s22 =	simm.s32 $0x15800  }
0x2ba: {  	[tilespmem:s22], [sflag:$0x3] =	stream.indirect_vreg.gather [hbm4b:s16+s31], $0x80, v4, vm0, $0xb8;
	[tilespmem:$0x1E400] =	vst v63  }
0x2bb: {  	_ = 	snop  }
0x2bc: {  	[tilespmem:s7], [sflag:$0x3] =	stream.indirect_vreg.gather [hbm4b:s0+s31], $0x80, v3, vm0, $0xb8;
	[tilespmem:$0x1E400] =	vst v63  }
0x2bd: {  	s23 =	simm.s32 $0x16800  }
0x2be: {  	[tilespmem:s23], [sflag:$0x3] =	stream.indirect_vreg.gather [hbm4b:s14+s31], $0x80, v3, vm0, $0xb8;
	[tilespmem:$0x1E400] =	vst v63  }
0x2bf: {  	s24 =	simm.s32 $0x17000  }
0x2c0: {  	[tilespmem:s24], [sflag:$0x3] =	stream.indirect_vreg.gather [hbm4b:s15+s31], $0x80, v3, vm0, $0xb8;
	[tilespmem:$0x1E400] =	vst v63  }
0x2c1: {  	s25 =	simm.s32 $0x17800;
	s26 =	sld [smem:$0x7DB]  }
0x2c2: {  	[tilespmem:s25], [sflag:$0x3] =	stream.indirect_vreg.gather [hbm4b:s16+s31], $0x80, v3, vm0, $0xb8;
	[tilespmem:$0x1E400] =	vst v63  }
0x2c3: {  	s28 =	simm.s32 $0x1C000;
	s29 =	simm.s32 $0x1  }
0x2c4: {  	[tilespmem:s28], [sflag:$0x9] =	stream.linear.gather [hbm4b:s26+s31], $0x2000, $0x38;
	[tilespmem:$0x1E400] =	vst v63  }
0x2c5: {  	_ =	swait.ge [sflag:s29], $0x8000  }
0x2c6: {  	[sflag:s29] =	ssyncset.done $0x0  }
0x2c7: {  	s30 =	simm.s32 $0x7;
	[sflag:s29] =	ssyncadd.s32 $0xFFFF8000  }
0x2c8: {  	_ =	swait.ge [sflag:s30], $0x2000  }
0x2c9: {  	[sflag:s30] =	ssyncset.done $0x0  }
0x2ca: {  	s2 =	simm.s32 $0x0;
	[sflag:s30] =	ssyncadd.s32 $0xFFFFE000  }
.LBB2_14:
0x2cb: {  	s4 =	sshll.u32 s2, $0x7  }
0x2cc: {  	s0 =	sand.u32 $0x1C00, s31;
	s1 =	sand.u32 $0x60, s31;
	s26 =	simm.s32 $0x100  }
0x2cd: {  	s6 =	sadd.s32 $0x2000, s4;
	s5 =	sadd.s32 $0x4000, s4;
	s7 =	sadd.s32 $0x6000, s4  }
0x2ce: {  	s3 =	sor.u32 s4, s0;
	s12 =	sor.u32 $0x10, s1;
	s8 =	sadd.s32 s0, s6  }
0x2cf: {  	s13 =	sor.u32 s1, s3;
	s11 =	sadd.s32 s0, s5;
	s0 =	sadd.s32 s0, s7  }
0x2d0: {  	s9 =	sor.u32 s12, s3;
	s3 =	simm.s32 $0x20;
	s14 =	sadd.s32 s1, s8  }
0x2d1: {  	s17 =	sadd.s32 s1, s11;
	v3 =	vld [tilespmem:s13+$0x18000];
	s16 =	sadd.s32 s1, s0;
	s1 =	sand.u32 $0x1C00, s26  }
0x2d2: {  	s10 =	sadd.s32 s12, s8;
	s29 =	sand.u32 $0x60, s3;
	s15 =	sor.u32 s4, s1  }
0x2d3: {  	s30 =	sadd.s32 s12, s11;
	s11 =	sadd.s32 s12, s0;
	s12 =	sor.u32 s29, s15  }
0x2d4: {  	s0 =	simm.s32 $0x2;
	v4 =	vld [tilespmem:s12+$0x18000]  }
0x2d5: {  	s19 =	sadd.s32 s1, s6;
	s21 =	sadd.s32 s1, s5;
	s1 =	sadd.s32 s1, s7  }
0x2d6: {  	s22 =	sor.u32 $0x10, s29;
	s20 =	sadd.s32 s29, s19;
	s26 =	sadd.s32 s29, s21;
	[tilespmem:s13+$0x0] =	vst.add.f32.msk $0xffff, v3  }
0x2d7: {  	s28 =	sadd.s32 s29, s1;
	s18 =	sor.u32 s22, s15;
	s8 =	sadd.s32 s22, s19;
	[tilespmem:s14+$0x0] =	vst.add.f32.msk $0xffff, v3  }
0x2d8: {  	s25 =	sadd.s32 s22, s1;
	s15 =	simm.s32 $0x200;
	s13 =	sadd.s32 s22, s21;
	[tilespmem:s17+$0x0] =	vst.add.f32.msk $0xffff, v3  }
.LBB2_15:
0x2d9: {  	s1 =	sand.u32 $0x1C00, s15;
	s0 =	sadd.s32 $0x2, s0;
	s3 =	sadd.s32 $0x20, s3;
	[tilespmem:s16+$0x0] =	vst.add.f32.msk $0xffff, v3;
	v3 =	vmov v4  }
0x2da: {  	s14 =	sand.u32 $0x60, s3;
	s16 =	sor.u32 s4, s1;
	s17 =	sadd.s32 s1, s6;
	v5 =	vld [tilespmem:s9+$0x18000]  }
0x2db: {  	s22 =	sadd.s32 s1, s5;
	s19 =	sor.u32 s14, s16;
	s21 =	sadd.s32 s14, s17  }
0x2dc: {  	s1 =	sadd.s32 s1, s7;
	s23 =	sadd.s32 s14, s22;
	s24 =	sor.u32 $0x10, s14;
	v4 =	vld [tilespmem:s19+$0x18000]  }
0x2dd: {  	p0 =	slt.u32 s0, $0x3E;
	s14 =	sadd.s32 s14, s1;
	s29 =	sor.u32 s24, s16;
	[tilespmem:s12+$0x0] =	vst.add.f32.msk $0xffff, v3  }
0x2de: {  	s17 =	sadd.s32 s24, s17;
	s22 =	sadd.s32 s24, s22;
	s1 =	sadd.s32 s24, s1;
	[tilespmem:s20+$0x0] =	vst.add.f32.msk $0xffff, v3  }
.Ltmp6:
0x2df: {  	s12 =	smov.u32 s19;
	s20 =	smov.u32 s21;
	[tilespmem:s9+$0x0] =	vst.add.f32.msk $0xffff, v5;
	(pc) =	sbr.rel @p0 .LBB2_15-.Ltmp6, $4  }
0x2e0: {  	s16 =	smov.u32 s28;
	s28 =	smov.u32 s14;
	s9 =	smov.u32 s18;
	[tilespmem:s10+$0x0] =	vst.add.f32.msk $0xffff, v5  }
0x2e1: {  	s18 =	smov.u32 s29;
	s10 =	smov.u32 s8;
	s8 =	smov.u32 s17;
	[tilespmem:s30+$0x0] =	vst.add.f32.msk $0xffff, v5  }
0x2e2: {  	s30 =	smov.u32 s13;
	s13 =	smov.u32 s22;
	[tilespmem:s11+$0x0] =	vst.add.f32.msk $0xffff, v5;
	s11 =	smov.u32 s25  }
0x2e3: {  	s15 =	sadd.s32 $0x100, s15;
	s25 =	smov.u32 s1;
	[tilespmem:s26+$0x0] =	vst.add.f32.msk $0xffff, v3;
	s26 =	smov.u32 s23  }
0x2e4: {  	[tilespmem:s16+$0x0] =	vst.add.f32.msk $0xffff, v3  }
0x2e5: {  	[tilespmem:s12+$0x0] =	vst.add.f32.msk $0xffff, v4  }
0x2e6: {  	v3 =	vld [tilespmem:s9+$0x18000]  }
0x2e7: {  	[tilespmem:s20+$0x0] =	vst.add.f32.msk $0xffff, v4  }
0x2e8: {  	[tilespmem:s26+$0x0] =	vst.add.f32.msk $0xffff, v4  }
0x2e9: {  	[tilespmem:s28+$0x0] =	vst.add.f32.msk $0xffff, v4  }
0x2ea: {  	v4 =	vld [tilespmem:s18+$0x18000]  }
0x2eb: {  	[tilespmem:s9+$0x0] =	vst.add.f32.msk $0xffff, v3  }
0x2ec: {  	s2 =	sadd.s32 $0x1, s2;
	[tilespmem:s10+$0x0] =	vst.add.f32.msk $0xffff, v3  }
0x2ed: {  	p0 =	sne.s32 s2, $0x8;
	[tilespmem:s30+$0x0] =	vst.add.f32.msk $0xffff, v3  }
.Ltmp7:
0x2ee: {  	[tilespmem:s11+$0x0] =	vst.add.f32.msk $0xffff, v3;
	(pc) =	sbr.rel @p0 .LBB2_14-.Ltmp7, $4  }
0x2ef: {  	[tilespmem:s18+$0x0] =	vst.add.f32.msk $0xffff, v4  }
0x2f0: {  	[tilespmem:s8+$0x0] =	vst.add.f32.msk $0xffff, v4  }
0x2f1: {  	[tilespmem:s13+$0x0] =	vst.add.f32.msk $0xffff, v4  }
0x2f2: {  	[tilespmem:s25+$0x0] =	vst.add.f32.msk $0xffff, v4  }
0x2f3: {  	s0 =	sld [smem:$0x7D8];
	_ =	sdelay $0x1  }
0x2f4: {  	s31 =	simm.s32 $0x0;
	s11 =	sld [smem:$0x7EE]  }
0x2f5: {  	[hbm4b:s0+s31] =	stream.linear.scatter [tilespmem:s31], [sflag:$0x4], $0x2000, $0x38;
	[tilespmem:$0x1E400] =	vst v63  }
0x2f6: {  	s5 =	simm.s32 $0x2000;
	s12 =	sld [smem:$0x7EF]  }
0x2f7: {  	[hbm4b:s11+s31] =	stream.linear.scatter [tilespmem:s5], [sflag:$0x4], $0x2000, $0x38;
	[tilespmem:$0x1E400] =	vst v63  }
0x2f8: {  	s6 =	simm.s32 $0x4000;
	s13 =	sld [smem:$0x7F0]  }
0x2f9: {  	[hbm4b:s12+s31] =	stream.linear.scatter [tilespmem:s6], [sflag:$0x4], $0x2000, $0x38;
	[tilespmem:$0x1E400] =	vst v63  }
0x2fa: {  	s7 =	simm.s32 $0x6000;
	s14 =	simm.s32 $0x4  }
0x2fb: {  	[hbm4b:s13+s31] =	stream.linear.scatter [tilespmem:s7], [sflag:$0x4], $0x2000, $0x38;
	[tilespmem:$0x1E400] =	vst v63  }
0x2fc: {  	_ =	swait.ge [sflag:s14], $0x8000  }
0x2fd: {  	[sflag:s14] =	ssyncset.done $0x0  }
0x2fe: {  	[sflag:s14] =	ssyncadd.s32 $0xFFFF8000  }
0x2ff: {  	v3 =	vld [tilespmem:$0x1E300];
	_ =	sdelay $0x4  }
0x300: {  	v4 =	vshll.u32 v3, $0x3  }
0x301: {  	v3 =	vand.u32 $0x7, v3;
	v4 =	vand.u32 $0xFFFFFFC0, v4  }
0x302: {  	v3 =	vor.u32 v3, v4  }
0x303: {  	v4 =	vperm.xlane v3, v0;
	_ =	sdelay $0x1  }
0x304: {  	v4 =	vadd.s32 v1, v4;
	_ =	sdelay $0x2  }
0x305: {  	s1 =	sld [smem:$0x7E2]  }
0x306: {  	s0 =	rddreg [dreg:$0x1]  }
0x307: {  	[tilespmem:s31], [sflag:$0x1] =	stream.indirect_vreg.gather [hbm4b:s0+s31], $0x80, v4, vm0, $0xb8;
	[tilespmem:$0x1E400] =	vst v63  }
0x308: {  	s2 =	simm.s32 $0x800;
	s15 =	sld [smem:$0x7E3];
	v3 =	vperm.xlane v3, v2  }
0x309: {  	[tilespmem:s2], [sflag:$0x1] =	stream.indirect_vreg.gather [hbm4b:s1+s31], $0x80, v4, vm0, $0xb8;
	[tilespmem:$0x1E400] =	vst v63  }
0x30a: {  	s3 =	simm.s32 $0x1000;
	s16 =	sld [smem:$0x7E4];
	v3 =	vadd.s32 v1, v3  }
0x30b: {  	[tilespmem:s3], [sflag:$0x1] =	stream.indirect_vreg.gather [hbm4b:s15+s31], $0x80, v4, vm0, $0xb8;
	[tilespmem:$0x1E400] =	vst v63  }
0x30c: {  	s4 =	simm.s32 $0x1800  }
0x30d: {  	[tilespmem:s4], [sflag:$0x1] =	stream.indirect_vreg.gather [hbm4b:s16+s31], $0x80, v4, vm0, $0xb8;
	[tilespmem:$0x1E400] =	vst v63  }
0x30e: {  	_ = 	snop  }
0x30f: {  	[tilespmem:s5], [sflag:$0x1] =	stream.indirect_vreg.gather [hbm4b:s0+s31], $0x80, v3, vm0, $0xb8;
	[tilespmem:$0x1E400] =	vst v63  }
0x310: {  	s17 =	simm.s32 $0x2800  }
0x311: {  	[tilespmem:s17], [sflag:$0x1] =	stream.indirect_vreg.gather [hbm4b:s1+s31], $0x80, v3, vm0, $0xb8;
	[tilespmem:$0x1E400] =	vst v63  }
0x312: {  	s18 =	simm.s32 $0x3000  }
0x313: {  	[tilespmem:s18], [sflag:$0x1] =	stream.indirect_vreg.gather [hbm4b:s15+s31], $0x80, v3, vm0, $0xb8;
	[tilespmem:$0x1E400] =	vst v63  }
0x314: {  	s19 =	simm.s32 $0x3800  }
0x315: {  	[tilespmem:s19], [sflag:$0x1] =	stream.indirect_vreg.gather [hbm4b:s16+s31], $0x80, v3, vm0, $0xb8;
	[tilespmem:$0x1E400] =	vst v63  }
0x316: {  	v3 =	vld [tilespmem:$0x1E310];
	_ =	sdelay $0x4  }
0x317: {  	v63 =	vshll.u32 v3, $0x3  }
0x318: {  	v3 =	vand.u32 $0x7, v3;
	v4 =	vand.u32 $0xFFFFFFC0, v63  }
0x319: {  	v3 =	vor.u32 v3, v4  }
0x31a: {  	v4 =	vperm.xlane v3, v0;
	_ =	sdelay $0x1  }
0x31b: {  	v4 =	vadd.s32 v1, v4;
	_ =	sdelay $0x4  }
0x31c: {  	[tilespmem:s6], [sflag:$0x1] =	stream.indirect_vreg.gather [hbm4b:s0+s31], $0x80, v4, vm0, $0xb8;
	[tilespmem:$0x1E400] =	vst v63  }
0x31d: {  	s20 =	simm.s32 $0x4800;
	v3 =	vperm.xlane v3, v2  }
0x31e: {  	[tilespmem:s20], [sflag:$0x1] =	stream.indirect_vreg.gather [hbm4b:s1+s31], $0x80, v4, vm0, $0xb8;
	[tilespmem:$0x1E400] =	vst v63  }
0x31f: {  	s21 =	simm.s32 $0x5000;
	v3 =	vadd.s32 v1, v3  }
0x320: {  	[tilespmem:s21], [sflag:$0x1] =	stream.indirect_vreg.gather [hbm4b:s15+s31], $0x80, v4, vm0, $0xb8;
	[tilespmem:$0x1E400] =	vst v63  }
0x321: {  	s22 =	simm.s32 $0x5800  }
0x322: {  	[tilespmem:s22], [sflag:$0x1] =	stream.indirect_vreg.gather [hbm4b:s16+s31], $0x80, v4, vm0, $0xb8;
	[tilespmem:$0x1E400] =	vst v63  }
0x323: {  	_ = 	snop  }
0x324: {  	[tilespmem:s7], [sflag:$0x1] =	stream.indirect_vreg.gather [hbm4b:s0+s31], $0x80, v3, vm0, $0xb8;
	[tilespmem:$0x1E400] =	vst v63  }
0x325: {  	s23 =	simm.s32 $0x6800  }
0x326: {  	[tilespmem:s23], [sflag:$0x1] =	stream.indirect_vreg.gather [hbm4b:s1+s31], $0x80, v3, vm0, $0xb8;
	[tilespmem:$0x1E400] =	vst v63  }
0x327: {  	s24 =	simm.s32 $0x7000  }
0x328: {  	[tilespmem:s24], [sflag:$0x1] =	stream.indirect_vreg.gather [hbm4b:s15+s31], $0x80, v3, vm0, $0xb8;
	[tilespmem:$0x1E400] =	vst v63  }
0x329: {  	s25 =	simm.s32 $0x7800;
	s26 =	sld [smem:$0x7DC]  }
0x32a: {  	[tilespmem:s25], [sflag:$0x1] =	stream.indirect_vreg.gather [hbm4b:s16+s31], $0x80, v3, vm0, $0xb8;
	[tilespmem:$0x1E400] =	vst v63  }
0x32b: {  	s28 =	simm.s32 $0x18000;
	s29 =	simm.s32 $0x2  }
0x32c: {  	[tilespmem:s28], [sflag:$0x7] =	stream.linear.gather [hbm4b:s26+s31], $0x2000, $0x38;
	[tilespmem:$0x1E400] =	vst v63  }
0x32d: {  	_ =	swait.ge [sflag:s29], $0x8000  }
0x32e: {  	[sflag:s29] =	ssyncset.done $0x0  }
0x32f: {  	s30 =	simm.s32 $0x8;
	[sflag:s29] =	ssyncadd.s32 $0xFFFF8000  }
0x330: {  	_ =	swait.ge [sflag:s30], $0x2000  }
0x331: {  	[sflag:s30] =	ssyncset.done $0x0  }
0x332: {  	s2 =	simm.s32 $0x0;
	[sflag:s30] =	ssyncadd.s32 $0xFFFFE000  }
.LBB2_18:
0x333: {  	s4 =	sshll.u32 s2, $0x7  }
0x334: {  	s0 =	sand.u32 $0x1C00, s31;
	s1 =	sand.u32 $0x60, s31;
	s26 =	simm.s32 $0x100  }
0x335: {  	s6 =	sadd.s32 $0xA000, s4;
	s5 =	sadd.s32 $0xC000, s4;
	s7 =	sadd.s32 $0xE000, s4  }
0x336: {  	s3 =	sor.u32 s4, s0;
	s12 =	sor.u32 $0x10, s1;
	s8 =	sadd.s32 s0, s6  }
0x337: {  	s13 =	sor.u32 s1, s3;
	s11 =	sadd.s32 s0, s5;
	s0 =	sadd.s32 s0, s7  }
0x338: {  	s9 =	sor.u32 s12, s3;
	s3 =	simm.s32 $0x20;
	s14 =	sadd.s32 s1, s8  }
0x339: {  	s17 =	sadd.s32 s1, s11;
	v3 =	vld [tilespmem:s13+$0x1A000];
	s16 =	sadd.s32 s1, s0;
	s1 =	sand.u32 $0x1C00, s26  }
0x33a: {  	s10 =	sadd.s32 s12, s8;
	s29 =	sand.u32 $0x60, s3;
	s15 =	sor.u32 s4, s1  }
0x33b: {  	s30 =	sadd.s32 s12, s11;
	s11 =	sadd.s32 s12, s0;
	s12 =	sor.u32 s29, s15  }
0x33c: {  	s0 =	simm.s32 $0x2;
	v4 =	vld [tilespmem:s12+$0x1A000]  }
0x33d: {  	s19 =	sadd.s32 s1, s6;
	s21 =	sadd.s32 s1, s5;
	s1 =	sadd.s32 s1, s7  }
0x33e: {  	s22 =	sor.u32 $0x10, s29;
	s20 =	sadd.s32 s29, s19;
	s26 =	sadd.s32 s29, s21;
	[tilespmem:s13+$0x8000] =	vst.add.f32.msk $0xffff, v3  }
0x33f: {  	s28 =	sadd.s32 s29, s1;
	s18 =	sor.u32 s22, s15;
	s8 =	sadd.s32 s22, s19;
	[tilespmem:s14+$0x0] =	vst.add.f32.msk $0xffff, v3  }
0x340: {  	s25 =	sadd.s32 s22, s1;
	s15 =	simm.s32 $0x200;
	s13 =	sadd.s32 s22, s21;
	[tilespmem:s17+$0x0] =	vst.add.f32.msk $0xffff, v3  }
.LBB2_19:
0x341: {  	s1 =	sand.u32 $0x1C00, s15;
	s0 =	sadd.s32 $0x2, s0;
	s3 =	sadd.s32 $0x20, s3;
	[tilespmem:s16+$0x0] =	vst.add.f32.msk $0xffff, v3;
	v3 =	vmov v4  }
0x342: {  	s14 =	sand.u32 $0x60, s3;
	s16 =	sor.u32 s4, s1;
	s17 =	sadd.s32 s1, s6;
	v5 =	vld [tilespmem:s9+$0x1A000]  }
0x343: {  	s22 =	sadd.s32 s1, s5;
	s19 =	sor.u32 s14, s16;
	s21 =	sadd.s32 s14, s17  }
0x344: {  	s1 =	sadd.s32 s1, s7;
	s23 =	sadd.s32 s14, s22;
	s24 =	sor.u32 $0x10, s14;
	v4 =	vld [tilespmem:s19+$0x1A000]  }
0x345: {  	p0 =	slt.u32 s0, $0x3E;
	s14 =	sadd.s32 s14, s1;
	s29 =	sor.u32 s24, s16;
	[tilespmem:s12+$0x8000] =	vst.add.f32.msk $0xffff, v3  }
0x346: {  	s17 =	sadd.s32 s24, s17;
	s22 =	sadd.s32 s24, s22;
	s1 =	sadd.s32 s24, s1;
	[tilespmem:s20+$0x0] =	vst.add.f32.msk $0xffff, v3  }
.Ltmp8:
0x347: {  	s12 =	smov.u32 s19;
	s20 =	smov.u32 s21;
	[tilespmem:s9+$0x8000] =	vst.add.f32.msk $0xffff, v5;
	(pc) =	sbr.rel @p0 .LBB2_19-.Ltmp8, $4  }
0x348: {  	s16 =	smov.u32 s28;
	s28 =	smov.u32 s14;
	s9 =	smov.u32 s18;
	[tilespmem:s10+$0x0] =	vst.add.f32.msk $0xffff, v5  }
0x349: {  	s18 =	smov.u32 s29;
	s10 =	smov.u32 s8;
	s8 =	smov.u32 s17;
	[tilespmem:s30+$0x0] =	vst.add.f32.msk $0xffff, v5  }
0x34a: {  	s30 =	smov.u32 s13;
	s13 =	smov.u32 s22;
	[tilespmem:s11+$0x0] =	vst.add.f32.msk $0xffff, v5;
	s11 =	smov.u32 s25  }
0x34b: {  	s15 =	sadd.s32 $0x100, s15;
	s25 =	smov.u32 s1;
	[tilespmem:s26+$0x0] =	vst.add.f32.msk $0xffff, v3;
	s26 =	smov.u32 s23  }
0x34c: {  	[tilespmem:s16+$0x0] =	vst.add.f32.msk $0xffff, v3  }
0x34d: {  	[tilespmem:s12+$0x8000] =	vst.add.f32.msk $0xffff, v4  }
0x34e: {  	v3 =	vld [tilespmem:s9+$0x1A000]  }
0x34f: {  	[tilespmem:s20+$0x0] =	vst.add.f32.msk $0xffff, v4  }
0x350: {  	[tilespmem:s26+$0x0] =	vst.add.f32.msk $0xffff, v4  }
0x351: {  	[tilespmem:s28+$0x0] =	vst.add.f32.msk $0xffff, v4  }
0x352: {  	v4 =	vld [tilespmem:s18+$0x1A000]  }
0x353: {  	[tilespmem:s9+$0x8000] =	vst.add.f32.msk $0xffff, v3  }
0x354: {  	s2 =	sadd.s32 $0x1, s2;
	[tilespmem:s10+$0x0] =	vst.add.f32.msk $0xffff, v3  }
0x355: {  	p0 =	sne.s32 s2, $0x8;
	[tilespmem:s30+$0x0] =	vst.add.f32.msk $0xffff, v3  }
.Ltmp9:
0x356: {  	[tilespmem:s11+$0x0] =	vst.add.f32.msk $0xffff, v3;
	(pc) =	sbr.rel @p0 .LBB2_18-.Ltmp9, $4  }
0x357: {  	[tilespmem:s18+$0x8000] =	vst.add.f32.msk $0xffff, v4  }
0x358: {  	[tilespmem:s8+$0x0] =	vst.add.f32.msk $0xffff, v4  }
0x359: {  	[tilespmem:s13+$0x0] =	vst.add.f32.msk $0xffff, v4  }
0x35a: {  	[tilespmem:s25+$0x0] =	vst.add.f32.msk $0xffff, v4  }
0x35b: {  	s0 =	sld [smem:$0x7DA];
	_ =	sdelay $0x1  }
0x35c: {  	s31 =	simm.s32 $0x0;
	s1 =	simm.s32 $0x8000;
	s10 =	sld [smem:$0x7F1]  }
0x35d: {  	[hbm4b:s0+s31] =	stream.linear.scatter [tilespmem:s1], [sflag:$0x5], $0x2000, $0x38;
	[tilespmem:$0x1E400] =	vst v63  }
0x35e: {  	s5 =	simm.s32 $0xA000;
	s11 =	sld [smem:$0x7F2]  }
0x35f: {  	[hbm4b:s10+s31] =	stream.linear.scatter [tilespmem:s5], [sflag:$0x5], $0x2000, $0x38;
	[tilespmem:$0x1E400] =	vst v63  }
0x360: {  	s6 =	simm.s32 $0xC000;
	s12 =	sld [smem:$0x7F3]  }
0x361: {  	[hbm4b:s11+s31] =	stream.linear.scatter [tilespmem:s6], [sflag:$0x5], $0x2000, $0x38;
	[tilespmem:$0x1E400] =	vst v63  }
0x362: {  	s7 =	simm.s32 $0xE000;
	s13 =	simm.s32 $0x5  }
0x363: {  	[hbm4b:s12+s31] =	stream.linear.scatter [tilespmem:s7], [sflag:$0x5], $0x2000, $0x38;
	[tilespmem:$0x1E400] =	vst v63  }
0x364: {  	_ =	swait.ge [sflag:s13], $0x8000  }
0x365: {  	[sflag:s13] =	ssyncset.done $0x0  }
0x366: {  	[sflag:s13] =	ssyncadd.s32 $0xFFFF8000  }
0x367: {  	v3 =	vld [tilespmem:$0x1E380];
	_ =	sdelay $0x4  }
0x368: {  	v4 =	vshll.u32 v3, $0x3  }
0x369: {  	v3 =	vand.u32 $0x7, v3;
	v4 =	vand.u32 $0xFFFFFFC0, v4  }
0x36a: {  	v3 =	vor.u32 v3, v4  }
0x36b: {  	v4 =	vperm.xlane v3, v0;
	_ =	sdelay $0x1  }
0x36c: {  	v4 =	vadd.s32 v1, v4;
	_ =	sdelay $0x2  }
0x36d: {  	s14 =	sld [smem:$0x7E2]  }
0x36e: {  	s0 =	rddreg [dreg:$0x1]  }
0x36f: {  	[tilespmem:s1], [sflag:$0x2] =	stream.indirect_vreg.gather [hbm4b:s0+s31], $0x80, v4, vm0, $0xb8;
	[tilespmem:$0x1E400] =	vst v63  }
0x370: {  	s2 =	simm.s32 $0x8800;
	s15 =	sld [smem:$0x7E3];
	v3 =	vperm.xlane v3, v2  }
0x371: {  	[tilespmem:s2], [sflag:$0x2] =	stream.indirect_vreg.gather [hbm4b:s14+s31], $0x80, v4, vm0, $0xb8;
	[tilespmem:$0x1E400] =	vst v63  }
0x372: {  	s3 =	simm.s32 $0x9000;
	s16 =	sld [smem:$0x7E4];
	v3 =	vadd.s32 v1, v3  }
0x373: {  	[tilespmem:s3], [sflag:$0x2] =	stream.indirect_vreg.gather [hbm4b:s15+s31], $0x80, v4, vm0, $0xb8;
	[tilespmem:$0x1E400] =	vst v63  }
0x374: {  	s4 =	simm.s32 $0x9800  }
0x375: {  	[tilespmem:s4], [sflag:$0x2] =	stream.indirect_vreg.gather [hbm4b:s16+s31], $0x80, v4, vm0, $0xb8;
	[tilespmem:$0x1E400] =	vst v63  }
0x376: {  	_ = 	snop  }
0x377: {  	[tilespmem:s5], [sflag:$0x2] =	stream.indirect_vreg.gather [hbm4b:s0+s31], $0x80, v3, vm0, $0xb8;
	[tilespmem:$0x1E400] =	vst v63  }
0x378: {  	s17 =	simm.s32 $0xA800  }
0x379: {  	[tilespmem:s17], [sflag:$0x2] =	stream.indirect_vreg.gather [hbm4b:s14+s31], $0x80, v3, vm0, $0xb8;
	[tilespmem:$0x1E400] =	vst v63  }
0x37a: {  	s18 =	simm.s32 $0xB000  }
0x37b: {  	[tilespmem:s18], [sflag:$0x2] =	stream.indirect_vreg.gather [hbm4b:s15+s31], $0x80, v3, vm0, $0xb8;
	[tilespmem:$0x1E400] =	vst v63  }
0x37c: {  	s19 =	simm.s32 $0xB800  }
0x37d: {  	[tilespmem:s19], [sflag:$0x2] =	stream.indirect_vreg.gather [hbm4b:s16+s31], $0x80, v3, vm0, $0xb8;
	[tilespmem:$0x1E400] =	vst v63  }
0x37e: {  	v3 =	vld [tilespmem:$0x1E390];
	_ =	sdelay $0x4  }
0x37f: {  	v63 =	vshll.u32 v3, $0x3  }
0x380: {  	v3 =	vand.u32 $0x7, v3;
	v4 =	vand.u32 $0xFFFFFFC0, v63  }
0x381: {  	v3 =	vor.u32 v3, v4  }
0x382: {  	v4 =	vperm.xlane v3, v0;
	_ =	sdelay $0x1  }
0x383: {  	v4 =	vadd.s32 v1, v4;
	_ =	sdelay $0x4  }
0x384: {  	[tilespmem:s6], [sflag:$0x2] =	stream.indirect_vreg.gather [hbm4b:s0+s31], $0x80, v4, vm0, $0xb8;
	[tilespmem:$0x1E400] =	vst v63  }
0x385: {  	s20 =	simm.s32 $0xC800;
	v3 =	vperm.xlane v3, v2  }
0x386: {  	[tilespmem:s20], [sflag:$0x2] =	stream.indirect_vreg.gather [hbm4b:s14+s31], $0x80, v4, vm0, $0xb8;
	[tilespmem:$0x1E400] =	vst v63  }
0x387: {  	s21 =	simm.s32 $0xD000;
	v3 =	vadd.s32 v1, v3  }
0x388: {  	[tilespmem:s21], [sflag:$0x2] =	stream.indirect_vreg.gather [hbm4b:s15+s31], $0x80, v4, vm0, $0xb8;
	[tilespmem:$0x1E400] =	vst v63  }
0x389: {  	s22 =	simm.s32 $0xD800  }
0x38a: {  	[tilespmem:s22], [sflag:$0x2] =	stream.indirect_vreg.gather [hbm4b:s16+s31], $0x80, v4, vm0, $0xb8;
	[tilespmem:$0x1E400] =	vst v63  }
0x38b: {  	_ = 	snop  }
0x38c: {  	[tilespmem:s7], [sflag:$0x2] =	stream.indirect_vreg.gather [hbm4b:s0+s31], $0x80, v3, vm0, $0xb8;
	[tilespmem:$0x1E400] =	vst v63  }
0x38d: {  	s23 =	simm.s32 $0xE800  }
0x38e: {  	[tilespmem:s23], [sflag:$0x2] =	stream.indirect_vreg.gather [hbm4b:s14+s31], $0x80, v3, vm0, $0xb8;
	[tilespmem:$0x1E400] =	vst v63  }
0x38f: {  	s24 =	simm.s32 $0xF000  }
0x390: {  	[tilespmem:s24], [sflag:$0x2] =	stream.indirect_vreg.gather [hbm4b:s15+s31], $0x80, v3, vm0, $0xb8;
	[tilespmem:$0x1E400] =	vst v63  }
0x391: {  	s25 =	simm.s32 $0xF800;
	s26 =	sld [smem:$0x7DD]  }
0x392: {  	[tilespmem:s25], [sflag:$0x2] =	stream.indirect_vreg.gather [hbm4b:s16+s31], $0x80, v3, vm0, $0xb8;
	[tilespmem:$0x1E400] =	vst v63  }
0x393: {  	s28 =	simm.s32 $0x1A000;
	s29 =	simm.s32 $0x3  }
0x394: {  	[tilespmem:s28], [sflag:$0x8] =	stream.linear.gather [hbm4b:s26+s31], $0x2000, $0x38;
	[tilespmem:$0x1E400] =	vst v63  }
0x395: {  	_ =	swait.ge [sflag:s29], $0x8000  }
0x396: {  	[sflag:s29] =	ssyncset.done $0x0  }
0x397: {  	s30 =	simm.s32 $0x9;
	[sflag:s29] =	ssyncadd.s32 $0xFFFF8000  }
0x398: {  	_ =	swait.ge [sflag:s30], $0x2000  }
0x399: {  	[sflag:s30] =	ssyncset.done $0x0  }
0x39a: {  	s2 =	simm.s32 $0x0;
	[sflag:s30] =	ssyncadd.s32 $0xFFFFE000  }
.LBB2_22:
0x39b: {  	s4 =	sshll.u32 s2, $0x7  }
0x39c: {  	s0 =	sand.u32 $0x1C00, s31;
	s1 =	sand.u32 $0x60, s31;
	s26 =	simm.s32 $0x100  }
0x39d: {  	s6 =	sadd.s32 $0x12000, s4;
	s5 =	sadd.s32 $0x14000, s4;
	s7 =	sadd.s32 $0x16000, s4  }
0x39e: {  	s3 =	sor.u32 s4, s0;
	s12 =	sor.u32 $0x10, s1;
	s8 =	sadd.s32 s0, s6  }
0x39f: {  	s13 =	sor.u32 s1, s3;
	s11 =	sadd.s32 s0, s5;
	s0 =	sadd.s32 s0, s7  }
0x3a0: {  	s9 =	sor.u32 s12, s3;
	s3 =	simm.s32 $0x20;
	s14 =	sadd.s32 s1, s8  }
0x3a1: {  	s17 =	sadd.s32 s1, s11;
	v3 =	vld [tilespmem:s13+$0x1C000];
	s16 =	sadd.s32 s1, s0;
	s1 =	sand.u32 $0x1C00, s26  }
0x3a2: {  	s10 =	sadd.s32 s12, s8;
	s29 =	sand.u32 $0x60, s3;
	s15 =	sor.u32 s4, s1  }
0x3a3: {  	s30 =	sadd.s32 s12, s11;
	s11 =	sadd.s32 s12, s0;
	s12 =	sor.u32 s29, s15  }
0x3a4: {  	s0 =	simm.s32 $0x2;
	v4 =	vld [tilespmem:s12+$0x1C000]  }
0x3a5: {  	s19 =	sadd.s32 s1, s6;
	s21 =	sadd.s32 s1, s5;
	s1 =	sadd.s32 s1, s7  }
0x3a6: {  	s22 =	sor.u32 $0x10, s29;
	s20 =	sadd.s32 s29, s19;
	s26 =	sadd.s32 s29, s21;
	[tilespmem:s13+$0x10000] =	vst.add.f32.msk $0xffff, v3  }
0x3a7: {  	s28 =	sadd.s32 s29, s1;
	s18 =	sor.u32 s22, s15;
	s8 =	sadd.s32 s22, s19;
	[tilespmem:s14+$0x0] =	vst.add.f32.msk $0xffff, v3  }
0x3a8: {  	s25 =	sadd.s32 s22, s1;
	s15 =	simm.s32 $0x200;
	s13 =	sadd.s32 s22, s21;
	[tilespmem:s17+$0x0] =	vst.add.f32.msk $0xffff, v3  }
.LBB2_23:
0x3a9: {  	s1 =	sand.u32 $0x1C00, s15;
	s0 =	sadd.s32 $0x2, s0;
	s3 =	sadd.s32 $0x20, s3;
	[tilespmem:s16+$0x0] =	vst.add.f32.msk $0xffff, v3;
	v3 =	vmov v4  }
0x3aa: {  	s14 =	sand.u32 $0x60, s3;
	s16 =	sor.u32 s4, s1;
	s17 =	sadd.s32 s1, s6;
	v5 =	vld [tilespmem:s9+$0x1C000]  }
0x3ab: {  	s22 =	sadd.s32 s1, s5;
	s19 =	sor.u32 s14, s16;
	s21 =	sadd.s32 s14, s17  }
0x3ac: {  	s1 =	sadd.s32 s1, s7;
	s23 =	sadd.s32 s14, s22;
	s24 =	sor.u32 $0x10, s14;
	v4 =	vld [tilespmem:s19+$0x1C000]  }
0x3ad: {  	p0 =	slt.u32 s0, $0x3E;
	s14 =	sadd.s32 s14, s1;
	s29 =	sor.u32 s24, s16;
	[tilespmem:s12+$0x10000] =	vst.add.f32.msk $0xffff, v3  }
0x3ae: {  	s17 =	sadd.s32 s24, s17;
	s22 =	sadd.s32 s24, s22;
	s1 =	sadd.s32 s24, s1;
	[tilespmem:s20+$0x0] =	vst.add.f32.msk $0xffff, v3  }
.Ltmp10:
0x3af: {  	s12 =	smov.u32 s19;
	s20 =	smov.u32 s21;
	[tilespmem:s9+$0x10000] =	vst.add.f32.msk $0xffff, v5;
	(pc) =	sbr.rel @p0 .LBB2_23-.Ltmp10, $4  }
0x3b0: {  	s16 =	smov.u32 s28;
	s28 =	smov.u32 s14;
	s9 =	smov.u32 s18;
	[tilespmem:s10+$0x0] =	vst.add.f32.msk $0xffff, v5  }
0x3b1: {  	s18 =	smov.u32 s29;
	s10 =	smov.u32 s8;
	s8 =	smov.u32 s17;
	[tilespmem:s30+$0x0] =	vst.add.f32.msk $0xffff, v5  }
0x3b2: {  	s30 =	smov.u32 s13;
	s13 =	smov.u32 s22;
	[tilespmem:s11+$0x0] =	vst.add.f32.msk $0xffff, v5;
	s11 =	smov.u32 s25  }
0x3b3: {  	s15 =	sadd.s32 $0x100, s15;
	s25 =	smov.u32 s1;
	[tilespmem:s26+$0x0] =	vst.add.f32.msk $0xffff, v3;
	s26 =	smov.u32 s23  }
0x3b4: {  	[tilespmem:s16+$0x0] =	vst.add.f32.msk $0xffff, v3  }
0x3b5: {  	[tilespmem:s12+$0x10000] =	vst.add.f32.msk $0xffff, v4  }
0x3b6: {  	v3 =	vld [tilespmem:s9+$0x1C000]  }
0x3b7: {  	[tilespmem:s20+$0x0] =	vst.add.f32.msk $0xffff, v4  }
0x3b8: {  	[tilespmem:s26+$0x0] =	vst.add.f32.msk $0xffff, v4  }
0x3b9: {  	[tilespmem:s28+$0x0] =	vst.add.f32.msk $0xffff, v4  }
0x3ba: {  	v4 =	vld [tilespmem:s18+$0x1C000]  }
0x3bb: {  	[tilespmem:s9+$0x10000] =	vst.add.f32.msk $0xffff, v3  }
0x3bc: {  	s2 =	sadd.s32 $0x1, s2;
	[tilespmem:s10+$0x0] =	vst.add.f32.msk $0xffff, v3  }
0x3bd: {  	p0 =	sne.s32 s2, $0x8;
	[tilespmem:s30+$0x0] =	vst.add.f32.msk $0xffff, v3  }
.Ltmp11:
0x3be: {  	[tilespmem:s11+$0x0] =	vst.add.f32.msk $0xffff, v3;
	(pc) =	sbr.rel @p0 .LBB2_22-.Ltmp11, $4  }
0x3bf: {  	[tilespmem:s18+$0x10000] =	vst.add.f32.msk $0xffff, v4  }
0x3c0: {  	[tilespmem:s8+$0x0] =	vst.add.f32.msk $0xffff, v4  }
0x3c1: {  	[tilespmem:s13+$0x0] =	vst.add.f32.msk $0xffff, v4  }
0x3c2: {  	[tilespmem:s25+$0x0] =	vst.add.f32.msk $0xffff, v4  }
0x3c3: {  	s0 =	sld [smem:$0x7DE];
	_ =	sdelay $0x1  }
0x3c4: {  	s31 =	simm.s32 $0x0;
	s1 =	simm.s32 $0x10000;
	s22 =	sld [smem:$0x7F4]  }
0x3c5: {  	[hbm4b:s0+s31] =	stream.linear.scatter [tilespmem:s1], [sflag:$0x6], $0x2000, $0x38;
	[tilespmem:$0x1E400] =	vst v63  }
0x3c6: {  	s23 =	simm.s32 $0x12000;
	s24 =	sld [smem:$0x7F5]  }
0x3c7: {  	[hbm4b:s22+s31] =	stream.linear.scatter [tilespmem:s23], [sflag:$0x6], $0x2000, $0x38;
	[tilespmem:$0x1E400] =	vst v63  }
0x3c8: {  	s25 =	simm.s32 $0x14000;
	s26 =	sld [smem:$0x7F6]  }
0x3c9: {  	[hbm4b:s24+s31] =	stream.linear.scatter [tilespmem:s25], [sflag:$0x6], $0x2000, $0x38;
	[tilespmem:$0x1E400] =	vst v63  }
0x3ca: {  	s28 =	simm.s32 $0x16000;
	s29 =	simm.s32 $0x1  }
0x3cb: {  	[hbm4b:s26+s31] =	stream.linear.scatter [tilespmem:s28], [sflag:$0x6], $0x2000, $0x38;
	[tilespmem:$0x1E400] =	vst v63  }
0x3cc: {  	_ =	swait.ge [sflag:s29], $0x8000  }
0x3cd: {  	[sflag:s29] =	ssyncset.done $0x0  }
0x3ce: {  	s30 =	simm.s32 $0x7;
	[sflag:s29] =	ssyncadd.s32 $0xFFFF8000  }
0x3cf: {  	_ =	swait.ge [sflag:s30], $0x2000  }
0x3d0: {  	[sflag:s30] =	ssyncset.done $0x0  }
0x3d1: {  	s2 =	simm.s32 $0x0;
	[sflag:s30] =	ssyncadd.s32 $0xFFFFE000  }
.LBB2_26:
0x3d2: {  	s4 =	sshll.u32 s2, $0x7  }
0x3d3: {  	s0 =	sand.u32 $0x1C00, s31;
	s1 =	sand.u32 $0x60, s31;
	s26 =	simm.s32 $0x100  }
0x3d4: {  	s6 =	sadd.s32 $0x2000, s4;
	s5 =	sadd.s32 $0x4000, s4;
	s7 =	sadd.s32 $0x6000, s4  }
0x3d5: {  	s3 =	sor.u32 s4, s0;
	s12 =	sor.u32 $0x10, s1;
	s8 =	sadd.s32 s0, s6  }
0x3d6: {  	s13 =	sor.u32 s1, s3;
	s11 =	sadd.s32 s0, s5;
	s0 =	sadd.s32 s0, s7  }
0x3d7: {  	s9 =	sor.u32 s12, s3;
	s3 =	simm.s32 $0x20;
	s14 =	sadd.s32 s1, s8  }
0x3d8: {  	s17 =	sadd.s32 s1, s11;
	v3 =	vld [tilespmem:s13+$0x18000];
	s16 =	sadd.s32 s1, s0;
	s1 =	sand.u32 $0x1C00, s26  }
0x3d9: {  	s10 =	sadd.s32 s12, s8;
	s29 =	sand.u32 $0x60, s3;
	s15 =	sor.u32 s4, s1  }
0x3da: {  	s30 =	sadd.s32 s12, s11;
	s11 =	sadd.s32 s12, s0;
	s12 =	sor.u32 s29, s15  }
0x3db: {  	s0 =	simm.s32 $0x2;
	v4 =	vld [tilespmem:s12+$0x18000]  }
0x3dc: {  	s19 =	sadd.s32 s1, s6;
	s21 =	sadd.s32 s1, s5;
	s1 =	sadd.s32 s1, s7  }
0x3dd: {  	s22 =	sor.u32 $0x10, s29;
	s20 =	sadd.s32 s29, s19;
	s26 =	sadd.s32 s29, s21;
	[tilespmem:s13+$0x0] =	vst.add.f32.msk $0xffff, v3  }
0x3de: {  	s28 =	sadd.s32 s29, s1;
	s18 =	sor.u32 s22, s15;
	s8 =	sadd.s32 s22, s19;
	[tilespmem:s14+$0x0] =	vst.add.f32.msk $0xffff, v3  }
0x3df: {  	s25 =	sadd.s32 s22, s1;
	s15 =	simm.s32 $0x200;
	s13 =	sadd.s32 s22, s21;
	[tilespmem:s17+$0x0] =	vst.add.f32.msk $0xffff, v3  }
.LBB2_27:
0x3e0: {  	s1 =	sand.u32 $0x1C00, s15;
	s0 =	sadd.s32 $0x2, s0;
	s3 =	sadd.s32 $0x20, s3;
	[tilespmem:s16+$0x0] =	vst.add.f32.msk $0xffff, v3;
	v3 =	vmov v4  }
0x3e1: {  	s14 =	sand.u32 $0x60, s3;
	s16 =	sor.u32 s4, s1;
	s17 =	sadd.s32 s1, s6;
	v5 =	vld [tilespmem:s9+$0x18000]  }
0x3e2: {  	s22 =	sadd.s32 s1, s5;
	s19 =	sor.u32 s14, s16;
	s21 =	sadd.s32 s14, s17  }
0x3e3: {  	s1 =	sadd.s32 s1, s7;
	s23 =	sadd.s32 s14, s22;
	s24 =	sor.u32 $0x10, s14;
	v4 =	vld [tilespmem:s19+$0x18000]  }
0x3e4: {  	p0 =	slt.u32 s0, $0x3E;
	s14 =	sadd.s32 s14, s1;
	s29 =	sor.u32 s24, s16;
	[tilespmem:s12+$0x0] =	vst.add.f32.msk $0xffff, v3  }
0x3e5: {  	s17 =	sadd.s32 s24, s17;
	s22 =	sadd.s32 s24, s22;
	s1 =	sadd.s32 s24, s1;
	[tilespmem:s20+$0x0] =	vst.add.f32.msk $0xffff, v3  }
.Ltmp12:
0x3e6: {  	s12 =	smov.u32 s19;
	s20 =	smov.u32 s21;
	[tilespmem:s9+$0x0] =	vst.add.f32.msk $0xffff, v5;
	(pc) =	sbr.rel @p0 .LBB2_27-.Ltmp12, $4  }
0x3e7: {  	s16 =	smov.u32 s28;
	s28 =	smov.u32 s14;
	s9 =	smov.u32 s18;
	[tilespmem:s10+$0x0] =	vst.add.f32.msk $0xffff, v5  }
0x3e8: {  	s18 =	smov.u32 s29;
	s10 =	smov.u32 s8;
	s8 =	smov.u32 s17;
	[tilespmem:s30+$0x0] =	vst.add.f32.msk $0xffff, v5  }
0x3e9: {  	s30 =	smov.u32 s13;
	s13 =	smov.u32 s22;
	[tilespmem:s11+$0x0] =	vst.add.f32.msk $0xffff, v5;
	s11 =	smov.u32 s25  }
0x3ea: {  	s15 =	sadd.s32 $0x100, s15;
	s25 =	smov.u32 s1;
	[tilespmem:s26+$0x0] =	vst.add.f32.msk $0xffff, v3;
	s26 =	smov.u32 s23  }
0x3eb: {  	[tilespmem:s16+$0x0] =	vst.add.f32.msk $0xffff, v3  }
0x3ec: {  	[tilespmem:s12+$0x0] =	vst.add.f32.msk $0xffff, v4  }
0x3ed: {  	v3 =	vld [tilespmem:s9+$0x18000]  }
0x3ee: {  	[tilespmem:s20+$0x0] =	vst.add.f32.msk $0xffff, v4  }
0x3ef: {  	[tilespmem:s26+$0x0] =	vst.add.f32.msk $0xffff, v4  }
0x3f0: {  	[tilespmem:s28+$0x0] =	vst.add.f32.msk $0xffff, v4  }
0x3f1: {  	v4 =	vld [tilespmem:s18+$0x18000]  }
0x3f2: {  	[tilespmem:s9+$0x0] =	vst.add.f32.msk $0xffff, v3  }
0x3f3: {  	s2 =	sadd.s32 $0x1, s2;
	[tilespmem:s10+$0x0] =	vst.add.f32.msk $0xffff, v3  }
0x3f4: {  	p0 =	sne.s32 s2, $0x8;
	[tilespmem:s30+$0x0] =	vst.add.f32.msk $0xffff, v3  }
.Ltmp13:
0x3f5: {  	[tilespmem:s11+$0x0] =	vst.add.f32.msk $0xffff, v3;
	(pc) =	sbr.rel @p0 .LBB2_26-.Ltmp13, $4  }
0x3f6: {  	[tilespmem:s18+$0x0] =	vst.add.f32.msk $0xffff, v4  }
0x3f7: {  	[tilespmem:s8+$0x0] =	vst.add.f32.msk $0xffff, v4  }
0x3f8: {  	[tilespmem:s13+$0x0] =	vst.add.f32.msk $0xffff, v4  }
0x3f9: {  	[tilespmem:s25+$0x0] =	vst.add.f32.msk $0xffff, v4  }
0x3fa: {  	s0 =	sld [smem:$0x7DF];
	_ =	sdelay $0x1  }
0x3fb: {  	s31 =	simm.s32 $0x0;
	s23 =	sld [smem:$0x7F7]  }
0x3fc: {  	[hbm4b:s0+s31] =	stream.linear.scatter [tilespmem:s31], [sflag:$0x4], $0x2000, $0x38;
	[tilespmem:$0x1E400] =	vst v63  }
0x3fd: {  	s1 =	simm.s32 $0x2000;
	s24 =	sld [smem:$0x7F8]  }
0x3fe: {  	[hbm4b:s23+s31] =	stream.linear.scatter [tilespmem:s1], [sflag:$0x4], $0x2000, $0x38;
	[tilespmem:$0x1E400] =	vst v63  }
0x3ff: {  	s25 =	simm.s32 $0x4000;
	s26 =	sld [smem:$0x7F9]  }
0x400: {  	[hbm4b:s24+s31] =	stream.linear.scatter [tilespmem:s25], [sflag:$0x4], $0x2000, $0x38;
	[tilespmem:$0x1E400] =	vst v63  }
0x401: {  	s28 =	simm.s32 $0x6000;
	s29 =	simm.s32 $0x2  }
0x402: {  	[hbm4b:s26+s31] =	stream.linear.scatter [tilespmem:s28], [sflag:$0x4], $0x2000, $0x38;
	[tilespmem:$0x1E400] =	vst v63  }
0x403: {  	_ =	swait.ge [sflag:s29], $0x8000  }
0x404: {  	[sflag:s29] =	ssyncset.done $0x0  }
0x405: {  	s30 =	simm.s32 $0x8;
	[sflag:s29] =	ssyncadd.s32 $0xFFFF8000  }
0x406: {  	_ =	swait.ge [sflag:s30], $0x2000  }
0x407: {  	[sflag:s30] =	ssyncset.done $0x0  }
0x408: {  	s2 =	simm.s32 $0x0;
	[sflag:s30] =	ssyncadd.s32 $0xFFFFE000  }
.LBB2_30:
0x409: {  	s4 =	sshll.u32 s2, $0x7  }
0x40a: {  	s0 =	sand.u32 $0x1C00, s31;
	s1 =	sand.u32 $0x60, s31;
	s26 =	simm.s32 $0x100  }
0x40b: {  	s6 =	sadd.s32 $0xA000, s4;
	s5 =	sadd.s32 $0xC000, s4;
	s7 =	sadd.s32 $0xE000, s4  }
0x40c: {  	s3 =	sor.u32 s4, s0;
	s12 =	sor.u32 $0x10, s1;
	s8 =	sadd.s32 s0, s6  }
0x40d: {  	s13 =	sor.u32 s1, s3;
	s11 =	sadd.s32 s0, s5;
	s0 =	sadd.s32 s0, s7  }
0x40e: {  	s9 =	sor.u32 s12, s3;
	s3 =	simm.s32 $0x20;
	s14 =	sadd.s32 s1, s8  }
0x40f: {  	s17 =	sadd.s32 s1, s11;
	v3 =	vld [tilespmem:s13+$0x1A000];
	s16 =	sadd.s32 s1, s0;
	s1 =	sand.u32 $0x1C00, s26  }
0x410: {  	s10 =	sadd.s32 s12, s8;
	s29 =	sand.u32 $0x60, s3;
	s15 =	sor.u32 s4, s1  }
0x411: {  	s30 =	sadd.s32 s12, s11;
	s11 =	sadd.s32 s12, s0;
	s12 =	sor.u32 s29, s15  }
0x412: {  	s0 =	simm.s32 $0x2;
	v4 =	vld [tilespmem:s12+$0x1A000]  }
0x413: {  	s19 =	sadd.s32 s1, s6;
	s21 =	sadd.s32 s1, s5;
	s1 =	sadd.s32 s1, s7  }
0x414: {  	s22 =	sor.u32 $0x10, s29;
	s20 =	sadd.s32 s29, s19;
	s26 =	sadd.s32 s29, s21;
	[tilespmem:s13+$0x8000] =	vst.add.f32.msk $0xffff, v3  }
0x415: {  	s28 =	sadd.s32 s29, s1;
	s18 =	sor.u32 s22, s15;
	s8 =	sadd.s32 s22, s19;
	[tilespmem:s14+$0x0] =	vst.add.f32.msk $0xffff, v3  }
0x416: {  	s25 =	sadd.s32 s22, s1;
	s15 =	simm.s32 $0x200;
	s13 =	sadd.s32 s22, s21;
	[tilespmem:s17+$0x0] =	vst.add.f32.msk $0xffff, v3  }
.LBB2_31:
0x417: {  	s1 =	sand.u32 $0x1C00, s15;
	s0 =	sadd.s32 $0x2, s0;
	s3 =	sadd.s32 $0x20, s3;
	[tilespmem:s16+$0x0] =	vst.add.f32.msk $0xffff, v3;
	v3 =	vmov v4  }
0x418: {  	s14 =	sand.u32 $0x60, s3;
	s16 =	sor.u32 s4, s1;
	s17 =	sadd.s32 s1, s6;
	v5 =	vld [tilespmem:s9+$0x1A000]  }
0x419: {  	s22 =	sadd.s32 s1, s5;
	s19 =	sor.u32 s14, s16;
	s21 =	sadd.s32 s14, s17  }
0x41a: {  	s1 =	sadd.s32 s1, s7;
	s23 =	sadd.s32 s14, s22;
	s24 =	sor.u32 $0x10, s14;
	v4 =	vld [tilespmem:s19+$0x1A000]  }
0x41b: {  	p0 =	slt.u32 s0, $0x3E;
	s14 =	sadd.s32 s14, s1;
	s29 =	sor.u32 s24, s16;
	[tilespmem:s12+$0x8000] =	vst.add.f32.msk $0xffff, v3  }
0x41c: {  	s17 =	sadd.s32 s24, s17;
	s22 =	sadd.s32 s24, s22;
	s1 =	sadd.s32 s24, s1;
	[tilespmem:s20+$0x0] =	vst.add.f32.msk $0xffff, v3  }
.Ltmp14:
0x41d: {  	s12 =	smov.u32 s19;
	s20 =	smov.u32 s21;
	[tilespmem:s9+$0x8000] =	vst.add.f32.msk $0xffff, v5;
	(pc) =	sbr.rel @p0 .LBB2_31-.Ltmp14, $4  }
0x41e: {  	s16 =	smov.u32 s28;
	s28 =	smov.u32 s14;
	s9 =	smov.u32 s18;
	[tilespmem:s10+$0x0] =	vst.add.f32.msk $0xffff, v5  }
0x41f: {  	s18 =	smov.u32 s29;
	s10 =	smov.u32 s8;
	s8 =	smov.u32 s17;
	[tilespmem:s30+$0x0] =	vst.add.f32.msk $0xffff, v5  }
0x420: {  	s30 =	smov.u32 s13;
	s13 =	smov.u32 s22;
	[tilespmem:s11+$0x0] =	vst.add.f32.msk $0xffff, v5;
	s11 =	smov.u32 s25  }
0x421: {  	s15 =	sadd.s32 $0x100, s15;
	s25 =	smov.u32 s1;
	[tilespmem:s26+$0x0] =	vst.add.f32.msk $0xffff, v3;
	s26 =	smov.u32 s23  }
0x422: {  	[tilespmem:s16+$0x0] =	vst.add.f32.msk $0xffff, v3  }
0x423: {  	[tilespmem:s12+$0x8000] =	vst.add.f32.msk $0xffff, v4  }
0x424: {  	v3 =	vld [tilespmem:s9+$0x1A000]  }
0x425: {  	[tilespmem:s20+$0x0] =	vst.add.f32.msk $0xffff, v4  }
0x426: {  	[tilespmem:s26+$0x0] =	vst.add.f32.msk $0xffff, v4  }
0x427: {  	[tilespmem:s28+$0x0] =	vst.add.f32.msk $0xffff, v4  }
0x428: {  	v4 =	vld [tilespmem:s18+$0x1A000]  }
0x429: {  	[tilespmem:s9+$0x8000] =	vst.add.f32.msk $0xffff, v3  }
0x42a: {  	s2 =	sadd.s32 $0x1, s2;
	[tilespmem:s10+$0x0] =	vst.add.f32.msk $0xffff, v3  }
0x42b: {  	p0 =	sne.s32 s2, $0x8;
	[tilespmem:s30+$0x0] =	vst.add.f32.msk $0xffff, v3  }
.Ltmp15:
0x42c: {  	[tilespmem:s11+$0x0] =	vst.add.f32.msk $0xffff, v3;
	(pc) =	sbr.rel @p0 .LBB2_30-.Ltmp15, $4  }
0x42d: {  	[tilespmem:s18+$0x8000] =	vst.add.f32.msk $0xffff, v4  }
0x42e: {  	[tilespmem:s8+$0x0] =	vst.add.f32.msk $0xffff, v4  }
0x42f: {  	[tilespmem:s13+$0x0] =	vst.add.f32.msk $0xffff, v4  }
0x430: {  	[tilespmem:s25+$0x0] =	vst.add.f32.msk $0xffff, v4  }
0x431: {  	s0 =	sld [smem:$0x7E0];
	_ =	sdelay $0x1  }
0x432: {  	s1 =	simm.s32 $0x0;
	s8 =	simm.s32 $0x8000;
	s25 =	sld [smem:$0x7FA]  }
0x433: {  	[hbm4b:s0+s1] =	stream.linear.scatter [tilespmem:s8], [sflag:$0x5], $0x2000, $0x38;
	[tilespmem:$0x1E400] =	vst v63  }
0x434: {  	s9 =	simm.s32 $0xA000;
	s26 =	sld [smem:$0x7FB]  }
0x435: {  	[hbm4b:s25+s1] =	stream.linear.scatter [tilespmem:s9], [sflag:$0x5], $0x2000, $0x38;
	[tilespmem:$0x1E400] =	vst v63  }
0x436: {  	s10 =	simm.s32 $0xC000;
	s28 =	sld [smem:$0x7FD]  }
0x437: {  	[hbm4b:s26+s1] =	stream.linear.scatter [tilespmem:s10], [sflag:$0x5], $0x2000, $0x38;
	[tilespmem:$0x1E400] =	vst v63  }
0x438: {  	s11 =	simm.s32 $0xE000;
	s29 =	simm.s32 $0x6  }
0x439: {  	[hbm4b:s28+s1] =	stream.linear.scatter [tilespmem:s11], [sflag:$0x5], $0x2000, $0x38;
	[tilespmem:$0x1E400] =	vst v63  }
0x43a: {  	_ =	swait.ge [sflag:s29], $0x8000  }
0x43b: {  	[sflag:s29] =	ssyncset.done $0x0  }
0x43c: {  	s30 =	simm.s32 $0x4;
	[sflag:s29] =	ssyncadd.s32 $0xFFFF8000  }
0x43d: {  	_ =	swait.ge [sflag:s30], $0x8000  }
0x43e: {  	[sflag:s30] =	ssyncset.done $0x0  }
0x43f: {  	s2 =	simm.s32 $0x5;
	[sflag:s30] =	ssyncadd.s32 $0xFFFF8000  }
0x440: {  	_ =	swait.ge [sflag:s2], $0x8000  }
0x441: {  	s3 =	sld [smem:$0x7CC]  }
0x442: {  	s31 =	sld [smem:$0x7E1];
	_ =	sdelay $0x1  }
0x443: {  	s3 =	sadd.s32 $0x1, s3  }
0x444: {  	p0 =	sne.s32 s3, s31  }
.Ltmp16:
0x445: {  	_ = 	snop;
	(pc) =	sbr.rel @p0 .LBB2_1-.Ltmp16, $3  }
0x446: {  	_ =	sdelay $0x1  }
0x447: {  	[sflag:s2] =	ssyncset.done $0x0  }
0x448: {  	[sflag:s2] =	ssyncadd.s32 $0xFFFF8000  }
0x449: {  	_ =	sfence.sel $0x180000  }
0x44a: {  	[bflag:$0x0] =	sbarrier.arrive $0xFFFF  }
0x44b: {  	_ =	strace $0x90000047  }
0x44c: {  	s0 =	stileid.u32;
	[bflag:$0x2] =	sbarrier.arrive $0xFFFF  }
0x44d: {  	p0 =	sne.s32 s0, $0x0;
	s0 =	rddreg [dreg:$0x4]  }
0x44e: {  	s0 =	sadd.s32 @!p0 $0x100000, s0  }
0x44f: {  	[sflag:s0] =	ssyncadd.tile.s32 @!p0 $0x1;
	_ =	shalt  }
.Lfunc_end2:
_tile_overlayer_lowered:
.L_overlay_start_2:
0x450: {  	(tag) =	ssettag $0x2  }
0x451: {  	s0 =	rddreg [dreg:$0x0];
	s2 =	stileid.u32  }
0x452: {  	s1 =	rddreg [dreg:$0x1];
	p0 =	sne.s32 s2, $0x0  }
0x453: {  	s3 =	rddreg [dreg:$0x2];
	[bflag:$0x3] =	sbarrier.arrive $0xFFFF;
	s2 =	simm.s32 @!p0 $0x1C0A  }
0x454: {  	[timem:s3], [sflag:s2] =	dma.local @!p0 [hbm:s0], s1  }
0x455: {  	s0 =	simm.s32 @!p0 $0xA  }
0x456: {  	_ =	swait.ge @!p0 [sflag:s0], s1  }
0x457: {  	s1 =	ssub.s32 @!p0 $0x0, s1;
	[sflag:s0] =	ssyncset.done @!p0 $0x0  }
0x458: {  	[sflag:s0] =	ssyncadd.s32 @!p0 s1  }
0x459: {  	[bflag:$0x3] =	sbarrier.arrive $0xFFFF  }
0x45a: {  	_ =	shalt  }

</sc_bundles>
